<compile_context>
chip_gen: v7x
topology: tpu7x:2x2x1
jax: 0.10.2.dev20260603
libtpu: 0.0.44.dev20260713+nightly
codegen_flags: <defaults>
</compile_context>

<pallas_src>
import functools

import jax
import jax.numpy as jnp
from jax import lax
from jax.experimental import pallas as pl
from jax.experimental.pallas import tpu as pltpu
from jax.experimental.pallas import tpu_sc as plsc

D_MODEL = 256
N_SITES = 512
BATCH = 1024

_NUM_CORES = 2
_NUM_SUBCORES = 16
_LANES = 16
_NW = _NUM_CORES * _NUM_SUBCORES
_ROWS_PER_W = BATCH // _NW
_GCH = 64
_ECH = 64
_PAIR = _GCH + _ECH
_PPR = N_SITES // _PAIR
_NPAIR = _ROWS_PER_W * _PPR
_TBLK = 16
_REP = 1024


def _make_sc_embed():
    mesh = plsc.VectorSubcoreMesh(core_axis_name="c", subcore_axis_name="s")

    @functools.partial(
        pl.kernel,
        mesh=mesh,
        out_type=jax.ShapeDtypeStruct((BATCH, N_SITES, D_MODEL), jnp.float32),
        scratch_types=[
            pltpu.VMEM((_ROWS_PER_W, 2 * N_SITES), jnp.int32),
            pltpu.VMEM((4, D_MODEL), jnp.float32),
        ]
        + [pltpu.VMEM((_GCH,), jnp.int32) for _ in range(2)]
        + [pltpu.VMEM((_GCH, D_MODEL), jnp.float32) for _ in range(2)]
        + [pltpu.VMEM((_ECH, D_MODEL), jnp.float32) for _ in range(2)]
        + [pltpu.SemaphoreType.DMA for _ in range(6)],
    )
    def sc_embed(n_hbm, trep_hbm, combo_hbm, out_hbm, slab_v, table_v, *bufs):
        tok_v = bufs[0:2]
        gbuf = bufs[2:4]
        ebuf = bufs[4:6]
        g_sem = bufs[6:8]
        gw_sem = bufs[8:10]
        ew_sem = bufs[10:12]
        wid = lax.axis_index("s") * _NUM_CORES + lax.axis_index("c")

        pltpu.sync_copy(combo_hbm, table_v)
        pltpu.sync_copy(n_hbm.at[pl.ds(wid * _ROWS_PER_W, _ROWS_PER_W)], slab_v)

        def pos(p):
            return p // _PPR, (p % _PPR) * _PAIR

        def fire_gather(p, q):
            r, o = pos(p)
            for i in range(_GCH // _LANES):
                dn = slab_v[r, pl.ds(o + i * _LANES, _LANES)]
                up = slab_v[r, pl.ds(N_SITES + o + i * _LANES, _LANES)]
                rep = (lax.iota(jnp.int32, _LANES)
                       + (p * _GCH + i * _LANES)) & (_REP - 1)
                tok_v[q][pl.ds(i * _LANES, _LANES)] = up + dn + dn + rep * 4
            pltpu.async_copy(trep_hbm.at[tok_v[q]], gbuf[q], g_sem[q])

        def wait_gather(q):
            pltpu.make_async_copy(
                trep_hbm.at[tok_v[q]], gbuf[q], g_sem[q]).wait()

        def gout(p):
            r, o = pos(p)
            return out_hbm.at[wid * _ROWS_PER_W + r, pl.ds(o, _GCH)]

        def eout(p):
            r, o = pos(p)
            return out_hbm.at[wid * _ROWS_PER_W + r, pl.ds(o + _GCH, _ECH)]

        def expand(p, q):
            r, o = pos(p)
            eo = o + _GCH
            for b in range(_ECH // _TBLK):
                va = (b * _TBLK // _LANES) * _LANES
                j0 = (b * _TBLK) % _LANES
                dnv = slab_v[r, pl.ds(eo + va, _LANES)].astype(jnp.float32)
                upv = slab_v[r, pl.ds(N_SITES + eo + va, _LANES)].astype(
                    jnp.float32)
                df = [jnp.full((_LANES,), dnv[j0 + j], jnp.float32)
                      for j in range(_TBLK)]
                uf = [jnp.full((_LANES,), upv[j0 + j], jnp.float32)
                      for j in range(_TBLK)]

                def i_body(i, carry, b=b, q=q, df=df, uf=uf):
                    s = i * _LANES
                    p0 = table_v[0, pl.ds(s, _LANES)]
                    p1 = table_v[1, pl.ds(s, _LANES)]
                    p2 = table_v[2, pl.ds(s, _LANES)]
                    p3 = table_v[3, pl.ds(s, _LANES)]
                    for j in range(_TBLK):
                        a = p0 + uf[j] * p1
                        bb = p2 + uf[j] * p3
                        ebuf[q][b * _TBLK + j, pl.ds(s, _LANES)] = (
                            a + df[j] * bb)
                    return carry

                lax.fori_loop(0, D_MODEL // _LANES, i_body, 0)

        fire_gather(0, 0)

        def pair_body(g2, carry):
            for q in range(2):
                p = g2 * 2 + q

                def drain_e(p=p, q=q):
                    pltpu.make_async_copy(ebuf[q], eout(p - 2), ew_sem[q]).wait()

                pl.when(g2 > 0)(drain_e)
                expand(p, q)
                pltpu.async_copy(ebuf[q], eout(p), ew_sem[q])

                wait_gather(q)
                pltpu.async_copy(gbuf[q], gout(p), gw_sem[q])

                def drain_g(p=p, q=q):
                    pltpu.make_async_copy(
                        gbuf[1 - q], gout(p - 1), gw_sem[1 - q]).wait()

                def nxt(p=p, q=q):
                    fire_gather(p + 1, 1 - q)

                if q == 1:
                    drain_g()
                    pl.when(g2 < _NPAIR // 2 - 1)(nxt)
                else:
                    pl.when(g2 > 0)(drain_g)
                    nxt()
            return carry

        lax.fori_loop(0, _NPAIR // 2, pair_body, 0)
        pltpu.make_async_copy(gbuf[1], gout(_NPAIR - 1), gw_sem[1]).wait()
        pltpu.make_async_copy(ebuf[0], eout(_NPAIR - 2), ew_sem[0]).wait()
        pltpu.make_async_copy(ebuf[1], eout(_NPAIR - 1), ew_sem[1]).wait()

    return sc_embed


_sc_embed = _make_sc_embed()


def kernel(n_flat, embed_table):
    n = jnp.asarray(n_flat, jnp.int32)
    t = jnp.asarray(embed_table, jnp.float32)
    table_rep = jnp.tile(t, (_REP, 1))
    combos = jnp.stack([t[0], t[1] - t[0], t[2] - t[0],
                        t[3] - t[1] - t[2] + t[0]])
    return _sc_embed(n, table_rep, combos)

# --- scband reference (transcript-rebuilt; emitter-appended) ---
"""Pipeline reference for scband-embed-59854664237208 (READ-ONLY COPY).

The authoritative reference and input builder live on the scoring server;
editing this copy changes nothing except your own understanding.
"""

import jax, jax.numpy as jnp
import numpy as np

D_MODEL = 256
N_SITES = 512
N_BANDS = 2
BATCH = 1024


def setup_inputs(seed: int = 0) -> dict:
    key = jax.random.key(seed)
    k1, k2 = jax.random.split(key)
    n_flat = jax.random.randint(k1, (BATCH, 2 * N_SITES), 0, 2, dtype=jnp.int64 if jax.config.jax_enable_x64 else jnp.int32)
    # learned embedding table: num_embeddings = 2**n_bands, features = d_model
    embed_table = jax.random.normal(k2, (2 ** N_BANDS, D_MODEL), dtype=jnp.float32) * (1.0 / np.sqrt(D_MODEL))
    return {"n_flat": n_flat, "embed_table": embed_table}


def reference(n_flat, embed_table):
    n = jnp.asarray(n_flat)
    down = n[:, :N_SITES]
    up = n[:, N_SITES:]
    bits = jnp.stack([up, down], axis=-1)  # (batch, n_sites, n_bands)
    weights = (2 ** jnp.arange(N_BANDS)).astype(jnp.int32)
    tokens = jnp.sum(bits * weights, axis=-1).astype(jnp.int32)  # (batch, n_sites)
    embedded = jnp.take(embed_table, tokens, axis=0)  # (batch, n_sites, d_model)
    return embedded

if __name__ == "__main__":
    import jax
    _d = setup_inputs()
    print(jax.jit(kernel)(*tuple(_d.values())))

</pallas_src>

<mosaic_0001>
#map = affine_map<(d0, d1) -> (0, 0)>
#map1 = affine_map<(d0, d1) -> (0, 0, 0)>
module attributes {stable_mosaic.version = 14 : i64} {
  func.func @sc_embed(%arg0: i32, %arg1: i32, %arg2: memref<1024x1024xi32, #tpu.memory_space<hbm>>, %arg3: memref<4096x256xf32, #tpu.memory_space<hbm>>, %arg4: memref<4x256xf32, #tpu.memory_space<hbm>>, %arg5: memref<1024x512x256xf32, #tpu.memory_space<hbm>>, %arg6: memref<32x1024xi32, #tpu.memory_space<vmem>>, %arg7: memref<4x256xf32, #tpu.memory_space<vmem>>, %arg8: memref<64xi32, #tpu.memory_space<vmem>>, %arg9: memref<64xi32, #tpu.memory_space<vmem>>, %arg10: memref<64x256xf32, #tpu.memory_space<vmem>>, %arg11: memref<64x256xf32, #tpu.memory_space<vmem>>, %arg12: memref<64x256xf32, #tpu.memory_space<vmem>>, %arg13: memref<64x256xf32, #tpu.memory_space<vmem>>, %arg14: memref<!tpu.dma_semaphore, #tpu.memory_space<semaphore_mem>>, %arg15: memref<!tpu.dma_semaphore, #tpu.memory_space<semaphore_mem>>, %arg16: memref<!tpu.dma_semaphore, #tpu.memory_space<semaphore_mem>>, %arg17: memref<!tpu.dma_semaphore, #tpu.memory_space<semaphore_mem>>, %arg18: memref<!tpu.dma_semaphore, #tpu.memory_space<semaphore_mem>>, %arg19: memref<!tpu.dma_semaphore, #tpu.memory_space<semaphore_mem>>) attributes {dimension_semantics = [#tpu.dimension_semantics<core_parallel>, #tpu.dimension_semantics<subcore_parallel>], iteration_bounds = array<i64: 2, 16>, scalar_prefetch = 0 : i64, scratch_operands = 14 : i64, tpu.core_type = #tpu.core_type<sc_vector_subcore>, window_params = [{transform_indices = #map}, {transform_indices = #map}, {transform_indices = #map}, {transform_indices = #map1}]} {
    %mul3A = arith.constant 2 : i32
    %mul3A_0 = arith.muli %arg1, %mul3A : i32
    %add3A = arith.addi %mul3A_0, %arg0 : i32
    "tpu.region"() ({
      %run_scoped3A = tpu.sem_alloc : memref<!tpu.dma_semaphore, #tpu.memory_space<semaphore_mem>>
      tpu.enqueue_dma source(%arg4 : memref<4x256xf32, #tpu.memory_space<hbm>>) target(%arg7 : memref<4x256xf32, #tpu.memory_space<vmem>>) target_semaphore(%run_scoped3A : memref<!tpu.dma_semaphore, #tpu.memory_space<semaphore_mem>>)
      tpu.wait_dma2 semaphore(%run_scoped3A : memref<!tpu.dma_semaphore, #tpu.memory_space<semaphore_mem>>) src(%arg4 : memref<4x256xf32, #tpu.memory_space<hbm>>) dst(%arg7 : memref<4x256xf32, #tpu.memory_space<vmem>>)
      tpu.yield
    }) : () -> ()
    %mul3A_1 = arith.constant 32 : i32
    %mul3A_2 = arith.muli %add3A, %mul3A_1 : i32
    "tpu.region"() ({
      %run_scoped3A = tpu.sem_alloc : memref<!tpu.dma_semaphore, #tpu.memory_space<semaphore_mem>>
      %dma_start3A_149 = arith.constant 0 : i32
      %dma_start3A_150 = tpu.memref_slice %arg2[%mul3A_2, %dma_start3A_149] : memref<1024x1024xi32, #tpu.memory_space<hbm>> -> memref<32x1024xi32, #tpu.memory_space<hbm>>
      %dma_start3A_151 = arith.constant 0 : i32
      %dma_start3A_152 = tpu.memref_slice %arg2[%mul3A_2, %dma_start3A_151] : memref<1024x1024xi32, #tpu.memory_space<hbm>> -> memref<32x1024xi32, #tpu.memory_space<hbm>>
      tpu.enqueue_dma source(%dma_start3A_152 : memref<32x1024xi32, #tpu.memory_space<hbm>>) target(%arg6 : memref<32x1024xi32, #tpu.memory_space<vmem>>) target_semaphore(%run_scoped3A : memref<!tpu.dma_semaphore, #tpu.memory_space<semaphore_mem>>)
      %dma_wait3A_153 = arith.constant 0 : i32
      %dma_wait3A_154 = tpu.memref_slice %arg2[%mul3A_2, %dma_wait3A_153] : memref<1024x1024xi32, #tpu.memory_space<hbm>> -> memref<32x1024xi32, #tpu.memory_space<hbm>>
      %dma_wait3A_155 = arith.constant 0 : i32
      %dma_wait3A_156 = tpu.memref_slice %arg2[%mul3A_2, %dma_wait3A_155] : memref<1024x1024xi32, #tpu.memory_space<hbm>> -> memref<32x1024xi32, #tpu.memory_space<hbm>>
      tpu.wait_dma2 semaphore(%run_scoped3A : memref<!tpu.dma_semaphore, #tpu.memory_space<semaphore_mem>>) src(%dma_wait3A_156 : memref<32x1024xi32, #tpu.memory_space<hbm>>) dst(%arg6 : memref<32x1024xi32, #tpu.memory_space<vmem>>)
      tpu.yield
    }) : () -> ()
    %get3A = arith.constant 0 : i32
    %get3A_3 = arith.index_cast %get3A : i32 to index
    %get3A_4 = arith.constant 0 : index
    %get3A_5 = tpu.vector_load %arg6[%get3A_3, %get3A_4] {strides = array<i32>} : memref<32x1024xi32, #tpu.memory_space<vmem>>, vector<1x16xi32>,
    %get3A_6 = vector.shape_cast %get3A_5 : vector<1x16xi32> to vector<16xi32>
    %get3A_7 = arith.constant 0 : i32
    %get3A_8 = arith.index_cast %get3A_7 : i32 to index
    %get3A_9 = arith.constant 512 : index
    %get3A_10 = tpu.vector_load %arg6[%get3A_8, %get3A_9] {strides = array<i32>} : memref<32x1024xi32, #tpu.memory_space<vmem>>, vector<1x16xi32>,
    %get3A_11 = vector.shape_cast %get3A_10 : vector<1x16xi32> to vector<16xi32>
    %iota3A = tpu.iota {dimensions = array<i32: 0>} : vector<16xi32>
    %add3A_12 = arith.constant 0 : i32
    %add3A_13 = vector.broadcast %add3A_12 : i32 to vector<16xi32>
    %add3A_14 = arith.addi %iota3A, %add3A_13 : vector<16xi32>
    %and3A = arith.constant 1023 : i32
    %and3A_15 = vector.broadcast %and3A : i32 to vector<16xi32>
    %and3A_16 = arith.andi %add3A_14, %and3A_15 : vector<16xi32>
    %add3A_17 = arith.addi %get3A_11, %get3A_6 : vector<16xi32>
    %add3A_18 = arith.addi %add3A_17, %get3A_6 : vector<16xi32>
    %mul3A_19 = arith.constant 4 : i32
    %mul3A_20 = vector.broadcast %mul3A_19 : i32 to vector<16xi32>
    %mul3A_21 = arith.muli %and3A_16, %mul3A_20 : vector<16xi32>
    %add3A_22 = arith.addi %add3A_18, %mul3A_21 : vector<16xi32>
    %swap3A = arith.constant 0 : index
    %swap3A_23 = tpu.vector_load %arg8[%swap3A] {strides = array<i32>} : memref<64xi32, #tpu.memory_space<vmem>>, vector<16xi32>,
    %swap3A_24 = vector.shape_cast %swap3A_23 : vector<16xi32> to vector<16xi32>
    %swap3A_25 = vector.shape_cast %add3A_22 : vector<16xi32> to vector<16xi32>
    tpu.vector_store %arg8[%swap3A], %swap3A_25 {strides = array<i32>} : memref<64xi32, #tpu.memory_space<vmem>>, vector<16xi32>,
    %get3A_26 = arith.constant 0 : i32
    %get3A_27 = arith.index_cast %get3A_26 : i32 to index
    %get3A_28 = arith.constant 16 : index
    %get3A_29 = tpu.vector_load %arg6[%get3A_27, %get3A_28] {strides = array<i32>} : memref<32x1024xi32, #tpu.memory_space<vmem>>, vector<1x16xi32>,
    %get3A_30 = vector.shape_cast %get3A_29 : vector<1x16xi32> to vector<16xi32>
    %get3A_31 = arith.constant 0 : i32
    %get3A_32 = arith.index_cast %get3A_31 : i32 to index
    %get3A_33 = arith.constant 528 : index
    %get3A_34 = tpu.vector_load %arg6[%get3A_32, %get3A_33] {strides = array<i32>} : memref<32x1024xi32, #tpu.memory_space<vmem>>, vector<1x16xi32>,
    %get3A_35 = vector.shape_cast %get3A_34 : vector<1x16xi32> to vector<16xi32>
    %iota3A_36 = tpu.iota {dimensions = array<i32: 0>} : vector<16xi32>
    %add3A_37 = arith.constant 16 : i32
    %add3A_38 = vector.broadcast %add3A_37 : i32 to vector<16xi32>
    %add3A_39 = arith.addi %iota3A_36, %add3A_38 : vector<16xi32>
    %and3A_40 = arith.constant 1023 : i32
    %and3A_41 = vector.broadcast %and3A_40 : i32 to vector<16xi32>
    %and3A_42 = arith.andi %add3A_39, %and3A_41 : vector<16xi32>
    %add3A_43 = arith.addi %get3A_35, %get3A_30 : vector<16xi32>
    %add3A_44 = arith.addi %add3A_43, %get3A_30 : vector<16xi32>
    %mul3A_45 = arith.constant 4 : i32
    %mul3A_46 = vector.broadcast %mul3A_45 : i32 to vector<16xi32>
    %mul3A_47 = arith.muli %and3A_42, %mul3A_46 : vector<16xi32>
    %add3A_48 = arith.addi %add3A_44, %mul3A_47 : vector<16xi32>
    %swap3A_49 = arith.constant 16 : index
    %swap3A_50 = tpu.vector_load %arg8[%swap3A_49] {strides = array<i32>} : memref<64xi32, #tpu.memory_space<vmem>>, vector<16xi32>,
    %swap3A_51 = vector.shape_cast %swap3A_50 : vector<16xi32> to vector<16xi32>
    %swap3A_52 = vector.shape_cast %add3A_48 : vector<16xi32> to vector<16xi32>
    tpu.vector_store %arg8[%swap3A_49], %swap3A_52 {strides = array<i32>} : memref<64xi32, #tpu.memory_space<vmem>>, vector<16xi32>,
    %get3A_53 = arith.constant 0 : i32
    %get3A_54 = arith.index_cast %get3A_53 : i32 to index
    %get3A_55 = arith.constant 32 : index
    %get3A_56 = tpu.vector_load %arg6[%get3A_54, %get3A_55] {strides = array<i32>} : memref<32x1024xi32, #tpu.memory_space<vmem>>, vector<1x16xi32>,
    %get3A_57 = vector.shape_cast %get3A_56 : vector<1x16xi32> to vector<16xi32>
    %get3A_58 = arith.constant 0 : i32
    %get3A_59 = arith.index_cast %get3A_58 : i32 to index
    %get3A_60 = arith.constant 544 : index
    %get3A_61 = tpu.vector_load %arg6[%get3A_59, %get3A_60] {strides = array<i32>} : memref<32x1024xi32, #tpu.memory_space<vmem>>, vector<1x16xi32>,
    %get3A_62 = vector.shape_cast %get3A_61 : vector<1x16xi32> to vector<16xi32>
    %iota3A_63 = tpu.iota {dimensions = array<i32: 0>} : vector<16xi32>
    %add3A_64 = arith.constant 32 : i32
    %add3A_65 = vector.broadcast %add3A_64 : i32 to vector<16xi32>
    %add3A_66 = arith.addi %iota3A_63, %add3A_65 : vector<16xi32>
    %and3A_67 = arith.constant 1023 : i32
    %and3A_68 = vector.broadcast %and3A_67 : i32 to vector<16xi32>
    %and3A_69 = arith.andi %add3A_66, %and3A_68 : vector<16xi32>
    %add3A_70 = arith.addi %get3A_62, %get3A_57 : vector<16xi32>
    %add3A_71 = arith.addi %add3A_70, %get3A_57 : vector<16xi32>
    %mul3A_72 = arith.constant 4 : i32
    %mul3A_73 = vector.broadcast %mul3A_72 : i32 to vector<16xi32>
    %mul3A_74 = arith.muli %and3A_69, %mul3A_73 : vector<16xi32>
    %add3A_75 = arith.addi %add3A_71, %mul3A_74 : vector<16xi32>
    %swap3A_76 = arith.constant 32 : index
    %swap3A_77 = tpu.vector_load %arg8[%swap3A_76] {strides = array<i32>} : memref<64xi32, #tpu.memory_space<vmem>>, vector<16xi32>,
    %swap3A_78 = vector.shape_cast %swap3A_77 : vector<16xi32> to vector<16xi32>
    %swap3A_79 = vector.shape_cast %add3A_75 : vector<16xi32> to vector<16xi32>
    tpu.vector_store %arg8[%swap3A_76], %swap3A_79 {strides = array<i32>} : memref<64xi32, #tpu.memory_space<vmem>>, vector<16xi32>,
    %get3A_80 = arith.constant 0 : i32
    %get3A_81 = arith.index_cast %get3A_80 : i32 to index
    %get3A_82 = arith.constant 48 : index
    %get3A_83 = tpu.vector_load %arg6[%get3A_81, %get3A_82] {strides = array<i32>} : memref<32x1024xi32, #tpu.memory_space<vmem>>, vector<1x16xi32>,
    %get3A_84 = vector.shape_cast %get3A_83 : vector<1x16xi32> to vector<16xi32>
    %get3A_85 = arith.constant 0 : i32
    %get3A_86 = arith.index_cast %get3A_85 : i32 to index
    %get3A_87 = arith.constant 560 : index
    %get3A_88 = tpu.vector_load %arg6[%get3A_86, %get3A_87] {strides = array<i32>} : memref<32x1024xi32, #tpu.memory_space<vmem>>, vector<1x16xi32>,
    %get3A_89 = vector.shape_cast %get3A_88 : vector<1x16xi32> to vector<16xi32>
    %iota3A_90 = tpu.iota {dimensions = array<i32: 0>} : vector<16xi32>
    %add3A_91 = arith.constant 48 : i32
    %add3A_92 = vector.broadcast %add3A_91 : i32 to vector<16xi32>
    %add3A_93 = arith.addi %iota3A_90, %add3A_92 : vector<16xi32>
    %and3A_94 = arith.constant 1023 : i32
    %and3A_95 = vector.broadcast %and3A_94 : i32 to vector<16xi32>
    %and3A_96 = arith.andi %add3A_93, %and3A_95 : vector<16xi32>
    %add3A_97 = arith.addi %get3A_89, %get3A_84 : vector<16xi32>
    %add3A_98 = arith.addi %add3A_97, %get3A_84 : vector<16xi32>
    %mul3A_99 = arith.constant 4 : i32
    %mul3A_100 = vector.broadcast %mul3A_99 : i32 to vector<16xi32>
    %mul3A_101 = arith.muli %and3A_96, %mul3A_100 : vector<16xi32>
    %add3A_102 = arith.addi %add3A_98, %mul3A_101 : vector<16xi32>
    %swap3A_103 = arith.constant 48 : index
    %swap3A_104 = tpu.vector_load %arg8[%swap3A_103] {strides = array<i32>} : memref<64xi32, #tpu.memory_space<vmem>>, vector<16xi32>,
    %swap3A_105 = vector.shape_cast %swap3A_104 : vector<16xi32> to vector<16xi32>
    %swap3A_106 = vector.shape_cast %add3A_102 : vector<16xi32> to vector<16xi32>
    tpu.vector_store %arg8[%swap3A_103], %swap3A_106 {strides = array<i32>} : memref<64xi32, #tpu.memory_space<vmem>>, vector<16xi32>,
    %dma_start3A = arith.constant 0 : i32
    %dma_start3A_107 = arith.constant 0 : i32
    %dma_start3A_108 = tpu.memref_slice %arg3[%dma_start3A, %dma_start3A_107] : memref<4096x256xf32, #tpu.memory_space<hbm>> -> memref<4096x256xf32, #tpu.memory_space<hbm>>
    tpu.enqueue_indirect_dma source(%dma_start3A_108 : memref<4096x256xf32, #tpu.memory_space<hbm>>) target(%arg10 : memref<64x256xf32, #tpu.memory_space<vmem>>) offsets(%arg8 : memref<64xi32, #tpu.memory_space<vmem>>) semaphore(%arg14 : memref<!tpu.dma_semaphore, #tpu.memory_space<semaphore_mem>>)
    %scan3A = arith.constant 0 : i32
    %scan3A_109 = arith.constant 0 : i32
    %scan3A_110 = arith.constant 64 : i32
    %scan3A_111 = arith.addi %scan3A_109, %scan3A_110 : i32
    %scan3A_112 = arith.constant 1 : i32
    scf.for %scan3A_149 = %scan3A_109 to %scan3A_111 step %scan3A_112  : i32 {
      %mul3A_150 = arith.constant 2 : i32
      %mul3A_151 = arith.muli %scan3A_149, %mul3A_150 : i32
      %add3A_152 = arith.constant 0 : i32
      %add3A_153 = arith.addi %mul3A_151, %add3A_152 : i32
      %gt3A = arith.constant 0 : i32
      %gt3A_154 = arith.cmpi sgt, %scan3A_149, %gt3A : i32
      %convert_element_type3A = arith.extui %gt3A_154 : i1 to i32
      %cond3A = arith.constant 0 : i32
      %cond3A_155 = arith.cmpi ne, %convert_element_type3A, %cond3A : i32
      scf.if %cond3A_155 {
        %sub3A_1645 = arith.constant 2 : i32
        %sub3A_1646 = arith.subi %add3A_153, %sub3A_1645 : i32
        %jit3A_1647 = arith.constant 4 : i32
        %div3A_1648 = arith.divsi %sub3A_1646, %jit3A_1647 : i32
        %sign3A_1649 = arith.constant 0 : i32
        %sign3A_1650 = arith.cmpi sgt, %sub3A_1646, %sign3A_1649 : i32
        %sign3A_1651 = arith.extui %sign3A_1650 : i1 to i32
        %sign3A_1652 = arith.constant 0 : i32
        %sign3A_1653 = arith.cmpi slt, %sub3A_1646, %sign3A_1652 : i32
        %sign3A_1654 = arith.extui %sign3A_1653 : i1 to i32
        %sign3A_1655 = arith.subi %sign3A_1651, %sign3A_1654 : i32
        %sign3A_1656 = arith.constant 0 : i32
        %sign3A_1657 = arith.cmpi sgt, %jit3A_1647, %sign3A_1656 : i32
        %sign3A_1658 = arith.extui %sign3A_1657 : i1 to i32
        %sign3A_1659 = arith.constant 0 : i32
        %sign3A_1660 = arith.cmpi slt, %jit3A_1647, %sign3A_1659 : i32
        %sign3A_1661 = arith.extui %sign3A_1660 : i1 to i32
        %sign3A_1662 = arith.subi %sign3A_1658, %sign3A_1661 : i32
        %ne3A_1663 = arith.cmpi ne, %sign3A_1655, %sign3A_1662 : i32
        %rem3A_1664 = arith.remsi %sub3A_1646, %jit3A_1647 : i32
        %ne3A_1665 = arith.constant 0 : i32
        %ne3A_1666 = arith.cmpi ne, %rem3A_1664, %ne3A_1665 : i32
        %and3A_1667 = arith.andi %ne3A_1663, %ne3A_1666 : i1
        %sub3A_1668 = arith.constant 1 : i32
        %sub3A_1669 = arith.subi %div3A_1648, %sub3A_1668 : i32
        %select_n3A_1670 = arith.select %and3A_1667, %sub3A_1669, %div3A_1648 : i32
        %jit3A_1671 = arith.constant 4 : i32
        %eq3A_1672 = arith.constant 0 : i32
        %eq3A_1673 = arith.cmpi eq, %jit3A_1671, %eq3A_1672 : i32
        %jit3A_1674 = arith.constant 1 : i32
        %select_n3A_1675 = arith.select %eq3A_1673, %jit3A_1674, %jit3A_1671 : i32
        %rem3A_1676 = arith.remsi %sub3A_1646, %select_n3A_1675 : i32
        %ne3A_1677 = arith.constant 0 : i32
        %ne3A_1678 = arith.cmpi ne, %rem3A_1676, %ne3A_1677 : i32
        %lt3A_1679 = arith.constant 0 : i32
        %lt3A_1680 = arith.cmpi slt, %rem3A_1676, %lt3A_1679 : i32
        %lt3A_1681 = arith.constant 0 : i32
        %lt3A_1682 = arith.cmpi slt, %select_n3A_1675, %lt3A_1681 : i32
        %ne3A_1683 = arith.xori %lt3A_1680, %lt3A_1682 : i1
        %and3A_1684 = arith.andi %ne3A_1683, %ne3A_1678 : i1
        %add3A_1685 = arith.addi %rem3A_1676, %select_n3A_1675 : i32
        %select_n3A_1686 = arith.select %and3A_1684, %add3A_1685, %rem3A_1676 : i32
        %mul3A_1687 = arith.constant 128 : i32
        %mul3A_1688 = arith.muli %select_n3A_1686, %mul3A_1687 : i32
        %mul3A_1689 = arith.constant 32 : i32
        %mul3A_1690 = arith.muli %add3A, %mul3A_1689 : i32
        %add3A_1691 = arith.addi %mul3A_1690, %select_n3A_1670 : i32
        %add3A_1692 = arith.constant 64 : i32
        %add3A_1693 = arith.addi %mul3A_1688, %add3A_1692 : i32
        %dma_wait3A_1694 = arith.constant 0 : i32
        %dma_wait3A_1695 = tpu.memref_slice %arg5[%add3A_1691, %add3A_1693, %dma_wait3A_1694] : memref<1024x512x256xf32, #tpu.memory_space<hbm>> -> memref<1x64x256xf32, #tpu.memory_space<hbm>>
        %dma_wait3A_1696 = tpu.memref_squeeze %dma_wait3A_1695 : memref<1x64x256xf32, #tpu.memory_space<hbm>> -> memref<64x256xf32, #tpu.memory_space<hbm>>
        %dma_wait3A_1697 = arith.constant 0 : i32
        %dma_wait3A_1698 = tpu.memref_slice %arg5[%add3A_1691, %add3A_1693, %dma_wait3A_1697] : memref<1024x512x256xf32, #tpu.memory_space<hbm>> -> memref<1x64x256xf32, #tpu.memory_space<hbm>>
        %dma_wait3A_1699 = tpu.memref_squeeze %dma_wait3A_1698 : memref<1x64x256xf32, #tpu.memory_space<hbm>> -> memref<64x256xf32, #tpu.memory_space<hbm>>
        tpu.wait_dma2 semaphore(%arg18 : memref<!tpu.dma_semaphore, #tpu.memory_space<semaphore_mem>>) src(%arg12 : memref<64x256xf32, #tpu.memory_space<vmem>>) dst(%dma_wait3A_1699 : memref<64x256xf32, #tpu.memory_space<hbm>>)
      } else {
      }
      %jit3A = arith.constant 4 : i32
      %div3A = arith.divsi %add3A_153, %jit3A : i32
      %sign3A = arith.constant 0 : i32
      %sign3A_156 = arith.cmpi sgt, %add3A_153, %sign3A : i32
      %sign3A_157 = arith.extui %sign3A_156 : i1 to i32
      %sign3A_158 = arith.constant 0 : i32
      %sign3A_159 = arith.cmpi slt, %add3A_153, %sign3A_158 : i32
      %sign3A_160 = arith.extui %sign3A_159 : i1 to i32
      %sign3A_161 = arith.subi %sign3A_157, %sign3A_160 : i32
      %sign3A_162 = arith.constant 0 : i32
      %sign3A_163 = arith.cmpi sgt, %jit3A, %sign3A_162 : i32
      %sign3A_164 = arith.extui %sign3A_163 : i1 to i32
      %sign3A_165 = arith.constant 0 : i32
      %sign3A_166 = arith.cmpi slt, %jit3A, %sign3A_165 : i32
      %sign3A_167 = arith.extui %sign3A_166 : i1 to i32
      %sign3A_168 = arith.subi %sign3A_164, %sign3A_167 : i32
      %ne3A = arith.cmpi ne, %sign3A_161, %sign3A_168 : i32
      %rem3A = arith.remsi %add3A_153, %jit3A : i32
      %ne3A_169 = arith.constant 0 : i32
      %ne3A_170 = arith.cmpi ne, %rem3A, %ne3A_169 : i32
      %and3A_171 = arith.andi %ne3A, %ne3A_170 : i1
      %sub3A = arith.constant 1 : i32
      %sub3A_172 = arith.subi %div3A, %sub3A : i32
      %select_n3A = arith.select %and3A_171, %sub3A_172, %div3A : i32
      %jit3A_173 = arith.constant 4 : i32
      %eq3A = arith.constant 0 : i32
      %eq3A_174 = arith.cmpi eq, %jit3A_173, %eq3A : i32
      %jit3A_175 = arith.constant 1 : i32
      %select_n3A_176 = arith.select %eq3A_174, %jit3A_175, %jit3A_173 : i32
      %rem3A_177 = arith.remsi %add3A_153, %select_n3A_176 : i32
      %ne3A_178 = arith.constant 0 : i32
      %ne3A_179 = arith.cmpi ne, %rem3A_177, %ne3A_178 : i32
      %lt3A = arith.constant 0 : i32
      %lt3A_180 = arith.cmpi slt, %rem3A_177, %lt3A : i32
      %lt3A_181 = arith.constant 0 : i32
      %lt3A_182 = arith.cmpi slt, %select_n3A_176, %lt3A_181 : i32
      %ne3A_183 = arith.xori %lt3A_180, %lt3A_182 : i1
      %and3A_184 = arith.andi %ne3A_183, %ne3A_179 : i1
      %add3A_185 = arith.addi %rem3A_177, %select_n3A_176 : i32
      %select_n3A_186 = arith.select %and3A_184, %add3A_185, %rem3A_177 : i32
      %mul3A_187 = arith.constant 128 : i32
      %mul3A_188 = arith.muli %select_n3A_186, %mul3A_187 : i32
      %add3A_189 = arith.constant 64 : i32
      %add3A_190 = arith.addi %mul3A_188, %add3A_189 : i32
      %add3A_191 = arith.constant 0 : i32
      %add3A_192 = arith.addi %add3A_190, %add3A_191 : i32
      %get3A_193 = arith.index_cast %select_n3A : i32 to index
      %get3A_194 = arith.index_cast %add3A_192 : i32 to index
      %get3A_195 = tpu.vector_load %arg6[%get3A_193, %get3A_194] {strides = array<i32>} : memref<32x1024xi32, #tpu.memory_space<vmem>>, vector<1x16xi32>,
      %get3A_196 = vector.shape_cast %get3A_195 : vector<1x16xi32> to vector<16xi32>
      %convert_element_type3A_197 = arith.sitofp %get3A_196 : vector<16xi32> to vector<16xf32>
      %add3A_198 = arith.constant 512 : i32
      %add3A_199 = arith.addi %add3A_198, %add3A_190 : i32
      %add3A_200 = arith.constant 0 : i32
      %add3A_201 = arith.addi %add3A_199, %add3A_200 : i32
      %get3A_202 = arith.index_cast %select_n3A : i32 to index
      %get3A_203 = arith.index_cast %add3A_201 : i32 to index
      %get3A_204 = tpu.vector_load %arg6[%get3A_202, %get3A_203] {strides = array<i32>} : memref<32x1024xi32, #tpu.memory_space<vmem>>, vector<1x16xi32>,
      %get3A_205 = vector.shape_cast %get3A_204 : vector<1x16xi32> to vector<16xi32>
      %convert_element_type3A_206 = arith.sitofp %get3A_205 : vector<16xi32> to vector<16xf32>
      %slice3A = vector.extract_strided_slice %convert_element_type3A_197 {offsets = [0], sizes = [1], strides = [1]} : vector<16xf32> to vector<1xf32>
      %squeeze3A = vector.extract %slice3A[0] : f32 from vector<1xf32>
      %broadcast_in_dim3A = vector.broadcast %squeeze3A : f32 to vector<16xf32>
      %slice3A_207 = vector.extract_strided_slice %convert_element_type3A_197 {offsets = [1], sizes = [1], strides = [1]} : vector<16xf32> to vector<1xf32>
      %squeeze3A_208 = vector.extract %slice3A_207[0] : f32 from vector<1xf32>
      %broadcast_in_dim3A_209 = vector.broadcast %squeeze3A_208 : f32 to vector<16xf32>
      %slice3A_210 = vector.extract_strided_slice %convert_element_type3A_197 {offsets = [2], sizes = [1], strides = [1]} : vector<16xf32> to vector<1xf32>
      %squeeze3A_211 = vector.extract %slice3A_210[0] : f32 from vector<1xf32>
      %broadcast_in_dim3A_212 = vector.broadcast %squeeze3A_211 : f32 to vector<16xf32>
      %slice3A_213 = vector.extract_strided_slice %convert_element_type3A_197 {offsets = [3], sizes = [1], strides = [1]} : vector<16xf32> to vector<1xf32>
      %squeeze3A_214 = vector.extract %slice3A_213[0] : f32 from vector<1xf32>
      %broadcast_in_dim3A_215 = vector.broadcast %squeeze3A_214 : f32 to vector<16xf32>
      %slice3A_216 = vector.extract_strided_slice %convert_element_type3A_197 {offsets = [4], sizes = [1], strides = [1]} : vector<16xf32> to vector<1xf32>
      %squeeze3A_217 = vector.extract %slice3A_216[0] : f32 from vector<1xf32>
      %broadcast_in_dim3A_218 = vector.broadcast %squeeze3A_217 : f32 to vector<16xf32>
      %slice3A_219 = vector.extract_strided_slice %convert_element_type3A_197 {offsets = [5], sizes = [1], strides = [1]} : vector<16xf32> to vector<1xf32>
      %squeeze3A_220 = vector.extract %slice3A_219[0] : f32 from vector<1xf32>
      %broadcast_in_dim3A_221 = vector.broadcast %squeeze3A_220 : f32 to vector<16xf32>
      %slice3A_222 = vector.extract_strided_slice %convert_element_type3A_197 {offsets = [6], sizes = [1], strides = [1]} : vector<16xf32> to vector<1xf32>
      %squeeze3A_223 = vector.extract %slice3A_222[0] : f32 from vector<1xf32>
      %broadcast_in_dim3A_224 = vector.broadcast %squeeze3A_223 : f32 to vector<16xf32>
      %slice3A_225 = vector.extract_strided_slice %convert_element_type3A_197 {offsets = [7], sizes = [1], strides = [1]} : vector<16xf32> to vector<1xf32>
      %squeeze3A_226 = vector.extract %slice3A_225[0] : f32 from vector<1xf32>
      %broadcast_in_dim3A_227 = vector.broadcast %squeeze3A_226 : f32 to vector<16xf32>
      %slice3A_228 = vector.extract_strided_slice %convert_element_type3A_197 {offsets = [8], sizes = [1], strides = [1]} : vector<16xf32> to vector<1xf32>
      %squeeze3A_229 = vector.extract %slice3A_228[0] : f32 from vector<1xf32>
      %broadcast_in_dim3A_230 = vector.broadcast %squeeze3A_229 : f32 to vector<16xf32>
      %slice3A_231 = vector.extract_strided_slice %convert_element_type3A_197 {offsets = [9], sizes = [1], strides = [1]} : vector<16xf32> to vector<1xf32>
      %squeeze3A_232 = vector.extract %slice3A_231[0] : f32 from vector<1xf32>
      %broadcast_in_dim3A_233 = vector.broadcast %squeeze3A_232 : f32 to vector<16xf32>
      %slice3A_234 = vector.extract_strided_slice %convert_element_type3A_197 {offsets = [10], sizes = [1], strides = [1]} : vector<16xf32> to vector<1xf32>
      %squeeze3A_235 = vector.extract %slice3A_234[0] : f32 from vector<1xf32>
      %broadcast_in_dim3A_236 = vector.broadcast %squeeze3A_235 : f32 to vector<16xf32>
      %slice3A_237 = vector.extract_strided_slice %convert_element_type3A_197 {offsets = [11], sizes = [1], strides = [1]} : vector<16xf32> to vector<1xf32>
      %squeeze3A_238 = vector.extract %slice3A_237[0] : f32 from vector<1xf32>
      %broadcast_in_dim3A_239 = vector.broadcast %squeeze3A_238 : f32 to vector<16xf32>
      %slice3A_240 = vector.extract_strided_slice %convert_element_type3A_197 {offsets = [12], sizes = [1], strides = [1]} : vector<16xf32> to vector<1xf32>
      %squeeze3A_241 = vector.extract %slice3A_240[0] : f32 from vector<1xf32>
      %broadcast_in_dim3A_242 = vector.broadcast %squeeze3A_241 : f32 to vector<16xf32>
      %slice3A_243 = vector.extract_strided_slice %convert_element_type3A_197 {offsets = [13], sizes = [1], strides = [1]} : vector<16xf32> to vector<1xf32>
      %squeeze3A_244 = vector.extract %slice3A_243[0] : f32 from vector<1xf32>
      %broadcast_in_dim3A_245 = vector.broadcast %squeeze3A_244 : f32 to vector<16xf32>
      %slice3A_246 = vector.extract_strided_slice %convert_element_type3A_197 {offsets = [14], sizes = [1], strides = [1]} : vector<16xf32> to vector<1xf32>
      %squeeze3A_247 = vector.extract %slice3A_246[0] : f32 from vector<1xf32>
      %broadcast_in_dim3A_248 = vector.broadcast %squeeze3A_247 : f32 to vector<16xf32>
      %slice3A_249 = vector.extract_strided_slice %convert_element_type3A_197 {offsets = [15], sizes = [1], strides = [1]} : vector<16xf32> to vector<1xf32>
      %squeeze3A_250 = vector.extract %slice3A_249[0] : f32 from vector<1xf32>
      %broadcast_in_dim3A_251 = vector.broadcast %squeeze3A_250 : f32 to vector<16xf32>
      %slice3A_252 = vector.extract_strided_slice %convert_element_type3A_206 {offsets = [0], sizes = [1], strides = [1]} : vector<16xf32> to vector<1xf32>
      %squeeze3A_253 = vector.extract %slice3A_252[0] : f32 from vector<1xf32>
      %broadcast_in_dim3A_254 = vector.broadcast %squeeze3A_253 : f32 to vector<16xf32>
      %slice3A_255 = vector.extract_strided_slice %convert_element_type3A_206 {offsets = [1], sizes = [1], strides = [1]} : vector<16xf32> to vector<1xf32>
      %squeeze3A_256 = vector.extract %slice3A_255[0] : f32 from vector<1xf32>
      %broadcast_in_dim3A_257 = vector.broadcast %squeeze3A_256 : f32 to vector<16xf32>
      %slice3A_258 = vector.extract_strided_slice %convert_element_type3A_206 {offsets = [2], sizes = [1], strides = [1]} : vector<16xf32> to vector<1xf32>
      %squeeze3A_259 = vector.extract %slice3A_258[0] : f32 from vector<1xf32>
      %broadcast_in_dim3A_260 = vector.broadcast %squeeze3A_259 : f32 to vector<16xf32>
      %slice3A_261 = vector.extract_strided_slice %convert_element_type3A_206 {offsets = [3], sizes = [1], strides = [1]} : vector<16xf32> to vector<1xf32>
      %squeeze3A_262 = vector.extract %slice3A_261[0] : f32 from vector<1xf32>
      %broadcast_in_dim3A_263 = vector.broadcast %squeeze3A_262 : f32 to vector<16xf32>
      %slice3A_264 = vector.extract_strided_slice %convert_element_type3A_206 {offsets = [4], sizes = [1], strides = [1]} : vector<16xf32> to vector<1xf32>
      %squeeze3A_265 = vector.extract %slice3A_264[0] : f32 from vector<1xf32>
      %broadcast_in_dim3A_266 = vector.broadcast %squeeze3A_265 : f32 to vector<16xf32>
      %slice3A_267 = vector.extract_strided_slice %convert_element_type3A_206 {offsets = [5], sizes = [1], strides = [1]} : vector<16xf32> to vector<1xf32>
      %squeeze3A_268 = vector.extract %slice3A_267[0] : f32 from vector<1xf32>
      %broadcast_in_dim3A_269 = vector.broadcast %squeeze3A_268 : f32 to vector<16xf32>
      %slice3A_270 = vector.extract_strided_slice %convert_element_type3A_206 {offsets = [6], sizes = [1], strides = [1]} : vector<16xf32> to vector<1xf32>
      %squeeze3A_271 = vector.extract %slice3A_270[0] : f32 from vector<1xf32>
      %broadcast_in_dim3A_272 = vector.broadcast %squeeze3A_271 : f32 to vector<16xf32>
      %slice3A_273 = vector.extract_strided_slice %convert_element_type3A_206 {offsets = [7], sizes = [1], strides = [1]} : vector<16xf32> to vector<1xf32>
      %squeeze3A_274 = vector.extract %slice3A_273[0] : f32 from vector<1xf32>
      %broadcast_in_dim3A_275 = vector.broadcast %squeeze3A_274 : f32 to vector<16xf32>
      %slice3A_276 = vector.extract_strided_slice %convert_element_type3A_206 {offsets = [8], sizes = [1], strides = [1]} : vector<16xf32> to vector<1xf32>
      %squeeze3A_277 = vector.extract %slice3A_276[0] : f32 from vector<1xf32>
      %broadcast_in_dim3A_278 = vector.broadcast %squeeze3A_277 : f32 to vector<16xf32>
      %slice3A_279 = vector.extract_strided_slice %convert_element_type3A_206 {offsets = [9], sizes = [1], strides = [1]} : vector<16xf32> to vector<1xf32>
      %squeeze3A_280 = vector.extract %slice3A_279[0] : f32 from vector<1xf32>
      %broadcast_in_dim3A_281 = vector.broadcast %squeeze3A_280 : f32 to vector<16xf32>
      %slice3A_282 = vector.extract_strided_slice %convert_element_type3A_206 {offsets = [10], sizes = [1], strides = [1]} : vector<16xf32> to vector<1xf32>
      %squeeze3A_283 = vector.extract %slice3A_282[0] : f32 from vector<1xf32>
      %broadcast_in_dim3A_284 = vector.broadcast %squeeze3A_283 : f32 to vector<16xf32>
      %slice3A_285 = vector.extract_strided_slice %convert_element_type3A_206 {offsets = [11], sizes = [1], strides = [1]} : vector<16xf32> to vector<1xf32>
      %squeeze3A_286 = vector.extract %slice3A_285[0] : f32 from vector<1xf32>
      %broadcast_in_dim3A_287 = vector.broadcast %squeeze3A_286 : f32 to vector<16xf32>
      %slice3A_288 = vector.extract_strided_slice %convert_element_type3A_206 {offsets = [12], sizes = [1], strides = [1]} : vector<16xf32> to vector<1xf32>
      %squeeze3A_289 = vector.extract %slice3A_288[0] : f32 from vector<1xf32>
      %broadcast_in_dim3A_290 = vector.broadcast %squeeze3A_289 : f32 to vector<16xf32>
      %slice3A_291 = vector.extract_strided_slice %convert_element_type3A_206 {offsets = [13], sizes = [1], strides = [1]} : vector<16xf32> to vector<1xf32>
      %squeeze3A_292 = vector.extract %slice3A_291[0] : f32 from vector<1xf32>
      %broadcast_in_dim3A_293 = vector.broadcast %squeeze3A_292 : f32 to vector<16xf32>
      %slice3A_294 = vector.extract_strided_slice %convert_element_type3A_206 {offsets = [14], sizes = [1], strides = [1]} : vector<16xf32> to vector<1xf32>
      %squeeze3A_295 = vector.extract %slice3A_294[0] : f32 from vector<1xf32>
      %broadcast_in_dim3A_296 = vector.broadcast %squeeze3A_295 : f32 to vector<16xf32>
      %slice3A_297 = vector.extract_strided_slice %convert_element_type3A_206 {offsets = [15], sizes = [1], strides = [1]} : vector<16xf32> to vector<1xf32>
      %squeeze3A_298 = vector.extract %slice3A_297[0] : f32 from vector<1xf32>
      %broadcast_in_dim3A_299 = vector.broadcast %squeeze3A_298 : f32 to vector<16xf32>
      %scan3A_300 = arith.constant 0 : i32
      %scan3A_301 = arith.constant 0 : i32
      %scan3A_302 = arith.constant 16 : i32
      %scan3A_303 = arith.addi %scan3A_301, %scan3A_302 : i32
      %scan3A_304 = arith.constant 1 : i32
      scf.for %scan3A_1645 = %scan3A_301 to %scan3A_303 step %scan3A_304  : i32 {
        %mul3A_1646 = arith.constant 16 : i32
        %mul3A_1647 = arith.muli %scan3A_1645, %mul3A_1646 : i32
        %get3A_1648 = arith.constant 0 : i32
        %get3A_1649 = arith.index_cast %get3A_1648 : i32 to index
        %get3A_1650 = arith.index_cast %mul3A_1647 : i32 to index
        %get3A_1651 = tpu.vector_load %arg7[%get3A_1649, %get3A_1650] {strides = array<i32>} : memref<4x256xf32, #tpu.memory_space<vmem>>, vector<1x16xf32>,
        %get3A_1652 = vector.shape_cast %get3A_1651 : vector<1x16xf32> to vector<16xf32>
        %get3A_1653 = arith.constant 1 : i32
        %get3A_1654 = arith.index_cast %get3A_1653 : i32 to index
        %get3A_1655 = arith.index_cast %mul3A_1647 : i32 to index
        %get3A_1656 = tpu.vector_load %arg7[%get3A_1654, %get3A_1655] {strides = array<i32>} : memref<4x256xf32, #tpu.memory_space<vmem>>, vector<1x16xf32>,
        %get3A_1657 = vector.shape_cast %get3A_1656 : vector<1x16xf32> to vector<16xf32>
        %get3A_1658 = arith.constant 2 : i32
        %get3A_1659 = arith.index_cast %get3A_1658 : i32 to index
        %get3A_1660 = arith.index_cast %mul3A_1647 : i32 to index
        %get3A_1661 = tpu.vector_load %arg7[%get3A_1659, %get3A_1660] {strides = array<i32>} : memref<4x256xf32, #tpu.memory_space<vmem>>, vector<1x16xf32>,
        %get3A_1662 = vector.shape_cast %get3A_1661 : vector<1x16xf32> to vector<16xf32>
        %get3A_1663 = arith.constant 3 : i32
        %get3A_1664 = arith.index_cast %get3A_1663 : i32 to index
        %get3A_1665 = arith.index_cast %mul3A_1647 : i32 to index
        %get3A_1666 = tpu.vector_load %arg7[%get3A_1664, %get3A_1665] {strides = array<i32>} : memref<4x256xf32, #tpu.memory_space<vmem>>, vector<1x16xf32>,
        %get3A_1667 = vector.shape_cast %get3A_1666 : vector<1x16xf32> to vector<16xf32>
        %mul3A_1668 = arith.mulf %broadcast_in_dim3A_254, %get3A_1657 : vector<16xf32>
        %add3A_1669 = arith.addf %get3A_1652, %mul3A_1668 : vector<16xf32>
        %mul3A_1670 = arith.mulf %broadcast_in_dim3A_254, %get3A_1667 : vector<16xf32>
        %add3A_1671 = arith.addf %get3A_1662, %mul3A_1670 : vector<16xf32>
        %mul3A_1672 = arith.mulf %broadcast_in_dim3A, %add3A_1671 : vector<16xf32>
        %add3A_1673 = arith.addf %add3A_1669, %mul3A_1672 : vector<16xf32>
        %swap3A_1674 = arith.constant 0 : i32
        %swap3A_1675 = arith.index_cast %swap3A_1674 : i32 to index
        %swap3A_1676 = arith.index_cast %mul3A_1647 : i32 to index
        %swap3A_1677 = tpu.vector_load %arg12[%swap3A_1675, %swap3A_1676] {strides = array<i32>} : memref<64x256xf32, #tpu.memory_space<vmem>>, vector<1x16xf32>,
        %swap3A_1678 = vector.shape_cast %swap3A_1677 : vector<1x16xf32> to vector<16xf32>
        %swap3A_1679 = vector.shape_cast %add3A_1673 : vector<16xf32> to vector<1x16xf32>
        tpu.vector_store %arg12[%swap3A_1675, %swap3A_1676], %swap3A_1679 {strides = array<i32>} : memref<64x256xf32, #tpu.memory_space<vmem>>, vector<1x16xf32>,
        %mul3A_1680 = arith.mulf %broadcast_in_dim3A_257, %get3A_1657 : vector<16xf32>
        %add3A_1681 = arith.addf %get3A_1652, %mul3A_1680 : vector<16xf32>
        %mul3A_1682 = arith.mulf %broadcast_in_dim3A_257, %get3A_1667 : vector<16xf32>
        %add3A_1683 = arith.addf %get3A_1662, %mul3A_1682 : vector<16xf32>
        %mul3A_1684 = arith.mulf %broadcast_in_dim3A_209, %add3A_1683 : vector<16xf32>
        %add3A_1685 = arith.addf %add3A_1681, %mul3A_1684 : vector<16xf32>
        %swap3A_1686 = arith.constant 1 : i32
        %swap3A_1687 = arith.index_cast %swap3A_1686 : i32 to index
        %swap3A_1688 = arith.index_cast %mul3A_1647 : i32 to index
        %swap3A_1689 = tpu.vector_load %arg12[%swap3A_1687, %swap3A_1688] {strides = array<i32>} : memref<64x256xf32, #tpu.memory_space<vmem>>, vector<1x16xf32>,
        %swap3A_1690 = vector.shape_cast %swap3A_1689 : vector<1x16xf32> to vector<16xf32>
        %swap3A_1691 = vector.shape_cast %add3A_1685 : vector<16xf32> to vector<1x16xf32>
        tpu.vector_store %arg12[%swap3A_1687, %swap3A_1688], %swap3A_1691 {strides = array<i32>} : memref<64x256xf32, #tpu.memory_space<vmem>>, vector<1x16xf32>,
        %mul3A_1692 = arith.mulf %broadcast_in_dim3A_260, %get3A_1657 : vector<16xf32>
        %add3A_1693 = arith.addf %get3A_1652, %mul3A_1692 : vector<16xf32>
        %mul3A_1694 = arith.mulf %broadcast_in_dim3A_260, %get3A_1667 : vector<16xf32>
        %add3A_1695 = arith.addf %get3A_1662, %mul3A_1694 : vector<16xf32>
        %mul3A_1696 = arith.mulf %broadcast_in_dim3A_212, %add3A_1695 : vector<16xf32>
        %add3A_1697 = arith.addf %add3A_1693, %mul3A_1696 : vector<16xf32>
        %swap3A_1698 = arith.constant 2 : i32
        %swap3A_1699 = arith.index_cast %swap3A_1698 : i32 to index
        %swap3A_1700 = arith.index_cast %mul3A_1647 : i32 to index
        %swap3A_1701 = tpu.vector_load %arg12[%swap3A_1699, %swap3A_1700] {strides = array<i32>} : memref<64x256xf32, #tpu.memory_space<vmem>>, vector<1x16xf32>,
        %swap3A_1702 = vector.shape_cast %swap3A_1701 : vector<1x16xf32> to vector<16xf32>
        %swap3A_1703 = vector.shape_cast %add3A_1697 : vector<16xf32> to vector<1x16xf32>
        tpu.vector_store %arg12[%swap3A_1699, %swap3A_1700], %swap3A_1703 {strides = array<i32>} : memref<64x256xf32, #tpu.memory_space<vmem>>, vector<1x16xf32>,
        %mul3A_1704 = arith.mulf %broadcast_in_dim3A_263, %get3A_1657 : vector<16xf32>
        %add3A_1705 = arith.addf %get3A_1652, %mul3A_1704 : vector<16xf32>
        %mul3A_1706 = arith.mulf %broadcast_in_dim3A_263, %get3A_1667 : vector<16xf32>
        %add3A_1707 = arith.addf %get3A_1662, %mul3A_1706 : vector<16xf32>
        %mul3A_1708 = arith.mulf %broadcast_in_dim3A_215, %add3A_1707 : vector<16xf32>
        %add3A_1709 = arith.addf %add3A_1705, %mul3A_1708 : vector<16xf32>
        %swap3A_1710 = arith.constant 3 : i32
        %swap3A_1711 = arith.index_cast %swap3A_1710 : i32 to index
        %swap3A_1712 = arith.index_cast %mul3A_1647 : i32 to index
        %swap3A_1713 = tpu.vector_load %arg12[%swap3A_1711, %swap3A_1712] {strides = array<i32>} : memref<64x256xf32, #tpu.memory_space<vmem>>, vector<1x16xf32>,
        %swap3A_1714 = vector.shape_cast %swap3A_1713 : vector<1x16xf32> to vector<16xf32>
        %swap3A_1715 = vector.shape_cast %add3A_1709 : vector<16xf32> to vector<1x16xf32>
        tpu.vector_store %arg12[%swap3A_1711, %swap3A_1712], %swap3A_1715 {strides = array<i32>} : memref<64x256xf32, #tpu.memory_space<vmem>>, vector<1x16xf32>,
        %mul3A_1716 = arith.mulf %broadcast_in_dim3A_266, %get3A_1657 : vector<16xf32>
        %add3A_1717 = arith.addf %get3A_1652, %mul3A_1716 : vector<16xf32>
        %mul3A_1718 = arith.mulf %broadcast_in_dim3A_266, %get3A_1667 : vector<16xf32>
        %add3A_1719 = arith.addf %get3A_1662, %mul3A_1718 : vector<16xf32>
        %mul3A_1720 = arith.mulf %broadcast_in_dim3A_218, %add3A_1719 : vector<16xf32>
        %add3A_1721 = arith.addf %add3A_1717, %mul3A_1720 : vector<16xf32>
        %swap3A_1722 = arith.constant 4 : i32
        %swap3A_1723 = arith.index_cast %swap3A_1722 : i32 to index
        %swap3A_1724 = arith.index_cast %mul3A_1647 : i32 to index
        %swap3A_1725 = tpu.vector_load %arg12[%swap3A_1723, %swap3A_1724] {strides = array<i32>} : memref<64x256xf32, #tpu.memory_space<vmem>>, vector<1x16xf32>,
        %swap3A_1726 = vector.shape_cast %swap3A_1725 : vector<1x16xf32> to vector<16xf32>
        %swap3A_1727 = vector.shape_cast %add3A_1721 : vector<16xf32> to vector<1x16xf32>
        tpu.vector_store %arg12[%swap3A_1723, %swap3A_1724], %swap3A_1727 {strides = array<i32>} : memref<64x256xf32, #tpu.memory_space<vmem>>, vector<1x16xf32>,
        %mul3A_1728 = arith.mulf %broadcast_in_dim3A_269, %get3A_1657 : vector<16xf32>
        %add3A_1729 = arith.addf %get3A_1652, %mul3A_1728 : vector<16xf32>
        %mul3A_1730 = arith.mulf %broadcast_in_dim3A_269, %get3A_1667 : vector<16xf32>
        %add3A_1731 = arith.addf %get3A_1662, %mul3A_1730 : vector<16xf32>
        %mul3A_1732 = arith.mulf %broadcast_in_dim3A_221, %add3A_1731 : vector<16xf32>
        %add3A_1733 = arith.addf %add3A_1729, %mul3A_1732 : vector<16xf32>
        %swap3A_1734 = arith.constant 5 : i32
        %swap3A_1735 = arith.index_cast %swap3A_1734 : i32 to index
        %swap3A_1736 = arith.index_cast %mul3A_1647 : i32 to index
        %swap3A_1737 = tpu.vector_load %arg12[%swap3A_1735, %swap3A_1736] {strides = array<i32>} : memref<64x256xf32, #tpu.memory_space<vmem>>, vector<1x16xf32>,
        %swap3A_1738 = vector.shape_cast %swap3A_1737 : vector<1x16xf32> to vector<16xf32>
        %swap3A_1739 = vector.shape_cast %add3A_1733 : vector<16xf32> to vector<1x16xf32>
        tpu.vector_store %arg12[%swap3A_1735, %swap3A_1736], %swap3A_1739 {strides = array<i32>} : memref<64x256xf32, #tpu.memory_space<vmem>>, vector<1x16xf32>,
        %mul3A_1740 = arith.mulf %broadcast_in_dim3A_272, %get3A_1657 : vector<16xf32>
        %add3A_1741 = arith.addf %get3A_1652, %mul3A_1740 : vector<16xf32>
        %mul3A_1742 = arith.mulf %broadcast_in_dim3A_272, %get3A_1667 : vector<16xf32>
        %add3A_1743 = arith.addf %get3A_1662, %mul3A_1742 : vector<16xf32>
        %mul3A_1744 = arith.mulf %broadcast_in_dim3A_224, %add3A_1743 : vector<16xf32>
        %add3A_1745 = arith.addf %add3A_1741, %mul3A_1744 : vector<16xf32>
        %swap3A_1746 = arith.constant 6 : i32
        %swap3A_1747 = arith.index_cast %swap3A_1746 : i32 to index
        %swap3A_1748 = arith.index_cast %mul3A_1647 : i32 to index
        %swap3A_1749 = tpu.vector_load %arg12[%swap3A_1747, %swap3A_1748] {strides = array<i32>} : memref<64x256xf32, #tpu.memory_space<vmem>>, vector<1x16xf32>,
        %swap3A_1750 = vector.shape_cast %swap3A_1749 : vector<1x16xf32> to vector<16xf32>
        %swap3A_1751 = vector.shape_cast %add3A_1745 : vector<16xf32> to vector<1x16xf32>
        tpu.vector_store %arg12[%swap3A_1747, %swap3A_1748], %swap3A_1751 {strides = array<i32>} : memref<64x256xf32, #tpu.memory_space<vmem>>, vector<1x16xf32>,
        %mul3A_1752 = arith.mulf %broadcast_in_dim3A_275, %get3A_1657 : vector<16xf32>
        %add3A_1753 = arith.addf %get3A_1652, %mul3A_1752 : vector<16xf32>
        %mul3A_1754 = arith.mulf %broadcast_in_dim3A_275, %get3A_1667 : vector<16xf32>
        %add3A_1755 = arith.addf %get3A_1662, %mul3A_1754 : vector<16xf32>
        %mul3A_1756 = arith.mulf %broadcast_in_dim3A_227, %add3A_1755 : vector<16xf32>
        %add3A_1757 = arith.addf %add3A_1753, %mul3A_1756 : vector<16xf32>
        %swap3A_1758 = arith.constant 7 : i32
        %swap3A_1759 = arith.index_cast %swap3A_1758 : i32 to index
        %swap3A_1760 = arith.index_cast %mul3A_1647 : i32 to index
        %swap3A_1761 = tpu.vector_load %arg12[%swap3A_1759, %swap3A_1760] {strides = array<i32>} : memref<64x256xf32, #tpu.memory_space<vmem>>, vector<1x16xf32>,
        %swap3A_1762 = vector.shape_cast %swap3A_1761 : vector<1x16xf32> to vector<16xf32>
        %swap3A_1763 = vector.shape_cast %add3A_1757 : vector<16xf32> to vector<1x16xf32>
        tpu.vector_store %arg12[%swap3A_1759, %swap3A_1760], %swap3A_1763 {strides = array<i32>} : memref<64x256xf32, #tpu.memory_space<vmem>>, vector<1x16xf32>,
        %mul3A_1764 = arith.mulf %broadcast_in_dim3A_278, %get3A_1657 : vector<16xf32>
        %add3A_1765 = arith.addf %get3A_1652, %mul3A_1764 : vector<16xf32>
        %mul3A_1766 = arith.mulf %broadcast_in_dim3A_278, %get3A_1667 : vector<16xf32>
        %add3A_1767 = arith.addf %get3A_1662, %mul3A_1766 : vector<16xf32>
        %mul3A_1768 = arith.mulf %broadcast_in_dim3A_230, %add3A_1767 : vector<16xf32>
        %add3A_1769 = arith.addf %add3A_1765, %mul3A_1768 : vector<16xf32>
        %swap3A_1770 = arith.constant 8 : i32
        %swap3A_1771 = arith.index_cast %swap3A_1770 : i32 to index
        %swap3A_1772 = arith.index_cast %mul3A_1647 : i32 to index
        %swap3A_1773 = tpu.vector_load %arg12[%swap3A_1771, %swap3A_1772] {strides = array<i32>} : memref<64x256xf32, #tpu.memory_space<vmem>>, vector<1x16xf32>,
        %swap3A_1774 = vector.shape_cast %swap3A_1773 : vector<1x16xf32> to vector<16xf32>
        %swap3A_1775 = vector.shape_cast %add3A_1769 : vector<16xf32> to vector<1x16xf32>
        tpu.vector_store %arg12[%swap3A_1771, %swap3A_1772], %swap3A_1775 {strides = array<i32>} : memref<64x256xf32, #tpu.memory_space<vmem>>, vector<1x16xf32>,
        %mul3A_1776 = arith.mulf %broadcast_in_dim3A_281, %get3A_1657 : vector<16xf32>
        %add3A_1777 = arith.addf %get3A_1652, %mul3A_1776 : vector<16xf32>
        %mul3A_1778 = arith.mulf %broadcast_in_dim3A_281, %get3A_1667 : vector<16xf32>
        %add3A_1779 = arith.addf %get3A_1662, %mul3A_1778 : vector<16xf32>
        %mul3A_1780 = arith.mulf %broadcast_in_dim3A_233, %add3A_1779 : vector<16xf32>
        %add3A_1781 = arith.addf %add3A_1777, %mul3A_1780 : vector<16xf32>
        %swap3A_1782 = arith.constant 9 : i32
        %swap3A_1783 = arith.index_cast %swap3A_1782 : i32 to index
        %swap3A_1784 = arith.index_cast %mul3A_1647 : i32 to index
        %swap3A_1785 = tpu.vector_load %arg12[%swap3A_1783, %swap3A_1784] {strides = array<i32>} : memref<64x256xf32, #tpu.memory_space<vmem>>, vector<1x16xf32>,
        %swap3A_1786 = vector.shape_cast %swap3A_1785 : vector<1x16xf32> to vector<16xf32>
        %swap3A_1787 = vector.shape_cast %add3A_1781 : vector<16xf32> to vector<1x16xf32>
        tpu.vector_store %arg12[%swap3A_1783, %swap3A_1784], %swap3A_1787 {strides = array<i32>} : memref<64x256xf32, #tpu.memory_space<vmem>>, vector<1x16xf32>,
        %mul3A_1788 = arith.mulf %broadcast_in_dim3A_284, %get3A_1657 : vector<16xf32>
        %add3A_1789 = arith.addf %get3A_1652, %mul3A_1788 : vector<16xf32>
        %mul3A_1790 = arith.mulf %broadcast_in_dim3A_284, %get3A_1667 : vector<16xf32>
        %add3A_1791 = arith.addf %get3A_1662, %mul3A_1790 : vector<16xf32>
        %mul3A_1792 = arith.mulf %broadcast_in_dim3A_236, %add3A_1791 : vector<16xf32>
        %add3A_1793 = arith.addf %add3A_1789, %mul3A_1792 : vector<16xf32>
        %swap3A_1794 = arith.constant 10 : i32
        %swap3A_1795 = arith.index_cast %swap3A_1794 : i32 to index
        %swap3A_1796 = arith.index_cast %mul3A_1647 : i32 to index
        %swap3A_1797 = tpu.vector_load %arg12[%swap3A_1795, %swap3A_1796] {strides = array<i32>} : memref<64x256xf32, #tpu.memory_space<vmem>>, vector<1x16xf32>,
        %swap3A_1798 = vector.shape_cast %swap3A_1797 : vector<1x16xf32> to vector<16xf32>
        %swap3A_1799 = vector.shape_cast %add3A_1793 : vector<16xf32> to vector<1x16xf32>
        tpu.vector_store %arg12[%swap3A_1795, %swap3A_1796], %swap3A_1799 {strides = array<i32>} : memref<64x256xf32, #tpu.memory_space<vmem>>, vector<1x16xf32>,
        %mul3A_1800 = arith.mulf %broadcast_in_dim3A_287, %get3A_1657 : vector<16xf32>
        %add3A_1801 = arith.addf %get3A_1652, %mul3A_1800 : vector<16xf32>
        %mul3A_1802 = arith.mulf %broadcast_in_dim3A_287, %get3A_1667 : vector<16xf32>
        %add3A_1803 = arith.addf %get3A_1662, %mul3A_1802 : vector<16xf32>
        %mul3A_1804 = arith.mulf %broadcast_in_dim3A_239, %add3A_1803 : vector<16xf32>
        %add3A_1805 = arith.addf %add3A_1801, %mul3A_1804 : vector<16xf32>
        %swap3A_1806 = arith.constant 11 : i32
        %swap3A_1807 = arith.index_cast %swap3A_1806 : i32 to index
        %swap3A_1808 = arith.index_cast %mul3A_1647 : i32 to index
        %swap3A_1809 = tpu.vector_load %arg12[%swap3A_1807, %swap3A_1808] {strides = array<i32>} : memref<64x256xf32, #tpu.memory_space<vmem>>, vector<1x16xf32>,
        %swap3A_1810 = vector.shape_cast %swap3A_1809 : vector<1x16xf32> to vector<16xf32>
        %swap3A_1811 = vector.shape_cast %add3A_1805 : vector<16xf32> to vector<1x16xf32>
        tpu.vector_store %arg12[%swap3A_1807, %swap3A_1808], %swap3A_1811 {strides = array<i32>} : memref<64x256xf32, #tpu.memory_space<vmem>>, vector<1x16xf32>,
        %mul3A_1812 = arith.mulf %broadcast_in_dim3A_290, %get3A_1657 : vector<16xf32>
        %add3A_1813 = arith.addf %get3A_1652, %mul3A_1812 : vector<16xf32>
        %mul3A_1814 = arith.mulf %broadcast_in_dim3A_290, %get3A_1667 : vector<16xf32>
        %add3A_1815 = arith.addf %get3A_1662, %mul3A_1814 : vector<16xf32>
        %mul3A_1816 = arith.mulf %broadcast_in_dim3A_242, %add3A_1815 : vector<16xf32>
        %add3A_1817 = arith.addf %add3A_1813, %mul3A_1816 : vector<16xf32>
        %swap3A_1818 = arith.constant 12 : i32
        %swap3A_1819 = arith.index_cast %swap3A_1818 : i32 to index
        %swap3A_1820 = arith.index_cast %mul3A_1647 : i32 to index
        %swap3A_1821 = tpu.vector_load %arg12[%swap3A_1819, %swap3A_1820] {strides = array<i32>} : memref<64x256xf32, #tpu.memory_space<vmem>>, vector<1x16xf32>,
        %swap3A_1822 = vector.shape_cast %swap3A_1821 : vector<1x16xf32> to vector<16xf32>
        %swap3A_1823 = vector.shape_cast %add3A_1817 : vector<16xf32> to vector<1x16xf32>
        tpu.vector_store %arg12[%swap3A_1819, %swap3A_1820], %swap3A_1823 {strides = array<i32>} : memref<64x256xf32, #tpu.memory_space<vmem>>, vector<1x16xf32>,
        %mul3A_1824 = arith.mulf %broadcast_in_dim3A_293, %get3A_1657 : vector<16xf32>
        %add3A_1825 = arith.addf %get3A_1652, %mul3A_1824 : vector<16xf32>
        %mul3A_1826 = arith.mulf %broadcast_in_dim3A_293, %get3A_1667 : vector<16xf32>
        %add3A_1827 = arith.addf %get3A_1662, %mul3A_1826 : vector<16xf32>
        %mul3A_1828 = arith.mulf %broadcast_in_dim3A_245, %add3A_1827 : vector<16xf32>
        %add3A_1829 = arith.addf %add3A_1825, %mul3A_1828 : vector<16xf32>
        %swap3A_1830 = arith.constant 13 : i32
        %swap3A_1831 = arith.index_cast %swap3A_1830 : i32 to index
        %swap3A_1832 = arith.index_cast %mul3A_1647 : i32 to index
        %swap3A_1833 = tpu.vector_load %arg12[%swap3A_1831, %swap3A_1832] {strides = array<i32>} : memref<64x256xf32, #tpu.memory_space<vmem>>, vector<1x16xf32>,
        %swap3A_1834 = vector.shape_cast %swap3A_1833 : vector<1x16xf32> to vector<16xf32>
        %swap3A_1835 = vector.shape_cast %add3A_1829 : vector<16xf32> to vector<1x16xf32>
        tpu.vector_store %arg12[%swap3A_1831, %swap3A_1832], %swap3A_1835 {strides = array<i32>} : memref<64x256xf32, #tpu.memory_space<vmem>>, vector<1x16xf32>,
        %mul3A_1836 = arith.mulf %broadcast_in_dim3A_296, %get3A_1657 : vector<16xf32>
        %add3A_1837 = arith.addf %get3A_1652, %mul3A_1836 : vector<16xf32>
        %mul3A_1838 = arith.mulf %broadcast_in_dim3A_296, %get3A_1667 : vector<16xf32>
        %add3A_1839 = arith.addf %get3A_1662, %mul3A_1838 : vector<16xf32>
        %mul3A_1840 = arith.mulf %broadcast_in_dim3A_248, %add3A_1839 : vector<16xf32>
        %add3A_1841 = arith.addf %add3A_1837, %mul3A_1840 : vector<16xf32>
        %swap3A_1842 = arith.constant 14 : i32
        %swap3A_1843 = arith.index_cast %swap3A_1842 : i32 to index
        %swap3A_1844 = arith.index_cast %mul3A_1647 : i32 to index
        %swap3A_1845 = tpu.vector_load %arg12[%swap3A_1843, %swap3A_1844] {strides = array<i32>} : memref<64x256xf32, #tpu.memory_space<vmem>>, vector<1x16xf32>,
        %swap3A_1846 = vector.shape_cast %swap3A_1845 : vector<1x16xf32> to vector<16xf32>
        %swap3A_1847 = vector.shape_cast %add3A_1841 : vector<16xf32> to vector<1x16xf32>
        tpu.vector_store %arg12[%swap3A_1843, %swap3A_1844], %swap3A_1847 {strides = array<i32>} : memref<64x256xf32, #tpu.memory_space<vmem>>, vector<1x16xf32>,
        %mul3A_1848 = arith.mulf %broadcast_in_dim3A_299, %get3A_1657 : vector<16xf32>
        %add3A_1849 = arith.addf %get3A_1652, %mul3A_1848 : vector<16xf32>
        %mul3A_1850 = arith.mulf %broadcast_in_dim3A_299, %get3A_1667 : vector<16xf32>
        %add3A_1851 = arith.addf %get3A_1662, %mul3A_1850 : vector<16xf32>
        %mul3A_1852 = arith.mulf %broadcast_in_dim3A_251, %add3A_1851 : vector<16xf32>
        %add3A_1853 = arith.addf %add3A_1849, %mul3A_1852 : vector<16xf32>
        %swap3A_1854 = arith.constant 15 : i32
        %swap3A_1855 = arith.index_cast %swap3A_1854 : i32 to index
        %swap3A_1856 = arith.index_cast %mul3A_1647 : i32 to index
        %swap3A_1857 = tpu.vector_load %arg12[%swap3A_1855, %swap3A_1856] {strides = array<i32>} : memref<64x256xf32, #tpu.memory_space<vmem>>, vector<1x16xf32>,
        %swap3A_1858 = vector.shape_cast %swap3A_1857 : vector<1x16xf32> to vector<16xf32>
        %swap3A_1859 = vector.shape_cast %add3A_1853 : vector<16xf32> to vector<1x16xf32>
        tpu.vector_store %arg12[%swap3A_1855, %swap3A_1856], %swap3A_1859 {strides = array<i32>} : memref<64x256xf32, #tpu.memory_space<vmem>>, vector<1x16xf32>,
      }
      %scan3A_305 = arith.constant 16 : i32
      %add3A_306 = arith.constant 16 : i32
      %add3A_307 = arith.addi %add3A_190, %add3A_306 : i32
      %get3A_308 = arith.index_cast %select_n3A : i32 to index
      %get3A_309 = arith.index_cast %add3A_307 : i32 to index
      %get3A_310 = tpu.vector_load %arg6[%get3A_308, %get3A_309] {strides = array<i32>} : memref<32x1024xi32, #tpu.memory_space<vmem>>, vector<1x16xi32>,
      %get3A_311 = vector.shape_cast %get3A_310 : vector<1x16xi32> to vector<16xi32>
      %convert_element_type3A_312 = arith.sitofp %get3A_311 : vector<16xi32> to vector<16xf32>
      %add3A_313 = arith.constant 512 : i32
      %add3A_314 = arith.addi %add3A_313, %add3A_190 : i32
      %add3A_315 = arith.constant 16 : i32
      %add3A_316 = arith.addi %add3A_314, %add3A_315 : i32
      %get3A_317 = arith.index_cast %select_n3A : i32 to index
      %get3A_318 = arith.index_cast %add3A_316 : i32 to index
      %get3A_319 = tpu.vector_load %arg6[%get3A_317, %get3A_318] {strides = array<i32>} : memref<32x1024xi32, #tpu.memory_space<vmem>>, vector<1x16xi32>,
      %get3A_320 = vector.shape_cast %get3A_319 : vector<1x16xi32> to vector<16xi32>
      %convert_element_type3A_321 = arith.sitofp %get3A_320 : vector<16xi32> to vector<16xf32>
      %slice3A_322 = vector.extract_strided_slice %convert_element_type3A_312 {offsets = [0], sizes = [1], strides = [1]} : vector<16xf32> to vector<1xf32>
      %squeeze3A_323 = vector.extract %slice3A_322[0] : f32 from vector<1xf32>
      %broadcast_in_dim3A_324 = vector.broadcast %squeeze3A_323 : f32 to vector<16xf32>
      %slice3A_325 = vector.extract_strided_slice %convert_element_type3A_312 {offsets = [1], sizes = [1], strides = [1]} : vector<16xf32> to vector<1xf32>
      %squeeze3A_326 = vector.extract %slice3A_325[0] : f32 from vector<1xf32>
      %broadcast_in_dim3A_327 = vector.broadcast %squeeze3A_326 : f32 to vector<16xf32>
      %slice3A_328 = vector.extract_strided_slice %convert_element_type3A_312 {offsets = [2], sizes = [1], strides = [1]} : vector<16xf32> to vector<1xf32>
      %squeeze3A_329 = vector.extract %slice3A_328[0] : f32 from vector<1xf32>
      %broadcast_in_dim3A_330 = vector.broadcast %squeeze3A_329 : f32 to vector<16xf32>
      %slice3A_331 = vector.extract_strided_slice %convert_element_type3A_312 {offsets = [3], sizes = [1], strides = [1]} : vector<16xf32> to vector<1xf32>
      %squeeze3A_332 = vector.extract %slice3A_331[0] : f32 from vector<1xf32>
      %broadcast_in_dim3A_333 = vector.broadcast %squeeze3A_332 : f32 to vector<16xf32>
      %slice3A_334 = vector.extract_strided_slice %convert_element_type3A_312 {offsets = [4], sizes = [1], strides = [1]} : vector<16xf32> to vector<1xf32>
      %squeeze3A_335 = vector.extract %slice3A_334[0] : f32 from vector<1xf32>
      %broadcast_in_dim3A_336 = vector.broadcast %squeeze3A_335 : f32 to vector<16xf32>
      %slice3A_337 = vector.extract_strided_slice %convert_element_type3A_312 {offsets = [5], sizes = [1], strides = [1]} : vector<16xf32> to vector<1xf32>
      %squeeze3A_338 = vector.extract %slice3A_337[0] : f32 from vector<1xf32>
      %broadcast_in_dim3A_339 = vector.broadcast %squeeze3A_338 : f32 to vector<16xf32>
      %slice3A_340 = vector.extract_strided_slice %convert_element_type3A_312 {offsets = [6], sizes = [1], strides = [1]} : vector<16xf32> to vector<1xf32>
      %squeeze3A_341 = vector.extract %slice3A_340[0] : f32 from vector<1xf32>
      %broadcast_in_dim3A_342 = vector.broadcast %squeeze3A_341 : f32 to vector<16xf32>
      %slice3A_343 = vector.extract_strided_slice %convert_element_type3A_312 {offsets = [7], sizes = [1], strides = [1]} : vector<16xf32> to vector<1xf32>
      %squeeze3A_344 = vector.extract %slice3A_343[0] : f32 from vector<1xf32>
      %broadcast_in_dim3A_345 = vector.broadcast %squeeze3A_344 : f32 to vector<16xf32>
      %slice3A_346 = vector.extract_strided_slice %convert_element_type3A_312 {offsets = [8], sizes = [1], strides = [1]} : vector<16xf32> to vector<1xf32>
      %squeeze3A_347 = vector.extract %slice3A_346[0] : f32 from vector<1xf32>
      %broadcast_in_dim3A_348 = vector.broadcast %squeeze3A_347 : f32 to vector<16xf32>
      %slice3A_349 = vector.extract_strided_slice %convert_element_type3A_312 {offsets = [9], sizes = [1], strides = [1]} : vector<16xf32> to vector<1xf32>
      %squeeze3A_350 = vector.extract %slice3A_349[0] : f32 from vector<1xf32>
      %broadcast_in_dim3A_351 = vector.broadcast %squeeze3A_350 : f32 to vector<16xf32>
      %slice3A_352 = vector.extract_strided_slice %convert_element_type3A_312 {offsets = [10], sizes = [1], strides = [1]} : vector<16xf32> to vector<1xf32>
      %squeeze3A_353 = vector.extract %slice3A_352[0] : f32 from vector<1xf32>
      %broadcast_in_dim3A_354 = vector.broadcast %squeeze3A_353 : f32 to vector<16xf32>
      %slice3A_355 = vector.extract_strided_slice %convert_element_type3A_312 {offsets = [11], sizes = [1], strides = [1]} : vector<16xf32> to vector<1xf32>
      %squeeze3A_356 = vector.extract %slice3A_355[0] : f32 from vector<1xf32>
      %broadcast_in_dim3A_357 = vector.broadcast %squeeze3A_356 : f32 to vector<16xf32>
      %slice3A_358 = vector.extract_strided_slice %convert_element_type3A_312 {offsets = [12], sizes = [1], strides = [1]} : vector<16xf32> to vector<1xf32>
      %squeeze3A_359 = vector.extract %slice3A_358[0] : f32 from vector<1xf32>
      %broadcast_in_dim3A_360 = vector.broadcast %squeeze3A_359 : f32 to vector<16xf32>
      %slice3A_361 = vector.extract_strided_slice %convert_element_type3A_312 {offsets = [13], sizes = [1], strides = [1]} : vector<16xf32> to vector<1xf32>
      %squeeze3A_362 = vector.extract %slice3A_361[0] : f32 from vector<1xf32>
      %broadcast_in_dim3A_363 = vector.broadcast %squeeze3A_362 : f32 to vector<16xf32>
      %slice3A_364 = vector.extract_strided_slice %convert_element_type3A_312 {offsets = [14], sizes = [1], strides = [1]} : vector<16xf32> to vector<1xf32>
      %squeeze3A_365 = vector.extract %slice3A_364[0] : f32 from vector<1xf32>
      %broadcast_in_dim3A_366 = vector.broadcast %squeeze3A_365 : f32 to vector<16xf32>
      %slice3A_367 = vector.extract_strided_slice %convert_element_type3A_312 {offsets = [15], sizes = [1], strides = [1]} : vector<16xf32> to vector<1xf32>
      %squeeze3A_368 = vector.extract %slice3A_367[0] : f32 from vector<1xf32>
      %broadcast_in_dim3A_369 = vector.broadcast %squeeze3A_368 : f32 to vector<16xf32>
      %slice3A_370 = vector.extract_strided_slice %convert_element_type3A_321 {offsets = [0], sizes = [1], strides = [1]} : vector<16xf32> to vector<1xf32>
      %squeeze3A_371 = vector.extract %slice3A_370[0] : f32 from vector<1xf32>
      %broadcast_in_dim3A_372 = vector.broadcast %squeeze3A_371 : f32 to vector<16xf32>
      %slice3A_373 = vector.extract_strided_slice %convert_element_type3A_321 {offsets = [1], sizes = [1], strides = [1]} : vector<16xf32> to vector<1xf32>
      %squeeze3A_374 = vector.extract %slice3A_373[0] : f32 from vector<1xf32>
      %broadcast_in_dim3A_375 = vector.broadcast %squeeze3A_374 : f32 to vector<16xf32>
      %slice3A_376 = vector.extract_strided_slice %convert_element_type3A_321 {offsets = [2], sizes = [1], strides = [1]} : vector<16xf32> to vector<1xf32>
      %squeeze3A_377 = vector.extract %slice3A_376[0] : f32 from vector<1xf32>
      %broadcast_in_dim3A_378 = vector.broadcast %squeeze3A_377 : f32 to vector<16xf32>
      %slice3A_379 = vector.extract_strided_slice %convert_element_type3A_321 {offsets = [3], sizes = [1], strides = [1]} : vector<16xf32> to vector<1xf32>
      %squeeze3A_380 = vector.extract %slice3A_379[0] : f32 from vector<1xf32>
      %broadcast_in_dim3A_381 = vector.broadcast %squeeze3A_380 : f32 to vector<16xf32>
      %slice3A_382 = vector.extract_strided_slice %convert_element_type3A_321 {offsets = [4], sizes = [1], strides = [1]} : vector<16xf32> to vector<1xf32>
      %squeeze3A_383 = vector.extract %slice3A_382[0] : f32 from vector<1xf32>
      %broadcast_in_dim3A_384 = vector.broadcast %squeeze3A_383 : f32 to vector<16xf32>
      %slice3A_385 = vector.extract_strided_slice %convert_element_type3A_321 {offsets = [5], sizes = [1], strides = [1]} : vector<16xf32> to vector<1xf32>
      %squeeze3A_386 = vector.extract %slice3A_385[0] : f32 from vector<1xf32>
      %broadcast_in_dim3A_387 = vector.broadcast %squeeze3A_386 : f32 to vector<16xf32>
      %slice3A_388 = vector.extract_strided_slice %convert_element_type3A_321 {offsets = [6], sizes = [1], strides = [1]} : vector<16xf32> to vector<1xf32>
      %squeeze3A_389 = vector.extract %slice3A_388[0] : f32 from vector<1xf32>
      %broadcast_in_dim3A_390 = vector.broadcast %squeeze3A_389 : f32 to vector<16xf32>
      %slice3A_391 = vector.extract_strided_slice %convert_element_type3A_321 {offsets = [7], sizes = [1], strides = [1]} : vector<16xf32> to vector<1xf32>
      %squeeze3A_392 = vector.extract %slice3A_391[0] : f32 from vector<1xf32>
      %broadcast_in_dim3A_393 = vector.broadcast %squeeze3A_392 : f32 to vector<16xf32>
      %slice3A_394 = vector.extract_strided_slice %convert_element_type3A_321 {offsets = [8], sizes = [1], strides = [1]} : vector<16xf32> to vector<1xf32>
      %squeeze3A_395 = vector.extract %slice3A_394[0] : f32 from vector<1xf32>
      %broadcast_in_dim3A_396 = vector.broadcast %squeeze3A_395 : f32 to vector<16xf32>
      %slice3A_397 = vector.extract_strided_slice %convert_element_type3A_321 {offsets = [9], sizes = [1], strides = [1]} : vector<16xf32> to vector<1xf32>
      %squeeze3A_398 = vector.extract %slice3A_397[0] : f32 from vector<1xf32>
      %broadcast_in_dim3A_399 = vector.broadcast %squeeze3A_398 : f32 to vector<16xf32>
      %slice3A_400 = vector.extract_strided_slice %convert_element_type3A_321 {offsets = [10], sizes = [1], strides = [1]} : vector<16xf32> to vector<1xf32>
      %squeeze3A_401 = vector.extract %slice3A_400[0] : f32 from vector<1xf32>
      %broadcast_in_dim3A_402 = vector.broadcast %squeeze3A_401 : f32 to vector<16xf32>
      %slice3A_403 = vector.extract_strided_slice %convert_element_type3A_321 {offsets = [11], sizes = [1], strides = [1]} : vector<16xf32> to vector<1xf32>
      %squeeze3A_404 = vector.extract %slice3A_403[0] : f32 from vector<1xf32>
      %broadcast_in_dim3A_405 = vector.broadcast %squeeze3A_404 : f32 to vector<16xf32>
      %slice3A_406 = vector.extract_strided_slice %convert_element_type3A_321 {offsets = [12], sizes = [1], strides = [1]} : vector<16xf32> to vector<1xf32>
      %squeeze3A_407 = vector.extract %slice3A_406[0] : f32 from vector<1xf32>
      %broadcast_in_dim3A_408 = vector.broadcast %squeeze3A_407 : f32 to vector<16xf32>
      %slice3A_409 = vector.extract_strided_slice %convert_element_type3A_321 {offsets = [13], sizes = [1], strides = [1]} : vector<16xf32> to vector<1xf32>
      %squeeze3A_410 = vector.extract %slice3A_409[0] : f32 from vector<1xf32>
      %broadcast_in_dim3A_411 = vector.broadcast %squeeze3A_410 : f32 to vector<16xf32>
      %slice3A_412 = vector.extract_strided_slice %convert_element_type3A_321 {offsets = [14], sizes = [1], strides = [1]} : vector<16xf32> to vector<1xf32>
      %squeeze3A_413 = vector.extract %slice3A_412[0] : f32 from vector<1xf32>
      %broadcast_in_dim3A_414 = vector.broadcast %squeeze3A_413 : f32 to vector<16xf32>
      %slice3A_415 = vector.extract_strided_slice %convert_element_type3A_321 {offsets = [15], sizes = [1], strides = [1]} : vector<16xf32> to vector<1xf32>
      %squeeze3A_416 = vector.extract %slice3A_415[0] : f32 from vector<1xf32>
      %broadcast_in_dim3A_417 = vector.broadcast %squeeze3A_416 : f32 to vector<16xf32>
      %scan3A_418 = arith.constant 0 : i32
      %scan3A_419 = arith.constant 0 : i32
      %scan3A_420 = arith.constant 16 : i32
      %scan3A_421 = arith.addi %scan3A_419, %scan3A_420 : i32
      %scan3A_422 = arith.constant 1 : i32
      scf.for %scan3A_1645 = %scan3A_419 to %scan3A_421 step %scan3A_422  : i32 {
        %mul3A_1646 = arith.constant 16 : i32
        %mul3A_1647 = arith.muli %scan3A_1645, %mul3A_1646 : i32
        %get3A_1648 = arith.constant 0 : i32
        %get3A_1649 = arith.index_cast %get3A_1648 : i32 to index
        %get3A_1650 = arith.index_cast %mul3A_1647 : i32 to index
        %get3A_1651 = tpu.vector_load %arg7[%get3A_1649, %get3A_1650] {strides = array<i32>} : memref<4x256xf32, #tpu.memory_space<vmem>>, vector<1x16xf32>,
        %get3A_1652 = vector.shape_cast %get3A_1651 : vector<1x16xf32> to vector<16xf32>
        %get3A_1653 = arith.constant 1 : i32
        %get3A_1654 = arith.index_cast %get3A_1653 : i32 to index
        %get3A_1655 = arith.index_cast %mul3A_1647 : i32 to index
        %get3A_1656 = tpu.vector_load %arg7[%get3A_1654, %get3A_1655] {strides = array<i32>} : memref<4x256xf32, #tpu.memory_space<vmem>>, vector<1x16xf32>,
        %get3A_1657 = vector.shape_cast %get3A_1656 : vector<1x16xf32> to vector<16xf32>
        %get3A_1658 = arith.constant 2 : i32
        %get3A_1659 = arith.index_cast %get3A_1658 : i32 to index
        %get3A_1660 = arith.index_cast %mul3A_1647 : i32 to index
        %get3A_1661 = tpu.vector_load %arg7[%get3A_1659, %get3A_1660] {strides = array<i32>} : memref<4x256xf32, #tpu.memory_space<vmem>>, vector<1x16xf32>,
        %get3A_1662 = vector.shape_cast %get3A_1661 : vector<1x16xf32> to vector<16xf32>
        %get3A_1663 = arith.constant 3 : i32
        %get3A_1664 = arith.index_cast %get3A_1663 : i32 to index
        %get3A_1665 = arith.index_cast %mul3A_1647 : i32 to index
        %get3A_1666 = tpu.vector_load %arg7[%get3A_1664, %get3A_1665] {strides = array<i32>} : memref<4x256xf32, #tpu.memory_space<vmem>>, vector<1x16xf32>,
        %get3A_1667 = vector.shape_cast %get3A_1666 : vector<1x16xf32> to vector<16xf32>
        %mul3A_1668 = arith.mulf %broadcast_in_dim3A_372, %get3A_1657 : vector<16xf32>
        %add3A_1669 = arith.addf %get3A_1652, %mul3A_1668 : vector<16xf32>
        %mul3A_1670 = arith.mulf %broadcast_in_dim3A_372, %get3A_1667 : vector<16xf32>
        %add3A_1671 = arith.addf %get3A_1662, %mul3A_1670 : vector<16xf32>
        %mul3A_1672 = arith.mulf %broadcast_in_dim3A_324, %add3A_1671 : vector<16xf32>
        %add3A_1673 = arith.addf %add3A_1669, %mul3A_1672 : vector<16xf32>
        %swap3A_1674 = arith.constant 16 : i32
        %swap3A_1675 = arith.index_cast %swap3A_1674 : i32 to index
        %swap3A_1676 = arith.index_cast %mul3A_1647 : i32 to index
        %swap3A_1677 = tpu.vector_load %arg12[%swap3A_1675, %swap3A_1676] {strides = array<i32>} : memref<64x256xf32, #tpu.memory_space<vmem>>, vector<1x16xf32>,
        %swap3A_1678 = vector.shape_cast %swap3A_1677 : vector<1x16xf32> to vector<16xf32>
        %swap3A_1679 = vector.shape_cast %add3A_1673 : vector<16xf32> to vector<1x16xf32>
        tpu.vector_store %arg12[%swap3A_1675, %swap3A_1676], %swap3A_1679 {strides = array<i32>} : memref<64x256xf32, #tpu.memory_space<vmem>>, vector<1x16xf32>,
        %mul3A_1680 = arith.mulf %broadcast_in_dim3A_375, %get3A_1657 : vector<16xf32>
        %add3A_1681 = arith.addf %get3A_1652, %mul3A_1680 : vector<16xf32>
        %mul3A_1682 = arith.mulf %broadcast_in_dim3A_375, %get3A_1667 : vector<16xf32>
        %add3A_1683 = arith.addf %get3A_1662, %mul3A_1682 : vector<16xf32>
        %mul3A_1684 = arith.mulf %broadcast_in_dim3A_327, %add3A_1683 : vector<16xf32>
        %add3A_1685 = arith.addf %add3A_1681, %mul3A_1684 : vector<16xf32>
        %swap3A_1686 = arith.constant 17 : i32
        %swap3A_1687 = arith.index_cast %swap3A_1686 : i32 to index
        %swap3A_1688 = arith.index_cast %mul3A_1647 : i32 to index
        %swap3A_1689 = tpu.vector_load %arg12[%swap3A_1687, %swap3A_1688] {strides = array<i32>} : memref<64x256xf32, #tpu.memory_space<vmem>>, vector<1x16xf32>,
        %swap3A_1690 = vector.shape_cast %swap3A_1689 : vector<1x16xf32> to vector<16xf32>
        %swap3A_1691 = vector.shape_cast %add3A_1685 : vector<16xf32> to vector<1x16xf32>
        tpu.vector_store %arg12[%swap3A_1687, %swap3A_1688], %swap3A_1691 {strides = array<i32>} : memref<64x256xf32, #tpu.memory_space<vmem>>, vector<1x16xf32>,
        %mul3A_1692 = arith.mulf %broadcast_in_dim3A_378, %get3A_1657 : vector<16xf32>
        %add3A_1693 = arith.addf %get3A_1652, %mul3A_1692 : vector<16xf32>
        %mul3A_1694 = arith.mulf %broadcast_in_dim3A_378, %get3A_1667 : vector<16xf32>
        %add3A_1695 = arith.addf %get3A_1662, %mul3A_1694 : vector<16xf32>
        %mul3A_1696 = arith.mulf %broadcast_in_dim3A_330, %add3A_1695 : vector<16xf32>
        %add3A_1697 = arith.addf %add3A_1693, %mul3A_1696 : vector<16xf32>
        %swap3A_1698 = arith.constant 18 : i32
        %swap3A_1699 = arith.index_cast %swap3A_1698 : i32 to index
        %swap3A_1700 = arith.index_cast %mul3A_1647 : i32 to index
        %swap3A_1701 = tpu.vector_load %arg12[%swap3A_1699, %swap3A_1700] {strides = array<i32>} : memref<64x256xf32, #tpu.memory_space<vmem>>, vector<1x16xf32>,
        %swap3A_1702 = vector.shape_cast %swap3A_1701 : vector<1x16xf32> to vector<16xf32>
        %swap3A_1703 = vector.shape_cast %add3A_1697 : vector<16xf32> to vector<1x16xf32>
        tpu.vector_store %arg12[%swap3A_1699, %swap3A_1700], %swap3A_1703 {strides = array<i32>} : memref<64x256xf32, #tpu.memory_space<vmem>>, vector<1x16xf32>,
        %mul3A_1704 = arith.mulf %broadcast_in_dim3A_381, %get3A_1657 : vector<16xf32>
        %add3A_1705 = arith.addf %get3A_1652, %mul3A_1704 : vector<16xf32>
        %mul3A_1706 = arith.mulf %broadcast_in_dim3A_381, %get3A_1667 : vector<16xf32>
        %add3A_1707 = arith.addf %get3A_1662, %mul3A_1706 : vector<16xf32>
        %mul3A_1708 = arith.mulf %broadcast_in_dim3A_333, %add3A_1707 : vector<16xf32>
        %add3A_1709 = arith.addf %add3A_1705, %mul3A_1708 : vector<16xf32>
        %swap3A_1710 = arith.constant 19 : i32
        %swap3A_1711 = arith.index_cast %swap3A_1710 : i32 to index
        %swap3A_1712 = arith.index_cast %mul3A_1647 : i32 to index
        %swap3A_1713 = tpu.vector_load %arg12[%swap3A_1711, %swap3A_1712] {strides = array<i32>} : memref<64x256xf32, #tpu.memory_space<vmem>>, vector<1x16xf32>,
        %swap3A_1714 = vector.shape_cast %swap3A_1713 : vector<1x16xf32> to vector<16xf32>
        %swap3A_1715 = vector.shape_cast %add3A_1709 : vector<16xf32> to vector<1x16xf32>
        tpu.vector_store %arg12[%swap3A_1711, %swap3A_1712], %swap3A_1715 {strides = array<i32>} : memref<64x256xf32, #tpu.memory_space<vmem>>, vector<1x16xf32>,
        %mul3A_1716 = arith.mulf %broadcast_in_dim3A_384, %get3A_1657 : vector<16xf32>
        %add3A_1717 = arith.addf %get3A_1652, %mul3A_1716 : vector<16xf32>
        %mul3A_1718 = arith.mulf %broadcast_in_dim3A_384, %get3A_1667 : vector<16xf32>
        %add3A_1719 = arith.addf %get3A_1662, %mul3A_1718 : vector<16xf32>
        %mul3A_1720 = arith.mulf %broadcast_in_dim3A_336, %add3A_1719 : vector<16xf32>
        %add3A_1721 = arith.addf %add3A_1717, %mul3A_1720 : vector<16xf32>
        %swap3A_1722 = arith.constant 20 : i32
        %swap3A_1723 = arith.index_cast %swap3A_1722 : i32 to index
        %swap3A_1724 = arith.index_cast %mul3A_1647 : i32 to index
        %swap3A_1725 = tpu.vector_load %arg12[%swap3A_1723, %swap3A_1724] {strides = array<i32>} : memref<64x256xf32, #tpu.memory_space<vmem>>, vector<1x16xf32>,
        %swap3A_1726 = vector.shape_cast %swap3A_1725 : vector<1x16xf32> to vector<16xf32>
        %swap3A_1727 = vector.shape_cast %add3A_1721 : vector<16xf32> to vector<1x16xf32>
        tpu.vector_store %arg12[%swap3A_1723, %swap3A_1724], %swap3A_1727 {strides = array<i32>} : memref<64x256xf32, #tpu.memory_space<vmem>>, vector<1x16xf32>,
        %mul3A_1728 = arith.mulf %broadcast_in_dim3A_387, %get3A_1657 : vector<16xf32>
        %add3A_1729 = arith.addf %get3A_1652, %mul3A_1728 : vector<16xf32>
        %mul3A_1730 = arith.mulf %broadcast_in_dim3A_387, %get3A_1667 : vector<16xf32>
        %add3A_1731 = arith.addf %get3A_1662, %mul3A_1730 : vector<16xf32>
        %mul3A_1732 = arith.mulf %broadcast_in_dim3A_339, %add3A_1731 : vector<16xf32>
        %add3A_1733 = arith.addf %add3A_1729, %mul3A_1732 : vector<16xf32>
        %swap3A_1734 = arith.constant 21 : i32
        %swap3A_1735 = arith.index_cast %swap3A_1734 : i32 to index
        %swap3A_1736 = arith.index_cast %mul3A_1647 : i32 to index
        %swap3A_1737 = tpu.vector_load %arg12[%swap3A_1735, %swap3A_1736] {strides = array<i32>} : memref<64x256xf32, #tpu.memory_space<vmem>>, vector<1x16xf32>,
        %swap3A_1738 = vector.shape_cast %swap3A_1737 : vector<1x16xf32> to vector<16xf32>
        %swap3A_1739 = vector.shape_cast %add3A_1733 : vector<16xf32> to vector<1x16xf32>
        tpu.vector_store %arg12[%swap3A_1735, %swap3A_1736], %swap3A_1739 {strides = array<i32>} : memref<64x256xf32, #tpu.memory_space<vmem>>, vector<1x16xf32>,
        %mul3A_1740 = arith.mulf %broadcast_in_dim3A_390, %get3A_1657 : vector<16xf32>
        %add3A_1741 = arith.addf %get3A_1652, %mul3A_1740 : vector<16xf32>
        %mul3A_1742 = arith.mulf %broadcast_in_dim3A_390, %get3A_1667 : vector<16xf32>
        %add3A_1743 = arith.addf %get3A_1662, %mul3A_1742 : vector<16xf32>
        %mul3A_1744 = arith.mulf %broadcast_in_dim3A_342, %add3A_1743 : vector<16xf32>
        %add3A_1745 = arith.addf %add3A_1741, %mul3A_1744 : vector<16xf32>
        %swap3A_1746 = arith.constant 22 : i32
        %swap3A_1747 = arith.index_cast %swap3A_1746 : i32 to index
        %swap3A_1748 = arith.index_cast %mul3A_1647 : i32 to index
        %swap3A_1749 = tpu.vector_load %arg12[%swap3A_1747, %swap3A_1748] {strides = array<i32>} : memref<64x256xf32, #tpu.memory_space<vmem>>, vector<1x16xf32>,
        %swap3A_1750 = vector.shape_cast %swap3A_1749 : vector<1x16xf32> to vector<16xf32>
        %swap3A_1751 = vector.shape_cast %add3A_1745 : vector<16xf32> to vector<1x16xf32>
        tpu.vector_store %arg12[%swap3A_1747, %swap3A_1748], %swap3A_1751 {strides = array<i32>} : memref<64x256xf32, #tpu.memory_space<vmem>>, vector<1x16xf32>,
        %mul3A_1752 = arith.mulf %broadcast_in_dim3A_393, %get3A_1657 : vector<16xf32>
        %add3A_1753 = arith.addf %get3A_1652, %mul3A_1752 : vector<16xf32>
        %mul3A_1754 = arith.mulf %broadcast_in_dim3A_393, %get3A_1667 : vector<16xf32>
        %add3A_1755 = arith.addf %get3A_1662, %mul3A_1754 : vector<16xf32>
        %mul3A_1756 = arith.mulf %broadcast_in_dim3A_345, %add3A_1755 : vector<16xf32>
        %add3A_1757 = arith.addf %add3A_1753, %mul3A_1756 : vector<16xf32>
        %swap3A_1758 = arith.constant 23 : i32
        %swap3A_1759 = arith.index_cast %swap3A_1758 : i32 to index
        %swap3A_1760 = arith.index_cast %mul3A_1647 : i32 to index
        %swap3A_1761 = tpu.vector_load %arg12[%swap3A_1759, %swap3A_1760] {strides = array<i32>} : memref<64x256xf32, #tpu.memory_space<vmem>>, vector<1x16xf32>,
        %swap3A_1762 = vector.shape_cast %swap3A_1761 : vector<1x16xf32> to vector<16xf32>
        %swap3A_1763 = vector.shape_cast %add3A_1757 : vector<16xf32> to vector<1x16xf32>
        tpu.vector_store %arg12[%swap3A_1759, %swap3A_1760], %swap3A_1763 {strides = array<i32>} : memref<64x256xf32, #tpu.memory_space<vmem>>, vector<1x16xf32>,
        %mul3A_1764 = arith.mulf %broadcast_in_dim3A_396, %get3A_1657 : vector<16xf32>
        %add3A_1765 = arith.addf %get3A_1652, %mul3A_1764 : vector<16xf32>
        %mul3A_1766 = arith.mulf %broadcast_in_dim3A_396, %get3A_1667 : vector<16xf32>
        %add3A_1767 = arith.addf %get3A_1662, %mul3A_1766 : vector<16xf32>
        %mul3A_1768 = arith.mulf %broadcast_in_dim3A_348, %add3A_1767 : vector<16xf32>
        %add3A_1769 = arith.addf %add3A_1765, %mul3A_1768 : vector<16xf32>
        %swap3A_1770 = arith.constant 24 : i32
        %swap3A_1771 = arith.index_cast %swap3A_1770 : i32 to index
        %swap3A_1772 = arith.index_cast %mul3A_1647 : i32 to index
        %swap3A_1773 = tpu.vector_load %arg12[%swap3A_1771, %swap3A_1772] {strides = array<i32>} : memref<64x256xf32, #tpu.memory_space<vmem>>, vector<1x16xf32>,
        %swap3A_1774 = vector.shape_cast %swap3A_1773 : vector<1x16xf32> to vector<16xf32>
        %swap3A_1775 = vector.shape_cast %add3A_1769 : vector<16xf32> to vector<1x16xf32>
        tpu.vector_store %arg12[%swap3A_1771, %swap3A_1772], %swap3A_1775 {strides = array<i32>} : memref<64x256xf32, #tpu.memory_space<vmem>>, vector<1x16xf32>,
        %mul3A_1776 = arith.mulf %broadcast_in_dim3A_399, %get3A_1657 : vector<16xf32>
        %add3A_1777 = arith.addf %get3A_1652, %mul3A_1776 : vector<16xf32>
        %mul3A_1778 = arith.mulf %broadcast_in_dim3A_399, %get3A_1667 : vector<16xf32>
        %add3A_1779 = arith.addf %get3A_1662, %mul3A_1778 : vector<16xf32>
        %mul3A_1780 = arith.mulf %broadcast_in_dim3A_351, %add3A_1779 : vector<16xf32>
        %add3A_1781 = arith.addf %add3A_1777, %mul3A_1780 : vector<16xf32>
        %swap3A_1782 = arith.constant 25 : i32
        %swap3A_1783 = arith.index_cast %swap3A_1782 : i32 to index
        %swap3A_1784 = arith.index_cast %mul3A_1647 : i32 to index
        %swap3A_1785 = tpu.vector_load %arg12[%swap3A_1783, %swap3A_1784] {strides = array<i32>} : memref<64x256xf32, #tpu.memory_space<vmem>>, vector<1x16xf32>,
        %swap3A_1786 = vector.shape_cast %swap3A_1785 : vector<1x16xf32> to vector<16xf32>
        %swap3A_1787 = vector.shape_cast %add3A_1781 : vector<16xf32> to vector<1x16xf32>
        tpu.vector_store %arg12[%swap3A_1783, %swap3A_1784], %swap3A_1787 {strides = array<i32>} : memref<64x256xf32, #tpu.memory_space<vmem>>, vector<1x16xf32>,
        %mul3A_1788 = arith.mulf %broadcast_in_dim3A_402, %get3A_1657 : vector<16xf32>
        %add3A_1789 = arith.addf %get3A_1652, %mul3A_1788 : vector<16xf32>
        %mul3A_1790 = arith.mulf %broadcast_in_dim3A_402, %get3A_1667 : vector<16xf32>
        %add3A_1791 = arith.addf %get3A_1662, %mul3A_1790 : vector<16xf32>
        %mul3A_1792 = arith.mulf %broadcast_in_dim3A_354, %add3A_1791 : vector<16xf32>
        %add3A_1793 = arith.addf %add3A_1789, %mul3A_1792 : vector<16xf32>
        %swap3A_1794 = arith.constant 26 : i32
        %swap3A_1795 = arith.index_cast %swap3A_1794 : i32 to index
        %swap3A_1796 = arith.index_cast %mul3A_1647 : i32 to index
        %swap3A_1797 = tpu.vector_load %arg12[%swap3A_1795, %swap3A_1796] {strides = array<i32>} : memref<64x256xf32, #tpu.memory_space<vmem>>, vector<1x16xf32>,
        %swap3A_1798 = vector.shape_cast %swap3A_1797 : vector<1x16xf32> to vector<16xf32>
        %swap3A_1799 = vector.shape_cast %add3A_1793 : vector<16xf32> to vector<1x16xf32>
        tpu.vector_store %arg12[%swap3A_1795, %swap3A_1796], %swap3A_1799 {strides = array<i32>} : memref<64x256xf32, #tpu.memory_space<vmem>>, vector<1x16xf32>,
        %mul3A_1800 = arith.mulf %broadcast_in_dim3A_405, %get3A_1657 : vector<16xf32>
        %add3A_1801 = arith.addf %get3A_1652, %mul3A_1800 : vector<16xf32>
        %mul3A_1802 = arith.mulf %broadcast_in_dim3A_405, %get3A_1667 : vector<16xf32>
        %add3A_1803 = arith.addf %get3A_1662, %mul3A_1802 : vector<16xf32>
        %mul3A_1804 = arith.mulf %broadcast_in_dim3A_357, %add3A_1803 : vector<16xf32>
        %add3A_1805 = arith.addf %add3A_1801, %mul3A_1804 : vector<16xf32>
        %swap3A_1806 = arith.constant 27 : i32
        %swap3A_1807 = arith.index_cast %swap3A_1806 : i32 to index
        %swap3A_1808 = arith.index_cast %mul3A_1647 : i32 to index
        %swap3A_1809 = tpu.vector_load %arg12[%swap3A_1807, %swap3A_1808] {strides = array<i32>} : memref<64x256xf32, #tpu.memory_space<vmem>>, vector<1x16xf32>,
        %swap3A_1810 = vector.shape_cast %swap3A_1809 : vector<1x16xf32> to vector<16xf32>
        %swap3A_1811 = vector.shape_cast %add3A_1805 : vector<16xf32> to vector<1x16xf32>
        tpu.vector_store %arg12[%swap3A_1807, %swap3A_1808], %swap3A_1811 {strides = array<i32>} : memref<64x256xf32, #tpu.memory_space<vmem>>, vector<1x16xf32>,
        %mul3A_1812 = arith.mulf %broadcast_in_dim3A_408, %get3A_1657 : vector<16xf32>
        %add3A_1813 = arith.addf %get3A_1652, %mul3A_1812 : vector<16xf32>
        %mul3A_1814 = arith.mulf %broadcast_in_dim3A_408, %get3A_1667 : vector<16xf32>
        %add3A_1815 = arith.addf %get3A_1662, %mul3A_1814 : vector<16xf32>
        %mul3A_1816 = arith.mulf %broadcast_in_dim3A_360, %add3A_1815 : vector<16xf32>
        %add3A_1817 = arith.addf %add3A_1813, %mul3A_1816 : vector<16xf32>
        %swap3A_1818 = arith.constant 28 : i32
        %swap3A_1819 = arith.index_cast %swap3A_1818 : i32 to index
        %swap3A_1820 = arith.index_cast %mul3A_1647 : i32 to index
        %swap3A_1821 = tpu.vector_load %arg12[%swap3A_1819, %swap3A_1820] {strides = array<i32>} : memref<64x256xf32, #tpu.memory_space<vmem>>, vector<1x16xf32>,
        %swap3A_1822 = vector.shape_cast %swap3A_1821 : vector<1x16xf32> to vector<16xf32>
        %swap3A_1823 = vector.shape_cast %add3A_1817 : vector<16xf32> to vector<1x16xf32>
        tpu.vector_store %arg12[%swap3A_1819, %swap3A_1820], %swap3A_1823 {strides = array<i32>} : memref<64x256xf32, #tpu.memory_space<vmem>>, vector<1x16xf32>,
        %mul3A_1824 = arith.mulf %broadcast_in_dim3A_411, %get3A_1657 : vector<16xf32>
        %add3A_1825 = arith.addf %get3A_1652, %mul3A_1824 : vector<16xf32>
        %mul3A_1826 = arith.mulf %broadcast_in_dim3A_411, %get3A_1667 : vector<16xf32>
        %add3A_1827 = arith.addf %get3A_1662, %mul3A_1826 : vector<16xf32>
        %mul3A_1828 = arith.mulf %broadcast_in_dim3A_363, %add3A_1827 : vector<16xf32>
        %add3A_1829 = arith.addf %add3A_1825, %mul3A_1828 : vector<16xf32>
        %swap3A_1830 = arith.constant 29 : i32
        %swap3A_1831 = arith.index_cast %swap3A_1830 : i32 to index
        %swap3A_1832 = arith.index_cast %mul3A_1647 : i32 to index
        %swap3A_1833 = tpu.vector_load %arg12[%swap3A_1831, %swap3A_1832] {strides = array<i32>} : memref<64x256xf32, #tpu.memory_space<vmem>>, vector<1x16xf32>,
        %swap3A_1834 = vector.shape_cast %swap3A_1833 : vector<1x16xf32> to vector<16xf32>
        %swap3A_1835 = vector.shape_cast %add3A_1829 : vector<16xf32> to vector<1x16xf32>
        tpu.vector_store %arg12[%swap3A_1831, %swap3A_1832], %swap3A_1835 {strides = array<i32>} : memref<64x256xf32, #tpu.memory_space<vmem>>, vector<1x16xf32>,
        %mul3A_1836 = arith.mulf %broadcast_in_dim3A_414, %get3A_1657 : vector<16xf32>
        %add3A_1837 = arith.addf %get3A_1652, %mul3A_1836 : vector<16xf32>
        %mul3A_1838 = arith.mulf %broadcast_in_dim3A_414, %get3A_1667 : vector<16xf32>
        %add3A_1839 = arith.addf %get3A_1662, %mul3A_1838 : vector<16xf32>
        %mul3A_1840 = arith.mulf %broadcast_in_dim3A_366, %add3A_1839 : vector<16xf32>
        %add3A_1841 = arith.addf %add3A_1837, %mul3A_1840 : vector<16xf32>
        %swap3A_1842 = arith.constant 30 : i32
        %swap3A_1843 = arith.index_cast %swap3A_1842 : i32 to index
        %swap3A_1844 = arith.index_cast %mul3A_1647 : i32 to index
        %swap3A_1845 = tpu.vector_load %arg12[%swap3A_1843, %swap3A_1844] {strides = array<i32>} : memref<64x256xf32, #tpu.memory_space<vmem>>, vector<1x16xf32>,
        %swap3A_1846 = vector.shape_cast %swap3A_1845 : vector<1x16xf32> to vector<16xf32>
        %swap3A_1847 = vector.shape_cast %add3A_1841 : vector<16xf32> to vector<1x16xf32>
        tpu.vector_store %arg12[%swap3A_1843, %swap3A_1844], %swap3A_1847 {strides = array<i32>} : memref<64x256xf32, #tpu.memory_space<vmem>>, vector<1x16xf32>,
        %mul3A_1848 = arith.mulf %broadcast_in_dim3A_417, %get3A_1657 : vector<16xf32>
        %add3A_1849 = arith.addf %get3A_1652, %mul3A_1848 : vector<16xf32>
        %mul3A_1850 = arith.mulf %broadcast_in_dim3A_417, %get3A_1667 : vector<16xf32>
        %add3A_1851 = arith.addf %get3A_1662, %mul3A_1850 : vector<16xf32>
        %mul3A_1852 = arith.mulf %broadcast_in_dim3A_369, %add3A_1851 : vector<16xf32>
        %add3A_1853 = arith.addf %add3A_1849, %mul3A_1852 : vector<16xf32>
        %swap3A_1854 = arith.constant 31 : i32
        %swap3A_1855 = arith.index_cast %swap3A_1854 : i32 to index
        %swap3A_1856 = arith.index_cast %mul3A_1647 : i32 to index
        %swap3A_1857 = tpu.vector_load %arg12[%swap3A_1855, %swap3A_1856] {strides = array<i32>} : memref<64x256xf32, #tpu.memory_space<vmem>>, vector<1x16xf32>,
        %swap3A_1858 = vector.shape_cast %swap3A_1857 : vector<1x16xf32> to vector<16xf32>
        %swap3A_1859 = vector.shape_cast %add3A_1853 : vector<16xf32> to vector<1x16xf32>
        tpu.vector_store %arg12[%swap3A_1855, %swap3A_1856], %swap3A_1859 {strides = array<i32>} : memref<64x256xf32, #tpu.memory_space<vmem>>, vector<1x16xf32>,
      }
      %scan3A_423 = arith.constant 16 : i32
      %add3A_424 = arith.constant 32 : i32
      %add3A_425 = arith.addi %add3A_190, %add3A_424 : i32
      %get3A_426 = arith.index_cast %select_n3A : i32 to index
      %get3A_427 = arith.index_cast %add3A_425 : i32 to index
      %get3A_428 = tpu.vector_load %arg6[%get3A_426, %get3A_427] {strides = array<i32>} : memref<32x1024xi32, #tpu.memory_space<vmem>>, vector<1x16xi32>,
      %get3A_429 = vector.shape_cast %get3A_428 : vector<1x16xi32> to vector<16xi32>
      %convert_element_type3A_430 = arith.sitofp %get3A_429 : vector<16xi32> to vector<16xf32>
      %add3A_431 = arith.constant 512 : i32
      %add3A_432 = arith.addi %add3A_431, %add3A_190 : i32
      %add3A_433 = arith.constant 32 : i32
      %add3A_434 = arith.addi %add3A_432, %add3A_433 : i32
      %get3A_435 = arith.index_cast %select_n3A : i32 to index
      %get3A_436 = arith.index_cast %add3A_434 : i32 to index
      %get3A_437 = tpu.vector_load %arg6[%get3A_435, %get3A_436] {strides = array<i32>} : memref<32x1024xi32, #tpu.memory_space<vmem>>, vector<1x16xi32>,
      %get3A_438 = vector.shape_cast %get3A_437 : vector<1x16xi32> to vector<16xi32>
      %convert_element_type3A_439 = arith.sitofp %get3A_438 : vector<16xi32> to vector<16xf32>
      %slice3A_440 = vector.extract_strided_slice %convert_element_type3A_430 {offsets = [0], sizes = [1], strides = [1]} : vector<16xf32> to vector<1xf32>
      %squeeze3A_441 = vector.extract %slice3A_440[0] : f32 from vector<1xf32>
      %broadcast_in_dim3A_442 = vector.broadcast %squeeze3A_441 : f32 to vector<16xf32>
      %slice3A_443 = vector.extract_strided_slice %convert_element_type3A_430 {offsets = [1], sizes = [1], strides = [1]} : vector<16xf32> to vector<1xf32>
      %squeeze3A_444 = vector.extract %slice3A_443[0] : f32 from vector<1xf32>
      %broadcast_in_dim3A_445 = vector.broadcast %squeeze3A_444 : f32 to vector<16xf32>
      %slice3A_446 = vector.extract_strided_slice %convert_element_type3A_430 {offsets = [2], sizes = [1], strides = [1]} : vector<16xf32> to vector<1xf32>
      %squeeze3A_447 = vector.extract %slice3A_446[0] : f32 from vector<1xf32>
      %broadcast_in_dim3A_448 = vector.broadcast %squeeze3A_447 : f32 to vector<16xf32>
      %slice3A_449 = vector.extract_strided_slice %convert_element_type3A_430 {offsets = [3], sizes = [1], strides = [1]} : vector<16xf32> to vector<1xf32>
      %squeeze3A_450 = vector.extract %slice3A_449[0] : f32 from vector<1xf32>
      %broadcast_in_dim3A_451 = vector.broadcast %squeeze3A_450 : f32 to vector<16xf32>
      %slice3A_452 = vector.extract_strided_slice %convert_element_type3A_430 {offsets = [4], sizes = [1], strides = [1]} : vector<16xf32> to vector<1xf32>
      %squeeze3A_453 = vector.extract %slice3A_452[0] : f32 from vector<1xf32>
      %broadcast_in_dim3A_454 = vector.broadcast %squeeze3A_453 : f32 to vector<16xf32>
      %slice3A_455 = vector.extract_strided_slice %convert_element_type3A_430 {offsets = [5], sizes = [1], strides = [1]} : vector<16xf32> to vector<1xf32>
      %squeeze3A_456 = vector.extract %slice3A_455[0] : f32 from vector<1xf32>
      %broadcast_in_dim3A_457 = vector.broadcast %squeeze3A_456 : f32 to vector<16xf32>
      %slice3A_458 = vector.extract_strided_slice %convert_element_type3A_430 {offsets = [6], sizes = [1], strides = [1]} : vector<16xf32> to vector<1xf32>
      %squeeze3A_459 = vector.extract %slice3A_458[0] : f32 from vector<1xf32>
      %broadcast_in_dim3A_460 = vector.broadcast %squeeze3A_459 : f32 to vector<16xf32>
      %slice3A_461 = vector.extract_strided_slice %convert_element_type3A_430 {offsets = [7], sizes = [1], strides = [1]} : vector<16xf32> to vector<1xf32>
      %squeeze3A_462 = vector.extract %slice3A_461[0] : f32 from vector<1xf32>
      %broadcast_in_dim3A_463 = vector.broadcast %squeeze3A_462 : f32 to vector<16xf32>
      %slice3A_464 = vector.extract_strided_slice %convert_element_type3A_430 {offsets = [8], sizes = [1], strides = [1]} : vector<16xf32> to vector<1xf32>
      %squeeze3A_465 = vector.extract %slice3A_464[0] : f32 from vector<1xf32>
      %broadcast_in_dim3A_466 = vector.broadcast %squeeze3A_465 : f32 to vector<16xf32>
      %slice3A_467 = vector.extract_strided_slice %convert_element_type3A_430 {offsets = [9], sizes = [1], strides = [1]} : vector<16xf32> to vector<1xf32>
      %squeeze3A_468 = vector.extract %slice3A_467[0] : f32 from vector<1xf32>
      %broadcast_in_dim3A_469 = vector.broadcast %squeeze3A_468 : f32 to vector<16xf32>
      %slice3A_470 = vector.extract_strided_slice %convert_element_type3A_430 {offsets = [10], sizes = [1], strides = [1]} : vector<16xf32> to vector<1xf32>
      %squeeze3A_471 = vector.extract %slice3A_470[0] : f32 from vector<1xf32>
      %broadcast_in_dim3A_472 = vector.broadcast %squeeze3A_471 : f32 to vector<16xf32>
      %slice3A_473 = vector.extract_strided_slice %convert_element_type3A_430 {offsets = [11], sizes = [1], strides = [1]} : vector<16xf32> to vector<1xf32>
      %squeeze3A_474 = vector.extract %slice3A_473[0] : f32 from vector<1xf32>
      %broadcast_in_dim3A_475 = vector.broadcast %squeeze3A_474 : f32 to vector<16xf32>
      %slice3A_476 = vector.extract_strided_slice %convert_element_type3A_430 {offsets = [12], sizes = [1], strides = [1]} : vector<16xf32> to vector<1xf32>
      %squeeze3A_477 = vector.extract %slice3A_476[0] : f32 from vector<1xf32>
      %broadcast_in_dim3A_478 = vector.broadcast %squeeze3A_477 : f32 to vector<16xf32>
      %slice3A_479 = vector.extract_strided_slice %convert_element_type3A_430 {offsets = [13], sizes = [1], strides = [1]} : vector<16xf32> to vector<1xf32>
      %squeeze3A_480 = vector.extract %slice3A_479[0] : f32 from vector<1xf32>
      %broadcast_in_dim3A_481 = vector.broadcast %squeeze3A_480 : f32 to vector<16xf32>
      %slice3A_482 = vector.extract_strided_slice %convert_element_type3A_430 {offsets = [14], sizes = [1], strides = [1]} : vector<16xf32> to vector<1xf32>
      %squeeze3A_483 = vector.extract %slice3A_482[0] : f32 from vector<1xf32>
      %broadcast_in_dim3A_484 = vector.broadcast %squeeze3A_483 : f32 to vector<16xf32>
      %slice3A_485 = vector.extract_strided_slice %convert_element_type3A_430 {offsets = [15], sizes = [1], strides = [1]} : vector<16xf32> to vector<1xf32>
      %squeeze3A_486 = vector.extract %slice3A_485[0] : f32 from vector<1xf32>
      %broadcast_in_dim3A_487 = vector.broadcast %squeeze3A_486 : f32 to vector<16xf32>
      %slice3A_488 = vector.extract_strided_slice %convert_element_type3A_439 {offsets = [0], sizes = [1], strides = [1]} : vector<16xf32> to vector<1xf32>
      %squeeze3A_489 = vector.extract %slice3A_488[0] : f32 from vector<1xf32>
      %broadcast_in_dim3A_490 = vector.broadcast %squeeze3A_489 : f32 to vector<16xf32>
      %slice3A_491 = vector.extract_strided_slice %convert_element_type3A_439 {offsets = [1], sizes = [1], strides = [1]} : vector<16xf32> to vector<1xf32>
      %squeeze3A_492 = vector.extract %slice3A_491[0] : f32 from vector<1xf32>
      %broadcast_in_dim3A_493 = vector.broadcast %squeeze3A_492 : f32 to vector<16xf32>
      %slice3A_494 = vector.extract_strided_slice %convert_element_type3A_439 {offsets = [2], sizes = [1], strides = [1]} : vector<16xf32> to vector<1xf32>
      %squeeze3A_495 = vector.extract %slice3A_494[0] : f32 from vector<1xf32>
      %broadcast_in_dim3A_496 = vector.broadcast %squeeze3A_495 : f32 to vector<16xf32>
      %slice3A_497 = vector.extract_strided_slice %convert_element_type3A_439 {offsets = [3], sizes = [1], strides = [1]} : vector<16xf32> to vector<1xf32>
      %squeeze3A_498 = vector.extract %slice3A_497[0] : f32 from vector<1xf32>
      %broadcast_in_dim3A_499 = vector.broadcast %squeeze3A_498 : f32 to vector<16xf32>
      %slice3A_500 = vector.extract_strided_slice %convert_element_type3A_439 {offsets = [4], sizes = [1], strides = [1]} : vector<16xf32> to vector<1xf32>
      %squeeze3A_501 = vector.extract %slice3A_500[0] : f32 from vector<1xf32>
      %broadcast_in_dim3A_502 = vector.broadcast %squeeze3A_501 : f32 to vector<16xf32>
      %slice3A_503 = vector.extract_strided_slice %convert_element_type3A_439 {offsets = [5], sizes = [1], strides = [1]} : vector<16xf32> to vector<1xf32>
      %squeeze3A_504 = vector.extract %slice3A_503[0] : f32 from vector<1xf32>
      %broadcast_in_dim3A_505 = vector.broadcast %squeeze3A_504 : f32 to vector<16xf32>
      %slice3A_506 = vector.extract_strided_slice %convert_element_type3A_439 {offsets = [6], sizes = [1], strides = [1]} : vector<16xf32> to vector<1xf32>
      %squeeze3A_507 = vector.extract %slice3A_506[0] : f32 from vector<1xf32>
      %broadcast_in_dim3A_508 = vector.broadcast %squeeze3A_507 : f32 to vector<16xf32>
      %slice3A_509 = vector.extract_strided_slice %convert_element_type3A_439 {offsets = [7], sizes = [1], strides = [1]} : vector<16xf32> to vector<1xf32>
      %squeeze3A_510 = vector.extract %slice3A_509[0] : f32 from vector<1xf32>
      %broadcast_in_dim3A_511 = vector.broadcast %squeeze3A_510 : f32 to vector<16xf32>
      %slice3A_512 = vector.extract_strided_slice %convert_element_type3A_439 {offsets = [8], sizes = [1], strides = [1]} : vector<16xf32> to vector<1xf32>
      %squeeze3A_513 = vector.extract %slice3A_512[0] : f32 from vector<1xf32>
      %broadcast_in_dim3A_514 = vector.broadcast %squeeze3A_513 : f32 to vector<16xf32>
      %slice3A_515 = vector.extract_strided_slice %convert_element_type3A_439 {offsets = [9], sizes = [1], strides = [1]} : vector<16xf32> to vector<1xf32>
      %squeeze3A_516 = vector.extract %slice3A_515[0] : f32 from vector<1xf32>
      %broadcast_in_dim3A_517 = vector.broadcast %squeeze3A_516 : f32 to vector<16xf32>
      %slice3A_518 = vector.extract_strided_slice %convert_element_type3A_439 {offsets = [10], sizes = [1], strides = [1]} : vector<16xf32> to vector<1xf32>
      %squeeze3A_519 = vector.extract %slice3A_518[0] : f32 from vector<1xf32>
      %broadcast_in_dim3A_520 = vector.broadcast %squeeze3A_519 : f32 to vector<16xf32>
      %slice3A_521 = vector.extract_strided_slice %convert_element_type3A_439 {offsets = [11], sizes = [1], strides = [1]} : vector<16xf32> to vector<1xf32>
      %squeeze3A_522 = vector.extract %slice3A_521[0] : f32 from vector<1xf32>
      %broadcast_in_dim3A_523 = vector.broadcast %squeeze3A_522 : f32 to vector<16xf32>
      %slice3A_524 = vector.extract_strided_slice %convert_element_type3A_439 {offsets = [12], sizes = [1], strides = [1]} : vector<16xf32> to vector<1xf32>
      %squeeze3A_525 = vector.extract %slice3A_524[0] : f32 from vector<1xf32>
      %broadcast_in_dim3A_526 = vector.broadcast %squeeze3A_525 : f32 to vector<16xf32>
      %slice3A_527 = vector.extract_strided_slice %convert_element_type3A_439 {offsets = [13], sizes = [1], strides = [1]} : vector<16xf32> to vector<1xf32>
      %squeeze3A_528 = vector.extract %slice3A_527[0] : f32 from vector<1xf32>
      %broadcast_in_dim3A_529 = vector.broadcast %squeeze3A_528 : f32 to vector<16xf32>
      %slice3A_530 = vector.extract_strided_slice %convert_element_type3A_439 {offsets = [14], sizes = [1], strides = [1]} : vector<16xf32> to vector<1xf32>
      %squeeze3A_531 = vector.extract %slice3A_530[0] : f32 from vector<1xf32>
      %broadcast_in_dim3A_532 = vector.broadcast %squeeze3A_531 : f32 to vector<16xf32>
      %slice3A_533 = vector.extract_strided_slice %convert_element_type3A_439 {offsets = [15], sizes = [1], strides = [1]} : vector<16xf32> to vector<1xf32>
      %squeeze3A_534 = vector.extract %slice3A_533[0] : f32 from vector<1xf32>
      %broadcast_in_dim3A_535 = vector.broadcast %squeeze3A_534 : f32 to vector<16xf32>
      %scan3A_536 = arith.constant 0 : i32
      %scan3A_537 = arith.constant 0 : i32
      %scan3A_538 = arith.constant 16 : i32
      %scan3A_539 = arith.addi %scan3A_537, %scan3A_538 : i32
      %scan3A_540 = arith.constant 1 : i32
      scf.for %scan3A_1645 = %scan3A_537 to %scan3A_539 step %scan3A_540  : i32 {
        %mul3A_1646 = arith.constant 16 : i32
        %mul3A_1647 = arith.muli %scan3A_1645, %mul3A_1646 : i32
        %get3A_1648 = arith.constant 0 : i32
        %get3A_1649 = arith.index_cast %get3A_1648 : i32 to index
        %get3A_1650 = arith.index_cast %mul3A_1647 : i32 to index
        %get3A_1651 = tpu.vector_load %arg7[%get3A_1649, %get3A_1650] {strides = array<i32>} : memref<4x256xf32, #tpu.memory_space<vmem>>, vector<1x16xf32>,
        %get3A_1652 = vector.shape_cast %get3A_1651 : vector<1x16xf32> to vector<16xf32>
        %get3A_1653 = arith.constant 1 : i32
        %get3A_1654 = arith.index_cast %get3A_1653 : i32 to index
        %get3A_1655 = arith.index_cast %mul3A_1647 : i32 to index
        %get3A_1656 = tpu.vector_load %arg7[%get3A_1654, %get3A_1655] {strides = array<i32>} : memref<4x256xf32, #tpu.memory_space<vmem>>, vector<1x16xf32>,
        %get3A_1657 = vector.shape_cast %get3A_1656 : vector<1x16xf32> to vector<16xf32>
        %get3A_1658 = arith.constant 2 : i32
        %get3A_1659 = arith.index_cast %get3A_1658 : i32 to index
        %get3A_1660 = arith.index_cast %mul3A_1647 : i32 to index
        %get3A_1661 = tpu.vector_load %arg7[%get3A_1659, %get3A_1660] {strides = array<i32>} : memref<4x256xf32, #tpu.memory_space<vmem>>, vector<1x16xf32>,
        %get3A_1662 = vector.shape_cast %get3A_1661 : vector<1x16xf32> to vector<16xf32>
        %get3A_1663 = arith.constant 3 : i32
        %get3A_1664 = arith.index_cast %get3A_1663 : i32 to index
        %get3A_1665 = arith.index_cast %mul3A_1647 : i32 to index
        %get3A_1666 = tpu.vector_load %arg7[%get3A_1664, %get3A_1665] {strides = array<i32>} : memref<4x256xf32, #tpu.memory_space<vmem>>, vector<1x16xf32>,
        %get3A_1667 = vector.shape_cast %get3A_1666 : vector<1x16xf32> to vector<16xf32>
        %mul3A_1668 = arith.mulf %broadcast_in_dim3A_490, %get3A_1657 : vector<16xf32>
        %add3A_1669 = arith.addf %get3A_1652, %mul3A_1668 : vector<16xf32>
        %mul3A_1670 = arith.mulf %broadcast_in_dim3A_490, %get3A_1667 : vector<16xf32>
        %add3A_1671 = arith.addf %get3A_1662, %mul3A_1670 : vector<16xf32>
        %mul3A_1672 = arith.mulf %broadcast_in_dim3A_442, %add3A_1671 : vector<16xf32>
        %add3A_1673 = arith.addf %add3A_1669, %mul3A_1672 : vector<16xf32>
        %swap3A_1674 = arith.constant 32 : i32
        %swap3A_1675 = arith.index_cast %swap3A_1674 : i32 to index
        %swap3A_1676 = arith.index_cast %mul3A_1647 : i32 to index
        %swap3A_1677 = tpu.vector_load %arg12[%swap3A_1675, %swap3A_1676] {strides = array<i32>} : memref<64x256xf32, #tpu.memory_space<vmem>>, vector<1x16xf32>,
        %swap3A_1678 = vector.shape_cast %swap3A_1677 : vector<1x16xf32> to vector<16xf32>
        %swap3A_1679 = vector.shape_cast %add3A_1673 : vector<16xf32> to vector<1x16xf32>
        tpu.vector_store %arg12[%swap3A_1675, %swap3A_1676], %swap3A_1679 {strides = array<i32>} : memref<64x256xf32, #tpu.memory_space<vmem>>, vector<1x16xf32>,
        %mul3A_1680 = arith.mulf %broadcast_in_dim3A_493, %get3A_1657 : vector<16xf32>
        %add3A_1681 = arith.addf %get3A_1652, %mul3A_1680 : vector<16xf32>
        %mul3A_1682 = arith.mulf %broadcast_in_dim3A_493, %get3A_1667 : vector<16xf32>
        %add3A_1683 = arith.addf %get3A_1662, %mul3A_1682 : vector<16xf32>
        %mul3A_1684 = arith.mulf %broadcast_in_dim3A_445, %add3A_1683 : vector<16xf32>
        %add3A_1685 = arith.addf %add3A_1681, %mul3A_1684 : vector<16xf32>
        %swap3A_1686 = arith.constant 33 : i32
        %swap3A_1687 = arith.index_cast %swap3A_1686 : i32 to index
        %swap3A_1688 = arith.index_cast %mul3A_1647 : i32 to index
        %swap3A_1689 = tpu.vector_load %arg12[%swap3A_1687, %swap3A_1688] {strides = array<i32>} : memref<64x256xf32, #tpu.memory_space<vmem>>, vector<1x16xf32>,
        %swap3A_1690 = vector.shape_cast %swap3A_1689 : vector<1x16xf32> to vector<16xf32>
        %swap3A_1691 = vector.shape_cast %add3A_1685 : vector<16xf32> to vector<1x16xf32>
        tpu.vector_store %arg12[%swap3A_1687, %swap3A_1688], %swap3A_1691 {strides = array<i32>} : memref<64x256xf32, #tpu.memory_space<vmem>>, vector<1x16xf32>,
        %mul3A_1692 = arith.mulf %broadcast_in_dim3A_496, %get3A_1657 : vector<16xf32>
        %add3A_1693 = arith.addf %get3A_1652, %mul3A_1692 : vector<16xf32>
        %mul3A_1694 = arith.mulf %broadcast_in_dim3A_496, %get3A_1667 : vector<16xf32>
        %add3A_1695 = arith.addf %get3A_1662, %mul3A_1694 : vector<16xf32>
        %mul3A_1696 = arith.mulf %broadcast_in_dim3A_448, %add3A_1695 : vector<16xf32>
        %add3A_1697 = arith.addf %add3A_1693, %mul3A_1696 : vector<16xf32>
        %swap3A_1698 = arith.constant 34 : i32
        %swap3A_1699 = arith.index_cast %swap3A_1698 : i32 to index
        %swap3A_1700 = arith.index_cast %mul3A_1647 : i32 to index
        %swap3A_1701 = tpu.vector_load %arg12[%swap3A_1699, %swap3A_1700] {strides = array<i32>} : memref<64x256xf32, #tpu.memory_space<vmem>>, vector<1x16xf32>,
        %swap3A_1702 = vector.shape_cast %swap3A_1701 : vector<1x16xf32> to vector<16xf32>
        %swap3A_1703 = vector.shape_cast %add3A_1697 : vector<16xf32> to vector<1x16xf32>
        tpu.vector_store %arg12[%swap3A_1699, %swap3A_1700], %swap3A_1703 {strides = array<i32>} : memref<64x256xf32, #tpu.memory_space<vmem>>, vector<1x16xf32>,
        %mul3A_1704 = arith.mulf %broadcast_in_dim3A_499, %get3A_1657 : vector<16xf32>
        %add3A_1705 = arith.addf %get3A_1652, %mul3A_1704 : vector<16xf32>
        %mul3A_1706 = arith.mulf %broadcast_in_dim3A_499, %get3A_1667 : vector<16xf32>
        %add3A_1707 = arith.addf %get3A_1662, %mul3A_1706 : vector<16xf32>
        %mul3A_1708 = arith.mulf %broadcast_in_dim3A_451, %add3A_1707 : vector<16xf32>
        %add3A_1709 = arith.addf %add3A_1705, %mul3A_1708 : vector<16xf32>
        %swap3A_1710 = arith.constant 35 : i32
        %swap3A_1711 = arith.index_cast %swap3A_1710 : i32 to index
        %swap3A_1712 = arith.index_cast %mul3A_1647 : i32 to index
        %swap3A_1713 = tpu.vector_load %arg12[%swap3A_1711, %swap3A_1712] {strides = array<i32>} : memref<64x256xf32, #tpu.memory_space<vmem>>, vector<1x16xf32>,
        %swap3A_1714 = vector.shape_cast %swap3A_1713 : vector<1x16xf32> to vector<16xf32>
        %swap3A_1715 = vector.shape_cast %add3A_1709 : vector<16xf32> to vector<1x16xf32>
        tpu.vector_store %arg12[%swap3A_1711, %swap3A_1712], %swap3A_1715 {strides = array<i32>} : memref<64x256xf32, #tpu.memory_space<vmem>>, vector<1x16xf32>,
        %mul3A_1716 = arith.mulf %broadcast_in_dim3A_502, %get3A_1657 : vector<16xf32>
        %add3A_1717 = arith.addf %get3A_1652, %mul3A_1716 : vector<16xf32>
        %mul3A_1718 = arith.mulf %broadcast_in_dim3A_502, %get3A_1667 : vector<16xf32>
        %add3A_1719 = arith.addf %get3A_1662, %mul3A_1718 : vector<16xf32>
        %mul3A_1720 = arith.mulf %broadcast_in_dim3A_454, %add3A_1719 : vector<16xf32>
        %add3A_1721 = arith.addf %add3A_1717, %mul3A_1720 : vector<16xf32>
        %swap3A_1722 = arith.constant 36 : i32
        %swap3A_1723 = arith.index_cast %swap3A_1722 : i32 to index
        %swap3A_1724 = arith.index_cast %mul3A_1647 : i32 to index
        %swap3A_1725 = tpu.vector_load %arg12[%swap3A_1723, %swap3A_1724] {strides = array<i32>} : memref<64x256xf32, #tpu.memory_space<vmem>>, vector<1x16xf32>,
        %swap3A_1726 = vector.shape_cast %swap3A_1725 : vector<1x16xf32> to vector<16xf32>
        %swap3A_1727 = vector.shape_cast %add3A_1721 : vector<16xf32> to vector<1x16xf32>
        tpu.vector_store %arg12[%swap3A_1723, %swap3A_1724], %swap3A_1727 {strides = array<i32>} : memref<64x256xf32, #tpu.memory_space<vmem>>, vector<1x16xf32>,
        %mul3A_1728 = arith.mulf %broadcast_in_dim3A_505, %get3A_1657 : vector<16xf32>
        %add3A_1729 = arith.addf %get3A_1652, %mul3A_1728 : vector<16xf32>
        %mul3A_1730 = arith.mulf %broadcast_in_dim3A_505, %get3A_1667 : vector<16xf32>
        %add3A_1731 = arith.addf %get3A_1662, %mul3A_1730 : vector<16xf32>
        %mul3A_1732 = arith.mulf %broadcast_in_dim3A_457, %add3A_1731 : vector<16xf32>
        %add3A_1733 = arith.addf %add3A_1729, %mul3A_1732 : vector<16xf32>
        %swap3A_1734 = arith.constant 37 : i32
        %swap3A_1735 = arith.index_cast %swap3A_1734 : i32 to index
        %swap3A_1736 = arith.index_cast %mul3A_1647 : i32 to index
        %swap3A_1737 = tpu.vector_load %arg12[%swap3A_1735, %swap3A_1736] {strides = array<i32>} : memref<64x256xf32, #tpu.memory_space<vmem>>, vector<1x16xf32>,
        %swap3A_1738 = vector.shape_cast %swap3A_1737 : vector<1x16xf32> to vector<16xf32>
        %swap3A_1739 = vector.shape_cast %add3A_1733 : vector<16xf32> to vector<1x16xf32>
        tpu.vector_store %arg12[%swap3A_1735, %swap3A_1736], %swap3A_1739 {strides = array<i32>} : memref<64x256xf32, #tpu.memory_space<vmem>>, vector<1x16xf32>,
        %mul3A_1740 = arith.mulf %broadcast_in_dim3A_508, %get3A_1657 : vector<16xf32>
        %add3A_1741 = arith.addf %get3A_1652, %mul3A_1740 : vector<16xf32>
        %mul3A_1742 = arith.mulf %broadcast_in_dim3A_508, %get3A_1667 : vector<16xf32>
        %add3A_1743 = arith.addf %get3A_1662, %mul3A_1742 : vector<16xf32>
        %mul3A_1744 = arith.mulf %broadcast_in_dim3A_460, %add3A_1743 : vector<16xf32>
        %add3A_1745 = arith.addf %add3A_1741, %mul3A_1744 : vector<16xf32>
        %swap3A_1746 = arith.constant 38 : i32
        %swap3A_1747 = arith.index_cast %swap3A_1746 : i32 to index
        %swap3A_1748 = arith.index_cast %mul3A_1647 : i32 to index
        %swap3A_1749 = tpu.vector_load %arg12[%swap3A_1747, %swap3A_1748] {strides = array<i32>} : memref<64x256xf32, #tpu.memory_space<vmem>>, vector<1x16xf32>,
        %swap3A_1750 = vector.shape_cast %swap3A_1749 : vector<1x16xf32> to vector<16xf32>
        %swap3A_1751 = vector.shape_cast %add3A_1745 : vector<16xf32> to vector<1x16xf32>
        tpu.vector_store %arg12[%swap3A_1747, %swap3A_1748], %swap3A_1751 {strides = array<i32>} : memref<64x256xf32, #tpu.memory_space<vmem>>, vector<1x16xf32>,
        %mul3A_1752 = arith.mulf %broadcast_in_dim3A_511, %get3A_1657 : vector<16xf32>
        %add3A_1753 = arith.addf %get3A_1652, %mul3A_1752 : vector<16xf32>
        %mul3A_1754 = arith.mulf %broadcast_in_dim3A_511, %get3A_1667 : vector<16xf32>
        %add3A_1755 = arith.addf %get3A_1662, %mul3A_1754 : vector<16xf32>
        %mul3A_1756 = arith.mulf %broadcast_in_dim3A_463, %add3A_1755 : vector<16xf32>
        %add3A_1757 = arith.addf %add3A_1753, %mul3A_1756 : vector<16xf32>
        %swap3A_1758 = arith.constant 39 : i32
        %swap3A_1759 = arith.index_cast %swap3A_1758 : i32 to index
        %swap3A_1760 = arith.index_cast %mul3A_1647 : i32 to index
        %swap3A_1761 = tpu.vector_load %arg12[%swap3A_1759, %swap3A_1760] {strides = array<i32>} : memref<64x256xf32, #tpu.memory_space<vmem>>, vector<1x16xf32>,
        %swap3A_1762 = vector.shape_cast %swap3A_1761 : vector<1x16xf32> to vector<16xf32>
        %swap3A_1763 = vector.shape_cast %add3A_1757 : vector<16xf32> to vector<1x16xf32>
        tpu.vector_store %arg12[%swap3A_1759, %swap3A_1760], %swap3A_1763 {strides = array<i32>} : memref<64x256xf32, #tpu.memory_space<vmem>>, vector<1x16xf32>,
        %mul3A_1764 = arith.mulf %broadcast_in_dim3A_514, %get3A_1657 : vector<16xf32>
        %add3A_1765 = arith.addf %get3A_1652, %mul3A_1764 : vector<16xf32>
        %mul3A_1766 = arith.mulf %broadcast_in_dim3A_514, %get3A_1667 : vector<16xf32>
        %add3A_1767 = arith.addf %get3A_1662, %mul3A_1766 : vector<16xf32>
        %mul3A_1768 = arith.mulf %broadcast_in_dim3A_466, %add3A_1767 : vector<16xf32>
        %add3A_1769 = arith.addf %add3A_1765, %mul3A_1768 : vector<16xf32>
        %swap3A_1770 = arith.constant 40 : i32
        %swap3A_1771 = arith.index_cast %swap3A_1770 : i32 to index
        %swap3A_1772 = arith.index_cast %mul3A_1647 : i32 to index
        %swap3A_1773 = tpu.vector_load %arg12[%swap3A_1771, %swap3A_1772] {strides = array<i32>} : memref<64x256xf32, #tpu.memory_space<vmem>>, vector<1x16xf32>,
        %swap3A_1774 = vector.shape_cast %swap3A_1773 : vector<1x16xf32> to vector<16xf32>
        %swap3A_1775 = vector.shape_cast %add3A_1769 : vector<16xf32> to vector<1x16xf32>
        tpu.vector_store %arg12[%swap3A_1771, %swap3A_1772], %swap3A_1775 {strides = array<i32>} : memref<64x256xf32, #tpu.memory_space<vmem>>, vector<1x16xf32>,
        %mul3A_1776 = arith.mulf %broadcast_in_dim3A_517, %get3A_1657 : vector<16xf32>
        %add3A_1777 = arith.addf %get3A_1652, %mul3A_1776 : vector<16xf32>
        %mul3A_1778 = arith.mulf %broadcast_in_dim3A_517, %get3A_1667 : vector<16xf32>
        %add3A_1779 = arith.addf %get3A_1662, %mul3A_1778 : vector<16xf32>
        %mul3A_1780 = arith.mulf %broadcast_in_dim3A_469, %add3A_1779 : vector<16xf32>
        %add3A_1781 = arith.addf %add3A_1777, %mul3A_1780 : vector<16xf32>
        %swap3A_1782 = arith.constant 41 : i32
        %swap3A_1783 = arith.index_cast %swap3A_1782 : i32 to index
        %swap3A_1784 = arith.index_cast %mul3A_1647 : i32 to index
        %swap3A_1785 = tpu.vector_load %arg12[%swap3A_1783, %swap3A_1784] {strides = array<i32>} : memref<64x256xf32, #tpu.memory_space<vmem>>, vector<1x16xf32>,
        %swap3A_1786 = vector.shape_cast %swap3A_1785 : vector<1x16xf32> to vector<16xf32>
        %swap3A_1787 = vector.shape_cast %add3A_1781 : vector<16xf32> to vector<1x16xf32>
        tpu.vector_store %arg12[%swap3A_1783, %swap3A_1784], %swap3A_1787 {strides = array<i32>} : memref<64x256xf32, #tpu.memory_space<vmem>>, vector<1x16xf32>,
        %mul3A_1788 = arith.mulf %broadcast_in_dim3A_520, %get3A_1657 : vector<16xf32>
        %add3A_1789 = arith.addf %get3A_1652, %mul3A_1788 : vector<16xf32>
        %mul3A_1790 = arith.mulf %broadcast_in_dim3A_520, %get3A_1667 : vector<16xf32>
        %add3A_1791 = arith.addf %get3A_1662, %mul3A_1790 : vector<16xf32>
        %mul3A_1792 = arith.mulf %broadcast_in_dim3A_472, %add3A_1791 : vector<16xf32>
        %add3A_1793 = arith.addf %add3A_1789, %mul3A_1792 : vector<16xf32>
        %swap3A_1794 = arith.constant 42 : i32
        %swap3A_1795 = arith.index_cast %swap3A_1794 : i32 to index
        %swap3A_1796 = arith.index_cast %mul3A_1647 : i32 to index
        %swap3A_1797 = tpu.vector_load %arg12[%swap3A_1795, %swap3A_1796] {strides = array<i32>} : memref<64x256xf32, #tpu.memory_space<vmem>>, vector<1x16xf32>,
        %swap3A_1798 = vector.shape_cast %swap3A_1797 : vector<1x16xf32> to vector<16xf32>
        %swap3A_1799 = vector.shape_cast %add3A_1793 : vector<16xf32> to vector<1x16xf32>
        tpu.vector_store %arg12[%swap3A_1795, %swap3A_1796], %swap3A_1799 {strides = array<i32>} : memref<64x256xf32, #tpu.memory_space<vmem>>, vector<1x16xf32>,
        %mul3A_1800 = arith.mulf %broadcast_in_dim3A_523, %get3A_1657 : vector<16xf32>
        %add3A_1801 = arith.addf %get3A_1652, %mul3A_1800 : vector<16xf32>
        %mul3A_1802 = arith.mulf %broadcast_in_dim3A_523, %get3A_1667 : vector<16xf32>
        %add3A_1803 = arith.addf %get3A_1662, %mul3A_1802 : vector<16xf32>
        %mul3A_1804 = arith.mulf %broadcast_in_dim3A_475, %add3A_1803 : vector<16xf32>
        %add3A_1805 = arith.addf %add3A_1801, %mul3A_1804 : vector<16xf32>
        %swap3A_1806 = arith.constant 43 : i32
        %swap3A_1807 = arith.index_cast %swap3A_1806 : i32 to index
        %swap3A_1808 = arith.index_cast %mul3A_1647 : i32 to index
        %swap3A_1809 = tpu.vector_load %arg12[%swap3A_1807, %swap3A_1808] {strides = array<i32>} : memref<64x256xf32, #tpu.memory_space<vmem>>, vector<1x16xf32>,
        %swap3A_1810 = vector.shape_cast %swap3A_1809 : vector<1x16xf32> to vector<16xf32>
        %swap3A_1811 = vector.shape_cast %add3A_1805 : vector<16xf32> to vector<1x16xf32>
        tpu.vector_store %arg12[%swap3A_1807, %swap3A_1808], %swap3A_1811 {strides = array<i32>} : memref<64x256xf32, #tpu.memory_space<vmem>>, vector<1x16xf32>,
        %mul3A_1812 = arith.mulf %broadcast_in_dim3A_526, %get3A_1657 : vector<16xf32>
        %add3A_1813 = arith.addf %get3A_1652, %mul3A_1812 : vector<16xf32>
        %mul3A_1814 = arith.mulf %broadcast_in_dim3A_526, %get3A_1667 : vector<16xf32>
        %add3A_1815 = arith.addf %get3A_1662, %mul3A_1814 : vector<16xf32>
        %mul3A_1816 = arith.mulf %broadcast_in_dim3A_478, %add3A_1815 : vector<16xf32>
        %add3A_1817 = arith.addf %add3A_1813, %mul3A_1816 : vector<16xf32>
        %swap3A_1818 = arith.constant 44 : i32
        %swap3A_1819 = arith.index_cast %swap3A_1818 : i32 to index
        %swap3A_1820 = arith.index_cast %mul3A_1647 : i32 to index
        %swap3A_1821 = tpu.vector_load %arg12[%swap3A_1819, %swap3A_1820] {strides = array<i32>} : memref<64x256xf32, #tpu.memory_space<vmem>>, vector<1x16xf32>,
        %swap3A_1822 = vector.shape_cast %swap3A_1821 : vector<1x16xf32> to vector<16xf32>
        %swap3A_1823 = vector.shape_cast %add3A_1817 : vector<16xf32> to vector<1x16xf32>
        tpu.vector_store %arg12[%swap3A_1819, %swap3A_1820], %swap3A_1823 {strides = array<i32>} : memref<64x256xf32, #tpu.memory_space<vmem>>, vector<1x16xf32>,
        %mul3A_1824 = arith.mulf %broadcast_in_dim3A_529, %get3A_1657 : vector<16xf32>
        %add3A_1825 = arith.addf %get3A_1652, %mul3A_1824 : vector<16xf32>
        %mul3A_1826 = arith.mulf %broadcast_in_dim3A_529, %get3A_1667 : vector<16xf32>
        %add3A_1827 = arith.addf %get3A_1662, %mul3A_1826 : vector<16xf32>
        %mul3A_1828 = arith.mulf %broadcast_in_dim3A_481, %add3A_1827 : vector<16xf32>
        %add3A_1829 = arith.addf %add3A_1825, %mul3A_1828 : vector<16xf32>
        %swap3A_1830 = arith.constant 45 : i32
        %swap3A_1831 = arith.index_cast %swap3A_1830 : i32 to index
        %swap3A_1832 = arith.index_cast %mul3A_1647 : i32 to index
        %swap3A_1833 = tpu.vector_load %arg12[%swap3A_1831, %swap3A_1832] {strides = array<i32>} : memref<64x256xf32, #tpu.memory_space<vmem>>, vector<1x16xf32>,
        %swap3A_1834 = vector.shape_cast %swap3A_1833 : vector<1x16xf32> to vector<16xf32>
        %swap3A_1835 = vector.shape_cast %add3A_1829 : vector<16xf32> to vector<1x16xf32>
        tpu.vector_store %arg12[%swap3A_1831, %swap3A_1832], %swap3A_1835 {strides = array<i32>} : memref<64x256xf32, #tpu.memory_space<vmem>>, vector<1x16xf32>,
        %mul3A_1836 = arith.mulf %broadcast_in_dim3A_532, %get3A_1657 : vector<16xf32>
        %add3A_1837 = arith.addf %get3A_1652, %mul3A_1836 : vector<16xf32>
        %mul3A_1838 = arith.mulf %broadcast_in_dim3A_532, %get3A_1667 : vector<16xf32>
        %add3A_1839 = arith.addf %get3A_1662, %mul3A_1838 : vector<16xf32>
        %mul3A_1840 = arith.mulf %broadcast_in_dim3A_484, %add3A_1839 : vector<16xf32>
        %add3A_1841 = arith.addf %add3A_1837, %mul3A_1840 : vector<16xf32>
        %swap3A_1842 = arith.constant 46 : i32
        %swap3A_1843 = arith.index_cast %swap3A_1842 : i32 to index
        %swap3A_1844 = arith.index_cast %mul3A_1647 : i32 to index
        %swap3A_1845 = tpu.vector_load %arg12[%swap3A_1843, %swap3A_1844] {strides = array<i32>} : memref<64x256xf32, #tpu.memory_space<vmem>>, vector<1x16xf32>,
        %swap3A_1846 = vector.shape_cast %swap3A_1845 : vector<1x16xf32> to vector<16xf32>
        %swap3A_1847 = vector.shape_cast %add3A_1841 : vector<16xf32> to vector<1x16xf32>
        tpu.vector_store %arg12[%swap3A_1843, %swap3A_1844], %swap3A_1847 {strides = array<i32>} : memref<64x256xf32, #tpu.memory_space<vmem>>, vector<1x16xf32>,
        %mul3A_1848 = arith.mulf %broadcast_in_dim3A_535, %get3A_1657 : vector<16xf32>
        %add3A_1849 = arith.addf %get3A_1652, %mul3A_1848 : vector<16xf32>
        %mul3A_1850 = arith.mulf %broadcast_in_dim3A_535, %get3A_1667 : vector<16xf32>
        %add3A_1851 = arith.addf %get3A_1662, %mul3A_1850 : vector<16xf32>
        %mul3A_1852 = arith.mulf %broadcast_in_dim3A_487, %add3A_1851 : vector<16xf32>
        %add3A_1853 = arith.addf %add3A_1849, %mul3A_1852 : vector<16xf32>
        %swap3A_1854 = arith.constant 47 : i32
        %swap3A_1855 = arith.index_cast %swap3A_1854 : i32 to index
        %swap3A_1856 = arith.index_cast %mul3A_1647 : i32 to index
        %swap3A_1857 = tpu.vector_load %arg12[%swap3A_1855, %swap3A_1856] {strides = array<i32>} : memref<64x256xf32, #tpu.memory_space<vmem>>, vector<1x16xf32>,
        %swap3A_1858 = vector.shape_cast %swap3A_1857 : vector<1x16xf32> to vector<16xf32>
        %swap3A_1859 = vector.shape_cast %add3A_1853 : vector<16xf32> to vector<1x16xf32>
        tpu.vector_store %arg12[%swap3A_1855, %swap3A_1856], %swap3A_1859 {strides = array<i32>} : memref<64x256xf32, #tpu.memory_space<vmem>>, vector<1x16xf32>,
      }
      %scan3A_541 = arith.constant 16 : i32
      %add3A_542 = arith.constant 48 : i32
      %add3A_543 = arith.addi %add3A_190, %add3A_542 : i32
      %get3A_544 = arith.index_cast %select_n3A : i32 to index
      %get3A_545 = arith.index_cast %add3A_543 : i32 to index
      %get3A_546 = tpu.vector_load %arg6[%get3A_544, %get3A_545] {strides = array<i32>} : memref<32x1024xi32, #tpu.memory_space<vmem>>, vector<1x16xi32>,
      %get3A_547 = vector.shape_cast %get3A_546 : vector<1x16xi32> to vector<16xi32>
      %convert_element_type3A_548 = arith.sitofp %get3A_547 : vector<16xi32> to vector<16xf32>
      %add3A_549 = arith.constant 512 : i32
      %add3A_550 = arith.addi %add3A_549, %add3A_190 : i32
      %add3A_551 = arith.constant 48 : i32
      %add3A_552 = arith.addi %add3A_550, %add3A_551 : i32
      %get3A_553 = arith.index_cast %select_n3A : i32 to index
      %get3A_554 = arith.index_cast %add3A_552 : i32 to index
      %get3A_555 = tpu.vector_load %arg6[%get3A_553, %get3A_554] {strides = array<i32>} : memref<32x1024xi32, #tpu.memory_space<vmem>>, vector<1x16xi32>,
      %get3A_556 = vector.shape_cast %get3A_555 : vector<1x16xi32> to vector<16xi32>
      %convert_element_type3A_557 = arith.sitofp %get3A_556 : vector<16xi32> to vector<16xf32>
      %slice3A_558 = vector.extract_strided_slice %convert_element_type3A_548 {offsets = [0], sizes = [1], strides = [1]} : vector<16xf32> to vector<1xf32>
      %squeeze3A_559 = vector.extract %slice3A_558[0] : f32 from vector<1xf32>
      %broadcast_in_dim3A_560 = vector.broadcast %squeeze3A_559 : f32 to vector<16xf32>
      %slice3A_561 = vector.extract_strided_slice %convert_element_type3A_548 {offsets = [1], sizes = [1], strides = [1]} : vector<16xf32> to vector<1xf32>
      %squeeze3A_562 = vector.extract %slice3A_561[0] : f32 from vector<1xf32>
      %broadcast_in_dim3A_563 = vector.broadcast %squeeze3A_562 : f32 to vector<16xf32>
      %slice3A_564 = vector.extract_strided_slice %convert_element_type3A_548 {offsets = [2], sizes = [1], strides = [1]} : vector<16xf32> to vector<1xf32>
      %squeeze3A_565 = vector.extract %slice3A_564[0] : f32 from vector<1xf32>
      %broadcast_in_dim3A_566 = vector.broadcast %squeeze3A_565 : f32 to vector<16xf32>
      %slice3A_567 = vector.extract_strided_slice %convert_element_type3A_548 {offsets = [3], sizes = [1], strides = [1]} : vector<16xf32> to vector<1xf32>
      %squeeze3A_568 = vector.extract %slice3A_567[0] : f32 from vector<1xf32>
      %broadcast_in_dim3A_569 = vector.broadcast %squeeze3A_568 : f32 to vector<16xf32>
      %slice3A_570 = vector.extract_strided_slice %convert_element_type3A_548 {offsets = [4], sizes = [1], strides = [1]} : vector<16xf32> to vector<1xf32>
      %squeeze3A_571 = vector.extract %slice3A_570[0] : f32 from vector<1xf32>
      %broadcast_in_dim3A_572 = vector.broadcast %squeeze3A_571 : f32 to vector<16xf32>
      %slice3A_573 = vector.extract_strided_slice %convert_element_type3A_548 {offsets = [5], sizes = [1], strides = [1]} : vector<16xf32> to vector<1xf32>
      %squeeze3A_574 = vector.extract %slice3A_573[0] : f32 from vector<1xf32>
      %broadcast_in_dim3A_575 = vector.broadcast %squeeze3A_574 : f32 to vector<16xf32>
      %slice3A_576 = vector.extract_strided_slice %convert_element_type3A_548 {offsets = [6], sizes = [1], strides = [1]} : vector<16xf32> to vector<1xf32>
      %squeeze3A_577 = vector.extract %slice3A_576[0] : f32 from vector<1xf32>
      %broadcast_in_dim3A_578 = vector.broadcast %squeeze3A_577 : f32 to vector<16xf32>
      %slice3A_579 = vector.extract_strided_slice %convert_element_type3A_548 {offsets = [7], sizes = [1], strides = [1]} : vector<16xf32> to vector<1xf32>
      %squeeze3A_580 = vector.extract %slice3A_579[0] : f32 from vector<1xf32>
      %broadcast_in_dim3A_581 = vector.broadcast %squeeze3A_580 : f32 to vector<16xf32>
      %slice3A_582 = vector.extract_strided_slice %convert_element_type3A_548 {offsets = [8], sizes = [1], strides = [1]} : vector<16xf32> to vector<1xf32>
      %squeeze3A_583 = vector.extract %slice3A_582[0] : f32 from vector<1xf32>
      %broadcast_in_dim3A_584 = vector.broadcast %squeeze3A_583 : f32 to vector<16xf32>
      %slice3A_585 = vector.extract_strided_slice %convert_element_type3A_548 {offsets = [9], sizes = [1], strides = [1]} : vector<16xf32> to vector<1xf32>
      %squeeze3A_586 = vector.extract %slice3A_585[0] : f32 from vector<1xf32>
      %broadcast_in_dim3A_587 = vector.broadcast %squeeze3A_586 : f32 to vector<16xf32>
      %slice3A_588 = vector.extract_strided_slice %convert_element_type3A_548 {offsets = [10], sizes = [1], strides = [1]} : vector<16xf32> to vector<1xf32>
      %squeeze3A_589 = vector.extract %slice3A_588[0] : f32 from vector<1xf32>
      %broadcast_in_dim3A_590 = vector.broadcast %squeeze3A_589 : f32 to vector<16xf32>
      %slice3A_591 = vector.extract_strided_slice %convert_element_type3A_548 {offsets = [11], sizes = [1], strides = [1]} : vector<16xf32> to vector<1xf32>
      %squeeze3A_592 = vector.extract %slice3A_591[0] : f32 from vector<1xf32>
      %broadcast_in_dim3A_593 = vector.broadcast %squeeze3A_592 : f32 to vector<16xf32>
      %slice3A_594 = vector.extract_strided_slice %convert_element_type3A_548 {offsets = [12], sizes = [1], strides = [1]} : vector<16xf32> to vector<1xf32>
      %squeeze3A_595 = vector.extract %slice3A_594[0] : f32 from vector<1xf32>
      %broadcast_in_dim3A_596 = vector.broadcast %squeeze3A_595 : f32 to vector<16xf32>
      %slice3A_597 = vector.extract_strided_slice %convert_element_type3A_548 {offsets = [13], sizes = [1], strides = [1]} : vector<16xf32> to vector<1xf32>
      %squeeze3A_598 = vector.extract %slice3A_597[0] : f32 from vector<1xf32>
      %broadcast_in_dim3A_599 = vector.broadcast %squeeze3A_598 : f32 to vector<16xf32>
      %slice3A_600 = vector.extract_strided_slice %convert_element_type3A_548 {offsets = [14], sizes = [1], strides = [1]} : vector<16xf32> to vector<1xf32>
      %squeeze3A_601 = vector.extract %slice3A_600[0] : f32 from vector<1xf32>
      %broadcast_in_dim3A_602 = vector.broadcast %squeeze3A_601 : f32 to vector<16xf32>
      %slice3A_603 = vector.extract_strided_slice %convert_element_type3A_548 {offsets = [15], sizes = [1], strides = [1]} : vector<16xf32> to vector<1xf32>
      %squeeze3A_604 = vector.extract %slice3A_603[0] : f32 from vector<1xf32>
      %broadcast_in_dim3A_605 = vector.broadcast %squeeze3A_604 : f32 to vector<16xf32>
      %slice3A_606 = vector.extract_strided_slice %convert_element_type3A_557 {offsets = [0], sizes = [1], strides = [1]} : vector<16xf32> to vector<1xf32>
      %squeeze3A_607 = vector.extract %slice3A_606[0] : f32 from vector<1xf32>
      %broadcast_in_dim3A_608 = vector.broadcast %squeeze3A_607 : f32 to vector<16xf32>
      %slice3A_609 = vector.extract_strided_slice %convert_element_type3A_557 {offsets = [1], sizes = [1], strides = [1]} : vector<16xf32> to vector<1xf32>
      %squeeze3A_610 = vector.extract %slice3A_609[0] : f32 from vector<1xf32>
      %broadcast_in_dim3A_611 = vector.broadcast %squeeze3A_610 : f32 to vector<16xf32>
      %slice3A_612 = vector.extract_strided_slice %convert_element_type3A_557 {offsets = [2], sizes = [1], strides = [1]} : vector<16xf32> to vector<1xf32>
      %squeeze3A_613 = vector.extract %slice3A_612[0] : f32 from vector<1xf32>
      %broadcast_in_dim3A_614 = vector.broadcast %squeeze3A_613 : f32 to vector<16xf32>
      %slice3A_615 = vector.extract_strided_slice %convert_element_type3A_557 {offsets = [3], sizes = [1], strides = [1]} : vector<16xf32> to vector<1xf32>
      %squeeze3A_616 = vector.extract %slice3A_615[0] : f32 from vector<1xf32>
      %broadcast_in_dim3A_617 = vector.broadcast %squeeze3A_616 : f32 to vector<16xf32>
      %slice3A_618 = vector.extract_strided_slice %convert_element_type3A_557 {offsets = [4], sizes = [1], strides = [1]} : vector<16xf32> to vector<1xf32>
      %squeeze3A_619 = vector.extract %slice3A_618[0] : f32 from vector<1xf32>
      %broadcast_in_dim3A_620 = vector.broadcast %squeeze3A_619 : f32 to vector<16xf32>
      %slice3A_621 = vector.extract_strided_slice %convert_element_type3A_557 {offsets = [5], sizes = [1], strides = [1]} : vector<16xf32> to vector<1xf32>
      %squeeze3A_622 = vector.extract %slice3A_621[0] : f32 from vector<1xf32>
      %broadcast_in_dim3A_623 = vector.broadcast %squeeze3A_622 : f32 to vector<16xf32>
      %slice3A_624 = vector.extract_strided_slice %convert_element_type3A_557 {offsets = [6], sizes = [1], strides = [1]} : vector<16xf32> to vector<1xf32>
      %squeeze3A_625 = vector.extract %slice3A_624[0] : f32 from vector<1xf32>
      %broadcast_in_dim3A_626 = vector.broadcast %squeeze3A_625 : f32 to vector<16xf32>
      %slice3A_627 = vector.extract_strided_slice %convert_element_type3A_557 {offsets = [7], sizes = [1], strides = [1]} : vector<16xf32> to vector<1xf32>
      %squeeze3A_628 = vector.extract %slice3A_627[0] : f32 from vector<1xf32>
      %broadcast_in_dim3A_629 = vector.broadcast %squeeze3A_628 : f32 to vector<16xf32>
      %slice3A_630 = vector.extract_strided_slice %convert_element_type3A_557 {offsets = [8], sizes = [1], strides = [1]} : vector<16xf32> to vector<1xf32>
      %squeeze3A_631 = vector.extract %slice3A_630[0] : f32 from vector<1xf32>
      %broadcast_in_dim3A_632 = vector.broadcast %squeeze3A_631 : f32 to vector<16xf32>
      %slice3A_633 = vector.extract_strided_slice %convert_element_type3A_557 {offsets = [9], sizes = [1], strides = [1]} : vector<16xf32> to vector<1xf32>
      %squeeze3A_634 = vector.extract %slice3A_633[0] : f32 from vector<1xf32>
      %broadcast_in_dim3A_635 = vector.broadcast %squeeze3A_634 : f32 to vector<16xf32>
      %slice3A_636 = vector.extract_strided_slice %convert_element_type3A_557 {offsets = [10], sizes = [1], strides = [1]} : vector<16xf32> to vector<1xf32>
      %squeeze3A_637 = vector.extract %slice3A_636[0] : f32 from vector<1xf32>
      %broadcast_in_dim3A_638 = vector.broadcast %squeeze3A_637 : f32 to vector<16xf32>
      %slice3A_639 = vector.extract_strided_slice %convert_element_type3A_557 {offsets = [11], sizes = [1], strides = [1]} : vector<16xf32> to vector<1xf32>
      %squeeze3A_640 = vector.extract %slice3A_639[0] : f32 from vector<1xf32>
      %broadcast_in_dim3A_641 = vector.broadcast %squeeze3A_640 : f32 to vector<16xf32>
      %slice3A_642 = vector.extract_strided_slice %convert_element_type3A_557 {offsets = [12], sizes = [1], strides = [1]} : vector<16xf32> to vector<1xf32>
      %squeeze3A_643 = vector.extract %slice3A_642[0] : f32 from vector<1xf32>
      %broadcast_in_dim3A_644 = vector.broadcast %squeeze3A_643 : f32 to vector<16xf32>
      %slice3A_645 = vector.extract_strided_slice %convert_element_type3A_557 {offsets = [13], sizes = [1], strides = [1]} : vector<16xf32> to vector<1xf32>
      %squeeze3A_646 = vector.extract %slice3A_645[0] : f32 from vector<1xf32>
      %broadcast_in_dim3A_647 = vector.broadcast %squeeze3A_646 : f32 to vector<16xf32>
      %slice3A_648 = vector.extract_strided_slice %convert_element_type3A_557 {offsets = [14], sizes = [1], strides = [1]} : vector<16xf32> to vector<1xf32>
      %squeeze3A_649 = vector.extract %slice3A_648[0] : f32 from vector<1xf32>
      %broadcast_in_dim3A_650 = vector.broadcast %squeeze3A_649 : f32 to vector<16xf32>
      %slice3A_651 = vector.extract_strided_slice %convert_element_type3A_557 {offsets = [15], sizes = [1], strides = [1]} : vector<16xf32> to vector<1xf32>
      %squeeze3A_652 = vector.extract %slice3A_651[0] : f32 from vector<1xf32>
      %broadcast_in_dim3A_653 = vector.broadcast %squeeze3A_652 : f32 to vector<16xf32>
      %scan3A_654 = arith.constant 0 : i32
      %scan3A_655 = arith.constant 0 : i32
      %scan3A_656 = arith.constant 16 : i32
      %scan3A_657 = arith.addi %scan3A_655, %scan3A_656 : i32
      %scan3A_658 = arith.constant 1 : i32
      scf.for %scan3A_1645 = %scan3A_655 to %scan3A_657 step %scan3A_658  : i32 {
        %mul3A_1646 = arith.constant 16 : i32
        %mul3A_1647 = arith.muli %scan3A_1645, %mul3A_1646 : i32
        %get3A_1648 = arith.constant 0 : i32
        %get3A_1649 = arith.index_cast %get3A_1648 : i32 to index
        %get3A_1650 = arith.index_cast %mul3A_1647 : i32 to index
        %get3A_1651 = tpu.vector_load %arg7[%get3A_1649, %get3A_1650] {strides = array<i32>} : memref<4x256xf32, #tpu.memory_space<vmem>>, vector<1x16xf32>,
        %get3A_1652 = vector.shape_cast %get3A_1651 : vector<1x16xf32> to vector<16xf32>
        %get3A_1653 = arith.constant 1 : i32
        %get3A_1654 = arith.index_cast %get3A_1653 : i32 to index
        %get3A_1655 = arith.index_cast %mul3A_1647 : i32 to index
        %get3A_1656 = tpu.vector_load %arg7[%get3A_1654, %get3A_1655] {strides = array<i32>} : memref<4x256xf32, #tpu.memory_space<vmem>>, vector<1x16xf32>,
        %get3A_1657 = vector.shape_cast %get3A_1656 : vector<1x16xf32> to vector<16xf32>
        %get3A_1658 = arith.constant 2 : i32
        %get3A_1659 = arith.index_cast %get3A_1658 : i32 to index
        %get3A_1660 = arith.index_cast %mul3A_1647 : i32 to index
        %get3A_1661 = tpu.vector_load %arg7[%get3A_1659, %get3A_1660] {strides = array<i32>} : memref<4x256xf32, #tpu.memory_space<vmem>>, vector<1x16xf32>,
        %get3A_1662 = vector.shape_cast %get3A_1661 : vector<1x16xf32> to vector<16xf32>
        %get3A_1663 = arith.constant 3 : i32
        %get3A_1664 = arith.index_cast %get3A_1663 : i32 to index
        %get3A_1665 = arith.index_cast %mul3A_1647 : i32 to index
        %get3A_1666 = tpu.vector_load %arg7[%get3A_1664, %get3A_1665] {strides = array<i32>} : memref<4x256xf32, #tpu.memory_space<vmem>>, vector<1x16xf32>,
        %get3A_1667 = vector.shape_cast %get3A_1666 : vector<1x16xf32> to vector<16xf32>
        %mul3A_1668 = arith.mulf %broadcast_in_dim3A_608, %get3A_1657 : vector<16xf32>
        %add3A_1669 = arith.addf %get3A_1652, %mul3A_1668 : vector<16xf32>
        %mul3A_1670 = arith.mulf %broadcast_in_dim3A_608, %get3A_1667 : vector<16xf32>
        %add3A_1671 = arith.addf %get3A_1662, %mul3A_1670 : vector<16xf32>
        %mul3A_1672 = arith.mulf %broadcast_in_dim3A_560, %add3A_1671 : vector<16xf32>
        %add3A_1673 = arith.addf %add3A_1669, %mul3A_1672 : vector<16xf32>
        %swap3A_1674 = arith.constant 48 : i32
        %swap3A_1675 = arith.index_cast %swap3A_1674 : i32 to index
        %swap3A_1676 = arith.index_cast %mul3A_1647 : i32 to index
        %swap3A_1677 = tpu.vector_load %arg12[%swap3A_1675, %swap3A_1676] {strides = array<i32>} : memref<64x256xf32, #tpu.memory_space<vmem>>, vector<1x16xf32>,
        %swap3A_1678 = vector.shape_cast %swap3A_1677 : vector<1x16xf32> to vector<16xf32>
        %swap3A_1679 = vector.shape_cast %add3A_1673 : vector<16xf32> to vector<1x16xf32>
        tpu.vector_store %arg12[%swap3A_1675, %swap3A_1676], %swap3A_1679 {strides = array<i32>} : memref<64x256xf32, #tpu.memory_space<vmem>>, vector<1x16xf32>,
        %mul3A_1680 = arith.mulf %broadcast_in_dim3A_611, %get3A_1657 : vector<16xf32>
        %add3A_1681 = arith.addf %get3A_1652, %mul3A_1680 : vector<16xf32>
        %mul3A_1682 = arith.mulf %broadcast_in_dim3A_611, %get3A_1667 : vector<16xf32>
        %add3A_1683 = arith.addf %get3A_1662, %mul3A_1682 : vector<16xf32>
        %mul3A_1684 = arith.mulf %broadcast_in_dim3A_563, %add3A_1683 : vector<16xf32>
        %add3A_1685 = arith.addf %add3A_1681, %mul3A_1684 : vector<16xf32>
        %swap3A_1686 = arith.constant 49 : i32
        %swap3A_1687 = arith.index_cast %swap3A_1686 : i32 to index
        %swap3A_1688 = arith.index_cast %mul3A_1647 : i32 to index
        %swap3A_1689 = tpu.vector_load %arg12[%swap3A_1687, %swap3A_1688] {strides = array<i32>} : memref<64x256xf32, #tpu.memory_space<vmem>>, vector<1x16xf32>,
        %swap3A_1690 = vector.shape_cast %swap3A_1689 : vector<1x16xf32> to vector<16xf32>
        %swap3A_1691 = vector.shape_cast %add3A_1685 : vector<16xf32> to vector<1x16xf32>
        tpu.vector_store %arg12[%swap3A_1687, %swap3A_1688], %swap3A_1691 {strides = array<i32>} : memref<64x256xf32, #tpu.memory_space<vmem>>, vector<1x16xf32>,
        %mul3A_1692 = arith.mulf %broadcast_in_dim3A_614, %get3A_1657 : vector<16xf32>
        %add3A_1693 = arith.addf %get3A_1652, %mul3A_1692 : vector<16xf32>
        %mul3A_1694 = arith.mulf %broadcast_in_dim3A_614, %get3A_1667 : vector<16xf32>
        %add3A_1695 = arith.addf %get3A_1662, %mul3A_1694 : vector<16xf32>
        %mul3A_1696 = arith.mulf %broadcast_in_dim3A_566, %add3A_1695 : vector<16xf32>
        %add3A_1697 = arith.addf %add3A_1693, %mul3A_1696 : vector<16xf32>
        %swap3A_1698 = arith.constant 50 : i32
        %swap3A_1699 = arith.index_cast %swap3A_1698 : i32 to index
        %swap3A_1700 = arith.index_cast %mul3A_1647 : i32 to index
        %swap3A_1701 = tpu.vector_load %arg12[%swap3A_1699, %swap3A_1700] {strides = array<i32>} : memref<64x256xf32, #tpu.memory_space<vmem>>, vector<1x16xf32>,
        %swap3A_1702 = vector.shape_cast %swap3A_1701 : vector<1x16xf32> to vector<16xf32>
        %swap3A_1703 = vector.shape_cast %add3A_1697 : vector<16xf32> to vector<1x16xf32>
        tpu.vector_store %arg12[%swap3A_1699, %swap3A_1700], %swap3A_1703 {strides = array<i32>} : memref<64x256xf32, #tpu.memory_space<vmem>>, vector<1x16xf32>,
        %mul3A_1704 = arith.mulf %broadcast_in_dim3A_617, %get3A_1657 : vector<16xf32>
        %add3A_1705 = arith.addf %get3A_1652, %mul3A_1704 : vector<16xf32>
        %mul3A_1706 = arith.mulf %broadcast_in_dim3A_617, %get3A_1667 : vector<16xf32>
        %add3A_1707 = arith.addf %get3A_1662, %mul3A_1706 : vector<16xf32>
        %mul3A_1708 = arith.mulf %broadcast_in_dim3A_569, %add3A_1707 : vector<16xf32>
        %add3A_1709 = arith.addf %add3A_1705, %mul3A_1708 : vector<16xf32>
        %swap3A_1710 = arith.constant 51 : i32
        %swap3A_1711 = arith.index_cast %swap3A_1710 : i32 to index
        %swap3A_1712 = arith.index_cast %mul3A_1647 : i32 to index
        %swap3A_1713 = tpu.vector_load %arg12[%swap3A_1711, %swap3A_1712] {strides = array<i32>} : memref<64x256xf32, #tpu.memory_space<vmem>>, vector<1x16xf32>,
        %swap3A_1714 = vector.shape_cast %swap3A_1713 : vector<1x16xf32> to vector<16xf32>
        %swap3A_1715 = vector.shape_cast %add3A_1709 : vector<16xf32> to vector<1x16xf32>
        tpu.vector_store %arg12[%swap3A_1711, %swap3A_1712], %swap3A_1715 {strides = array<i32>} : memref<64x256xf32, #tpu.memory_space<vmem>>, vector<1x16xf32>,
        %mul3A_1716 = arith.mulf %broadcast_in_dim3A_620, %get3A_1657 : vector<16xf32>
        %add3A_1717 = arith.addf %get3A_1652, %mul3A_1716 : vector<16xf32>
        %mul3A_1718 = arith.mulf %broadcast_in_dim3A_620, %get3A_1667 : vector<16xf32>
        %add3A_1719 = arith.addf %get3A_1662, %mul3A_1718 : vector<16xf32>
        %mul3A_1720 = arith.mulf %broadcast_in_dim3A_572, %add3A_1719 : vector<16xf32>
        %add3A_1721 = arith.addf %add3A_1717, %mul3A_1720 : vector<16xf32>
        %swap3A_1722 = arith.constant 52 : i32
        %swap3A_1723 = arith.index_cast %swap3A_1722 : i32 to index
        %swap3A_1724 = arith.index_cast %mul3A_1647 : i32 to index
        %swap3A_1725 = tpu.vector_load %arg12[%swap3A_1723, %swap3A_1724] {strides = array<i32>} : memref<64x256xf32, #tpu.memory_space<vmem>>, vector<1x16xf32>,
        %swap3A_1726 = vector.shape_cast %swap3A_1725 : vector<1x16xf32> to vector<16xf32>
        %swap3A_1727 = vector.shape_cast %add3A_1721 : vector<16xf32> to vector<1x16xf32>
        tpu.vector_store %arg12[%swap3A_1723, %swap3A_1724], %swap3A_1727 {strides = array<i32>} : memref<64x256xf32, #tpu.memory_space<vmem>>, vector<1x16xf32>,
        %mul3A_1728 = arith.mulf %broadcast_in_dim3A_623, %get3A_1657 : vector<16xf32>
        %add3A_1729 = arith.addf %get3A_1652, %mul3A_1728 : vector<16xf32>
        %mul3A_1730 = arith.mulf %broadcast_in_dim3A_623, %get3A_1667 : vector<16xf32>
        %add3A_1731 = arith.addf %get3A_1662, %mul3A_1730 : vector<16xf32>
        %mul3A_1732 = arith.mulf %broadcast_in_dim3A_575, %add3A_1731 : vector<16xf32>
        %add3A_1733 = arith.addf %add3A_1729, %mul3A_1732 : vector<16xf32>
        %swap3A_1734 = arith.constant 53 : i32
        %swap3A_1735 = arith.index_cast %swap3A_1734 : i32 to index
        %swap3A_1736 = arith.index_cast %mul3A_1647 : i32 to index
        %swap3A_1737 = tpu.vector_load %arg12[%swap3A_1735, %swap3A_1736] {strides = array<i32>} : memref<64x256xf32, #tpu.memory_space<vmem>>, vector<1x16xf32>,
        %swap3A_1738 = vector.shape_cast %swap3A_1737 : vector<1x16xf32> to vector<16xf32>
        %swap3A_1739 = vector.shape_cast %add3A_1733 : vector<16xf32> to vector<1x16xf32>
        tpu.vector_store %arg12[%swap3A_1735, %swap3A_1736], %swap3A_1739 {strides = array<i32>} : memref<64x256xf32, #tpu.memory_space<vmem>>, vector<1x16xf32>,
        %mul3A_1740 = arith.mulf %broadcast_in_dim3A_626, %get3A_1657 : vector<16xf32>
        %add3A_1741 = arith.addf %get3A_1652, %mul3A_1740 : vector<16xf32>
        %mul3A_1742 = arith.mulf %broadcast_in_dim3A_626, %get3A_1667 : vector<16xf32>
        %add3A_1743 = arith.addf %get3A_1662, %mul3A_1742 : vector<16xf32>
        %mul3A_1744 = arith.mulf %broadcast_in_dim3A_578, %add3A_1743 : vector<16xf32>
        %add3A_1745 = arith.addf %add3A_1741, %mul3A_1744 : vector<16xf32>
        %swap3A_1746 = arith.constant 54 : i32
        %swap3A_1747 = arith.index_cast %swap3A_1746 : i32 to index
        %swap3A_1748 = arith.index_cast %mul3A_1647 : i32 to index
        %swap3A_1749 = tpu.vector_load %arg12[%swap3A_1747, %swap3A_1748] {strides = array<i32>} : memref<64x256xf32, #tpu.memory_space<vmem>>, vector<1x16xf32>,
        %swap3A_1750 = vector.shape_cast %swap3A_1749 : vector<1x16xf32> to vector<16xf32>
        %swap3A_1751 = vector.shape_cast %add3A_1745 : vector<16xf32> to vector<1x16xf32>
        tpu.vector_store %arg12[%swap3A_1747, %swap3A_1748], %swap3A_1751 {strides = array<i32>} : memref<64x256xf32, #tpu.memory_space<vmem>>, vector<1x16xf32>,
        %mul3A_1752 = arith.mulf %broadcast_in_dim3A_629, %get3A_1657 : vector<16xf32>
        %add3A_1753 = arith.addf %get3A_1652, %mul3A_1752 : vector<16xf32>
        %mul3A_1754 = arith.mulf %broadcast_in_dim3A_629, %get3A_1667 : vector<16xf32>
        %add3A_1755 = arith.addf %get3A_1662, %mul3A_1754 : vector<16xf32>
        %mul3A_1756 = arith.mulf %broadcast_in_dim3A_581, %add3A_1755 : vector<16xf32>
        %add3A_1757 = arith.addf %add3A_1753, %mul3A_1756 : vector<16xf32>
        %swap3A_1758 = arith.constant 55 : i32
        %swap3A_1759 = arith.index_cast %swap3A_1758 : i32 to index
        %swap3A_1760 = arith.index_cast %mul3A_1647 : i32 to index
        %swap3A_1761 = tpu.vector_load %arg12[%swap3A_1759, %swap3A_1760] {strides = array<i32>} : memref<64x256xf32, #tpu.memory_space<vmem>>, vector<1x16xf32>,
        %swap3A_1762 = vector.shape_cast %swap3A_1761 : vector<1x16xf32> to vector<16xf32>
        %swap3A_1763 = vector.shape_cast %add3A_1757 : vector<16xf32> to vector<1x16xf32>
        tpu.vector_store %arg12[%swap3A_1759, %swap3A_1760], %swap3A_1763 {strides = array<i32>} : memref<64x256xf32, #tpu.memory_space<vmem>>, vector<1x16xf32>,
        %mul3A_1764 = arith.mulf %broadcast_in_dim3A_632, %get3A_1657 : vector<16xf32>
        %add3A_1765 = arith.addf %get3A_1652, %mul3A_1764 : vector<16xf32>
        %mul3A_1766 = arith.mulf %broadcast_in_dim3A_632, %get3A_1667 : vector<16xf32>
        %add3A_1767 = arith.addf %get3A_1662, %mul3A_1766 : vector<16xf32>
        %mul3A_1768 = arith.mulf %broadcast_in_dim3A_584, %add3A_1767 : vector<16xf32>
        %add3A_1769 = arith.addf %add3A_1765, %mul3A_1768 : vector<16xf32>
        %swap3A_1770 = arith.constant 56 : i32
        %swap3A_1771 = arith.index_cast %swap3A_1770 : i32 to index
        %swap3A_1772 = arith.index_cast %mul3A_1647 : i32 to index
        %swap3A_1773 = tpu.vector_load %arg12[%swap3A_1771, %swap3A_1772] {strides = array<i32>} : memref<64x256xf32, #tpu.memory_space<vmem>>, vector<1x16xf32>,
        %swap3A_1774 = vector.shape_cast %swap3A_1773 : vector<1x16xf32> to vector<16xf32>
        %swap3A_1775 = vector.shape_cast %add3A_1769 : vector<16xf32> to vector<1x16xf32>
        tpu.vector_store %arg12[%swap3A_1771, %swap3A_1772], %swap3A_1775 {strides = array<i32>} : memref<64x256xf32, #tpu.memory_space<vmem>>, vector<1x16xf32>,
        %mul3A_1776 = arith.mulf %broadcast_in_dim3A_635, %get3A_1657 : vector<16xf32>
        %add3A_1777 = arith.addf %get3A_1652, %mul3A_1776 : vector<16xf32>
        %mul3A_1778 = arith.mulf %broadcast_in_dim3A_635, %get3A_1667 : vector<16xf32>
        %add3A_1779 = arith.addf %get3A_1662, %mul3A_1778 : vector<16xf32>
        %mul3A_1780 = arith.mulf %broadcast_in_dim3A_587, %add3A_1779 : vector<16xf32>
        %add3A_1781 = arith.addf %add3A_1777, %mul3A_1780 : vector<16xf32>
        %swap3A_1782 = arith.constant 57 : i32
        %swap3A_1783 = arith.index_cast %swap3A_1782 : i32 to index
        %swap3A_1784 = arith.index_cast %mul3A_1647 : i32 to index
        %swap3A_1785 = tpu.vector_load %arg12[%swap3A_1783, %swap3A_1784] {strides = array<i32>} : memref<64x256xf32, #tpu.memory_space<vmem>>, vector<1x16xf32>,
        %swap3A_1786 = vector.shape_cast %swap3A_1785 : vector<1x16xf32> to vector<16xf32>
        %swap3A_1787 = vector.shape_cast %add3A_1781 : vector<16xf32> to vector<1x16xf32>
        tpu.vector_store %arg12[%swap3A_1783, %swap3A_1784], %swap3A_1787 {strides = array<i32>} : memref<64x256xf32, #tpu.memory_space<vmem>>, vector<1x16xf32>,
        %mul3A_1788 = arith.mulf %broadcast_in_dim3A_638, %get3A_1657 : vector<16xf32>
        %add3A_1789 = arith.addf %get3A_1652, %mul3A_1788 : vector<16xf32>
        %mul3A_1790 = arith.mulf %broadcast_in_dim3A_638, %get3A_1667 : vector<16xf32>
        %add3A_1791 = arith.addf %get3A_1662, %mul3A_1790 : vector<16xf32>
        %mul3A_1792 = arith.mulf %broadcast_in_dim3A_590, %add3A_1791 : vector<16xf32>
        %add3A_1793 = arith.addf %add3A_1789, %mul3A_1792 : vector<16xf32>
        %swap3A_1794 = arith.constant 58 : i32
        %swap3A_1795 = arith.index_cast %swap3A_1794 : i32 to index
        %swap3A_1796 = arith.index_cast %mul3A_1647 : i32 to index
        %swap3A_1797 = tpu.vector_load %arg12[%swap3A_1795, %swap3A_1796] {strides = array<i32>} : memref<64x256xf32, #tpu.memory_space<vmem>>, vector<1x16xf32>,
        %swap3A_1798 = vector.shape_cast %swap3A_1797 : vector<1x16xf32> to vector<16xf32>
        %swap3A_1799 = vector.shape_cast %add3A_1793 : vector<16xf32> to vector<1x16xf32>
        tpu.vector_store %arg12[%swap3A_1795, %swap3A_1796], %swap3A_1799 {strides = array<i32>} : memref<64x256xf32, #tpu.memory_space<vmem>>, vector<1x16xf32>,
        %mul3A_1800 = arith.mulf %broadcast_in_dim3A_641, %get3A_1657 : vector<16xf32>
        %add3A_1801 = arith.addf %get3A_1652, %mul3A_1800 : vector<16xf32>
        %mul3A_1802 = arith.mulf %broadcast_in_dim3A_641, %get3A_1667 : vector<16xf32>
        %add3A_1803 = arith.addf %get3A_1662, %mul3A_1802 : vector<16xf32>
        %mul3A_1804 = arith.mulf %broadcast_in_dim3A_593, %add3A_1803 : vector<16xf32>
        %add3A_1805 = arith.addf %add3A_1801, %mul3A_1804 : vector<16xf32>
        %swap3A_1806 = arith.constant 59 : i32
        %swap3A_1807 = arith.index_cast %swap3A_1806 : i32 to index
        %swap3A_1808 = arith.index_cast %mul3A_1647 : i32 to index
        %swap3A_1809 = tpu.vector_load %arg12[%swap3A_1807, %swap3A_1808] {strides = array<i32>} : memref<64x256xf32, #tpu.memory_space<vmem>>, vector<1x16xf32>,
        %swap3A_1810 = vector.shape_cast %swap3A_1809 : vector<1x16xf32> to vector<16xf32>
        %swap3A_1811 = vector.shape_cast %add3A_1805 : vector<16xf32> to vector<1x16xf32>
        tpu.vector_store %arg12[%swap3A_1807, %swap3A_1808], %swap3A_1811 {strides = array<i32>} : memref<64x256xf32, #tpu.memory_space<vmem>>, vector<1x16xf32>,
        %mul3A_1812 = arith.mulf %broadcast_in_dim3A_644, %get3A_1657 : vector<16xf32>
        %add3A_1813 = arith.addf %get3A_1652, %mul3A_1812 : vector<16xf32>
        %mul3A_1814 = arith.mulf %broadcast_in_dim3A_644, %get3A_1667 : vector<16xf32>
        %add3A_1815 = arith.addf %get3A_1662, %mul3A_1814 : vector<16xf32>
        %mul3A_1816 = arith.mulf %broadcast_in_dim3A_596, %add3A_1815 : vector<16xf32>
        %add3A_1817 = arith.addf %add3A_1813, %mul3A_1816 : vector<16xf32>
        %swap3A_1818 = arith.constant 60 : i32
        %swap3A_1819 = arith.index_cast %swap3A_1818 : i32 to index
        %swap3A_1820 = arith.index_cast %mul3A_1647 : i32 to index
        %swap3A_1821 = tpu.vector_load %arg12[%swap3A_1819, %swap3A_1820] {strides = array<i32>} : memref<64x256xf32, #tpu.memory_space<vmem>>, vector<1x16xf32>,
        %swap3A_1822 = vector.shape_cast %swap3A_1821 : vector<1x16xf32> to vector<16xf32>
        %swap3A_1823 = vector.shape_cast %add3A_1817 : vector<16xf32> to vector<1x16xf32>
        tpu.vector_store %arg12[%swap3A_1819, %swap3A_1820], %swap3A_1823 {strides = array<i32>} : memref<64x256xf32, #tpu.memory_space<vmem>>, vector<1x16xf32>,
        %mul3A_1824 = arith.mulf %broadcast_in_dim3A_647, %get3A_1657 : vector<16xf32>
        %add3A_1825 = arith.addf %get3A_1652, %mul3A_1824 : vector<16xf32>
        %mul3A_1826 = arith.mulf %broadcast_in_dim3A_647, %get3A_1667 : vector<16xf32>
        %add3A_1827 = arith.addf %get3A_1662, %mul3A_1826 : vector<16xf32>
        %mul3A_1828 = arith.mulf %broadcast_in_dim3A_599, %add3A_1827 : vector<16xf32>
        %add3A_1829 = arith.addf %add3A_1825, %mul3A_1828 : vector<16xf32>
        %swap3A_1830 = arith.constant 61 : i32
        %swap3A_1831 = arith.index_cast %swap3A_1830 : i32 to index
        %swap3A_1832 = arith.index_cast %mul3A_1647 : i32 to index
        %swap3A_1833 = tpu.vector_load %arg12[%swap3A_1831, %swap3A_1832] {strides = array<i32>} : memref<64x256xf32, #tpu.memory_space<vmem>>, vector<1x16xf32>,
        %swap3A_1834 = vector.shape_cast %swap3A_1833 : vector<1x16xf32> to vector<16xf32>
        %swap3A_1835 = vector.shape_cast %add3A_1829 : vector<16xf32> to vector<1x16xf32>
        tpu.vector_store %arg12[%swap3A_1831, %swap3A_1832], %swap3A_1835 {strides = array<i32>} : memref<64x256xf32, #tpu.memory_space<vmem>>, vector<1x16xf32>,
        %mul3A_1836 = arith.mulf %broadcast_in_dim3A_650, %get3A_1657 : vector<16xf32>
        %add3A_1837 = arith.addf %get3A_1652, %mul3A_1836 : vector<16xf32>
        %mul3A_1838 = arith.mulf %broadcast_in_dim3A_650, %get3A_1667 : vector<16xf32>
        %add3A_1839 = arith.addf %get3A_1662, %mul3A_1838 : vector<16xf32>
        %mul3A_1840 = arith.mulf %broadcast_in_dim3A_602, %add3A_1839 : vector<16xf32>
        %add3A_1841 = arith.addf %add3A_1837, %mul3A_1840 : vector<16xf32>
        %swap3A_1842 = arith.constant 62 : i32
        %swap3A_1843 = arith.index_cast %swap3A_1842 : i32 to index
        %swap3A_1844 = arith.index_cast %mul3A_1647 : i32 to index
        %swap3A_1845 = tpu.vector_load %arg12[%swap3A_1843, %swap3A_1844] {strides = array<i32>} : memref<64x256xf32, #tpu.memory_space<vmem>>, vector<1x16xf32>,
        %swap3A_1846 = vector.shape_cast %swap3A_1845 : vector<1x16xf32> to vector<16xf32>
        %swap3A_1847 = vector.shape_cast %add3A_1841 : vector<16xf32> to vector<1x16xf32>
        tpu.vector_store %arg12[%swap3A_1843, %swap3A_1844], %swap3A_1847 {strides = array<i32>} : memref<64x256xf32, #tpu.memory_space<vmem>>, vector<1x16xf32>,
        %mul3A_1848 = arith.mulf %broadcast_in_dim3A_653, %get3A_1657 : vector<16xf32>
        %add3A_1849 = arith.addf %get3A_1652, %mul3A_1848 : vector<16xf32>
        %mul3A_1850 = arith.mulf %broadcast_in_dim3A_653, %get3A_1667 : vector<16xf32>
        %add3A_1851 = arith.addf %get3A_1662, %mul3A_1850 : vector<16xf32>
        %mul3A_1852 = arith.mulf %broadcast_in_dim3A_605, %add3A_1851 : vector<16xf32>
        %add3A_1853 = arith.addf %add3A_1849, %mul3A_1852 : vector<16xf32>
        %swap3A_1854 = arith.constant 63 : i32
        %swap3A_1855 = arith.index_cast %swap3A_1854 : i32 to index
        %swap3A_1856 = arith.index_cast %mul3A_1647 : i32 to index
        %swap3A_1857 = tpu.vector_load %arg12[%swap3A_1855, %swap3A_1856] {strides = array<i32>} : memref<64x256xf32, #tpu.memory_space<vmem>>, vector<1x16xf32>,
        %swap3A_1858 = vector.shape_cast %swap3A_1857 : vector<1x16xf32> to vector<16xf32>
        %swap3A_1859 = vector.shape_cast %add3A_1853 : vector<16xf32> to vector<1x16xf32>
        tpu.vector_store %arg12[%swap3A_1855, %swap3A_1856], %swap3A_1859 {strides = array<i32>} : memref<64x256xf32, #tpu.memory_space<vmem>>, vector<1x16xf32>,
      }
      %scan3A_659 = arith.constant 16 : i32
      %jit3A_660 = arith.constant 4 : i32
      %div3A_661 = arith.divsi %add3A_153, %jit3A_660 : i32
      %sign3A_662 = arith.constant 0 : i32
      %sign3A_663 = arith.cmpi sgt, %add3A_153, %sign3A_662 : i32
      %sign3A_664 = arith.extui %sign3A_663 : i1 to i32
      %sign3A_665 = arith.constant 0 : i32
      %sign3A_666 = arith.cmpi slt, %add3A_153, %sign3A_665 : i32
      %sign3A_667 = arith.extui %sign3A_666 : i1 to i32
      %sign3A_668 = arith.subi %sign3A_664, %sign3A_667 : i32
      %sign3A_669 = arith.constant 0 : i32
      %sign3A_670 = arith.cmpi sgt, %jit3A_660, %sign3A_669 : i32
      %sign3A_671 = arith.extui %sign3A_670 : i1 to i32
      %sign3A_672 = arith.constant 0 : i32
      %sign3A_673 = arith.cmpi slt, %jit3A_660, %sign3A_672 : i32
      %sign3A_674 = arith.extui %sign3A_673 : i1 to i32
      %sign3A_675 = arith.subi %sign3A_671, %sign3A_674 : i32
      %ne3A_676 = arith.cmpi ne, %sign3A_668, %sign3A_675 : i32
      %rem3A_677 = arith.remsi %add3A_153, %jit3A_660 : i32
      %ne3A_678 = arith.constant 0 : i32
      %ne3A_679 = arith.cmpi ne, %rem3A_677, %ne3A_678 : i32
      %and3A_680 = arith.andi %ne3A_676, %ne3A_679 : i1
      %sub3A_681 = arith.constant 1 : i32
      %sub3A_682 = arith.subi %div3A_661, %sub3A_681 : i32
      %select_n3A_683 = arith.select %and3A_680, %sub3A_682, %div3A_661 : i32
      %jit3A_684 = arith.constant 4 : i32
      %eq3A_685 = arith.constant 0 : i32
      %eq3A_686 = arith.cmpi eq, %jit3A_684, %eq3A_685 : i32
      %jit3A_687 = arith.constant 1 : i32
      %select_n3A_688 = arith.select %eq3A_686, %jit3A_687, %jit3A_684 : i32
      %rem3A_689 = arith.remsi %add3A_153, %select_n3A_688 : i32
      %ne3A_690 = arith.constant 0 : i32
      %ne3A_691 = arith.cmpi ne, %rem3A_689, %ne3A_690 : i32
      %lt3A_692 = arith.constant 0 : i32
      %lt3A_693 = arith.cmpi slt, %rem3A_689, %lt3A_692 : i32
      %lt3A_694 = arith.constant 0 : i32
      %lt3A_695 = arith.cmpi slt, %select_n3A_688, %lt3A_694 : i32
      %ne3A_696 = arith.xori %lt3A_693, %lt3A_695 : i1
      %and3A_697 = arith.andi %ne3A_696, %ne3A_691 : i1
      %add3A_698 = arith.addi %rem3A_689, %select_n3A_688 : i32
      %select_n3A_699 = arith.select %and3A_697, %add3A_698, %rem3A_689 : i32
      %mul3A_700 = arith.constant 128 : i32
      %mul3A_701 = arith.muli %select_n3A_699, %mul3A_700 : i32
      %mul3A_702 = arith.constant 32 : i32
      %mul3A_703 = arith.muli %add3A, %mul3A_702 : i32
      %add3A_704 = arith.addi %mul3A_703, %select_n3A_683 : i32
      %add3A_705 = arith.constant 64 : i32
      %add3A_706 = arith.addi %mul3A_701, %add3A_705 : i32
      %dma_start3A_707 = arith.constant 0 : i32
      %dma_start3A_708 = tpu.memref_slice %arg5[%add3A_704, %add3A_706, %dma_start3A_707] : memref<1024x512x256xf32, #tpu.memory_space<hbm>> -> memref<1x64x256xf32, #tpu.memory_space<hbm>>
      %dma_start3A_709 = tpu.memref_squeeze %dma_start3A_708 : memref<1x64x256xf32, #tpu.memory_space<hbm>> -> memref<64x256xf32, #tpu.memory_space<hbm>>
      %dma_start3A_710 = arith.constant 0 : i32
      %dma_start3A_711 = tpu.memref_slice %arg5[%add3A_704, %add3A_706, %dma_start3A_710] : memref<1024x512x256xf32, #tpu.memory_space<hbm>> -> memref<1x64x256xf32, #tpu.memory_space<hbm>>
      %dma_start3A_712 = tpu.memref_squeeze %dma_start3A_711 : memref<1x64x256xf32, #tpu.memory_space<hbm>> -> memref<64x256xf32, #tpu.memory_space<hbm>>
      tpu.enqueue_dma source(%arg12 : memref<64x256xf32, #tpu.memory_space<vmem>>) target(%dma_start3A_712 : memref<64x256xf32, #tpu.memory_space<hbm>>) target_semaphore(%arg18 : memref<!tpu.dma_semaphore, #tpu.memory_space<semaphore_mem>>)
      %dma_wait3A_713 = arith.constant 0 : i32
      %dma_wait3A_714 = arith.constant 0 : i32
      %dma_wait3A_715 = tpu.memref_slice %arg3[%dma_wait3A_713, %dma_wait3A_714] : memref<4096x256xf32, #tpu.memory_space<hbm>> -> memref<4096x256xf32, #tpu.memory_space<hbm>>
      tpu.wait_indirect_dma semaphore(%arg14 : memref<!tpu.dma_semaphore, #tpu.memory_space<semaphore_mem>>) src(%dma_wait3A_715 : memref<4096x256xf32, #tpu.memory_space<hbm>>) dst(%arg10 : memref<64x256xf32, #tpu.memory_space<vmem>>)
      %jit3A_716 = arith.constant 4 : i32
      %div3A_717 = arith.divsi %add3A_153, %jit3A_716 : i32
      %sign3A_718 = arith.constant 0 : i32
      %sign3A_719 = arith.cmpi sgt, %add3A_153, %sign3A_718 : i32
      %sign3A_720 = arith.extui %sign3A_719 : i1 to i32
      %sign3A_721 = arith.constant 0 : i32
      %sign3A_722 = arith.cmpi slt, %add3A_153, %sign3A_721 : i32
      %sign3A_723 = arith.extui %sign3A_722 : i1 to i32
      %sign3A_724 = arith.subi %sign3A_720, %sign3A_723 : i32
      %sign3A_725 = arith.constant 0 : i32
      %sign3A_726 = arith.cmpi sgt, %jit3A_716, %sign3A_725 : i32
      %sign3A_727 = arith.extui %sign3A_726 : i1 to i32
      %sign3A_728 = arith.constant 0 : i32
      %sign3A_729 = arith.cmpi slt, %jit3A_716, %sign3A_728 : i32
      %sign3A_730 = arith.extui %sign3A_729 : i1 to i32
      %sign3A_731 = arith.subi %sign3A_727, %sign3A_730 : i32
      %ne3A_732 = arith.cmpi ne, %sign3A_724, %sign3A_731 : i32
      %rem3A_733 = arith.remsi %add3A_153, %jit3A_716 : i32
      %ne3A_734 = arith.constant 0 : i32
      %ne3A_735 = arith.cmpi ne, %rem3A_733, %ne3A_734 : i32
      %and3A_736 = arith.andi %ne3A_732, %ne3A_735 : i1
      %sub3A_737 = arith.constant 1 : i32
      %sub3A_738 = arith.subi %div3A_717, %sub3A_737 : i32
      %select_n3A_739 = arith.select %and3A_736, %sub3A_738, %div3A_717 : i32
      %jit3A_740 = arith.constant 4 : i32
      %eq3A_741 = arith.constant 0 : i32
      %eq3A_742 = arith.cmpi eq, %jit3A_740, %eq3A_741 : i32
      %jit3A_743 = arith.constant 1 : i32
      %select_n3A_744 = arith.select %eq3A_742, %jit3A_743, %jit3A_740 : i32
      %rem3A_745 = arith.remsi %add3A_153, %select_n3A_744 : i32
      %ne3A_746 = arith.constant 0 : i32
      %ne3A_747 = arith.cmpi ne, %rem3A_745, %ne3A_746 : i32
      %lt3A_748 = arith.constant 0 : i32
      %lt3A_749 = arith.cmpi slt, %rem3A_745, %lt3A_748 : i32
      %lt3A_750 = arith.constant 0 : i32
      %lt3A_751 = arith.cmpi slt, %select_n3A_744, %lt3A_750 : i32
      %ne3A_752 = arith.xori %lt3A_749, %lt3A_751 : i1
      %and3A_753 = arith.andi %ne3A_752, %ne3A_747 : i1
      %add3A_754 = arith.addi %rem3A_745, %select_n3A_744 : i32
      %select_n3A_755 = arith.select %and3A_753, %add3A_754, %rem3A_745 : i32
      %mul3A_756 = arith.constant 128 : i32
      %mul3A_757 = arith.muli %select_n3A_755, %mul3A_756 : i32
      %mul3A_758 = arith.constant 32 : i32
      %mul3A_759 = arith.muli %add3A, %mul3A_758 : i32
      %add3A_760 = arith.addi %mul3A_759, %select_n3A_739 : i32
      %dma_start3A_761 = arith.constant 0 : i32
      %dma_start3A_762 = tpu.memref_slice %arg5[%add3A_760, %mul3A_757, %dma_start3A_761] : memref<1024x512x256xf32, #tpu.memory_space<hbm>> -> memref<1x64x256xf32, #tpu.memory_space<hbm>>
      %dma_start3A_763 = tpu.memref_squeeze %dma_start3A_762 : memref<1x64x256xf32, #tpu.memory_space<hbm>> -> memref<64x256xf32, #tpu.memory_space<hbm>>
      %dma_start3A_764 = arith.constant 0 : i32
      %dma_start3A_765 = tpu.memref_slice %arg5[%add3A_760, %mul3A_757, %dma_start3A_764] : memref<1024x512x256xf32, #tpu.memory_space<hbm>> -> memref<1x64x256xf32, #tpu.memory_space<hbm>>
      %dma_start3A_766 = tpu.memref_squeeze %dma_start3A_765 : memref<1x64x256xf32, #tpu.memory_space<hbm>> -> memref<64x256xf32, #tpu.memory_space<hbm>>
      tpu.enqueue_dma source(%arg10 : memref<64x256xf32, #tpu.memory_space<vmem>>) target(%dma_start3A_766 : memref<64x256xf32, #tpu.memory_space<hbm>>) target_semaphore(%arg16 : memref<!tpu.dma_semaphore, #tpu.memory_space<semaphore_mem>>)
      %gt3A_767 = arith.constant 0 : i32
      %gt3A_768 = arith.cmpi sgt, %scan3A_149, %gt3A_767 : i32
      %convert_element_type3A_769 = arith.extui %gt3A_768 : i1 to i32
      %cond3A_770 = arith.constant 0 : i32
      %cond3A_771 = arith.cmpi ne, %convert_element_type3A_769, %cond3A_770 : i32
      scf.if %cond3A_771 {
        %sub3A_1645 = arith.constant 1 : i32
        %sub3A_1646 = arith.subi %add3A_153, %sub3A_1645 : i32
        %jit3A_1647 = arith.constant 4 : i32
        %div3A_1648 = arith.divsi %sub3A_1646, %jit3A_1647 : i32
        %sign3A_1649 = arith.constant 0 : i32
        %sign3A_1650 = arith.cmpi sgt, %sub3A_1646, %sign3A_1649 : i32
        %sign3A_1651 = arith.extui %sign3A_1650 : i1 to i32
        %sign3A_1652 = arith.constant 0 : i32
        %sign3A_1653 = arith.cmpi slt, %sub3A_1646, %sign3A_1652 : i32
        %sign3A_1654 = arith.extui %sign3A_1653 : i1 to i32
        %sign3A_1655 = arith.subi %sign3A_1651, %sign3A_1654 : i32
        %sign3A_1656 = arith.constant 0 : i32
        %sign3A_1657 = arith.cmpi sgt, %jit3A_1647, %sign3A_1656 : i32
        %sign3A_1658 = arith.extui %sign3A_1657 : i1 to i32
        %sign3A_1659 = arith.constant 0 : i32
        %sign3A_1660 = arith.cmpi slt, %jit3A_1647, %sign3A_1659 : i32
        %sign3A_1661 = arith.extui %sign3A_1660 : i1 to i32
        %sign3A_1662 = arith.subi %sign3A_1658, %sign3A_1661 : i32
        %ne3A_1663 = arith.cmpi ne, %sign3A_1655, %sign3A_1662 : i32
        %rem3A_1664 = arith.remsi %sub3A_1646, %jit3A_1647 : i32
        %ne3A_1665 = arith.constant 0 : i32
        %ne3A_1666 = arith.cmpi ne, %rem3A_1664, %ne3A_1665 : i32
        %and3A_1667 = arith.andi %ne3A_1663, %ne3A_1666 : i1
        %sub3A_1668 = arith.constant 1 : i32
        %sub3A_1669 = arith.subi %div3A_1648, %sub3A_1668 : i32
        %select_n3A_1670 = arith.select %and3A_1667, %sub3A_1669, %div3A_1648 : i32
        %jit3A_1671 = arith.constant 4 : i32
        %eq3A_1672 = arith.constant 0 : i32
        %eq3A_1673 = arith.cmpi eq, %jit3A_1671, %eq3A_1672 : i32
        %jit3A_1674 = arith.constant 1 : i32
        %select_n3A_1675 = arith.select %eq3A_1673, %jit3A_1674, %jit3A_1671 : i32
        %rem3A_1676 = arith.remsi %sub3A_1646, %select_n3A_1675 : i32
        %ne3A_1677 = arith.constant 0 : i32
        %ne3A_1678 = arith.cmpi ne, %rem3A_1676, %ne3A_1677 : i32
        %lt3A_1679 = arith.constant 0 : i32
        %lt3A_1680 = arith.cmpi slt, %rem3A_1676, %lt3A_1679 : i32
        %lt3A_1681 = arith.constant 0 : i32
        %lt3A_1682 = arith.cmpi slt, %select_n3A_1675, %lt3A_1681 : i32
        %ne3A_1683 = arith.xori %lt3A_1680, %lt3A_1682 : i1
        %and3A_1684 = arith.andi %ne3A_1683, %ne3A_1678 : i1
        %add3A_1685 = arith.addi %rem3A_1676, %select_n3A_1675 : i32
        %select_n3A_1686 = arith.select %and3A_1684, %add3A_1685, %rem3A_1676 : i32
        %mul3A_1687 = arith.constant 128 : i32
        %mul3A_1688 = arith.muli %select_n3A_1686, %mul3A_1687 : i32
        %mul3A_1689 = arith.constant 32 : i32
        %mul3A_1690 = arith.muli %add3A, %mul3A_1689 : i32
        %add3A_1691 = arith.addi %mul3A_1690, %select_n3A_1670 : i32
        %dma_wait3A_1692 = arith.constant 0 : i32
        %dma_wait3A_1693 = tpu.memref_slice %arg5[%add3A_1691, %mul3A_1688, %dma_wait3A_1692] : memref<1024x512x256xf32, #tpu.memory_space<hbm>> -> memref<1x64x256xf32, #tpu.memory_space<hbm>>
        %dma_wait3A_1694 = tpu.memref_squeeze %dma_wait3A_1693 : memref<1x64x256xf32, #tpu.memory_space<hbm>> -> memref<64x256xf32, #tpu.memory_space<hbm>>
        %dma_wait3A_1695 = arith.constant 0 : i32
        %dma_wait3A_1696 = tpu.memref_slice %arg5[%add3A_1691, %mul3A_1688, %dma_wait3A_1695] : memref<1024x512x256xf32, #tpu.memory_space<hbm>> -> memref<1x64x256xf32, #tpu.memory_space<hbm>>
        %dma_wait3A_1697 = tpu.memref_squeeze %dma_wait3A_1696 : memref<1x64x256xf32, #tpu.memory_space<hbm>> -> memref<64x256xf32, #tpu.memory_space<hbm>>
        tpu.wait_dma2 semaphore(%arg17 : memref<!tpu.dma_semaphore, #tpu.memory_space<semaphore_mem>>) src(%arg11 : memref<64x256xf32, #tpu.memory_space<vmem>>) dst(%dma_wait3A_1697 : memref<64x256xf32, #tpu.memory_space<hbm>>)
      } else {
      }
      %add3A_772 = arith.constant 1 : i32
      %add3A_773 = arith.addi %add3A_153, %add3A_772 : i32
      %jit3A_774 = arith.constant 4 : i32
      %div3A_775 = arith.divsi %add3A_773, %jit3A_774 : i32
      %sign3A_776 = arith.constant 0 : i32
      %sign3A_777 = arith.cmpi sgt, %add3A_773, %sign3A_776 : i32
      %sign3A_778 = arith.extui %sign3A_777 : i1 to i32
      %sign3A_779 = arith.constant 0 : i32
      %sign3A_780 = arith.cmpi slt, %add3A_773, %sign3A_779 : i32
      %sign3A_781 = arith.extui %sign3A_780 : i1 to i32
      %sign3A_782 = arith.subi %sign3A_778, %sign3A_781 : i32
      %sign3A_783 = arith.constant 0 : i32
      %sign3A_784 = arith.cmpi sgt, %jit3A_774, %sign3A_783 : i32
      %sign3A_785 = arith.extui %sign3A_784 : i1 to i32
      %sign3A_786 = arith.constant 0 : i32
      %sign3A_787 = arith.cmpi slt, %jit3A_774, %sign3A_786 : i32
      %sign3A_788 = arith.extui %sign3A_787 : i1 to i32
      %sign3A_789 = arith.subi %sign3A_785, %sign3A_788 : i32
      %ne3A_790 = arith.cmpi ne, %sign3A_782, %sign3A_789 : i32
      %rem3A_791 = arith.remsi %add3A_773, %jit3A_774 : i32
      %ne3A_792 = arith.constant 0 : i32
      %ne3A_793 = arith.cmpi ne, %rem3A_791, %ne3A_792 : i32
      %and3A_794 = arith.andi %ne3A_790, %ne3A_793 : i1
      %sub3A_795 = arith.constant 1 : i32
      %sub3A_796 = arith.subi %div3A_775, %sub3A_795 : i32
      %select_n3A_797 = arith.select %and3A_794, %sub3A_796, %div3A_775 : i32
      %jit3A_798 = arith.constant 4 : i32
      %eq3A_799 = arith.constant 0 : i32
      %eq3A_800 = arith.cmpi eq, %jit3A_798, %eq3A_799 : i32
      %jit3A_801 = arith.constant 1 : i32
      %select_n3A_802 = arith.select %eq3A_800, %jit3A_801, %jit3A_798 : i32
      %rem3A_803 = arith.remsi %add3A_773, %select_n3A_802 : i32
      %ne3A_804 = arith.constant 0 : i32
      %ne3A_805 = arith.cmpi ne, %rem3A_803, %ne3A_804 : i32
      %lt3A_806 = arith.constant 0 : i32
      %lt3A_807 = arith.cmpi slt, %rem3A_803, %lt3A_806 : i32
      %lt3A_808 = arith.constant 0 : i32
      %lt3A_809 = arith.cmpi slt, %select_n3A_802, %lt3A_808 : i32
      %ne3A_810 = arith.xori %lt3A_807, %lt3A_809 : i1
      %and3A_811 = arith.andi %ne3A_810, %ne3A_805 : i1
      %add3A_812 = arith.addi %rem3A_803, %select_n3A_802 : i32
      %select_n3A_813 = arith.select %and3A_811, %add3A_812, %rem3A_803 : i32
      %mul3A_814 = arith.constant 128 : i32
      %mul3A_815 = arith.muli %select_n3A_813, %mul3A_814 : i32
      %add3A_816 = arith.constant 0 : i32
      %add3A_817 = arith.addi %mul3A_815, %add3A_816 : i32
      %get3A_818 = arith.index_cast %select_n3A_797 : i32 to index
      %get3A_819 = arith.index_cast %add3A_817 : i32 to index
      %get3A_820 = tpu.vector_load %arg6[%get3A_818, %get3A_819] {strides = array<i32>} : memref<32x1024xi32, #tpu.memory_space<vmem>>, vector<1x16xi32>,
      %get3A_821 = vector.shape_cast %get3A_820 : vector<1x16xi32> to vector<16xi32>
      %add3A_822 = arith.constant 512 : i32
      %add3A_823 = arith.addi %add3A_822, %mul3A_815 : i32
      %add3A_824 = arith.constant 0 : i32
      %add3A_825 = arith.addi %add3A_823, %add3A_824 : i32
      %get3A_826 = arith.index_cast %select_n3A_797 : i32 to index
      %get3A_827 = arith.index_cast %add3A_825 : i32 to index
      %get3A_828 = tpu.vector_load %arg6[%get3A_826, %get3A_827] {strides = array<i32>} : memref<32x1024xi32, #tpu.memory_space<vmem>>, vector<1x16xi32>,
      %get3A_829 = vector.shape_cast %get3A_828 : vector<1x16xi32> to vector<16xi32>
      %iota3A_830 = tpu.iota {dimensions = array<i32: 0>} : vector<16xi32>
      %mul3A_831 = arith.constant 64 : i32
      %mul3A_832 = arith.muli %add3A_773, %mul3A_831 : i32
      %add3A_833 = arith.constant 0 : i32
      %add3A_834 = arith.addi %mul3A_832, %add3A_833 : i32
      %add3A_835 = vector.broadcast %add3A_834 : i32 to vector<16xi32>
      %add3A_836 = arith.addi %iota3A_830, %add3A_835 : vector<16xi32>
      %and3A_837 = arith.constant 1023 : i32
      %and3A_838 = vector.broadcast %and3A_837 : i32 to vector<16xi32>
      %and3A_839 = arith.andi %add3A_836, %and3A_838 : vector<16xi32>
      %add3A_840 = arith.addi %get3A_829, %get3A_821 : vector<16xi32>
      %add3A_841 = arith.addi %add3A_840, %get3A_821 : vector<16xi32>
      %mul3A_842 = arith.constant 4 : i32
      %mul3A_843 = vector.broadcast %mul3A_842 : i32 to vector<16xi32>
      %mul3A_844 = arith.muli %and3A_839, %mul3A_843 : vector<16xi32>
      %add3A_845 = arith.addi %add3A_841, %mul3A_844 : vector<16xi32>
      %swap3A_846 = arith.constant 0 : index
      %swap3A_847 = tpu.vector_load %arg9[%swap3A_846] {strides = array<i32>} : memref<64xi32, #tpu.memory_space<vmem>>, vector<16xi32>,
      %swap3A_848 = vector.shape_cast %swap3A_847 : vector<16xi32> to vector<16xi32>
      %swap3A_849 = vector.shape_cast %add3A_845 : vector<16xi32> to vector<16xi32>
      tpu.vector_store %arg9[%swap3A_846], %swap3A_849 {strides = array<i32>} : memref<64xi32, #tpu.memory_space<vmem>>, vector<16xi32>,
      %add3A_850 = arith.constant 16 : i32
      %add3A_851 = arith.addi %mul3A_815, %add3A_850 : i32
      %get3A_852 = arith.index_cast %select_n3A_797 : i32 to index
      %get3A_853 = arith.index_cast %add3A_851 : i32 to index
      %get3A_854 = tpu.vector_load %arg6[%get3A_852, %get3A_853] {strides = array<i32>} : memref<32x1024xi32, #tpu.memory_space<vmem>>, vector<1x16xi32>,
      %get3A_855 = vector.shape_cast %get3A_854 : vector<1x16xi32> to vector<16xi32>
      %add3A_856 = arith.constant 512 : i32
      %add3A_857 = arith.addi %add3A_856, %mul3A_815 : i32
      %add3A_858 = arith.constant 16 : i32
      %add3A_859 = arith.addi %add3A_857, %add3A_858 : i32
      %get3A_860 = arith.index_cast %select_n3A_797 : i32 to index
      %get3A_861 = arith.index_cast %add3A_859 : i32 to index
      %get3A_862 = tpu.vector_load %arg6[%get3A_860, %get3A_861] {strides = array<i32>} : memref<32x1024xi32, #tpu.memory_space<vmem>>, vector<1x16xi32>,
      %get3A_863 = vector.shape_cast %get3A_862 : vector<1x16xi32> to vector<16xi32>
      %iota3A_864 = tpu.iota {dimensions = array<i32: 0>} : vector<16xi32>
      %mul3A_865 = arith.constant 64 : i32
      %mul3A_866 = arith.muli %add3A_773, %mul3A_865 : i32
      %add3A_867 = arith.constant 16 : i32
      %add3A_868 = arith.addi %mul3A_866, %add3A_867 : i32
      %add3A_869 = vector.broadcast %add3A_868 : i32 to vector<16xi32>
      %add3A_870 = arith.addi %iota3A_864, %add3A_869 : vector<16xi32>
      %and3A_871 = arith.constant 1023 : i32
      %and3A_872 = vector.broadcast %and3A_871 : i32 to vector<16xi32>
      %and3A_873 = arith.andi %add3A_870, %and3A_872 : vector<16xi32>
      %add3A_874 = arith.addi %get3A_863, %get3A_855 : vector<16xi32>
      %add3A_875 = arith.addi %add3A_874, %get3A_855 : vector<16xi32>
      %mul3A_876 = arith.constant 4 : i32
      %mul3A_877 = vector.broadcast %mul3A_876 : i32 to vector<16xi32>
      %mul3A_878 = arith.muli %and3A_873, %mul3A_877 : vector<16xi32>
      %add3A_879 = arith.addi %add3A_875, %mul3A_878 : vector<16xi32>
      %swap3A_880 = arith.constant 16 : index
      %swap3A_881 = tpu.vector_load %arg9[%swap3A_880] {strides = array<i32>} : memref<64xi32, #tpu.memory_space<vmem>>, vector<16xi32>,
      %swap3A_882 = vector.shape_cast %swap3A_881 : vector<16xi32> to vector<16xi32>
      %swap3A_883 = vector.shape_cast %add3A_879 : vector<16xi32> to vector<16xi32>
      tpu.vector_store %arg9[%swap3A_880], %swap3A_883 {strides = array<i32>} : memref<64xi32, #tpu.memory_space<vmem>>, vector<16xi32>,
      %add3A_884 = arith.constant 32 : i32
      %add3A_885 = arith.addi %mul3A_815, %add3A_884 : i32
      %get3A_886 = arith.index_cast %select_n3A_797 : i32 to index
      %get3A_887 = arith.index_cast %add3A_885 : i32 to index
      %get3A_888 = tpu.vector_load %arg6[%get3A_886, %get3A_887] {strides = array<i32>} : memref<32x1024xi32, #tpu.memory_space<vmem>>, vector<1x16xi32>,
      %get3A_889 = vector.shape_cast %get3A_888 : vector<1x16xi32> to vector<16xi32>
      %add3A_890 = arith.constant 512 : i32
      %add3A_891 = arith.addi %add3A_890, %mul3A_815 : i32
      %add3A_892 = arith.constant 32 : i32
      %add3A_893 = arith.addi %add3A_891, %add3A_892 : i32
      %get3A_894 = arith.index_cast %select_n3A_797 : i32 to index
      %get3A_895 = arith.index_cast %add3A_893 : i32 to index
      %get3A_896 = tpu.vector_load %arg6[%get3A_894, %get3A_895] {strides = array<i32>} : memref<32x1024xi32, #tpu.memory_space<vmem>>, vector<1x16xi32>,
      %get3A_897 = vector.shape_cast %get3A_896 : vector<1x16xi32> to vector<16xi32>
      %iota3A_898 = tpu.iota {dimensions = array<i32: 0>} : vector<16xi32>
      %mul3A_899 = arith.constant 64 : i32
      %mul3A_900 = arith.muli %add3A_773, %mul3A_899 : i32
      %add3A_901 = arith.constant 32 : i32
      %add3A_902 = arith.addi %mul3A_900, %add3A_901 : i32
      %add3A_903 = vector.broadcast %add3A_902 : i32 to vector<16xi32>
      %add3A_904 = arith.addi %iota3A_898, %add3A_903 : vector<16xi32>
      %and3A_905 = arith.constant 1023 : i32
      %and3A_906 = vector.broadcast %and3A_905 : i32 to vector<16xi32>
      %and3A_907 = arith.andi %add3A_904, %and3A_906 : vector<16xi32>
      %add3A_908 = arith.addi %get3A_897, %get3A_889 : vector<16xi32>
      %add3A_909 = arith.addi %add3A_908, %get3A_889 : vector<16xi32>
      %mul3A_910 = arith.constant 4 : i32
      %mul3A_911 = vector.broadcast %mul3A_910 : i32 to vector<16xi32>
      %mul3A_912 = arith.muli %and3A_907, %mul3A_911 : vector<16xi32>
      %add3A_913 = arith.addi %add3A_909, %mul3A_912 : vector<16xi32>
      %swap3A_914 = arith.constant 32 : index
      %swap3A_915 = tpu.vector_load %arg9[%swap3A_914] {strides = array<i32>} : memref<64xi32, #tpu.memory_space<vmem>>, vector<16xi32>,
      %swap3A_916 = vector.shape_cast %swap3A_915 : vector<16xi32> to vector<16xi32>
      %swap3A_917 = vector.shape_cast %add3A_913 : vector<16xi32> to vector<16xi32>
      tpu.vector_store %arg9[%swap3A_914], %swap3A_917 {strides = array<i32>} : memref<64xi32, #tpu.memory_space<vmem>>, vector<16xi32>,
      %add3A_918 = arith.constant 48 : i32
      %add3A_919 = arith.addi %mul3A_815, %add3A_918 : i32
      %get3A_920 = arith.index_cast %select_n3A_797 : i32 to index
      %get3A_921 = arith.index_cast %add3A_919 : i32 to index
      %get3A_922 = tpu.vector_load %arg6[%get3A_920, %get3A_921] {strides = array<i32>} : memref<32x1024xi32, #tpu.memory_space<vmem>>, vector<1x16xi32>,
      %get3A_923 = vector.shape_cast %get3A_922 : vector<1x16xi32> to vector<16xi32>
      %add3A_924 = arith.constant 512 : i32
      %add3A_925 = arith.addi %add3A_924, %mul3A_815 : i32
      %add3A_926 = arith.constant 48 : i32
      %add3A_927 = arith.addi %add3A_925, %add3A_926 : i32
      %get3A_928 = arith.index_cast %select_n3A_797 : i32 to index
      %get3A_929 = arith.index_cast %add3A_927 : i32 to index
      %get3A_930 = tpu.vector_load %arg6[%get3A_928, %get3A_929] {strides = array<i32>} : memref<32x1024xi32, #tpu.memory_space<vmem>>, vector<1x16xi32>,
      %get3A_931 = vector.shape_cast %get3A_930 : vector<1x16xi32> to vector<16xi32>
      %iota3A_932 = tpu.iota {dimensions = array<i32: 0>} : vector<16xi32>
      %mul3A_933 = arith.constant 64 : i32
      %mul3A_934 = arith.muli %add3A_773, %mul3A_933 : i32
      %add3A_935 = arith.constant 48 : i32
      %add3A_936 = arith.addi %mul3A_934, %add3A_935 : i32
      %add3A_937 = vector.broadcast %add3A_936 : i32 to vector<16xi32>
      %add3A_938 = arith.addi %iota3A_932, %add3A_937 : vector<16xi32>
      %and3A_939 = arith.constant 1023 : i32
      %and3A_940 = vector.broadcast %and3A_939 : i32 to vector<16xi32>
      %and3A_941 = arith.andi %add3A_938, %and3A_940 : vector<16xi32>
      %add3A_942 = arith.addi %get3A_931, %get3A_923 : vector<16xi32>
      %add3A_943 = arith.addi %add3A_942, %get3A_923 : vector<16xi32>
      %mul3A_944 = arith.constant 4 : i32
      %mul3A_945 = vector.broadcast %mul3A_944 : i32 to vector<16xi32>
      %mul3A_946 = arith.muli %and3A_941, %mul3A_945 : vector<16xi32>
      %add3A_947 = arith.addi %add3A_943, %mul3A_946 : vector<16xi32>
      %swap3A_948 = arith.constant 48 : index
      %swap3A_949 = tpu.vector_load %arg9[%swap3A_948] {strides = array<i32>} : memref<64xi32, #tpu.memory_space<vmem>>, vector<16xi32>,
      %swap3A_950 = vector.shape_cast %swap3A_949 : vector<16xi32> to vector<16xi32>
      %swap3A_951 = vector.shape_cast %add3A_947 : vector<16xi32> to vector<16xi32>
      tpu.vector_store %arg9[%swap3A_948], %swap3A_951 {strides = array<i32>} : memref<64xi32, #tpu.memory_space<vmem>>, vector<16xi32>,
      %dma_start3A_952 = arith.constant 0 : i32
      %dma_start3A_953 = arith.constant 0 : i32
      %dma_start3A_954 = tpu.memref_slice %arg3[%dma_start3A_952, %dma_start3A_953] : memref<4096x256xf32, #tpu.memory_space<hbm>> -> memref<4096x256xf32, #tpu.memory_space<hbm>>
      tpu.enqueue_indirect_dma source(%dma_start3A_954 : memref<4096x256xf32, #tpu.memory_space<hbm>>) target(%arg11 : memref<64x256xf32, #tpu.memory_space<vmem>>) offsets(%arg9 : memref<64xi32, #tpu.memory_space<vmem>>) semaphore(%arg15 : memref<!tpu.dma_semaphore, #tpu.memory_space<semaphore_mem>>)
      %mul3A_955 = arith.constant 2 : i32
      %mul3A_956 = arith.muli %scan3A_149, %mul3A_955 : i32
      %add3A_957 = arith.constant 1 : i32
      %add3A_958 = arith.addi %mul3A_956, %add3A_957 : i32
      %gt3A_959 = arith.constant 0 : i32
      %gt3A_960 = arith.cmpi sgt, %scan3A_149, %gt3A_959 : i32
      %convert_element_type3A_961 = arith.extui %gt3A_960 : i1 to i32
      %cond3A_962 = arith.constant 0 : i32
      %cond3A_963 = arith.cmpi ne, %convert_element_type3A_961, %cond3A_962 : i32
      scf.if %cond3A_963 {
        %sub3A_1645 = arith.constant 2 : i32
        %sub3A_1646 = arith.subi %add3A_958, %sub3A_1645 : i32
        %jit3A_1647 = arith.constant 4 : i32
        %div3A_1648 = arith.divsi %sub3A_1646, %jit3A_1647 : i32
        %sign3A_1649 = arith.constant 0 : i32
        %sign3A_1650 = arith.cmpi sgt, %sub3A_1646, %sign3A_1649 : i32
        %sign3A_1651 = arith.extui %sign3A_1650 : i1 to i32
        %sign3A_1652 = arith.constant 0 : i32
        %sign3A_1653 = arith.cmpi slt, %sub3A_1646, %sign3A_1652 : i32
        %sign3A_1654 = arith.extui %sign3A_1653 : i1 to i32
        %sign3A_1655 = arith.subi %sign3A_1651, %sign3A_1654 : i32
        %sign3A_1656 = arith.constant 0 : i32
        %sign3A_1657 = arith.cmpi sgt, %jit3A_1647, %sign3A_1656 : i32
        %sign3A_1658 = arith.extui %sign3A_1657 : i1 to i32
        %sign3A_1659 = arith.constant 0 : i32
        %sign3A_1660 = arith.cmpi slt, %jit3A_1647, %sign3A_1659 : i32
        %sign3A_1661 = arith.extui %sign3A_1660 : i1 to i32
        %sign3A_1662 = arith.subi %sign3A_1658, %sign3A_1661 : i32
        %ne3A_1663 = arith.cmpi ne, %sign3A_1655, %sign3A_1662 : i32
        %rem3A_1664 = arith.remsi %sub3A_1646, %jit3A_1647 : i32
        %ne3A_1665 = arith.constant 0 : i32
        %ne3A_1666 = arith.cmpi ne, %rem3A_1664, %ne3A_1665 : i32
        %and3A_1667 = arith.andi %ne3A_1663, %ne3A_1666 : i1
        %sub3A_1668 = arith.constant 1 : i32
        %sub3A_1669 = arith.subi %div3A_1648, %sub3A_1668 : i32
        %select_n3A_1670 = arith.select %and3A_1667, %sub3A_1669, %div3A_1648 : i32
        %jit3A_1671 = arith.constant 4 : i32
        %eq3A_1672 = arith.constant 0 : i32
        %eq3A_1673 = arith.cmpi eq, %jit3A_1671, %eq3A_1672 : i32
        %jit3A_1674 = arith.constant 1 : i32
        %select_n3A_1675 = arith.select %eq3A_1673, %jit3A_1674, %jit3A_1671 : i32
        %rem3A_1676 = arith.remsi %sub3A_1646, %select_n3A_1675 : i32
        %ne3A_1677 = arith.constant 0 : i32
        %ne3A_1678 = arith.cmpi ne, %rem3A_1676, %ne3A_1677 : i32
        %lt3A_1679 = arith.constant 0 : i32
        %lt3A_1680 = arith.cmpi slt, %rem3A_1676, %lt3A_1679 : i32
        %lt3A_1681 = arith.constant 0 : i32
        %lt3A_1682 = arith.cmpi slt, %select_n3A_1675, %lt3A_1681 : i32
        %ne3A_1683 = arith.xori %lt3A_1680, %lt3A_1682 : i1
        %and3A_1684 = arith.andi %ne3A_1683, %ne3A_1678 : i1
        %add3A_1685 = arith.addi %rem3A_1676, %select_n3A_1675 : i32
        %select_n3A_1686 = arith.select %and3A_1684, %add3A_1685, %rem3A_1676 : i32
        %mul3A_1687 = arith.constant 128 : i32
        %mul3A_1688 = arith.muli %select_n3A_1686, %mul3A_1687 : i32
        %mul3A_1689 = arith.constant 32 : i32
        %mul3A_1690 = arith.muli %add3A, %mul3A_1689 : i32
        %add3A_1691 = arith.addi %mul3A_1690, %select_n3A_1670 : i32
        %add3A_1692 = arith.constant 64 : i32
        %add3A_1693 = arith.addi %mul3A_1688, %add3A_1692 : i32
        %dma_wait3A_1694 = arith.constant 0 : i32
        %dma_wait3A_1695 = tpu.memref_slice %arg5[%add3A_1691, %add3A_1693, %dma_wait3A_1694] : memref<1024x512x256xf32, #tpu.memory_space<hbm>> -> memref<1x64x256xf32, #tpu.memory_space<hbm>>
        %dma_wait3A_1696 = tpu.memref_squeeze %dma_wait3A_1695 : memref<1x64x256xf32, #tpu.memory_space<hbm>> -> memref<64x256xf32, #tpu.memory_space<hbm>>
        %dma_wait3A_1697 = arith.constant 0 : i32
        %dma_wait3A_1698 = tpu.memref_slice %arg5[%add3A_1691, %add3A_1693, %dma_wait3A_1697] : memref<1024x512x256xf32, #tpu.memory_space<hbm>> -> memref<1x64x256xf32, #tpu.memory_space<hbm>>
        %dma_wait3A_1699 = tpu.memref_squeeze %dma_wait3A_1698 : memref<1x64x256xf32, #tpu.memory_space<hbm>> -> memref<64x256xf32, #tpu.memory_space<hbm>>
        tpu.wait_dma2 semaphore(%arg19 : memref<!tpu.dma_semaphore, #tpu.memory_space<semaphore_mem>>) src(%arg13 : memref<64x256xf32, #tpu.memory_space<vmem>>) dst(%dma_wait3A_1699 : memref<64x256xf32, #tpu.memory_space<hbm>>)
      } else {
      }
      %jit3A_964 = arith.constant 4 : i32
      %div3A_965 = arith.divsi %add3A_958, %jit3A_964 : i32
      %sign3A_966 = arith.constant 0 : i32
      %sign3A_967 = arith.cmpi sgt, %add3A_958, %sign3A_966 : i32
      %sign3A_968 = arith.extui %sign3A_967 : i1 to i32
      %sign3A_969 = arith.constant 0 : i32
      %sign3A_970 = arith.cmpi slt, %add3A_958, %sign3A_969 : i32
      %sign3A_971 = arith.extui %sign3A_970 : i1 to i32
      %sign3A_972 = arith.subi %sign3A_968, %sign3A_971 : i32
      %sign3A_973 = arith.constant 0 : i32
      %sign3A_974 = arith.cmpi sgt, %jit3A_964, %sign3A_973 : i32
      %sign3A_975 = arith.extui %sign3A_974 : i1 to i32
      %sign3A_976 = arith.constant 0 : i32
      %sign3A_977 = arith.cmpi slt, %jit3A_964, %sign3A_976 : i32
      %sign3A_978 = arith.extui %sign3A_977 : i1 to i32
      %sign3A_979 = arith.subi %sign3A_975, %sign3A_978 : i32
      %ne3A_980 = arith.cmpi ne, %sign3A_972, %sign3A_979 : i32
      %rem3A_981 = arith.remsi %add3A_958, %jit3A_964 : i32
      %ne3A_982 = arith.constant 0 : i32
      %ne3A_983 = arith.cmpi ne, %rem3A_981, %ne3A_982 : i32
      %and3A_984 = arith.andi %ne3A_980, %ne3A_983 : i1
      %sub3A_985 = arith.constant 1 : i32
      %sub3A_986 = arith.subi %div3A_965, %sub3A_985 : i32
      %select_n3A_987 = arith.select %and3A_984, %sub3A_986, %div3A_965 : i32
      %jit3A_988 = arith.constant 4 : i32
      %eq3A_989 = arith.constant 0 : i32
      %eq3A_990 = arith.cmpi eq, %jit3A_988, %eq3A_989 : i32
      %jit3A_991 = arith.constant 1 : i32
      %select_n3A_992 = arith.select %eq3A_990, %jit3A_991, %jit3A_988 : i32
      %rem3A_993 = arith.remsi %add3A_958, %select_n3A_992 : i32
      %ne3A_994 = arith.constant 0 : i32
      %ne3A_995 = arith.cmpi ne, %rem3A_993, %ne3A_994 : i32
      %lt3A_996 = arith.constant 0 : i32
      %lt3A_997 = arith.cmpi slt, %rem3A_993, %lt3A_996 : i32
      %lt3A_998 = arith.constant 0 : i32
      %lt3A_999 = arith.cmpi slt, %select_n3A_992, %lt3A_998 : i32
      %ne3A_1000 = arith.xori %lt3A_997, %lt3A_999 : i1
      %and3A_1001 = arith.andi %ne3A_1000, %ne3A_995 : i1
      %add3A_1002 = arith.addi %rem3A_993, %select_n3A_992 : i32
      %select_n3A_1003 = arith.select %and3A_1001, %add3A_1002, %rem3A_993 : i32
      %mul3A_1004 = arith.constant 128 : i32
      %mul3A_1005 = arith.muli %select_n3A_1003, %mul3A_1004 : i32
      %add3A_1006 = arith.constant 64 : i32
      %add3A_1007 = arith.addi %mul3A_1005, %add3A_1006 : i32
      %add3A_1008 = arith.constant 0 : i32
      %add3A_1009 = arith.addi %add3A_1007, %add3A_1008 : i32
      %get3A_1010 = arith.index_cast %select_n3A_987 : i32 to index
      %get3A_1011 = arith.index_cast %add3A_1009 : i32 to index
      %get3A_1012 = tpu.vector_load %arg6[%get3A_1010, %get3A_1011] {strides = array<i32>} : memref<32x1024xi32, #tpu.memory_space<vmem>>, vector<1x16xi32>,
      %get3A_1013 = vector.shape_cast %get3A_1012 : vector<1x16xi32> to vector<16xi32>
      %convert_element_type3A_1014 = arith.sitofp %get3A_1013 : vector<16xi32> to vector<16xf32>
      %add3A_1015 = arith.constant 512 : i32
      %add3A_1016 = arith.addi %add3A_1015, %add3A_1007 : i32
      %add3A_1017 = arith.constant 0 : i32
      %add3A_1018 = arith.addi %add3A_1016, %add3A_1017 : i32
      %get3A_1019 = arith.index_cast %select_n3A_987 : i32 to index
      %get3A_1020 = arith.index_cast %add3A_1018 : i32 to index
      %get3A_1021 = tpu.vector_load %arg6[%get3A_1019, %get3A_1020] {strides = array<i32>} : memref<32x1024xi32, #tpu.memory_space<vmem>>, vector<1x16xi32>,
      %get3A_1022 = vector.shape_cast %get3A_1021 : vector<1x16xi32> to vector<16xi32>
      %convert_element_type3A_1023 = arith.sitofp %get3A_1022 : vector<16xi32> to vector<16xf32>
      %slice3A_1024 = vector.extract_strided_slice %convert_element_type3A_1014 {offsets = [0], sizes = [1], strides = [1]} : vector<16xf32> to vector<1xf32>
      %squeeze3A_1025 = vector.extract %slice3A_1024[0] : f32 from vector<1xf32>
      %broadcast_in_dim3A_1026 = vector.broadcast %squeeze3A_1025 : f32 to vector<16xf32>
      %slice3A_1027 = vector.extract_strided_slice %convert_element_type3A_1014 {offsets = [1], sizes = [1], strides = [1]} : vector<16xf32> to vector<1xf32>
      %squeeze3A_1028 = vector.extract %slice3A_1027[0] : f32 from vector<1xf32>
      %broadcast_in_dim3A_1029 = vector.broadcast %squeeze3A_1028 : f32 to vector<16xf32>
      %slice3A_1030 = vector.extract_strided_slice %convert_element_type3A_1014 {offsets = [2], sizes = [1], strides = [1]} : vector<16xf32> to vector<1xf32>
      %squeeze3A_1031 = vector.extract %slice3A_1030[0] : f32 from vector<1xf32>
      %broadcast_in_dim3A_1032 = vector.broadcast %squeeze3A_1031 : f32 to vector<16xf32>
      %slice3A_1033 = vector.extract_strided_slice %convert_element_type3A_1014 {offsets = [3], sizes = [1], strides = [1]} : vector<16xf32> to vector<1xf32>
      %squeeze3A_1034 = vector.extract %slice3A_1033[0] : f32 from vector<1xf32>
      %broadcast_in_dim3A_1035 = vector.broadcast %squeeze3A_1034 : f32 to vector<16xf32>
      %slice3A_1036 = vector.extract_strided_slice %convert_element_type3A_1014 {offsets = [4], sizes = [1], strides = [1]} : vector<16xf32> to vector<1xf32>
      %squeeze3A_1037 = vector.extract %slice3A_1036[0] : f32 from vector<1xf32>
      %broadcast_in_dim3A_1038 = vector.broadcast %squeeze3A_1037 : f32 to vector<16xf32>
      %slice3A_1039 = vector.extract_strided_slice %convert_element_type3A_1014 {offsets = [5], sizes = [1], strides = [1]} : vector<16xf32> to vector<1xf32>
      %squeeze3A_1040 = vector.extract %slice3A_1039[0] : f32 from vector<1xf32>
      %broadcast_in_dim3A_1041 = vector.broadcast %squeeze3A_1040 : f32 to vector<16xf32>
      %slice3A_1042 = vector.extract_strided_slice %convert_element_type3A_1014 {offsets = [6], sizes = [1], strides = [1]} : vector<16xf32> to vector<1xf32>
      %squeeze3A_1043 = vector.extract %slice3A_1042[0] : f32 from vector<1xf32>
      %broadcast_in_dim3A_1044 = vector.broadcast %squeeze3A_1043 : f32 to vector<16xf32>
      %slice3A_1045 = vector.extract_strided_slice %convert_element_type3A_1014 {offsets = [7], sizes = [1], strides = [1]} : vector<16xf32> to vector<1xf32>
      %squeeze3A_1046 = vector.extract %slice3A_1045[0] : f32 from vector<1xf32>
      %broadcast_in_dim3A_1047 = vector.broadcast %squeeze3A_1046 : f32 to vector<16xf32>
      %slice3A_1048 = vector.extract_strided_slice %convert_element_type3A_1014 {offsets = [8], sizes = [1], strides = [1]} : vector<16xf32> to vector<1xf32>
      %squeeze3A_1049 = vector.extract %slice3A_1048[0] : f32 from vector<1xf32>
      %broadcast_in_dim3A_1050 = vector.broadcast %squeeze3A_1049 : f32 to vector<16xf32>
      %slice3A_1051 = vector.extract_strided_slice %convert_element_type3A_1014 {offsets = [9], sizes = [1], strides = [1]} : vector<16xf32> to vector<1xf32>
      %squeeze3A_1052 = vector.extract %slice3A_1051[0] : f32 from vector<1xf32>
      %broadcast_in_dim3A_1053 = vector.broadcast %squeeze3A_1052 : f32 to vector<16xf32>
      %slice3A_1054 = vector.extract_strided_slice %convert_element_type3A_1014 {offsets = [10], sizes = [1], strides = [1]} : vector<16xf32> to vector<1xf32>
      %squeeze3A_1055 = vector.extract %slice3A_1054[0] : f32 from vector<1xf32>
      %broadcast_in_dim3A_1056 = vector.broadcast %squeeze3A_1055 : f32 to vector<16xf32>
      %slice3A_1057 = vector.extract_strided_slice %convert_element_type3A_1014 {offsets = [11], sizes = [1], strides = [1]} : vector<16xf32> to vector<1xf32>
      %squeeze3A_1058 = vector.extract %slice3A_1057[0] : f32 from vector<1xf32>
      %broadcast_in_dim3A_1059 = vector.broadcast %squeeze3A_1058 : f32 to vector<16xf32>
      %slice3A_1060 = vector.extract_strided_slice %convert_element_type3A_1014 {offsets = [12], sizes = [1], strides = [1]} : vector<16xf32> to vector<1xf32>
      %squeeze3A_1061 = vector.extract %slice3A_1060[0] : f32 from vector<1xf32>
      %broadcast_in_dim3A_1062 = vector.broadcast %squeeze3A_1061 : f32 to vector<16xf32>
      %slice3A_1063 = vector.extract_strided_slice %convert_element_type3A_1014 {offsets = [13], sizes = [1], strides = [1]} : vector<16xf32> to vector<1xf32>
      %squeeze3A_1064 = vector.extract %slice3A_1063[0] : f32 from vector<1xf32>
      %broadcast_in_dim3A_1065 = vector.broadcast %squeeze3A_1064 : f32 to vector<16xf32>
      %slice3A_1066 = vector.extract_strided_slice %convert_element_type3A_1014 {offsets = [14], sizes = [1], strides = [1]} : vector<16xf32> to vector<1xf32>
      %squeeze3A_1067 = vector.extract %slice3A_1066[0] : f32 from vector<1xf32>
      %broadcast_in_dim3A_1068 = vector.broadcast %squeeze3A_1067 : f32 to vector<16xf32>
      %slice3A_1069 = vector.extract_strided_slice %convert_element_type3A_1014 {offsets = [15], sizes = [1], strides = [1]} : vector<16xf32> to vector<1xf32>
      %squeeze3A_1070 = vector.extract %slice3A_1069[0] : f32 from vector<1xf32>
      %broadcast_in_dim3A_1071 = vector.broadcast %squeeze3A_1070 : f32 to vector<16xf32>
      %slice3A_1072 = vector.extract_strided_slice %convert_element_type3A_1023 {offsets = [0], sizes = [1], strides = [1]} : vector<16xf32> to vector<1xf32>
      %squeeze3A_1073 = vector.extract %slice3A_1072[0] : f32 from vector<1xf32>
      %broadcast_in_dim3A_1074 = vector.broadcast %squeeze3A_1073 : f32 to vector<16xf32>
      %slice3A_1075 = vector.extract_strided_slice %convert_element_type3A_1023 {offsets = [1], sizes = [1], strides = [1]} : vector<16xf32> to vector<1xf32>
      %squeeze3A_1076 = vector.extract %slice3A_1075[0] : f32 from vector<1xf32>
      %broadcast_in_dim3A_1077 = vector.broadcast %squeeze3A_1076 : f32 to vector<16xf32>
      %slice3A_1078 = vector.extract_strided_slice %convert_element_type3A_1023 {offsets = [2], sizes = [1], strides = [1]} : vector<16xf32> to vector<1xf32>
      %squeeze3A_1079 = vector.extract %slice3A_1078[0] : f32 from vector<1xf32>
      %broadcast_in_dim3A_1080 = vector.broadcast %squeeze3A_1079 : f32 to vector<16xf32>
      %slice3A_1081 = vector.extract_strided_slice %convert_element_type3A_1023 {offsets = [3], sizes = [1], strides = [1]} : vector<16xf32> to vector<1xf32>
      %squeeze3A_1082 = vector.extract %slice3A_1081[0] : f32 from vector<1xf32>
      %broadcast_in_dim3A_1083 = vector.broadcast %squeeze3A_1082 : f32 to vector<16xf32>
      %slice3A_1084 = vector.extract_strided_slice %convert_element_type3A_1023 {offsets = [4], sizes = [1], strides = [1]} : vector<16xf32> to vector<1xf32>
      %squeeze3A_1085 = vector.extract %slice3A_1084[0] : f32 from vector<1xf32>
      %broadcast_in_dim3A_1086 = vector.broadcast %squeeze3A_1085 : f32 to vector<16xf32>
      %slice3A_1087 = vector.extract_strided_slice %convert_element_type3A_1023 {offsets = [5], sizes = [1], strides = [1]} : vector<16xf32> to vector<1xf32>
      %squeeze3A_1088 = vector.extract %slice3A_1087[0] : f32 from vector<1xf32>
      %broadcast_in_dim3A_1089 = vector.broadcast %squeeze3A_1088 : f32 to vector<16xf32>
      %slice3A_1090 = vector.extract_strided_slice %convert_element_type3A_1023 {offsets = [6], sizes = [1], strides = [1]} : vector<16xf32> to vector<1xf32>
      %squeeze3A_1091 = vector.extract %slice3A_1090[0] : f32 from vector<1xf32>
      %broadcast_in_dim3A_1092 = vector.broadcast %squeeze3A_1091 : f32 to vector<16xf32>
      %slice3A_1093 = vector.extract_strided_slice %convert_element_type3A_1023 {offsets = [7], sizes = [1], strides = [1]} : vector<16xf32> to vector<1xf32>
      %squeeze3A_1094 = vector.extract %slice3A_1093[0] : f32 from vector<1xf32>
      %broadcast_in_dim3A_1095 = vector.broadcast %squeeze3A_1094 : f32 to vector<16xf32>
      %slice3A_1096 = vector.extract_strided_slice %convert_element_type3A_1023 {offsets = [8], sizes = [1], strides = [1]} : vector<16xf32> to vector<1xf32>
      %squeeze3A_1097 = vector.extract %slice3A_1096[0] : f32 from vector<1xf32>
      %broadcast_in_dim3A_1098 = vector.broadcast %squeeze3A_1097 : f32 to vector<16xf32>
      %slice3A_1099 = vector.extract_strided_slice %convert_element_type3A_1023 {offsets = [9], sizes = [1], strides = [1]} : vector<16xf32> to vector<1xf32>
      %squeeze3A_1100 = vector.extract %slice3A_1099[0] : f32 from vector<1xf32>
      %broadcast_in_dim3A_1101 = vector.broadcast %squeeze3A_1100 : f32 to vector<16xf32>
      %slice3A_1102 = vector.extract_strided_slice %convert_element_type3A_1023 {offsets = [10], sizes = [1], strides = [1]} : vector<16xf32> to vector<1xf32>
      %squeeze3A_1103 = vector.extract %slice3A_1102[0] : f32 from vector<1xf32>
      %broadcast_in_dim3A_1104 = vector.broadcast %squeeze3A_1103 : f32 to vector<16xf32>
      %slice3A_1105 = vector.extract_strided_slice %convert_element_type3A_1023 {offsets = [11], sizes = [1], strides = [1]} : vector<16xf32> to vector<1xf32>
      %squeeze3A_1106 = vector.extract %slice3A_1105[0] : f32 from vector<1xf32>
      %broadcast_in_dim3A_1107 = vector.broadcast %squeeze3A_1106 : f32 to vector<16xf32>
      %slice3A_1108 = vector.extract_strided_slice %convert_element_type3A_1023 {offsets = [12], sizes = [1], strides = [1]} : vector<16xf32> to vector<1xf32>
      %squeeze3A_1109 = vector.extract %slice3A_1108[0] : f32 from vector<1xf32>
      %broadcast_in_dim3A_1110 = vector.broadcast %squeeze3A_1109 : f32 to vector<16xf32>
      %slice3A_1111 = vector.extract_strided_slice %convert_element_type3A_1023 {offsets = [13], sizes = [1], strides = [1]} : vector<16xf32> to vector<1xf32>
      %squeeze3A_1112 = vector.extract %slice3A_1111[0] : f32 from vector<1xf32>
      %broadcast_in_dim3A_1113 = vector.broadcast %squeeze3A_1112 : f32 to vector<16xf32>
      %slice3A_1114 = vector.extract_strided_slice %convert_element_type3A_1023 {offsets = [14], sizes = [1], strides = [1]} : vector<16xf32> to vector<1xf32>
      %squeeze3A_1115 = vector.extract %slice3A_1114[0] : f32 from vector<1xf32>
      %broadcast_in_dim3A_1116 = vector.broadcast %squeeze3A_1115 : f32 to vector<16xf32>
      %slice3A_1117 = vector.extract_strided_slice %convert_element_type3A_1023 {offsets = [15], sizes = [1], strides = [1]} : vector<16xf32> to vector<1xf32>
      %squeeze3A_1118 = vector.extract %slice3A_1117[0] : f32 from vector<1xf32>
      %broadcast_in_dim3A_1119 = vector.broadcast %squeeze3A_1118 : f32 to vector<16xf32>
      %scan3A_1120 = arith.constant 0 : i32
      %scan3A_1121 = arith.constant 0 : i32
      %scan3A_1122 = arith.constant 16 : i32
      %scan3A_1123 = arith.addi %scan3A_1121, %scan3A_1122 : i32
      %scan3A_1124 = arith.constant 1 : i32
      scf.for %scan3A_1645 = %scan3A_1121 to %scan3A_1123 step %scan3A_1124  : i32 {
        %mul3A_1646 = arith.constant 16 : i32
        %mul3A_1647 = arith.muli %scan3A_1645, %mul3A_1646 : i32
        %get3A_1648 = arith.constant 0 : i32
        %get3A_1649 = arith.index_cast %get3A_1648 : i32 to index
        %get3A_1650 = arith.index_cast %mul3A_1647 : i32 to index
        %get3A_1651 = tpu.vector_load %arg7[%get3A_1649, %get3A_1650] {strides = array<i32>} : memref<4x256xf32, #tpu.memory_space<vmem>>, vector<1x16xf32>,
        %get3A_1652 = vector.shape_cast %get3A_1651 : vector<1x16xf32> to vector<16xf32>
        %get3A_1653 = arith.constant 1 : i32
        %get3A_1654 = arith.index_cast %get3A_1653 : i32 to index
        %get3A_1655 = arith.index_cast %mul3A_1647 : i32 to index
        %get3A_1656 = tpu.vector_load %arg7[%get3A_1654, %get3A_1655] {strides = array<i32>} : memref<4x256xf32, #tpu.memory_space<vmem>>, vector<1x16xf32>,
        %get3A_1657 = vector.shape_cast %get3A_1656 : vector<1x16xf32> to vector<16xf32>
        %get3A_1658 = arith.constant 2 : i32
        %get3A_1659 = arith.index_cast %get3A_1658 : i32 to index
        %get3A_1660 = arith.index_cast %mul3A_1647 : i32 to index
        %get3A_1661 = tpu.vector_load %arg7[%get3A_1659, %get3A_1660] {strides = array<i32>} : memref<4x256xf32, #tpu.memory_space<vmem>>, vector<1x16xf32>,
        %get3A_1662 = vector.shape_cast %get3A_1661 : vector<1x16xf32> to vector<16xf32>
        %get3A_1663 = arith.constant 3 : i32
        %get3A_1664 = arith.index_cast %get3A_1663 : i32 to index
        %get3A_1665 = arith.index_cast %mul3A_1647 : i32 to index
        %get3A_1666 = tpu.vector_load %arg7[%get3A_1664, %get3A_1665] {strides = array<i32>} : memref<4x256xf32, #tpu.memory_space<vmem>>, vector<1x16xf32>,
        %get3A_1667 = vector.shape_cast %get3A_1666 : vector<1x16xf32> to vector<16xf32>
        %mul3A_1668 = arith.mulf %broadcast_in_dim3A_1074, %get3A_1657 : vector<16xf32>
        %add3A_1669 = arith.addf %get3A_1652, %mul3A_1668 : vector<16xf32>
        %mul3A_1670 = arith.mulf %broadcast_in_dim3A_1074, %get3A_1667 : vector<16xf32>
        %add3A_1671 = arith.addf %get3A_1662, %mul3A_1670 : vector<16xf32>
        %mul3A_1672 = arith.mulf %broadcast_in_dim3A_1026, %add3A_1671 : vector<16xf32>
        %add3A_1673 = arith.addf %add3A_1669, %mul3A_1672 : vector<16xf32>
        %swap3A_1674 = arith.constant 0 : i32
        %swap3A_1675 = arith.index_cast %swap3A_1674 : i32 to index
        %swap3A_1676 = arith.index_cast %mul3A_1647 : i32 to index
        %swap3A_1677 = tpu.vector_load %arg13[%swap3A_1675, %swap3A_1676] {strides = array<i32>} : memref<64x256xf32, #tpu.memory_space<vmem>>, vector<1x16xf32>,
        %swap3A_1678 = vector.shape_cast %swap3A_1677 : vector<1x16xf32> to vector<16xf32>
        %swap3A_1679 = vector.shape_cast %add3A_1673 : vector<16xf32> to vector<1x16xf32>
        tpu.vector_store %arg13[%swap3A_1675, %swap3A_1676], %swap3A_1679 {strides = array<i32>} : memref<64x256xf32, #tpu.memory_space<vmem>>, vector<1x16xf32>,
        %mul3A_1680 = arith.mulf %broadcast_in_dim3A_1077, %get3A_1657 : vector<16xf32>
        %add3A_1681 = arith.addf %get3A_1652, %mul3A_1680 : vector<16xf32>
        %mul3A_1682 = arith.mulf %broadcast_in_dim3A_1077, %get3A_1667 : vector<16xf32>
        %add3A_1683 = arith.addf %get3A_1662, %mul3A_1682 : vector<16xf32>
        %mul3A_1684 = arith.mulf %broadcast_in_dim3A_1029, %add3A_1683 : vector<16xf32>
        %add3A_1685 = arith.addf %add3A_1681, %mul3A_1684 : vector<16xf32>
        %swap3A_1686 = arith.constant 1 : i32
        %swap3A_1687 = arith.index_cast %swap3A_1686 : i32 to index
        %swap3A_1688 = arith.index_cast %mul3A_1647 : i32 to index
        %swap3A_1689 = tpu.vector_load %arg13[%swap3A_1687, %swap3A_1688] {strides = array<i32>} : memref<64x256xf32, #tpu.memory_space<vmem>>, vector<1x16xf32>,
        %swap3A_1690 = vector.shape_cast %swap3A_1689 : vector<1x16xf32> to vector<16xf32>
        %swap3A_1691 = vector.shape_cast %add3A_1685 : vector<16xf32> to vector<1x16xf32>
        tpu.vector_store %arg13[%swap3A_1687, %swap3A_1688], %swap3A_1691 {strides = array<i32>} : memref<64x256xf32, #tpu.memory_space<vmem>>, vector<1x16xf32>,
        %mul3A_1692 = arith.mulf %broadcast_in_dim3A_1080, %get3A_1657 : vector<16xf32>
        %add3A_1693 = arith.addf %get3A_1652, %mul3A_1692 : vector<16xf32>
        %mul3A_1694 = arith.mulf %broadcast_in_dim3A_1080, %get3A_1667 : vector<16xf32>
        %add3A_1695 = arith.addf %get3A_1662, %mul3A_1694 : vector<16xf32>
        %mul3A_1696 = arith.mulf %broadcast_in_dim3A_1032, %add3A_1695 : vector<16xf32>
        %add3A_1697 = arith.addf %add3A_1693, %mul3A_1696 : vector<16xf32>
        %swap3A_1698 = arith.constant 2 : i32
        %swap3A_1699 = arith.index_cast %swap3A_1698 : i32 to index
        %swap3A_1700 = arith.index_cast %mul3A_1647 : i32 to index
        %swap3A_1701 = tpu.vector_load %arg13[%swap3A_1699, %swap3A_1700] {strides = array<i32>} : memref<64x256xf32, #tpu.memory_space<vmem>>, vector<1x16xf32>,
        %swap3A_1702 = vector.shape_cast %swap3A_1701 : vector<1x16xf32> to vector<16xf32>
        %swap3A_1703 = vector.shape_cast %add3A_1697 : vector<16xf32> to vector<1x16xf32>
        tpu.vector_store %arg13[%swap3A_1699, %swap3A_1700], %swap3A_1703 {strides = array<i32>} : memref<64x256xf32, #tpu.memory_space<vmem>>, vector<1x16xf32>,
        %mul3A_1704 = arith.mulf %broadcast_in_dim3A_1083, %get3A_1657 : vector<16xf32>
        %add3A_1705 = arith.addf %get3A_1652, %mul3A_1704 : vector<16xf32>
        %mul3A_1706 = arith.mulf %broadcast_in_dim3A_1083, %get3A_1667 : vector<16xf32>
        %add3A_1707 = arith.addf %get3A_1662, %mul3A_1706 : vector<16xf32>
        %mul3A_1708 = arith.mulf %broadcast_in_dim3A_1035, %add3A_1707 : vector<16xf32>
        %add3A_1709 = arith.addf %add3A_1705, %mul3A_1708 : vector<16xf32>
        %swap3A_1710 = arith.constant 3 : i32
        %swap3A_1711 = arith.index_cast %swap3A_1710 : i32 to index
        %swap3A_1712 = arith.index_cast %mul3A_1647 : i32 to index
        %swap3A_1713 = tpu.vector_load %arg13[%swap3A_1711, %swap3A_1712] {strides = array<i32>} : memref<64x256xf32, #tpu.memory_space<vmem>>, vector<1x16xf32>,
        %swap3A_1714 = vector.shape_cast %swap3A_1713 : vector<1x16xf32> to vector<16xf32>
        %swap3A_1715 = vector.shape_cast %add3A_1709 : vector<16xf32> to vector<1x16xf32>
        tpu.vector_store %arg13[%swap3A_1711, %swap3A_1712], %swap3A_1715 {strides = array<i32>} : memref<64x256xf32, #tpu.memory_space<vmem>>, vector<1x16xf32>,
        %mul3A_1716 = arith.mulf %broadcast_in_dim3A_1086, %get3A_1657 : vector<16xf32>
        %add3A_1717 = arith.addf %get3A_1652, %mul3A_1716 : vector<16xf32>
        %mul3A_1718 = arith.mulf %broadcast_in_dim3A_1086, %get3A_1667 : vector<16xf32>
        %add3A_1719 = arith.addf %get3A_1662, %mul3A_1718 : vector<16xf32>
        %mul3A_1720 = arith.mulf %broadcast_in_dim3A_1038, %add3A_1719 : vector<16xf32>
        %add3A_1721 = arith.addf %add3A_1717, %mul3A_1720 : vector<16xf32>
        %swap3A_1722 = arith.constant 4 : i32
        %swap3A_1723 = arith.index_cast %swap3A_1722 : i32 to index
        %swap3A_1724 = arith.index_cast %mul3A_1647 : i32 to index
        %swap3A_1725 = tpu.vector_load %arg13[%swap3A_1723, %swap3A_1724] {strides = array<i32>} : memref<64x256xf32, #tpu.memory_space<vmem>>, vector<1x16xf32>,
        %swap3A_1726 = vector.shape_cast %swap3A_1725 : vector<1x16xf32> to vector<16xf32>
        %swap3A_1727 = vector.shape_cast %add3A_1721 : vector<16xf32> to vector<1x16xf32>
        tpu.vector_store %arg13[%swap3A_1723, %swap3A_1724], %swap3A_1727 {strides = array<i32>} : memref<64x256xf32, #tpu.memory_space<vmem>>, vector<1x16xf32>,
        %mul3A_1728 = arith.mulf %broadcast_in_dim3A_1089, %get3A_1657 : vector<16xf32>
        %add3A_1729 = arith.addf %get3A_1652, %mul3A_1728 : vector<16xf32>
        %mul3A_1730 = arith.mulf %broadcast_in_dim3A_1089, %get3A_1667 : vector<16xf32>
        %add3A_1731 = arith.addf %get3A_1662, %mul3A_1730 : vector<16xf32>
        %mul3A_1732 = arith.mulf %broadcast_in_dim3A_1041, %add3A_1731 : vector<16xf32>
        %add3A_1733 = arith.addf %add3A_1729, %mul3A_1732 : vector<16xf32>
        %swap3A_1734 = arith.constant 5 : i32
        %swap3A_1735 = arith.index_cast %swap3A_1734 : i32 to index
        %swap3A_1736 = arith.index_cast %mul3A_1647 : i32 to index
        %swap3A_1737 = tpu.vector_load %arg13[%swap3A_1735, %swap3A_1736] {strides = array<i32>} : memref<64x256xf32, #tpu.memory_space<vmem>>, vector<1x16xf32>,
        %swap3A_1738 = vector.shape_cast %swap3A_1737 : vector<1x16xf32> to vector<16xf32>
        %swap3A_1739 = vector.shape_cast %add3A_1733 : vector<16xf32> to vector<1x16xf32>
        tpu.vector_store %arg13[%swap3A_1735, %swap3A_1736], %swap3A_1739 {strides = array<i32>} : memref<64x256xf32, #tpu.memory_space<vmem>>, vector<1x16xf32>,
        %mul3A_1740 = arith.mulf %broadcast_in_dim3A_1092, %get3A_1657 : vector<16xf32>
        %add3A_1741 = arith.addf %get3A_1652, %mul3A_1740 : vector<16xf32>
        %mul3A_1742 = arith.mulf %broadcast_in_dim3A_1092, %get3A_1667 : vector<16xf32>
        %add3A_1743 = arith.addf %get3A_1662, %mul3A_1742 : vector<16xf32>
        %mul3A_1744 = arith.mulf %broadcast_in_dim3A_1044, %add3A_1743 : vector<16xf32>
        %add3A_1745 = arith.addf %add3A_1741, %mul3A_1744 : vector<16xf32>
        %swap3A_1746 = arith.constant 6 : i32
        %swap3A_1747 = arith.index_cast %swap3A_1746 : i32 to index
        %swap3A_1748 = arith.index_cast %mul3A_1647 : i32 to index
        %swap3A_1749 = tpu.vector_load %arg13[%swap3A_1747, %swap3A_1748] {strides = array<i32>} : memref<64x256xf32, #tpu.memory_space<vmem>>, vector<1x16xf32>,
        %swap3A_1750 = vector.shape_cast %swap3A_1749 : vector<1x16xf32> to vector<16xf32>
        %swap3A_1751 = vector.shape_cast %add3A_1745 : vector<16xf32> to vector<1x16xf32>
        tpu.vector_store %arg13[%swap3A_1747, %swap3A_1748], %swap3A_1751 {strides = array<i32>} : memref<64x256xf32, #tpu.memory_space<vmem>>, vector<1x16xf32>,
        %mul3A_1752 = arith.mulf %broadcast_in_dim3A_1095, %get3A_1657 : vector<16xf32>
        %add3A_1753 = arith.addf %get3A_1652, %mul3A_1752 : vector<16xf32>
        %mul3A_1754 = arith.mulf %broadcast_in_dim3A_1095, %get3A_1667 : vector<16xf32>
        %add3A_1755 = arith.addf %get3A_1662, %mul3A_1754 : vector<16xf32>
        %mul3A_1756 = arith.mulf %broadcast_in_dim3A_1047, %add3A_1755 : vector<16xf32>
        %add3A_1757 = arith.addf %add3A_1753, %mul3A_1756 : vector<16xf32>
        %swap3A_1758 = arith.constant 7 : i32
        %swap3A_1759 = arith.index_cast %swap3A_1758 : i32 to index
        %swap3A_1760 = arith.index_cast %mul3A_1647 : i32 to index
        %swap3A_1761 = tpu.vector_load %arg13[%swap3A_1759, %swap3A_1760] {strides = array<i32>} : memref<64x256xf32, #tpu.memory_space<vmem>>, vector<1x16xf32>,
        %swap3A_1762 = vector.shape_cast %swap3A_1761 : vector<1x16xf32> to vector<16xf32>
        %swap3A_1763 = vector.shape_cast %add3A_1757 : vector<16xf32> to vector<1x16xf32>
        tpu.vector_store %arg13[%swap3A_1759, %swap3A_1760], %swap3A_1763 {strides = array<i32>} : memref<64x256xf32, #tpu.memory_space<vmem>>, vector<1x16xf32>,
        %mul3A_1764 = arith.mulf %broadcast_in_dim3A_1098, %get3A_1657 : vector<16xf32>
        %add3A_1765 = arith.addf %get3A_1652, %mul3A_1764 : vector<16xf32>
        %mul3A_1766 = arith.mulf %broadcast_in_dim3A_1098, %get3A_1667 : vector<16xf32>
        %add3A_1767 = arith.addf %get3A_1662, %mul3A_1766 : vector<16xf32>
        %mul3A_1768 = arith.mulf %broadcast_in_dim3A_1050, %add3A_1767 : vector<16xf32>
        %add3A_1769 = arith.addf %add3A_1765, %mul3A_1768 : vector<16xf32>
        %swap3A_1770 = arith.constant 8 : i32
        %swap3A_1771 = arith.index_cast %swap3A_1770 : i32 to index
        %swap3A_1772 = arith.index_cast %mul3A_1647 : i32 to index
        %swap3A_1773 = tpu.vector_load %arg13[%swap3A_1771, %swap3A_1772] {strides = array<i32>} : memref<64x256xf32, #tpu.memory_space<vmem>>, vector<1x16xf32>,
        %swap3A_1774 = vector.shape_cast %swap3A_1773 : vector<1x16xf32> to vector<16xf32>
        %swap3A_1775 = vector.shape_cast %add3A_1769 : vector<16xf32> to vector<1x16xf32>
        tpu.vector_store %arg13[%swap3A_1771, %swap3A_1772], %swap3A_1775 {strides = array<i32>} : memref<64x256xf32, #tpu.memory_space<vmem>>, vector<1x16xf32>,
        %mul3A_1776 = arith.mulf %broadcast_in_dim3A_1101, %get3A_1657 : vector<16xf32>
        %add3A_1777 = arith.addf %get3A_1652, %mul3A_1776 : vector<16xf32>
        %mul3A_1778 = arith.mulf %broadcast_in_dim3A_1101, %get3A_1667 : vector<16xf32>
        %add3A_1779 = arith.addf %get3A_1662, %mul3A_1778 : vector<16xf32>
        %mul3A_1780 = arith.mulf %broadcast_in_dim3A_1053, %add3A_1779 : vector<16xf32>
        %add3A_1781 = arith.addf %add3A_1777, %mul3A_1780 : vector<16xf32>
        %swap3A_1782 = arith.constant 9 : i32
        %swap3A_1783 = arith.index_cast %swap3A_1782 : i32 to index
        %swap3A_1784 = arith.index_cast %mul3A_1647 : i32 to index
        %swap3A_1785 = tpu.vector_load %arg13[%swap3A_1783, %swap3A_1784] {strides = array<i32>} : memref<64x256xf32, #tpu.memory_space<vmem>>, vector<1x16xf32>,
        %swap3A_1786 = vector.shape_cast %swap3A_1785 : vector<1x16xf32> to vector<16xf32>
        %swap3A_1787 = vector.shape_cast %add3A_1781 : vector<16xf32> to vector<1x16xf32>
        tpu.vector_store %arg13[%swap3A_1783, %swap3A_1784], %swap3A_1787 {strides = array<i32>} : memref<64x256xf32, #tpu.memory_space<vmem>>, vector<1x16xf32>,
        %mul3A_1788 = arith.mulf %broadcast_in_dim3A_1104, %get3A_1657 : vector<16xf32>
        %add3A_1789 = arith.addf %get3A_1652, %mul3A_1788 : vector<16xf32>
        %mul3A_1790 = arith.mulf %broadcast_in_dim3A_1104, %get3A_1667 : vector<16xf32>
        %add3A_1791 = arith.addf %get3A_1662, %mul3A_1790 : vector<16xf32>
        %mul3A_1792 = arith.mulf %broadcast_in_dim3A_1056, %add3A_1791 : vector<16xf32>
        %add3A_1793 = arith.addf %add3A_1789, %mul3A_1792 : vector<16xf32>
        %swap3A_1794 = arith.constant 10 : i32
        %swap3A_1795 = arith.index_cast %swap3A_1794 : i32 to index
        %swap3A_1796 = arith.index_cast %mul3A_1647 : i32 to index
        %swap3A_1797 = tpu.vector_load %arg13[%swap3A_1795, %swap3A_1796] {strides = array<i32>} : memref<64x256xf32, #tpu.memory_space<vmem>>, vector<1x16xf32>,
        %swap3A_1798 = vector.shape_cast %swap3A_1797 : vector<1x16xf32> to vector<16xf32>
        %swap3A_1799 = vector.shape_cast %add3A_1793 : vector<16xf32> to vector<1x16xf32>
        tpu.vector_store %arg13[%swap3A_1795, %swap3A_1796], %swap3A_1799 {strides = array<i32>} : memref<64x256xf32, #tpu.memory_space<vmem>>, vector<1x16xf32>,
        %mul3A_1800 = arith.mulf %broadcast_in_dim3A_1107, %get3A_1657 : vector<16xf32>
        %add3A_1801 = arith.addf %get3A_1652, %mul3A_1800 : vector<16xf32>
        %mul3A_1802 = arith.mulf %broadcast_in_dim3A_1107, %get3A_1667 : vector<16xf32>
        %add3A_1803 = arith.addf %get3A_1662, %mul3A_1802 : vector<16xf32>
        %mul3A_1804 = arith.mulf %broadcast_in_dim3A_1059, %add3A_1803 : vector<16xf32>
        %add3A_1805 = arith.addf %add3A_1801, %mul3A_1804 : vector<16xf32>
        %swap3A_1806 = arith.constant 11 : i32
        %swap3A_1807 = arith.index_cast %swap3A_1806 : i32 to index
        %swap3A_1808 = arith.index_cast %mul3A_1647 : i32 to index
        %swap3A_1809 = tpu.vector_load %arg13[%swap3A_1807, %swap3A_1808] {strides = array<i32>} : memref<64x256xf32, #tpu.memory_space<vmem>>, vector<1x16xf32>,
        %swap3A_1810 = vector.shape_cast %swap3A_1809 : vector<1x16xf32> to vector<16xf32>
        %swap3A_1811 = vector.shape_cast %add3A_1805 : vector<16xf32> to vector<1x16xf32>
        tpu.vector_store %arg13[%swap3A_1807, %swap3A_1808], %swap3A_1811 {strides = array<i32>} : memref<64x256xf32, #tpu.memory_space<vmem>>, vector<1x16xf32>,
        %mul3A_1812 = arith.mulf %broadcast_in_dim3A_1110, %get3A_1657 : vector<16xf32>
        %add3A_1813 = arith.addf %get3A_1652, %mul3A_1812 : vector<16xf32>
        %mul3A_1814 = arith.mulf %broadcast_in_dim3A_1110, %get3A_1667 : vector<16xf32>
        %add3A_1815 = arith.addf %get3A_1662, %mul3A_1814 : vector<16xf32>
        %mul3A_1816 = arith.mulf %broadcast_in_dim3A_1062, %add3A_1815 : vector<16xf32>
        %add3A_1817 = arith.addf %add3A_1813, %mul3A_1816 : vector<16xf32>
        %swap3A_1818 = arith.constant 12 : i32
        %swap3A_1819 = arith.index_cast %swap3A_1818 : i32 to index
        %swap3A_1820 = arith.index_cast %mul3A_1647 : i32 to index
        %swap3A_1821 = tpu.vector_load %arg13[%swap3A_1819, %swap3A_1820] {strides = array<i32>} : memref<64x256xf32, #tpu.memory_space<vmem>>, vector<1x16xf32>,
        %swap3A_1822 = vector.shape_cast %swap3A_1821 : vector<1x16xf32> to vector<16xf32>
        %swap3A_1823 = vector.shape_cast %add3A_1817 : vector<16xf32> to vector<1x16xf32>
        tpu.vector_store %arg13[%swap3A_1819, %swap3A_1820], %swap3A_1823 {strides = array<i32>} : memref<64x256xf32, #tpu.memory_space<vmem>>, vector<1x16xf32>,
        %mul3A_1824 = arith.mulf %broadcast_in_dim3A_1113, %get3A_1657 : vector<16xf32>
        %add3A_1825 = arith.addf %get3A_1652, %mul3A_1824 : vector<16xf32>
        %mul3A_1826 = arith.mulf %broadcast_in_dim3A_1113, %get3A_1667 : vector<16xf32>
        %add3A_1827 = arith.addf %get3A_1662, %mul3A_1826 : vector<16xf32>
        %mul3A_1828 = arith.mulf %broadcast_in_dim3A_1065, %add3A_1827 : vector<16xf32>
        %add3A_1829 = arith.addf %add3A_1825, %mul3A_1828 : vector<16xf32>
        %swap3A_1830 = arith.constant 13 : i32
        %swap3A_1831 = arith.index_cast %swap3A_1830 : i32 to index
        %swap3A_1832 = arith.index_cast %mul3A_1647 : i32 to index
        %swap3A_1833 = tpu.vector_load %arg13[%swap3A_1831, %swap3A_1832] {strides = array<i32>} : memref<64x256xf32, #tpu.memory_space<vmem>>, vector<1x16xf32>,
        %swap3A_1834 = vector.shape_cast %swap3A_1833 : vector<1x16xf32> to vector<16xf32>
        %swap3A_1835 = vector.shape_cast %add3A_1829 : vector<16xf32> to vector<1x16xf32>
        tpu.vector_store %arg13[%swap3A_1831, %swap3A_1832], %swap3A_1835 {strides = array<i32>} : memref<64x256xf32, #tpu.memory_space<vmem>>, vector<1x16xf32>,
        %mul3A_1836 = arith.mulf %broadcast_in_dim3A_1116, %get3A_1657 : vector<16xf32>
        %add3A_1837 = arith.addf %get3A_1652, %mul3A_1836 : vector<16xf32>
        %mul3A_1838 = arith.mulf %broadcast_in_dim3A_1116, %get3A_1667 : vector<16xf32>
        %add3A_1839 = arith.addf %get3A_1662, %mul3A_1838 : vector<16xf32>
        %mul3A_1840 = arith.mulf %broadcast_in_dim3A_1068, %add3A_1839 : vector<16xf32>
        %add3A_1841 = arith.addf %add3A_1837, %mul3A_1840 : vector<16xf32>
        %swap3A_1842 = arith.constant 14 : i32
        %swap3A_1843 = arith.index_cast %swap3A_1842 : i32 to index
        %swap3A_1844 = arith.index_cast %mul3A_1647 : i32 to index
        %swap3A_1845 = tpu.vector_load %arg13[%swap3A_1843, %swap3A_1844] {strides = array<i32>} : memref<64x256xf32, #tpu.memory_space<vmem>>, vector<1x16xf32>,
        %swap3A_1846 = vector.shape_cast %swap3A_1845 : vector<1x16xf32> to vector<16xf32>
        %swap3A_1847 = vector.shape_cast %add3A_1841 : vector<16xf32> to vector<1x16xf32>
        tpu.vector_store %arg13[%swap3A_1843, %swap3A_1844], %swap3A_1847 {strides = array<i32>} : memref<64x256xf32, #tpu.memory_space<vmem>>, vector<1x16xf32>,
        %mul3A_1848 = arith.mulf %broadcast_in_dim3A_1119, %get3A_1657 : vector<16xf32>
        %add3A_1849 = arith.addf %get3A_1652, %mul3A_1848 : vector<16xf32>
        %mul3A_1850 = arith.mulf %broadcast_in_dim3A_1119, %get3A_1667 : vector<16xf32>
        %add3A_1851 = arith.addf %get3A_1662, %mul3A_1850 : vector<16xf32>
        %mul3A_1852 = arith.mulf %broadcast_in_dim3A_1071, %add3A_1851 : vector<16xf32>
        %add3A_1853 = arith.addf %add3A_1849, %mul3A_1852 : vector<16xf32>
        %swap3A_1854 = arith.constant 15 : i32
        %swap3A_1855 = arith.index_cast %swap3A_1854 : i32 to index
        %swap3A_1856 = arith.index_cast %mul3A_1647 : i32 to index
        %swap3A_1857 = tpu.vector_load %arg13[%swap3A_1855, %swap3A_1856] {strides = array<i32>} : memref<64x256xf32, #tpu.memory_space<vmem>>, vector<1x16xf32>,
        %swap3A_1858 = vector.shape_cast %swap3A_1857 : vector<1x16xf32> to vector<16xf32>
        %swap3A_1859 = vector.shape_cast %add3A_1853 : vector<16xf32> to vector<1x16xf32>
        tpu.vector_store %arg13[%swap3A_1855, %swap3A_1856], %swap3A_1859 {strides = array<i32>} : memref<64x256xf32, #tpu.memory_space<vmem>>, vector<1x16xf32>,
      }
      %scan3A_1125 = arith.constant 16 : i32
      %add3A_1126 = arith.constant 16 : i32
      %add3A_1127 = arith.addi %add3A_1007, %add3A_1126 : i32
      %get3A_1128 = arith.index_cast %select_n3A_987 : i32 to index
      %get3A_1129 = arith.index_cast %add3A_1127 : i32 to index
      %get3A_1130 = tpu.vector_load %arg6[%get3A_1128, %get3A_1129] {strides = array<i32>} : memref<32x1024xi32, #tpu.memory_space<vmem>>, vector<1x16xi32>,
      %get3A_1131 = vector.shape_cast %get3A_1130 : vector<1x16xi32> to vector<16xi32>
      %convert_element_type3A_1132 = arith.sitofp %get3A_1131 : vector<16xi32> to vector<16xf32>
      %add3A_1133 = arith.constant 512 : i32
      %add3A_1134 = arith.addi %add3A_1133, %add3A_1007 : i32
      %add3A_1135 = arith.constant 16 : i32
      %add3A_1136 = arith.addi %add3A_1134, %add3A_1135 : i32
      %get3A_1137 = arith.index_cast %select_n3A_987 : i32 to index
      %get3A_1138 = arith.index_cast %add3A_1136 : i32 to index
      %get3A_1139 = tpu.vector_load %arg6[%get3A_1137, %get3A_1138] {strides = array<i32>} : memref<32x1024xi32, #tpu.memory_space<vmem>>, vector<1x16xi32>,
      %get3A_1140 = vector.shape_cast %get3A_1139 : vector<1x16xi32> to vector<16xi32>
      %convert_element_type3A_1141 = arith.sitofp %get3A_1140 : vector<16xi32> to vector<16xf32>
      %slice3A_1142 = vector.extract_strided_slice %convert_element_type3A_1132 {offsets = [0], sizes = [1], strides = [1]} : vector<16xf32> to vector<1xf32>
      %squeeze3A_1143 = vector.extract %slice3A_1142[0] : f32 from vector<1xf32>
      %broadcast_in_dim3A_1144 = vector.broadcast %squeeze3A_1143 : f32 to vector<16xf32>
      %slice3A_1145 = vector.extract_strided_slice %convert_element_type3A_1132 {offsets = [1], sizes = [1], strides = [1]} : vector<16xf32> to vector<1xf32>
      %squeeze3A_1146 = vector.extract %slice3A_1145[0] : f32 from vector<1xf32>
      %broadcast_in_dim3A_1147 = vector.broadcast %squeeze3A_1146 : f32 to vector<16xf32>
      %slice3A_1148 = vector.extract_strided_slice %convert_element_type3A_1132 {offsets = [2], sizes = [1], strides = [1]} : vector<16xf32> to vector<1xf32>
      %squeeze3A_1149 = vector.extract %slice3A_1148[0] : f32 from vector<1xf32>
      %broadcast_in_dim3A_1150 = vector.broadcast %squeeze3A_1149 : f32 to vector<16xf32>
      %slice3A_1151 = vector.extract_strided_slice %convert_element_type3A_1132 {offsets = [3], sizes = [1], strides = [1]} : vector<16xf32> to vector<1xf32>
      %squeeze3A_1152 = vector.extract %slice3A_1151[0] : f32 from vector<1xf32>
      %broadcast_in_dim3A_1153 = vector.broadcast %squeeze3A_1152 : f32 to vector<16xf32>
      %slice3A_1154 = vector.extract_strided_slice %convert_element_type3A_1132 {offsets = [4], sizes = [1], strides = [1]} : vector<16xf32> to vector<1xf32>
      %squeeze3A_1155 = vector.extract %slice3A_1154[0] : f32 from vector<1xf32>
      %broadcast_in_dim3A_1156 = vector.broadcast %squeeze3A_1155 : f32 to vector<16xf32>
      %slice3A_1157 = vector.extract_strided_slice %convert_element_type3A_1132 {offsets = [5], sizes = [1], strides = [1]} : vector<16xf32> to vector<1xf32>
      %squeeze3A_1158 = vector.extract %slice3A_1157[0] : f32 from vector<1xf32>
      %broadcast_in_dim3A_1159 = vector.broadcast %squeeze3A_1158 : f32 to vector<16xf32>
      %slice3A_1160 = vector.extract_strided_slice %convert_element_type3A_1132 {offsets = [6], sizes = [1], strides = [1]} : vector<16xf32> to vector<1xf32>
      %squeeze3A_1161 = vector.extract %slice3A_1160[0] : f32 from vector<1xf32>
      %broadcast_in_dim3A_1162 = vector.broadcast %squeeze3A_1161 : f32 to vector<16xf32>
      %slice3A_1163 = vector.extract_strided_slice %convert_element_type3A_1132 {offsets = [7], sizes = [1], strides = [1]} : vector<16xf32> to vector<1xf32>
      %squeeze3A_1164 = vector.extract %slice3A_1163[0] : f32 from vector<1xf32>
      %broadcast_in_dim3A_1165 = vector.broadcast %squeeze3A_1164 : f32 to vector<16xf32>
      %slice3A_1166 = vector.extract_strided_slice %convert_element_type3A_1132 {offsets = [8], sizes = [1], strides = [1]} : vector<16xf32> to vector<1xf32>
      %squeeze3A_1167 = vector.extract %slice3A_1166[0] : f32 from vector<1xf32>
      %broadcast_in_dim3A_1168 = vector.broadcast %squeeze3A_1167 : f32 to vector<16xf32>
      %slice3A_1169 = vector.extract_strided_slice %convert_element_type3A_1132 {offsets = [9], sizes = [1], strides = [1]} : vector<16xf32> to vector<1xf32>
      %squeeze3A_1170 = vector.extract %slice3A_1169[0] : f32 from vector<1xf32>
      %broadcast_in_dim3A_1171 = vector.broadcast %squeeze3A_1170 : f32 to vector<16xf32>
      %slice3A_1172 = vector.extract_strided_slice %convert_element_type3A_1132 {offsets = [10], sizes = [1], strides = [1]} : vector<16xf32> to vector<1xf32>
      %squeeze3A_1173 = vector.extract %slice3A_1172[0] : f32 from vector<1xf32>
      %broadcast_in_dim3A_1174 = vector.broadcast %squeeze3A_1173 : f32 to vector<16xf32>
      %slice3A_1175 = vector.extract_strided_slice %convert_element_type3A_1132 {offsets = [11], sizes = [1], strides = [1]} : vector<16xf32> to vector<1xf32>
      %squeeze3A_1176 = vector.extract %slice3A_1175[0] : f32 from vector<1xf32>
      %broadcast_in_dim3A_1177 = vector.broadcast %squeeze3A_1176 : f32 to vector<16xf32>
      %slice3A_1178 = vector.extract_strided_slice %convert_element_type3A_1132 {offsets = [12], sizes = [1], strides = [1]} : vector<16xf32> to vector<1xf32>
      %squeeze3A_1179 = vector.extract %slice3A_1178[0] : f32 from vector<1xf32>
      %broadcast_in_dim3A_1180 = vector.broadcast %squeeze3A_1179 : f32 to vector<16xf32>
      %slice3A_1181 = vector.extract_strided_slice %convert_element_type3A_1132 {offsets = [13], sizes = [1], strides = [1]} : vector<16xf32> to vector<1xf32>
      %squeeze3A_1182 = vector.extract %slice3A_1181[0] : f32 from vector<1xf32>
      %broadcast_in_dim3A_1183 = vector.broadcast %squeeze3A_1182 : f32 to vector<16xf32>
      %slice3A_1184 = vector.extract_strided_slice %convert_element_type3A_1132 {offsets = [14], sizes = [1], strides = [1]} : vector<16xf32> to vector<1xf32>
      %squeeze3A_1185 = vector.extract %slice3A_1184[0] : f32 from vector<1xf32>
      %broadcast_in_dim3A_1186 = vector.broadcast %squeeze3A_1185 : f32 to vector<16xf32>
      %slice3A_1187 = vector.extract_strided_slice %convert_element_type3A_1132 {offsets = [15], sizes = [1], strides = [1]} : vector<16xf32> to vector<1xf32>
      %squeeze3A_1188 = vector.extract %slice3A_1187[0] : f32 from vector<1xf32>
      %broadcast_in_dim3A_1189 = vector.broadcast %squeeze3A_1188 : f32 to vector<16xf32>
      %slice3A_1190 = vector.extract_strided_slice %convert_element_type3A_1141 {offsets = [0], sizes = [1], strides = [1]} : vector<16xf32> to vector<1xf32>
      %squeeze3A_1191 = vector.extract %slice3A_1190[0] : f32 from vector<1xf32>
      %broadcast_in_dim3A_1192 = vector.broadcast %squeeze3A_1191 : f32 to vector<16xf32>
      %slice3A_1193 = vector.extract_strided_slice %convert_element_type3A_1141 {offsets = [1], sizes = [1], strides = [1]} : vector<16xf32> to vector<1xf32>
      %squeeze3A_1194 = vector.extract %slice3A_1193[0] : f32 from vector<1xf32>
      %broadcast_in_dim3A_1195 = vector.broadcast %squeeze3A_1194 : f32 to vector<16xf32>
      %slice3A_1196 = vector.extract_strided_slice %convert_element_type3A_1141 {offsets = [2], sizes = [1], strides = [1]} : vector<16xf32> to vector<1xf32>
      %squeeze3A_1197 = vector.extract %slice3A_1196[0] : f32 from vector<1xf32>
      %broadcast_in_dim3A_1198 = vector.broadcast %squeeze3A_1197 : f32 to vector<16xf32>
      %slice3A_1199 = vector.extract_strided_slice %convert_element_type3A_1141 {offsets = [3], sizes = [1], strides = [1]} : vector<16xf32> to vector<1xf32>
      %squeeze3A_1200 = vector.extract %slice3A_1199[0] : f32 from vector<1xf32>
      %broadcast_in_dim3A_1201 = vector.broadcast %squeeze3A_1200 : f32 to vector<16xf32>
      %slice3A_1202 = vector.extract_strided_slice %convert_element_type3A_1141 {offsets = [4], sizes = [1], strides = [1]} : vector<16xf32> to vector<1xf32>
      %squeeze3A_1203 = vector.extract %slice3A_1202[0] : f32 from vector<1xf32>
      %broadcast_in_dim3A_1204 = vector.broadcast %squeeze3A_1203 : f32 to vector<16xf32>
      %slice3A_1205 = vector.extract_strided_slice %convert_element_type3A_1141 {offsets = [5], sizes = [1], strides = [1]} : vector<16xf32> to vector<1xf32>
      %squeeze3A_1206 = vector.extract %slice3A_1205[0] : f32 from vector<1xf32>
      %broadcast_in_dim3A_1207 = vector.broadcast %squeeze3A_1206 : f32 to vector<16xf32>
      %slice3A_1208 = vector.extract_strided_slice %convert_element_type3A_1141 {offsets = [6], sizes = [1], strides = [1]} : vector<16xf32> to vector<1xf32>
      %squeeze3A_1209 = vector.extract %slice3A_1208[0] : f32 from vector<1xf32>
      %broadcast_in_dim3A_1210 = vector.broadcast %squeeze3A_1209 : f32 to vector<16xf32>
      %slice3A_1211 = vector.extract_strided_slice %convert_element_type3A_1141 {offsets = [7], sizes = [1], strides = [1]} : vector<16xf32> to vector<1xf32>
      %squeeze3A_1212 = vector.extract %slice3A_1211[0] : f32 from vector<1xf32>
      %broadcast_in_dim3A_1213 = vector.broadcast %squeeze3A_1212 : f32 to vector<16xf32>
      %slice3A_1214 = vector.extract_strided_slice %convert_element_type3A_1141 {offsets = [8], sizes = [1], strides = [1]} : vector<16xf32> to vector<1xf32>
      %squeeze3A_1215 = vector.extract %slice3A_1214[0] : f32 from vector<1xf32>
      %broadcast_in_dim3A_1216 = vector.broadcast %squeeze3A_1215 : f32 to vector<16xf32>
      %slice3A_1217 = vector.extract_strided_slice %convert_element_type3A_1141 {offsets = [9], sizes = [1], strides = [1]} : vector<16xf32> to vector<1xf32>
      %squeeze3A_1218 = vector.extract %slice3A_1217[0] : f32 from vector<1xf32>
      %broadcast_in_dim3A_1219 = vector.broadcast %squeeze3A_1218 : f32 to vector<16xf32>
      %slice3A_1220 = vector.extract_strided_slice %convert_element_type3A_1141 {offsets = [10], sizes = [1], strides = [1]} : vector<16xf32> to vector<1xf32>
      %squeeze3A_1221 = vector.extract %slice3A_1220[0] : f32 from vector<1xf32>
      %broadcast_in_dim3A_1222 = vector.broadcast %squeeze3A_1221 : f32 to vector<16xf32>
      %slice3A_1223 = vector.extract_strided_slice %convert_element_type3A_1141 {offsets = [11], sizes = [1], strides = [1]} : vector<16xf32> to vector<1xf32>
      %squeeze3A_1224 = vector.extract %slice3A_1223[0] : f32 from vector<1xf32>
      %broadcast_in_dim3A_1225 = vector.broadcast %squeeze3A_1224 : f32 to vector<16xf32>
      %slice3A_1226 = vector.extract_strided_slice %convert_element_type3A_1141 {offsets = [12], sizes = [1], strides = [1]} : vector<16xf32> to vector<1xf32>
      %squeeze3A_1227 = vector.extract %slice3A_1226[0] : f32 from vector<1xf32>
      %broadcast_in_dim3A_1228 = vector.broadcast %squeeze3A_1227 : f32 to vector<16xf32>
      %slice3A_1229 = vector.extract_strided_slice %convert_element_type3A_1141 {offsets = [13], sizes = [1], strides = [1]} : vector<16xf32> to vector<1xf32>
      %squeeze3A_1230 = vector.extract %slice3A_1229[0] : f32 from vector<1xf32>
      %broadcast_in_dim3A_1231 = vector.broadcast %squeeze3A_1230 : f32 to vector<16xf32>
      %slice3A_1232 = vector.extract_strided_slice %convert_element_type3A_1141 {offsets = [14], sizes = [1], strides = [1]} : vector<16xf32> to vector<1xf32>
      %squeeze3A_1233 = vector.extract %slice3A_1232[0] : f32 from vector<1xf32>
      %broadcast_in_dim3A_1234 = vector.broadcast %squeeze3A_1233 : f32 to vector<16xf32>
      %slice3A_1235 = vector.extract_strided_slice %convert_element_type3A_1141 {offsets = [15], sizes = [1], strides = [1]} : vector<16xf32> to vector<1xf32>
      %squeeze3A_1236 = vector.extract %slice3A_1235[0] : f32 from vector<1xf32>
      %broadcast_in_dim3A_1237 = vector.broadcast %squeeze3A_1236 : f32 to vector<16xf32>
      %scan3A_1238 = arith.constant 0 : i32
      %scan3A_1239 = arith.constant 0 : i32
      %scan3A_1240 = arith.constant 16 : i32
      %scan3A_1241 = arith.addi %scan3A_1239, %scan3A_1240 : i32
      %scan3A_1242 = arith.constant 1 : i32
      scf.for %scan3A_1645 = %scan3A_1239 to %scan3A_1241 step %scan3A_1242  : i32 {
        %mul3A_1646 = arith.constant 16 : i32
        %mul3A_1647 = arith.muli %scan3A_1645, %mul3A_1646 : i32
        %get3A_1648 = arith.constant 0 : i32
        %get3A_1649 = arith.index_cast %get3A_1648 : i32 to index
        %get3A_1650 = arith.index_cast %mul3A_1647 : i32 to index
        %get3A_1651 = tpu.vector_load %arg7[%get3A_1649, %get3A_1650] {strides = array<i32>} : memref<4x256xf32, #tpu.memory_space<vmem>>, vector<1x16xf32>,
        %get3A_1652 = vector.shape_cast %get3A_1651 : vector<1x16xf32> to vector<16xf32>
        %get3A_1653 = arith.constant 1 : i32
        %get3A_1654 = arith.index_cast %get3A_1653 : i32 to index
        %get3A_1655 = arith.index_cast %mul3A_1647 : i32 to index
        %get3A_1656 = tpu.vector_load %arg7[%get3A_1654, %get3A_1655] {strides = array<i32>} : memref<4x256xf32, #tpu.memory_space<vmem>>, vector<1x16xf32>,
        %get3A_1657 = vector.shape_cast %get3A_1656 : vector<1x16xf32> to vector<16xf32>
        %get3A_1658 = arith.constant 2 : i32
        %get3A_1659 = arith.index_cast %get3A_1658 : i32 to index
        %get3A_1660 = arith.index_cast %mul3A_1647 : i32 to index
        %get3A_1661 = tpu.vector_load %arg7[%get3A_1659, %get3A_1660] {strides = array<i32>} : memref<4x256xf32, #tpu.memory_space<vmem>>, vector<1x16xf32>,
        %get3A_1662 = vector.shape_cast %get3A_1661 : vector<1x16xf32> to vector<16xf32>
        %get3A_1663 = arith.constant 3 : i32
        %get3A_1664 = arith.index_cast %get3A_1663 : i32 to index
        %get3A_1665 = arith.index_cast %mul3A_1647 : i32 to index
        %get3A_1666 = tpu.vector_load %arg7[%get3A_1664, %get3A_1665] {strides = array<i32>} : memref<4x256xf32, #tpu.memory_space<vmem>>, vector<1x16xf32>,
        %get3A_1667 = vector.shape_cast %get3A_1666 : vector<1x16xf32> to vector<16xf32>
        %mul3A_1668 = arith.mulf %broadcast_in_dim3A_1192, %get3A_1657 : vector<16xf32>
        %add3A_1669 = arith.addf %get3A_1652, %mul3A_1668 : vector<16xf32>
        %mul3A_1670 = arith.mulf %broadcast_in_dim3A_1192, %get3A_1667 : vector<16xf32>
        %add3A_1671 = arith.addf %get3A_1662, %mul3A_1670 : vector<16xf32>
        %mul3A_1672 = arith.mulf %broadcast_in_dim3A_1144, %add3A_1671 : vector<16xf32>
        %add3A_1673 = arith.addf %add3A_1669, %mul3A_1672 : vector<16xf32>
        %swap3A_1674 = arith.constant 16 : i32
        %swap3A_1675 = arith.index_cast %swap3A_1674 : i32 to index
        %swap3A_1676 = arith.index_cast %mul3A_1647 : i32 to index
        %swap3A_1677 = tpu.vector_load %arg13[%swap3A_1675, %swap3A_1676] {strides = array<i32>} : memref<64x256xf32, #tpu.memory_space<vmem>>, vector<1x16xf32>,
        %swap3A_1678 = vector.shape_cast %swap3A_1677 : vector<1x16xf32> to vector<16xf32>
        %swap3A_1679 = vector.shape_cast %add3A_1673 : vector<16xf32> to vector<1x16xf32>
        tpu.vector_store %arg13[%swap3A_1675, %swap3A_1676], %swap3A_1679 {strides = array<i32>} : memref<64x256xf32, #tpu.memory_space<vmem>>, vector<1x16xf32>,
        %mul3A_1680 = arith.mulf %broadcast_in_dim3A_1195, %get3A_1657 : vector<16xf32>
        %add3A_1681 = arith.addf %get3A_1652, %mul3A_1680 : vector<16xf32>
        %mul3A_1682 = arith.mulf %broadcast_in_dim3A_1195, %get3A_1667 : vector<16xf32>
        %add3A_1683 = arith.addf %get3A_1662, %mul3A_1682 : vector<16xf32>
        %mul3A_1684 = arith.mulf %broadcast_in_dim3A_1147, %add3A_1683 : vector<16xf32>
        %add3A_1685 = arith.addf %add3A_1681, %mul3A_1684 : vector<16xf32>
        %swap3A_1686 = arith.constant 17 : i32
        %swap3A_1687 = arith.index_cast %swap3A_1686 : i32 to index
        %swap3A_1688 = arith.index_cast %mul3A_1647 : i32 to index
        %swap3A_1689 = tpu.vector_load %arg13[%swap3A_1687, %swap3A_1688] {strides = array<i32>} : memref<64x256xf32, #tpu.memory_space<vmem>>, vector<1x16xf32>,
        %swap3A_1690 = vector.shape_cast %swap3A_1689 : vector<1x16xf32> to vector<16xf32>
        %swap3A_1691 = vector.shape_cast %add3A_1685 : vector<16xf32> to vector<1x16xf32>
        tpu.vector_store %arg13[%swap3A_1687, %swap3A_1688], %swap3A_1691 {strides = array<i32>} : memref<64x256xf32, #tpu.memory_space<vmem>>, vector<1x16xf32>,
        %mul3A_1692 = arith.mulf %broadcast_in_dim3A_1198, %get3A_1657 : vector<16xf32>
        %add3A_1693 = arith.addf %get3A_1652, %mul3A_1692 : vector<16xf32>
        %mul3A_1694 = arith.mulf %broadcast_in_dim3A_1198, %get3A_1667 : vector<16xf32>
        %add3A_1695 = arith.addf %get3A_1662, %mul3A_1694 : vector<16xf32>
        %mul3A_1696 = arith.mulf %broadcast_in_dim3A_1150, %add3A_1695 : vector<16xf32>
        %add3A_1697 = arith.addf %add3A_1693, %mul3A_1696 : vector<16xf32>
        %swap3A_1698 = arith.constant 18 : i32
        %swap3A_1699 = arith.index_cast %swap3A_1698 : i32 to index
        %swap3A_1700 = arith.index_cast %mul3A_1647 : i32 to index
        %swap3A_1701 = tpu.vector_load %arg13[%swap3A_1699, %swap3A_1700] {strides = array<i32>} : memref<64x256xf32, #tpu.memory_space<vmem>>, vector<1x16xf32>,
        %swap3A_1702 = vector.shape_cast %swap3A_1701 : vector<1x16xf32> to vector<16xf32>
        %swap3A_1703 = vector.shape_cast %add3A_1697 : vector<16xf32> to vector<1x16xf32>
        tpu.vector_store %arg13[%swap3A_1699, %swap3A_1700], %swap3A_1703 {strides = array<i32>} : memref<64x256xf32, #tpu.memory_space<vmem>>, vector<1x16xf32>,
        %mul3A_1704 = arith.mulf %broadcast_in_dim3A_1201, %get3A_1657 : vector<16xf32>
        %add3A_1705 = arith.addf %get3A_1652, %mul3A_1704 : vector<16xf32>
        %mul3A_1706 = arith.mulf %broadcast_in_dim3A_1201, %get3A_1667 : vector<16xf32>
        %add3A_1707 = arith.addf %get3A_1662, %mul3A_1706 : vector<16xf32>
        %mul3A_1708 = arith.mulf %broadcast_in_dim3A_1153, %add3A_1707 : vector<16xf32>
        %add3A_1709 = arith.addf %add3A_1705, %mul3A_1708 : vector<16xf32>
        %swap3A_1710 = arith.constant 19 : i32
        %swap3A_1711 = arith.index_cast %swap3A_1710 : i32 to index
        %swap3A_1712 = arith.index_cast %mul3A_1647 : i32 to index
        %swap3A_1713 = tpu.vector_load %arg13[%swap3A_1711, %swap3A_1712] {strides = array<i32>} : memref<64x256xf32, #tpu.memory_space<vmem>>, vector<1x16xf32>,
        %swap3A_1714 = vector.shape_cast %swap3A_1713 : vector<1x16xf32> to vector<16xf32>
        %swap3A_1715 = vector.shape_cast %add3A_1709 : vector<16xf32> to vector<1x16xf32>
        tpu.vector_store %arg13[%swap3A_1711, %swap3A_1712], %swap3A_1715 {strides = array<i32>} : memref<64x256xf32, #tpu.memory_space<vmem>>, vector<1x16xf32>,
        %mul3A_1716 = arith.mulf %broadcast_in_dim3A_1204, %get3A_1657 : vector<16xf32>
        %add3A_1717 = arith.addf %get3A_1652, %mul3A_1716 : vector<16xf32>
        %mul3A_1718 = arith.mulf %broadcast_in_dim3A_1204, %get3A_1667 : vector<16xf32>
        %add3A_1719 = arith.addf %get3A_1662, %mul3A_1718 : vector<16xf32>
        %mul3A_1720 = arith.mulf %broadcast_in_dim3A_1156, %add3A_1719 : vector<16xf32>
        %add3A_1721 = arith.addf %add3A_1717, %mul3A_1720 : vector<16xf32>
        %swap3A_1722 = arith.constant 20 : i32
        %swap3A_1723 = arith.index_cast %swap3A_1722 : i32 to index
        %swap3A_1724 = arith.index_cast %mul3A_1647 : i32 to index
        %swap3A_1725 = tpu.vector_load %arg13[%swap3A_1723, %swap3A_1724] {strides = array<i32>} : memref<64x256xf32, #tpu.memory_space<vmem>>, vector<1x16xf32>,
        %swap3A_1726 = vector.shape_cast %swap3A_1725 : vector<1x16xf32> to vector<16xf32>
        %swap3A_1727 = vector.shape_cast %add3A_1721 : vector<16xf32> to vector<1x16xf32>
        tpu.vector_store %arg13[%swap3A_1723, %swap3A_1724], %swap3A_1727 {strides = array<i32>} : memref<64x256xf32, #tpu.memory_space<vmem>>, vector<1x16xf32>,
        %mul3A_1728 = arith.mulf %broadcast_in_dim3A_1207, %get3A_1657 : vector<16xf32>
        %add3A_1729 = arith.addf %get3A_1652, %mul3A_1728 : vector<16xf32>
        %mul3A_1730 = arith.mulf %broadcast_in_dim3A_1207, %get3A_1667 : vector<16xf32>
        %add3A_1731 = arith.addf %get3A_1662, %mul3A_1730 : vector<16xf32>
        %mul3A_1732 = arith.mulf %broadcast_in_dim3A_1159, %add3A_1731 : vector<16xf32>
        %add3A_1733 = arith.addf %add3A_1729, %mul3A_1732 : vector<16xf32>
        %swap3A_1734 = arith.constant 21 : i32
        %swap3A_1735 = arith.index_cast %swap3A_1734 : i32 to index
        %swap3A_1736 = arith.index_cast %mul3A_1647 : i32 to index
        %swap3A_1737 = tpu.vector_load %arg13[%swap3A_1735, %swap3A_1736] {strides = array<i32>} : memref<64x256xf32, #tpu.memory_space<vmem>>, vector<1x16xf32>,
        %swap3A_1738 = vector.shape_cast %swap3A_1737 : vector<1x16xf32> to vector<16xf32>
        %swap3A_1739 = vector.shape_cast %add3A_1733 : vector<16xf32> to vector<1x16xf32>
        tpu.vector_store %arg13[%swap3A_1735, %swap3A_1736], %swap3A_1739 {strides = array<i32>} : memref<64x256xf32, #tpu.memory_space<vmem>>, vector<1x16xf32>,
        %mul3A_1740 = arith.mulf %broadcast_in_dim3A_1210, %get3A_1657 : vector<16xf32>
        %add3A_1741 = arith.addf %get3A_1652, %mul3A_1740 : vector<16xf32>
        %mul3A_1742 = arith.mulf %broadcast_in_dim3A_1210, %get3A_1667 : vector<16xf32>
        %add3A_1743 = arith.addf %get3A_1662, %mul3A_1742 : vector<16xf32>
        %mul3A_1744 = arith.mulf %broadcast_in_dim3A_1162, %add3A_1743 : vector<16xf32>
        %add3A_1745 = arith.addf %add3A_1741, %mul3A_1744 : vector<16xf32>
        %swap3A_1746 = arith.constant 22 : i32
        %swap3A_1747 = arith.index_cast %swap3A_1746 : i32 to index
        %swap3A_1748 = arith.index_cast %mul3A_1647 : i32 to index
        %swap3A_1749 = tpu.vector_load %arg13[%swap3A_1747, %swap3A_1748] {strides = array<i32>} : memref<64x256xf32, #tpu.memory_space<vmem>>, vector<1x16xf32>,
        %swap3A_1750 = vector.shape_cast %swap3A_1749 : vector<1x16xf32> to vector<16xf32>
        %swap3A_1751 = vector.shape_cast %add3A_1745 : vector<16xf32> to vector<1x16xf32>
        tpu.vector_store %arg13[%swap3A_1747, %swap3A_1748], %swap3A_1751 {strides = array<i32>} : memref<64x256xf32, #tpu.memory_space<vmem>>, vector<1x16xf32>,
        %mul3A_1752 = arith.mulf %broadcast_in_dim3A_1213, %get3A_1657 : vector<16xf32>
        %add3A_1753 = arith.addf %get3A_1652, %mul3A_1752 : vector<16xf32>
        %mul3A_1754 = arith.mulf %broadcast_in_dim3A_1213, %get3A_1667 : vector<16xf32>
        %add3A_1755 = arith.addf %get3A_1662, %mul3A_1754 : vector<16xf32>
        %mul3A_1756 = arith.mulf %broadcast_in_dim3A_1165, %add3A_1755 : vector<16xf32>
        %add3A_1757 = arith.addf %add3A_1753, %mul3A_1756 : vector<16xf32>
        %swap3A_1758 = arith.constant 23 : i32
        %swap3A_1759 = arith.index_cast %swap3A_1758 : i32 to index
        %swap3A_1760 = arith.index_cast %mul3A_1647 : i32 to index
        %swap3A_1761 = tpu.vector_load %arg13[%swap3A_1759, %swap3A_1760] {strides = array<i32>} : memref<64x256xf32, #tpu.memory_space<vmem>>, vector<1x16xf32>,
        %swap3A_1762 = vector.shape_cast %swap3A_1761 : vector<1x16xf32> to vector<16xf32>
        %swap3A_1763 = vector.shape_cast %add3A_1757 : vector<16xf32> to vector<1x16xf32>
        tpu.vector_store %arg13[%swap3A_1759, %swap3A_1760], %swap3A_1763 {strides = array<i32>} : memref<64x256xf32, #tpu.memory_space<vmem>>, vector<1x16xf32>,
        %mul3A_1764 = arith.mulf %broadcast_in_dim3A_1216, %get3A_1657 : vector<16xf32>
        %add3A_1765 = arith.addf %get3A_1652, %mul3A_1764 : vector<16xf32>
        %mul3A_1766 = arith.mulf %broadcast_in_dim3A_1216, %get3A_1667 : vector<16xf32>
        %add3A_1767 = arith.addf %get3A_1662, %mul3A_1766 : vector<16xf32>
        %mul3A_1768 = arith.mulf %broadcast_in_dim3A_1168, %add3A_1767 : vector<16xf32>
        %add3A_1769 = arith.addf %add3A_1765, %mul3A_1768 : vector<16xf32>
        %swap3A_1770 = arith.constant 24 : i32
        %swap3A_1771 = arith.index_cast %swap3A_1770 : i32 to index
        %swap3A_1772 = arith.index_cast %mul3A_1647 : i32 to index
        %swap3A_1773 = tpu.vector_load %arg13[%swap3A_1771, %swap3A_1772] {strides = array<i32>} : memref<64x256xf32, #tpu.memory_space<vmem>>, vector<1x16xf32>,
        %swap3A_1774 = vector.shape_cast %swap3A_1773 : vector<1x16xf32> to vector<16xf32>
        %swap3A_1775 = vector.shape_cast %add3A_1769 : vector<16xf32> to vector<1x16xf32>
        tpu.vector_store %arg13[%swap3A_1771, %swap3A_1772], %swap3A_1775 {strides = array<i32>} : memref<64x256xf32, #tpu.memory_space<vmem>>, vector<1x16xf32>,
        %mul3A_1776 = arith.mulf %broadcast_in_dim3A_1219, %get3A_1657 : vector<16xf32>
        %add3A_1777 = arith.addf %get3A_1652, %mul3A_1776 : vector<16xf32>
        %mul3A_1778 = arith.mulf %broadcast_in_dim3A_1219, %get3A_1667 : vector<16xf32>
        %add3A_1779 = arith.addf %get3A_1662, %mul3A_1778 : vector<16xf32>
        %mul3A_1780 = arith.mulf %broadcast_in_dim3A_1171, %add3A_1779 : vector<16xf32>
        %add3A_1781 = arith.addf %add3A_1777, %mul3A_1780 : vector<16xf32>
        %swap3A_1782 = arith.constant 25 : i32
        %swap3A_1783 = arith.index_cast %swap3A_1782 : i32 to index
        %swap3A_1784 = arith.index_cast %mul3A_1647 : i32 to index
        %swap3A_1785 = tpu.vector_load %arg13[%swap3A_1783, %swap3A_1784] {strides = array<i32>} : memref<64x256xf32, #tpu.memory_space<vmem>>, vector<1x16xf32>,
        %swap3A_1786 = vector.shape_cast %swap3A_1785 : vector<1x16xf32> to vector<16xf32>
        %swap3A_1787 = vector.shape_cast %add3A_1781 : vector<16xf32> to vector<1x16xf32>
        tpu.vector_store %arg13[%swap3A_1783, %swap3A_1784], %swap3A_1787 {strides = array<i32>} : memref<64x256xf32, #tpu.memory_space<vmem>>, vector<1x16xf32>,
        %mul3A_1788 = arith.mulf %broadcast_in_dim3A_1222, %get3A_1657 : vector<16xf32>
        %add3A_1789 = arith.addf %get3A_1652, %mul3A_1788 : vector<16xf32>
        %mul3A_1790 = arith.mulf %broadcast_in_dim3A_1222, %get3A_1667 : vector<16xf32>
        %add3A_1791 = arith.addf %get3A_1662, %mul3A_1790 : vector<16xf32>
        %mul3A_1792 = arith.mulf %broadcast_in_dim3A_1174, %add3A_1791 : vector<16xf32>
        %add3A_1793 = arith.addf %add3A_1789, %mul3A_1792 : vector<16xf32>
        %swap3A_1794 = arith.constant 26 : i32
        %swap3A_1795 = arith.index_cast %swap3A_1794 : i32 to index
        %swap3A_1796 = arith.index_cast %mul3A_1647 : i32 to index
        %swap3A_1797 = tpu.vector_load %arg13[%swap3A_1795, %swap3A_1796] {strides = array<i32>} : memref<64x256xf32, #tpu.memory_space<vmem>>, vector<1x16xf32>,
        %swap3A_1798 = vector.shape_cast %swap3A_1797 : vector<1x16xf32> to vector<16xf32>
        %swap3A_1799 = vector.shape_cast %add3A_1793 : vector<16xf32> to vector<1x16xf32>
        tpu.vector_store %arg13[%swap3A_1795, %swap3A_1796], %swap3A_1799 {strides = array<i32>} : memref<64x256xf32, #tpu.memory_space<vmem>>, vector<1x16xf32>,
        %mul3A_1800 = arith.mulf %broadcast_in_dim3A_1225, %get3A_1657 : vector<16xf32>
        %add3A_1801 = arith.addf %get3A_1652, %mul3A_1800 : vector<16xf32>
        %mul3A_1802 = arith.mulf %broadcast_in_dim3A_1225, %get3A_1667 : vector<16xf32>
        %add3A_1803 = arith.addf %get3A_1662, %mul3A_1802 : vector<16xf32>
        %mul3A_1804 = arith.mulf %broadcast_in_dim3A_1177, %add3A_1803 : vector<16xf32>
        %add3A_1805 = arith.addf %add3A_1801, %mul3A_1804 : vector<16xf32>
        %swap3A_1806 = arith.constant 27 : i32
        %swap3A_1807 = arith.index_cast %swap3A_1806 : i32 to index
        %swap3A_1808 = arith.index_cast %mul3A_1647 : i32 to index
        %swap3A_1809 = tpu.vector_load %arg13[%swap3A_1807, %swap3A_1808] {strides = array<i32>} : memref<64x256xf32, #tpu.memory_space<vmem>>, vector<1x16xf32>,
        %swap3A_1810 = vector.shape_cast %swap3A_1809 : vector<1x16xf32> to vector<16xf32>
        %swap3A_1811 = vector.shape_cast %add3A_1805 : vector<16xf32> to vector<1x16xf32>
        tpu.vector_store %arg13[%swap3A_1807, %swap3A_1808], %swap3A_1811 {strides = array<i32>} : memref<64x256xf32, #tpu.memory_space<vmem>>, vector<1x16xf32>,
        %mul3A_1812 = arith.mulf %broadcast_in_dim3A_1228, %get3A_1657 : vector<16xf32>
        %add3A_1813 = arith.addf %get3A_1652, %mul3A_1812 : vector<16xf32>
        %mul3A_1814 = arith.mulf %broadcast_in_dim3A_1228, %get3A_1667 : vector<16xf32>
        %add3A_1815 = arith.addf %get3A_1662, %mul3A_1814 : vector<16xf32>
        %mul3A_1816 = arith.mulf %broadcast_in_dim3A_1180, %add3A_1815 : vector<16xf32>
        %add3A_1817 = arith.addf %add3A_1813, %mul3A_1816 : vector<16xf32>
        %swap3A_1818 = arith.constant 28 : i32
        %swap3A_1819 = arith.index_cast %swap3A_1818 : i32 to index
        %swap3A_1820 = arith.index_cast %mul3A_1647 : i32 to index
        %swap3A_1821 = tpu.vector_load %arg13[%swap3A_1819, %swap3A_1820] {strides = array<i32>} : memref<64x256xf32, #tpu.memory_space<vmem>>, vector<1x16xf32>,
        %swap3A_1822 = vector.shape_cast %swap3A_1821 : vector<1x16xf32> to vector<16xf32>
        %swap3A_1823 = vector.shape_cast %add3A_1817 : vector<16xf32> to vector<1x16xf32>
        tpu.vector_store %arg13[%swap3A_1819, %swap3A_1820], %swap3A_1823 {strides = array<i32>} : memref<64x256xf32, #tpu.memory_space<vmem>>, vector<1x16xf32>,
        %mul3A_1824 = arith.mulf %broadcast_in_dim3A_1231, %get3A_1657 : vector<16xf32>
        %add3A_1825 = arith.addf %get3A_1652, %mul3A_1824 : vector<16xf32>
        %mul3A_1826 = arith.mulf %broadcast_in_dim3A_1231, %get3A_1667 : vector<16xf32>
        %add3A_1827 = arith.addf %get3A_1662, %mul3A_1826 : vector<16xf32>
        %mul3A_1828 = arith.mulf %broadcast_in_dim3A_1183, %add3A_1827 : vector<16xf32>
        %add3A_1829 = arith.addf %add3A_1825, %mul3A_1828 : vector<16xf32>
        %swap3A_1830 = arith.constant 29 : i32
        %swap3A_1831 = arith.index_cast %swap3A_1830 : i32 to index
        %swap3A_1832 = arith.index_cast %mul3A_1647 : i32 to index
        %swap3A_1833 = tpu.vector_load %arg13[%swap3A_1831, %swap3A_1832] {strides = array<i32>} : memref<64x256xf32, #tpu.memory_space<vmem>>, vector<1x16xf32>,
        %swap3A_1834 = vector.shape_cast %swap3A_1833 : vector<1x16xf32> to vector<16xf32>
        %swap3A_1835 = vector.shape_cast %add3A_1829 : vector<16xf32> to vector<1x16xf32>
        tpu.vector_store %arg13[%swap3A_1831, %swap3A_1832], %swap3A_1835 {strides = array<i32>} : memref<64x256xf32, #tpu.memory_space<vmem>>, vector<1x16xf32>,
        %mul3A_1836 = arith.mulf %broadcast_in_dim3A_1234, %get3A_1657 : vector<16xf32>
        %add3A_1837 = arith.addf %get3A_1652, %mul3A_1836 : vector<16xf32>
        %mul3A_1838 = arith.mulf %broadcast_in_dim3A_1234, %get3A_1667 : vector<16xf32>
        %add3A_1839 = arith.addf %get3A_1662, %mul3A_1838 : vector<16xf32>
        %mul3A_1840 = arith.mulf %broadcast_in_dim3A_1186, %add3A_1839 : vector<16xf32>
        %add3A_1841 = arith.addf %add3A_1837, %mul3A_1840 : vector<16xf32>
        %swap3A_1842 = arith.constant 30 : i32
        %swap3A_1843 = arith.index_cast %swap3A_1842 : i32 to index
        %swap3A_1844 = arith.index_cast %mul3A_1647 : i32 to index
        %swap3A_1845 = tpu.vector_load %arg13[%swap3A_1843, %swap3A_1844] {strides = array<i32>} : memref<64x256xf32, #tpu.memory_space<vmem>>, vector<1x16xf32>,
        %swap3A_1846 = vector.shape_cast %swap3A_1845 : vector<1x16xf32> to vector<16xf32>
        %swap3A_1847 = vector.shape_cast %add3A_1841 : vector<16xf32> to vector<1x16xf32>
        tpu.vector_store %arg13[%swap3A_1843, %swap3A_1844], %swap3A_1847 {strides = array<i32>} : memref<64x256xf32, #tpu.memory_space<vmem>>, vector<1x16xf32>,
        %mul3A_1848 = arith.mulf %broadcast_in_dim3A_1237, %get3A_1657 : vector<16xf32>
        %add3A_1849 = arith.addf %get3A_1652, %mul3A_1848 : vector<16xf32>
        %mul3A_1850 = arith.mulf %broadcast_in_dim3A_1237, %get3A_1667 : vector<16xf32>
        %add3A_1851 = arith.addf %get3A_1662, %mul3A_1850 : vector<16xf32>
        %mul3A_1852 = arith.mulf %broadcast_in_dim3A_1189, %add3A_1851 : vector<16xf32>
        %add3A_1853 = arith.addf %add3A_1849, %mul3A_1852 : vector<16xf32>
        %swap3A_1854 = arith.constant 31 : i32
        %swap3A_1855 = arith.index_cast %swap3A_1854 : i32 to index
        %swap3A_1856 = arith.index_cast %mul3A_1647 : i32 to index
        %swap3A_1857 = tpu.vector_load %arg13[%swap3A_1855, %swap3A_1856] {strides = array<i32>} : memref<64x256xf32, #tpu.memory_space<vmem>>, vector<1x16xf32>,
        %swap3A_1858 = vector.shape_cast %swap3A_1857 : vector<1x16xf32> to vector<16xf32>
        %swap3A_1859 = vector.shape_cast %add3A_1853 : vector<16xf32> to vector<1x16xf32>
        tpu.vector_store %arg13[%swap3A_1855, %swap3A_1856], %swap3A_1859 {strides = array<i32>} : memref<64x256xf32, #tpu.memory_space<vmem>>, vector<1x16xf32>,
      }
      %scan3A_1243 = arith.constant 16 : i32
      %add3A_1244 = arith.constant 32 : i32
      %add3A_1245 = arith.addi %add3A_1007, %add3A_1244 : i32
      %get3A_1246 = arith.index_cast %select_n3A_987 : i32 to index
      %get3A_1247 = arith.index_cast %add3A_1245 : i32 to index
      %get3A_1248 = tpu.vector_load %arg6[%get3A_1246, %get3A_1247] {strides = array<i32>} : memref<32x1024xi32, #tpu.memory_space<vmem>>, vector<1x16xi32>,
      %get3A_1249 = vector.shape_cast %get3A_1248 : vector<1x16xi32> to vector<16xi32>
      %convert_element_type3A_1250 = arith.sitofp %get3A_1249 : vector<16xi32> to vector<16xf32>
      %add3A_1251 = arith.constant 512 : i32
      %add3A_1252 = arith.addi %add3A_1251, %add3A_1007 : i32
      %add3A_1253 = arith.constant 32 : i32
      %add3A_1254 = arith.addi %add3A_1252, %add3A_1253 : i32
      %get3A_1255 = arith.index_cast %select_n3A_987 : i32 to index
      %get3A_1256 = arith.index_cast %add3A_1254 : i32 to index
      %get3A_1257 = tpu.vector_load %arg6[%get3A_1255, %get3A_1256] {strides = array<i32>} : memref<32x1024xi32, #tpu.memory_space<vmem>>, vector<1x16xi32>,
      %get3A_1258 = vector.shape_cast %get3A_1257 : vector<1x16xi32> to vector<16xi32>
      %convert_element_type3A_1259 = arith.sitofp %get3A_1258 : vector<16xi32> to vector<16xf32>
      %slice3A_1260 = vector.extract_strided_slice %convert_element_type3A_1250 {offsets = [0], sizes = [1], strides = [1]} : vector<16xf32> to vector<1xf32>
      %squeeze3A_1261 = vector.extract %slice3A_1260[0] : f32 from vector<1xf32>
      %broadcast_in_dim3A_1262 = vector.broadcast %squeeze3A_1261 : f32 to vector<16xf32>
      %slice3A_1263 = vector.extract_strided_slice %convert_element_type3A_1250 {offsets = [1], sizes = [1], strides = [1]} : vector<16xf32> to vector<1xf32>
      %squeeze3A_1264 = vector.extract %slice3A_1263[0] : f32 from vector<1xf32>
      %broadcast_in_dim3A_1265 = vector.broadcast %squeeze3A_1264 : f32 to vector<16xf32>
      %slice3A_1266 = vector.extract_strided_slice %convert_element_type3A_1250 {offsets = [2], sizes = [1], strides = [1]} : vector<16xf32> to vector<1xf32>
      %squeeze3A_1267 = vector.extract %slice3A_1266[0] : f32 from vector<1xf32>
      %broadcast_in_dim3A_1268 = vector.broadcast %squeeze3A_1267 : f32 to vector<16xf32>
      %slice3A_1269 = vector.extract_strided_slice %convert_element_type3A_1250 {offsets = [3], sizes = [1], strides = [1]} : vector<16xf32> to vector<1xf32>
      %squeeze3A_1270 = vector.extract %slice3A_1269[0] : f32 from vector<1xf32>
      %broadcast_in_dim3A_1271 = vector.broadcast %squeeze3A_1270 : f32 to vector<16xf32>
      %slice3A_1272 = vector.extract_strided_slice %convert_element_type3A_1250 {offsets = [4], sizes = [1], strides = [1]} : vector<16xf32> to vector<1xf32>
      %squeeze3A_1273 = vector.extract %slice3A_1272[0] : f32 from vector<1xf32>
      %broadcast_in_dim3A_1274 = vector.broadcast %squeeze3A_1273 : f32 to vector<16xf32>
      %slice3A_1275 = vector.extract_strided_slice %convert_element_type3A_1250 {offsets = [5], sizes = [1], strides = [1]} : vector<16xf32> to vector<1xf32>
      %squeeze3A_1276 = vector.extract %slice3A_1275[0] : f32 from vector<1xf32>
      %broadcast_in_dim3A_1277 = vector.broadcast %squeeze3A_1276 : f32 to vector<16xf32>
      %slice3A_1278 = vector.extract_strided_slice %convert_element_type3A_1250 {offsets = [6], sizes = [1], strides = [1]} : vector<16xf32> to vector<1xf32>
      %squeeze3A_1279 = vector.extract %slice3A_1278[0] : f32 from vector<1xf32>
      %broadcast_in_dim3A_1280 = vector.broadcast %squeeze3A_1279 : f32 to vector<16xf32>
      %slice3A_1281 = vector.extract_strided_slice %convert_element_type3A_1250 {offsets = [7], sizes = [1], strides = [1]} : vector<16xf32> to vector<1xf32>
      %squeeze3A_1282 = vector.extract %slice3A_1281[0] : f32 from vector<1xf32>
      %broadcast_in_dim3A_1283 = vector.broadcast %squeeze3A_1282 : f32 to vector<16xf32>
      %slice3A_1284 = vector.extract_strided_slice %convert_element_type3A_1250 {offsets = [8], sizes = [1], strides = [1]} : vector<16xf32> to vector<1xf32>
      %squeeze3A_1285 = vector.extract %slice3A_1284[0] : f32 from vector<1xf32>
      %broadcast_in_dim3A_1286 = vector.broadcast %squeeze3A_1285 : f32 to vector<16xf32>
      %slice3A_1287 = vector.extract_strided_slice %convert_element_type3A_1250 {offsets = [9], sizes = [1], strides = [1]} : vector<16xf32> to vector<1xf32>
      %squeeze3A_1288 = vector.extract %slice3A_1287[0] : f32 from vector<1xf32>
      %broadcast_in_dim3A_1289 = vector.broadcast %squeeze3A_1288 : f32 to vector<16xf32>
      %slice3A_1290 = vector.extract_strided_slice %convert_element_type3A_1250 {offsets = [10], sizes = [1], strides = [1]} : vector<16xf32> to vector<1xf32>
      %squeeze3A_1291 = vector.extract %slice3A_1290[0] : f32 from vector<1xf32>
      %broadcast_in_dim3A_1292 = vector.broadcast %squeeze3A_1291 : f32 to vector<16xf32>
      %slice3A_1293 = vector.extract_strided_slice %convert_element_type3A_1250 {offsets = [11], sizes = [1], strides = [1]} : vector<16xf32> to vector<1xf32>
      %squeeze3A_1294 = vector.extract %slice3A_1293[0] : f32 from vector<1xf32>
      %broadcast_in_dim3A_1295 = vector.broadcast %squeeze3A_1294 : f32 to vector<16xf32>
      %slice3A_1296 = vector.extract_strided_slice %convert_element_type3A_1250 {offsets = [12], sizes = [1], strides = [1]} : vector<16xf32> to vector<1xf32>
      %squeeze3A_1297 = vector.extract %slice3A_1296[0] : f32 from vector<1xf32>
      %broadcast_in_dim3A_1298 = vector.broadcast %squeeze3A_1297 : f32 to vector<16xf32>
      %slice3A_1299 = vector.extract_strided_slice %convert_element_type3A_1250 {offsets = [13], sizes = [1], strides = [1]} : vector<16xf32> to vector<1xf32>
      %squeeze3A_1300 = vector.extract %slice3A_1299[0] : f32 from vector<1xf32>
      %broadcast_in_dim3A_1301 = vector.broadcast %squeeze3A_1300 : f32 to vector<16xf32>
      %slice3A_1302 = vector.extract_strided_slice %convert_element_type3A_1250 {offsets = [14], sizes = [1], strides = [1]} : vector<16xf32> to vector<1xf32>
      %squeeze3A_1303 = vector.extract %slice3A_1302[0] : f32 from vector<1xf32>
      %broadcast_in_dim3A_1304 = vector.broadcast %squeeze3A_1303 : f32 to vector<16xf32>
      %slice3A_1305 = vector.extract_strided_slice %convert_element_type3A_1250 {offsets = [15], sizes = [1], strides = [1]} : vector<16xf32> to vector<1xf32>
      %squeeze3A_1306 = vector.extract %slice3A_1305[0] : f32 from vector<1xf32>
      %broadcast_in_dim3A_1307 = vector.broadcast %squeeze3A_1306 : f32 to vector<16xf32>
      %slice3A_1308 = vector.extract_strided_slice %convert_element_type3A_1259 {offsets = [0], sizes = [1], strides = [1]} : vector<16xf32> to vector<1xf32>
      %squeeze3A_1309 = vector.extract %slice3A_1308[0] : f32 from vector<1xf32>
      %broadcast_in_dim3A_1310 = vector.broadcast %squeeze3A_1309 : f32 to vector<16xf32>
      %slice3A_1311 = vector.extract_strided_slice %convert_element_type3A_1259 {offsets = [1], sizes = [1], strides = [1]} : vector<16xf32> to vector<1xf32>
      %squeeze3A_1312 = vector.extract %slice3A_1311[0] : f32 from vector<1xf32>
      %broadcast_in_dim3A_1313 = vector.broadcast %squeeze3A_1312 : f32 to vector<16xf32>
      %slice3A_1314 = vector.extract_strided_slice %convert_element_type3A_1259 {offsets = [2], sizes = [1], strides = [1]} : vector<16xf32> to vector<1xf32>
      %squeeze3A_1315 = vector.extract %slice3A_1314[0] : f32 from vector<1xf32>
      %broadcast_in_dim3A_1316 = vector.broadcast %squeeze3A_1315 : f32 to vector<16xf32>
      %slice3A_1317 = vector.extract_strided_slice %convert_element_type3A_1259 {offsets = [3], sizes = [1], strides = [1]} : vector<16xf32> to vector<1xf32>
      %squeeze3A_1318 = vector.extract %slice3A_1317[0] : f32 from vector<1xf32>
      %broadcast_in_dim3A_1319 = vector.broadcast %squeeze3A_1318 : f32 to vector<16xf32>
      %slice3A_1320 = vector.extract_strided_slice %convert_element_type3A_1259 {offsets = [4], sizes = [1], strides = [1]} : vector<16xf32> to vector<1xf32>
      %squeeze3A_1321 = vector.extract %slice3A_1320[0] : f32 from vector<1xf32>
      %broadcast_in_dim3A_1322 = vector.broadcast %squeeze3A_1321 : f32 to vector<16xf32>
      %slice3A_1323 = vector.extract_strided_slice %convert_element_type3A_1259 {offsets = [5], sizes = [1], strides = [1]} : vector<16xf32> to vector<1xf32>
      %squeeze3A_1324 = vector.extract %slice3A_1323[0] : f32 from vector<1xf32>
      %broadcast_in_dim3A_1325 = vector.broadcast %squeeze3A_1324 : f32 to vector<16xf32>
      %slice3A_1326 = vector.extract_strided_slice %convert_element_type3A_1259 {offsets = [6], sizes = [1], strides = [1]} : vector<16xf32> to vector<1xf32>
      %squeeze3A_1327 = vector.extract %slice3A_1326[0] : f32 from vector<1xf32>
      %broadcast_in_dim3A_1328 = vector.broadcast %squeeze3A_1327 : f32 to vector<16xf32>
      %slice3A_1329 = vector.extract_strided_slice %convert_element_type3A_1259 {offsets = [7], sizes = [1], strides = [1]} : vector<16xf32> to vector<1xf32>
      %squeeze3A_1330 = vector.extract %slice3A_1329[0] : f32 from vector<1xf32>
      %broadcast_in_dim3A_1331 = vector.broadcast %squeeze3A_1330 : f32 to vector<16xf32>
      %slice3A_1332 = vector.extract_strided_slice %convert_element_type3A_1259 {offsets = [8], sizes = [1], strides = [1]} : vector<16xf32> to vector<1xf32>
      %squeeze3A_1333 = vector.extract %slice3A_1332[0] : f32 from vector<1xf32>
      %broadcast_in_dim3A_1334 = vector.broadcast %squeeze3A_1333 : f32 to vector<16xf32>
      %slice3A_1335 = vector.extract_strided_slice %convert_element_type3A_1259 {offsets = [9], sizes = [1], strides = [1]} : vector<16xf32> to vector<1xf32>
      %squeeze3A_1336 = vector.extract %slice3A_1335[0] : f32 from vector<1xf32>
      %broadcast_in_dim3A_1337 = vector.broadcast %squeeze3A_1336 : f32 to vector<16xf32>
      %slice3A_1338 = vector.extract_strided_slice %convert_element_type3A_1259 {offsets = [10], sizes = [1], strides = [1]} : vector<16xf32> to vector<1xf32>
      %squeeze3A_1339 = vector.extract %slice3A_1338[0] : f32 from vector<1xf32>
      %broadcast_in_dim3A_1340 = vector.broadcast %squeeze3A_1339 : f32 to vector<16xf32>
      %slice3A_1341 = vector.extract_strided_slice %convert_element_type3A_1259 {offsets = [11], sizes = [1], strides = [1]} : vector<16xf32> to vector<1xf32>
      %squeeze3A_1342 = vector.extract %slice3A_1341[0] : f32 from vector<1xf32>
      %broadcast_in_dim3A_1343 = vector.broadcast %squeeze3A_1342 : f32 to vector<16xf32>
      %slice3A_1344 = vector.extract_strided_slice %convert_element_type3A_1259 {offsets = [12], sizes = [1], strides = [1]} : vector<16xf32> to vector<1xf32>
      %squeeze3A_1345 = vector.extract %slice3A_1344[0] : f32 from vector<1xf32>
      %broadcast_in_dim3A_1346 = vector.broadcast %squeeze3A_1345 : f32 to vector<16xf32>
      %slice3A_1347 = vector.extract_strided_slice %convert_element_type3A_1259 {offsets = [13], sizes = [1], strides = [1]} : vector<16xf32> to vector<1xf32>
      %squeeze3A_1348 = vector.extract %slice3A_1347[0] : f32 from vector<1xf32>
      %broadcast_in_dim3A_1349 = vector.broadcast %squeeze3A_1348 : f32 to vector<16xf32>
      %slice3A_1350 = vector.extract_strided_slice %convert_element_type3A_1259 {offsets = [14], sizes = [1], strides = [1]} : vector<16xf32> to vector<1xf32>
      %squeeze3A_1351 = vector.extract %slice3A_1350[0] : f32 from vector<1xf32>
      %broadcast_in_dim3A_1352 = vector.broadcast %squeeze3A_1351 : f32 to vector<16xf32>
      %slice3A_1353 = vector.extract_strided_slice %convert_element_type3A_1259 {offsets = [15], sizes = [1], strides = [1]} : vector<16xf32> to vector<1xf32>
      %squeeze3A_1354 = vector.extract %slice3A_1353[0] : f32 from vector<1xf32>
      %broadcast_in_dim3A_1355 = vector.broadcast %squeeze3A_1354 : f32 to vector<16xf32>
      %scan3A_1356 = arith.constant 0 : i32
      %scan3A_1357 = arith.constant 0 : i32
      %scan3A_1358 = arith.constant 16 : i32
      %scan3A_1359 = arith.addi %scan3A_1357, %scan3A_1358 : i32
      %scan3A_1360 = arith.constant 1 : i32
      scf.for %scan3A_1645 = %scan3A_1357 to %scan3A_1359 step %scan3A_1360  : i32 {
        %mul3A_1646 = arith.constant 16 : i32
        %mul3A_1647 = arith.muli %scan3A_1645, %mul3A_1646 : i32
        %get3A_1648 = arith.constant 0 : i32
        %get3A_1649 = arith.index_cast %get3A_1648 : i32 to index
        %get3A_1650 = arith.index_cast %mul3A_1647 : i32 to index
        %get3A_1651 = tpu.vector_load %arg7[%get3A_1649, %get3A_1650] {strides = array<i32>} : memref<4x256xf32, #tpu.memory_space<vmem>>, vector<1x16xf32>,
        %get3A_1652 = vector.shape_cast %get3A_1651 : vector<1x16xf32> to vector<16xf32>
        %get3A_1653 = arith.constant 1 : i32
        %get3A_1654 = arith.index_cast %get3A_1653 : i32 to index
        %get3A_1655 = arith.index_cast %mul3A_1647 : i32 to index
        %get3A_1656 = tpu.vector_load %arg7[%get3A_1654, %get3A_1655] {strides = array<i32>} : memref<4x256xf32, #tpu.memory_space<vmem>>, vector<1x16xf32>,
        %get3A_1657 = vector.shape_cast %get3A_1656 : vector<1x16xf32> to vector<16xf32>
        %get3A_1658 = arith.constant 2 : i32
        %get3A_1659 = arith.index_cast %get3A_1658 : i32 to index
        %get3A_1660 = arith.index_cast %mul3A_1647 : i32 to index
        %get3A_1661 = tpu.vector_load %arg7[%get3A_1659, %get3A_1660] {strides = array<i32>} : memref<4x256xf32, #tpu.memory_space<vmem>>, vector<1x16xf32>,
        %get3A_1662 = vector.shape_cast %get3A_1661 : vector<1x16xf32> to vector<16xf32>
        %get3A_1663 = arith.constant 3 : i32
        %get3A_1664 = arith.index_cast %get3A_1663 : i32 to index
        %get3A_1665 = arith.index_cast %mul3A_1647 : i32 to index
        %get3A_1666 = tpu.vector_load %arg7[%get3A_1664, %get3A_1665] {strides = array<i32>} : memref<4x256xf32, #tpu.memory_space<vmem>>, vector<1x16xf32>,
        %get3A_1667 = vector.shape_cast %get3A_1666 : vector<1x16xf32> to vector<16xf32>
        %mul3A_1668 = arith.mulf %broadcast_in_dim3A_1310, %get3A_1657 : vector<16xf32>
        %add3A_1669 = arith.addf %get3A_1652, %mul3A_1668 : vector<16xf32>
        %mul3A_1670 = arith.mulf %broadcast_in_dim3A_1310, %get3A_1667 : vector<16xf32>
        %add3A_1671 = arith.addf %get3A_1662, %mul3A_1670 : vector<16xf32>
        %mul3A_1672 = arith.mulf %broadcast_in_dim3A_1262, %add3A_1671 : vector<16xf32>
        %add3A_1673 = arith.addf %add3A_1669, %mul3A_1672 : vector<16xf32>
        %swap3A_1674 = arith.constant 32 : i32
        %swap3A_1675 = arith.index_cast %swap3A_1674 : i32 to index
        %swap3A_1676 = arith.index_cast %mul3A_1647 : i32 to index
        %swap3A_1677 = tpu.vector_load %arg13[%swap3A_1675, %swap3A_1676] {strides = array<i32>} : memref<64x256xf32, #tpu.memory_space<vmem>>, vector<1x16xf32>,
        %swap3A_1678 = vector.shape_cast %swap3A_1677 : vector<1x16xf32> to vector<16xf32>
        %swap3A_1679 = vector.shape_cast %add3A_1673 : vector<16xf32> to vector<1x16xf32>
        tpu.vector_store %arg13[%swap3A_1675, %swap3A_1676], %swap3A_1679 {strides = array<i32>} : memref<64x256xf32, #tpu.memory_space<vmem>>, vector<1x16xf32>,
        %mul3A_1680 = arith.mulf %broadcast_in_dim3A_1313, %get3A_1657 : vector<16xf32>
        %add3A_1681 = arith.addf %get3A_1652, %mul3A_1680 : vector<16xf32>
        %mul3A_1682 = arith.mulf %broadcast_in_dim3A_1313, %get3A_1667 : vector<16xf32>
        %add3A_1683 = arith.addf %get3A_1662, %mul3A_1682 : vector<16xf32>
        %mul3A_1684 = arith.mulf %broadcast_in_dim3A_1265, %add3A_1683 : vector<16xf32>
        %add3A_1685 = arith.addf %add3A_1681, %mul3A_1684 : vector<16xf32>
        %swap3A_1686 = arith.constant 33 : i32
        %swap3A_1687 = arith.index_cast %swap3A_1686 : i32 to index
        %swap3A_1688 = arith.index_cast %mul3A_1647 : i32 to index
        %swap3A_1689 = tpu.vector_load %arg13[%swap3A_1687, %swap3A_1688] {strides = array<i32>} : memref<64x256xf32, #tpu.memory_space<vmem>>, vector<1x16xf32>,
        %swap3A_1690 = vector.shape_cast %swap3A_1689 : vector<1x16xf32> to vector<16xf32>
        %swap3A_1691 = vector.shape_cast %add3A_1685 : vector<16xf32> to vector<1x16xf32>
        tpu.vector_store %arg13[%swap3A_1687, %swap3A_1688], %swap3A_1691 {strides = array<i32>} : memref<64x256xf32, #tpu.memory_space<vmem>>, vector<1x16xf32>,
        %mul3A_1692 = arith.mulf %broadcast_in_dim3A_1316, %get3A_1657 : vector<16xf32>
        %add3A_1693 = arith.addf %get3A_1652, %mul3A_1692 : vector<16xf32>
        %mul3A_1694 = arith.mulf %broadcast_in_dim3A_1316, %get3A_1667 : vector<16xf32>
        %add3A_1695 = arith.addf %get3A_1662, %mul3A_1694 : vector<16xf32>
        %mul3A_1696 = arith.mulf %broadcast_in_dim3A_1268, %add3A_1695 : vector<16xf32>
        %add3A_1697 = arith.addf %add3A_1693, %mul3A_1696 : vector<16xf32>
        %swap3A_1698 = arith.constant 34 : i32
        %swap3A_1699 = arith.index_cast %swap3A_1698 : i32 to index
        %swap3A_1700 = arith.index_cast %mul3A_1647 : i32 to index
        %swap3A_1701 = tpu.vector_load %arg13[%swap3A_1699, %swap3A_1700] {strides = array<i32>} : memref<64x256xf32, #tpu.memory_space<vmem>>, vector<1x16xf32>,
        %swap3A_1702 = vector.shape_cast %swap3A_1701 : vector<1x16xf32> to vector<16xf32>
        %swap3A_1703 = vector.shape_cast %add3A_1697 : vector<16xf32> to vector<1x16xf32>
        tpu.vector_store %arg13[%swap3A_1699, %swap3A_1700], %swap3A_1703 {strides = array<i32>} : memref<64x256xf32, #tpu.memory_space<vmem>>, vector<1x16xf32>,
        %mul3A_1704 = arith.mulf %broadcast_in_dim3A_1319, %get3A_1657 : vector<16xf32>
        %add3A_1705 = arith.addf %get3A_1652, %mul3A_1704 : vector<16xf32>
        %mul3A_1706 = arith.mulf %broadcast_in_dim3A_1319, %get3A_1667 : vector<16xf32>
        %add3A_1707 = arith.addf %get3A_1662, %mul3A_1706 : vector<16xf32>
        %mul3A_1708 = arith.mulf %broadcast_in_dim3A_1271, %add3A_1707 : vector<16xf32>
        %add3A_1709 = arith.addf %add3A_1705, %mul3A_1708 : vector<16xf32>
        %swap3A_1710 = arith.constant 35 : i32
        %swap3A_1711 = arith.index_cast %swap3A_1710 : i32 to index
        %swap3A_1712 = arith.index_cast %mul3A_1647 : i32 to index
        %swap3A_1713 = tpu.vector_load %arg13[%swap3A_1711, %swap3A_1712] {strides = array<i32>} : memref<64x256xf32, #tpu.memory_space<vmem>>, vector<1x16xf32>,
        %swap3A_1714 = vector.shape_cast %swap3A_1713 : vector<1x16xf32> to vector<16xf32>
        %swap3A_1715 = vector.shape_cast %add3A_1709 : vector<16xf32> to vector<1x16xf32>
        tpu.vector_store %arg13[%swap3A_1711, %swap3A_1712], %swap3A_1715 {strides = array<i32>} : memref<64x256xf32, #tpu.memory_space<vmem>>, vector<1x16xf32>,
        %mul3A_1716 = arith.mulf %broadcast_in_dim3A_1322, %get3A_1657 : vector<16xf32>
        %add3A_1717 = arith.addf %get3A_1652, %mul3A_1716 : vector<16xf32>
        %mul3A_1718 = arith.mulf %broadcast_in_dim3A_1322, %get3A_1667 : vector<16xf32>
        %add3A_1719 = arith.addf %get3A_1662, %mul3A_1718 : vector<16xf32>
        %mul3A_1720 = arith.mulf %broadcast_in_dim3A_1274, %add3A_1719 : vector<16xf32>
        %add3A_1721 = arith.addf %add3A_1717, %mul3A_1720 : vector<16xf32>
        %swap3A_1722 = arith.constant 36 : i32
        %swap3A_1723 = arith.index_cast %swap3A_1722 : i32 to index
        %swap3A_1724 = arith.index_cast %mul3A_1647 : i32 to index
        %swap3A_1725 = tpu.vector_load %arg13[%swap3A_1723, %swap3A_1724] {strides = array<i32>} : memref<64x256xf32, #tpu.memory_space<vmem>>, vector<1x16xf32>,
        %swap3A_1726 = vector.shape_cast %swap3A_1725 : vector<1x16xf32> to vector<16xf32>
        %swap3A_1727 = vector.shape_cast %add3A_1721 : vector<16xf32> to vector<1x16xf32>
        tpu.vector_store %arg13[%swap3A_1723, %swap3A_1724], %swap3A_1727 {strides = array<i32>} : memref<64x256xf32, #tpu.memory_space<vmem>>, vector<1x16xf32>,
        %mul3A_1728 = arith.mulf %broadcast_in_dim3A_1325, %get3A_1657 : vector<16xf32>
        %add3A_1729 = arith.addf %get3A_1652, %mul3A_1728 : vector<16xf32>
        %mul3A_1730 = arith.mulf %broadcast_in_dim3A_1325, %get3A_1667 : vector<16xf32>
        %add3A_1731 = arith.addf %get3A_1662, %mul3A_1730 : vector<16xf32>
        %mul3A_1732 = arith.mulf %broadcast_in_dim3A_1277, %add3A_1731 : vector<16xf32>
        %add3A_1733 = arith.addf %add3A_1729, %mul3A_1732 : vector<16xf32>
        %swap3A_1734 = arith.constant 37 : i32
        %swap3A_1735 = arith.index_cast %swap3A_1734 : i32 to index
        %swap3A_1736 = arith.index_cast %mul3A_1647 : i32 to index
        %swap3A_1737 = tpu.vector_load %arg13[%swap3A_1735, %swap3A_1736] {strides = array<i32>} : memref<64x256xf32, #tpu.memory_space<vmem>>, vector<1x16xf32>,
        %swap3A_1738 = vector.shape_cast %swap3A_1737 : vector<1x16xf32> to vector<16xf32>
        %swap3A_1739 = vector.shape_cast %add3A_1733 : vector<16xf32> to vector<1x16xf32>
        tpu.vector_store %arg13[%swap3A_1735, %swap3A_1736], %swap3A_1739 {strides = array<i32>} : memref<64x256xf32, #tpu.memory_space<vmem>>, vector<1x16xf32>,
        %mul3A_1740 = arith.mulf %broadcast_in_dim3A_1328, %get3A_1657 : vector<16xf32>
        %add3A_1741 = arith.addf %get3A_1652, %mul3A_1740 : vector<16xf32>
        %mul3A_1742 = arith.mulf %broadcast_in_dim3A_1328, %get3A_1667 : vector<16xf32>
        %add3A_1743 = arith.addf %get3A_1662, %mul3A_1742 : vector<16xf32>
        %mul3A_1744 = arith.mulf %broadcast_in_dim3A_1280, %add3A_1743 : vector<16xf32>
        %add3A_1745 = arith.addf %add3A_1741, %mul3A_1744 : vector<16xf32>
        %swap3A_1746 = arith.constant 38 : i32
        %swap3A_1747 = arith.index_cast %swap3A_1746 : i32 to index
        %swap3A_1748 = arith.index_cast %mul3A_1647 : i32 to index
        %swap3A_1749 = tpu.vector_load %arg13[%swap3A_1747, %swap3A_1748] {strides = array<i32>} : memref<64x256xf32, #tpu.memory_space<vmem>>, vector<1x16xf32>,
        %swap3A_1750 = vector.shape_cast %swap3A_1749 : vector<1x16xf32> to vector<16xf32>
        %swap3A_1751 = vector.shape_cast %add3A_1745 : vector<16xf32> to vector<1x16xf32>
        tpu.vector_store %arg13[%swap3A_1747, %swap3A_1748], %swap3A_1751 {strides = array<i32>} : memref<64x256xf32, #tpu.memory_space<vmem>>, vector<1x16xf32>,
        %mul3A_1752 = arith.mulf %broadcast_in_dim3A_1331, %get3A_1657 : vector<16xf32>
        %add3A_1753 = arith.addf %get3A_1652, %mul3A_1752 : vector<16xf32>
        %mul3A_1754 = arith.mulf %broadcast_in_dim3A_1331, %get3A_1667 : vector<16xf32>
        %add3A_1755 = arith.addf %get3A_1662, %mul3A_1754 : vector<16xf32>
        %mul3A_1756 = arith.mulf %broadcast_in_dim3A_1283, %add3A_1755 : vector<16xf32>
        %add3A_1757 = arith.addf %add3A_1753, %mul3A_1756 : vector<16xf32>
        %swap3A_1758 = arith.constant 39 : i32
        %swap3A_1759 = arith.index_cast %swap3A_1758 : i32 to index
        %swap3A_1760 = arith.index_cast %mul3A_1647 : i32 to index
        %swap3A_1761 = tpu.vector_load %arg13[%swap3A_1759, %swap3A_1760] {strides = array<i32>} : memref<64x256xf32, #tpu.memory_space<vmem>>, vector<1x16xf32>,
        %swap3A_1762 = vector.shape_cast %swap3A_1761 : vector<1x16xf32> to vector<16xf32>
        %swap3A_1763 = vector.shape_cast %add3A_1757 : vector<16xf32> to vector<1x16xf32>
        tpu.vector_store %arg13[%swap3A_1759, %swap3A_1760], %swap3A_1763 {strides = array<i32>} : memref<64x256xf32, #tpu.memory_space<vmem>>, vector<1x16xf32>,
        %mul3A_1764 = arith.mulf %broadcast_in_dim3A_1334, %get3A_1657 : vector<16xf32>
        %add3A_1765 = arith.addf %get3A_1652, %mul3A_1764 : vector<16xf32>
        %mul3A_1766 = arith.mulf %broadcast_in_dim3A_1334, %get3A_1667 : vector<16xf32>
        %add3A_1767 = arith.addf %get3A_1662, %mul3A_1766 : vector<16xf32>
        %mul3A_1768 = arith.mulf %broadcast_in_dim3A_1286, %add3A_1767 : vector<16xf32>
        %add3A_1769 = arith.addf %add3A_1765, %mul3A_1768 : vector<16xf32>
        %swap3A_1770 = arith.constant 40 : i32
        %swap3A_1771 = arith.index_cast %swap3A_1770 : i32 to index
        %swap3A_1772 = arith.index_cast %mul3A_1647 : i32 to index
        %swap3A_1773 = tpu.vector_load %arg13[%swap3A_1771, %swap3A_1772] {strides = array<i32>} : memref<64x256xf32, #tpu.memory_space<vmem>>, vector<1x16xf32>,
        %swap3A_1774 = vector.shape_cast %swap3A_1773 : vector<1x16xf32> to vector<16xf32>
        %swap3A_1775 = vector.shape_cast %add3A_1769 : vector<16xf32> to vector<1x16xf32>
        tpu.vector_store %arg13[%swap3A_1771, %swap3A_1772], %swap3A_1775 {strides = array<i32>} : memref<64x256xf32, #tpu.memory_space<vmem>>, vector<1x16xf32>,
        %mul3A_1776 = arith.mulf %broadcast_in_dim3A_1337, %get3A_1657 : vector<16xf32>
        %add3A_1777 = arith.addf %get3A_1652, %mul3A_1776 : vector<16xf32>
        %mul3A_1778 = arith.mulf %broadcast_in_dim3A_1337, %get3A_1667 : vector<16xf32>
        %add3A_1779 = arith.addf %get3A_1662, %mul3A_1778 : vector<16xf32>
        %mul3A_1780 = arith.mulf %broadcast_in_dim3A_1289, %add3A_1779 : vector<16xf32>
        %add3A_1781 = arith.addf %add3A_1777, %mul3A_1780 : vector<16xf32>
        %swap3A_1782 = arith.constant 41 : i32
        %swap3A_1783 = arith.index_cast %swap3A_1782 : i32 to index
        %swap3A_1784 = arith.index_cast %mul3A_1647 : i32 to index
        %swap3A_1785 = tpu.vector_load %arg13[%swap3A_1783, %swap3A_1784] {strides = array<i32>} : memref<64x256xf32, #tpu.memory_space<vmem>>, vector<1x16xf32>,
        %swap3A_1786 = vector.shape_cast %swap3A_1785 : vector<1x16xf32> to vector<16xf32>
        %swap3A_1787 = vector.shape_cast %add3A_1781 : vector<16xf32> to vector<1x16xf32>
        tpu.vector_store %arg13[%swap3A_1783, %swap3A_1784], %swap3A_1787 {strides = array<i32>} : memref<64x256xf32, #tpu.memory_space<vmem>>, vector<1x16xf32>,
        %mul3A_1788 = arith.mulf %broadcast_in_dim3A_1340, %get3A_1657 : vector<16xf32>
        %add3A_1789 = arith.addf %get3A_1652, %mul3A_1788 : vector<16xf32>
        %mul3A_1790 = arith.mulf %broadcast_in_dim3A_1340, %get3A_1667 : vector<16xf32>
        %add3A_1791 = arith.addf %get3A_1662, %mul3A_1790 : vector<16xf32>
        %mul3A_1792 = arith.mulf %broadcast_in_dim3A_1292, %add3A_1791 : vector<16xf32>
        %add3A_1793 = arith.addf %add3A_1789, %mul3A_1792 : vector<16xf32>
        %swap3A_1794 = arith.constant 42 : i32
        %swap3A_1795 = arith.index_cast %swap3A_1794 : i32 to index
        %swap3A_1796 = arith.index_cast %mul3A_1647 : i32 to index
        %swap3A_1797 = tpu.vector_load %arg13[%swap3A_1795, %swap3A_1796] {strides = array<i32>} : memref<64x256xf32, #tpu.memory_space<vmem>>, vector<1x16xf32>,
        %swap3A_1798 = vector.shape_cast %swap3A_1797 : vector<1x16xf32> to vector<16xf32>
        %swap3A_1799 = vector.shape_cast %add3A_1793 : vector<16xf32> to vector<1x16xf32>
        tpu.vector_store %arg13[%swap3A_1795, %swap3A_1796], %swap3A_1799 {strides = array<i32>} : memref<64x256xf32, #tpu.memory_space<vmem>>, vector<1x16xf32>,
        %mul3A_1800 = arith.mulf %broadcast_in_dim3A_1343, %get3A_1657 : vector<16xf32>
        %add3A_1801 = arith.addf %get3A_1652, %mul3A_1800 : vector<16xf32>
        %mul3A_1802 = arith.mulf %broadcast_in_dim3A_1343, %get3A_1667 : vector<16xf32>
        %add3A_1803 = arith.addf %get3A_1662, %mul3A_1802 : vector<16xf32>
        %mul3A_1804 = arith.mulf %broadcast_in_dim3A_1295, %add3A_1803 : vector<16xf32>
        %add3A_1805 = arith.addf %add3A_1801, %mul3A_1804 : vector<16xf32>
        %swap3A_1806 = arith.constant 43 : i32
        %swap3A_1807 = arith.index_cast %swap3A_1806 : i32 to index
        %swap3A_1808 = arith.index_cast %mul3A_1647 : i32 to index
        %swap3A_1809 = tpu.vector_load %arg13[%swap3A_1807, %swap3A_1808] {strides = array<i32>} : memref<64x256xf32, #tpu.memory_space<vmem>>, vector<1x16xf32>,
        %swap3A_1810 = vector.shape_cast %swap3A_1809 : vector<1x16xf32> to vector<16xf32>
        %swap3A_1811 = vector.shape_cast %add3A_1805 : vector<16xf32> to vector<1x16xf32>
        tpu.vector_store %arg13[%swap3A_1807, %swap3A_1808], %swap3A_1811 {strides = array<i32>} : memref<64x256xf32, #tpu.memory_space<vmem>>, vector<1x16xf32>,
        %mul3A_1812 = arith.mulf %broadcast_in_dim3A_1346, %get3A_1657 : vector<16xf32>
        %add3A_1813 = arith.addf %get3A_1652, %mul3A_1812 : vector<16xf32>
        %mul3A_1814 = arith.mulf %broadcast_in_dim3A_1346, %get3A_1667 : vector<16xf32>
        %add3A_1815 = arith.addf %get3A_1662, %mul3A_1814 : vector<16xf32>
        %mul3A_1816 = arith.mulf %broadcast_in_dim3A_1298, %add3A_1815 : vector<16xf32>
        %add3A_1817 = arith.addf %add3A_1813, %mul3A_1816 : vector<16xf32>
        %swap3A_1818 = arith.constant 44 : i32
        %swap3A_1819 = arith.index_cast %swap3A_1818 : i32 to index
        %swap3A_1820 = arith.index_cast %mul3A_1647 : i32 to index
        %swap3A_1821 = tpu.vector_load %arg13[%swap3A_1819, %swap3A_1820] {strides = array<i32>} : memref<64x256xf32, #tpu.memory_space<vmem>>, vector<1x16xf32>,
        %swap3A_1822 = vector.shape_cast %swap3A_1821 : vector<1x16xf32> to vector<16xf32>
        %swap3A_1823 = vector.shape_cast %add3A_1817 : vector<16xf32> to vector<1x16xf32>
        tpu.vector_store %arg13[%swap3A_1819, %swap3A_1820], %swap3A_1823 {strides = array<i32>} : memref<64x256xf32, #tpu.memory_space<vmem>>, vector<1x16xf32>,
        %mul3A_1824 = arith.mulf %broadcast_in_dim3A_1349, %get3A_1657 : vector<16xf32>
        %add3A_1825 = arith.addf %get3A_1652, %mul3A_1824 : vector<16xf32>
        %mul3A_1826 = arith.mulf %broadcast_in_dim3A_1349, %get3A_1667 : vector<16xf32>
        %add3A_1827 = arith.addf %get3A_1662, %mul3A_1826 : vector<16xf32>
        %mul3A_1828 = arith.mulf %broadcast_in_dim3A_1301, %add3A_1827 : vector<16xf32>
        %add3A_1829 = arith.addf %add3A_1825, %mul3A_1828 : vector<16xf32>
        %swap3A_1830 = arith.constant 45 : i32
        %swap3A_1831 = arith.index_cast %swap3A_1830 : i32 to index
        %swap3A_1832 = arith.index_cast %mul3A_1647 : i32 to index
        %swap3A_1833 = tpu.vector_load %arg13[%swap3A_1831, %swap3A_1832] {strides = array<i32>} : memref<64x256xf32, #tpu.memory_space<vmem>>, vector<1x16xf32>,
        %swap3A_1834 = vector.shape_cast %swap3A_1833 : vector<1x16xf32> to vector<16xf32>
        %swap3A_1835 = vector.shape_cast %add3A_1829 : vector<16xf32> to vector<1x16xf32>
        tpu.vector_store %arg13[%swap3A_1831, %swap3A_1832], %swap3A_1835 {strides = array<i32>} : memref<64x256xf32, #tpu.memory_space<vmem>>, vector<1x16xf32>,
        %mul3A_1836 = arith.mulf %broadcast_in_dim3A_1352, %get3A_1657 : vector<16xf32>
        %add3A_1837 = arith.addf %get3A_1652, %mul3A_1836 : vector<16xf32>
        %mul3A_1838 = arith.mulf %broadcast_in_dim3A_1352, %get3A_1667 : vector<16xf32>
        %add3A_1839 = arith.addf %get3A_1662, %mul3A_1838 : vector<16xf32>
        %mul3A_1840 = arith.mulf %broadcast_in_dim3A_1304, %add3A_1839 : vector<16xf32>
        %add3A_1841 = arith.addf %add3A_1837, %mul3A_1840 : vector<16xf32>
        %swap3A_1842 = arith.constant 46 : i32
        %swap3A_1843 = arith.index_cast %swap3A_1842 : i32 to index
        %swap3A_1844 = arith.index_cast %mul3A_1647 : i32 to index
        %swap3A_1845 = tpu.vector_load %arg13[%swap3A_1843, %swap3A_1844] {strides = array<i32>} : memref<64x256xf32, #tpu.memory_space<vmem>>, vector<1x16xf32>,
        %swap3A_1846 = vector.shape_cast %swap3A_1845 : vector<1x16xf32> to vector<16xf32>
        %swap3A_1847 = vector.shape_cast %add3A_1841 : vector<16xf32> to vector<1x16xf32>
        tpu.vector_store %arg13[%swap3A_1843, %swap3A_1844], %swap3A_1847 {strides = array<i32>} : memref<64x256xf32, #tpu.memory_space<vmem>>, vector<1x16xf32>,
        %mul3A_1848 = arith.mulf %broadcast_in_dim3A_1355, %get3A_1657 : vector<16xf32>
        %add3A_1849 = arith.addf %get3A_1652, %mul3A_1848 : vector<16xf32>
        %mul3A_1850 = arith.mulf %broadcast_in_dim3A_1355, %get3A_1667 : vector<16xf32>
        %add3A_1851 = arith.addf %get3A_1662, %mul3A_1850 : vector<16xf32>
        %mul3A_1852 = arith.mulf %broadcast_in_dim3A_1307, %add3A_1851 : vector<16xf32>
        %add3A_1853 = arith.addf %add3A_1849, %mul3A_1852 : vector<16xf32>
        %swap3A_1854 = arith.constant 47 : i32
        %swap3A_1855 = arith.index_cast %swap3A_1854 : i32 to index
        %swap3A_1856 = arith.index_cast %mul3A_1647 : i32 to index
        %swap3A_1857 = tpu.vector_load %arg13[%swap3A_1855, %swap3A_1856] {strides = array<i32>} : memref<64x256xf32, #tpu.memory_space<vmem>>, vector<1x16xf32>,
        %swap3A_1858 = vector.shape_cast %swap3A_1857 : vector<1x16xf32> to vector<16xf32>
        %swap3A_1859 = vector.shape_cast %add3A_1853 : vector<16xf32> to vector<1x16xf32>
        tpu.vector_store %arg13[%swap3A_1855, %swap3A_1856], %swap3A_1859 {strides = array<i32>} : memref<64x256xf32, #tpu.memory_space<vmem>>, vector<1x16xf32>,
      }
      %scan3A_1361 = arith.constant 16 : i32
      %add3A_1362 = arith.constant 48 : i32
      %add3A_1363 = arith.addi %add3A_1007, %add3A_1362 : i32
      %get3A_1364 = arith.index_cast %select_n3A_987 : i32 to index
      %get3A_1365 = arith.index_cast %add3A_1363 : i32 to index
      %get3A_1366 = tpu.vector_load %arg6[%get3A_1364, %get3A_1365] {strides = array<i32>} : memref<32x1024xi32, #tpu.memory_space<vmem>>, vector<1x16xi32>,
      %get3A_1367 = vector.shape_cast %get3A_1366 : vector<1x16xi32> to vector<16xi32>
      %convert_element_type3A_1368 = arith.sitofp %get3A_1367 : vector<16xi32> to vector<16xf32>
      %add3A_1369 = arith.constant 512 : i32
      %add3A_1370 = arith.addi %add3A_1369, %add3A_1007 : i32
      %add3A_1371 = arith.constant 48 : i32
      %add3A_1372 = arith.addi %add3A_1370, %add3A_1371 : i32
      %get3A_1373 = arith.index_cast %select_n3A_987 : i32 to index
      %get3A_1374 = arith.index_cast %add3A_1372 : i32 to index
      %get3A_1375 = tpu.vector_load %arg6[%get3A_1373, %get3A_1374] {strides = array<i32>} : memref<32x1024xi32, #tpu.memory_space<vmem>>, vector<1x16xi32>,
      %get3A_1376 = vector.shape_cast %get3A_1375 : vector<1x16xi32> to vector<16xi32>
      %convert_element_type3A_1377 = arith.sitofp %get3A_1376 : vector<16xi32> to vector<16xf32>
      %slice3A_1378 = vector.extract_strided_slice %convert_element_type3A_1368 {offsets = [0], sizes = [1], strides = [1]} : vector<16xf32> to vector<1xf32>
      %squeeze3A_1379 = vector.extract %slice3A_1378[0] : f32 from vector<1xf32>
      %broadcast_in_dim3A_1380 = vector.broadcast %squeeze3A_1379 : f32 to vector<16xf32>
      %slice3A_1381 = vector.extract_strided_slice %convert_element_type3A_1368 {offsets = [1], sizes = [1], strides = [1]} : vector<16xf32> to vector<1xf32>
      %squeeze3A_1382 = vector.extract %slice3A_1381[0] : f32 from vector<1xf32>
      %broadcast_in_dim3A_1383 = vector.broadcast %squeeze3A_1382 : f32 to vector<16xf32>
      %slice3A_1384 = vector.extract_strided_slice %convert_element_type3A_1368 {offsets = [2], sizes = [1], strides = [1]} : vector<16xf32> to vector<1xf32>
      %squeeze3A_1385 = vector.extract %slice3A_1384[0] : f32 from vector<1xf32>
      %broadcast_in_dim3A_1386 = vector.broadcast %squeeze3A_1385 : f32 to vector<16xf32>
      %slice3A_1387 = vector.extract_strided_slice %convert_element_type3A_1368 {offsets = [3], sizes = [1], strides = [1]} : vector<16xf32> to vector<1xf32>
      %squeeze3A_1388 = vector.extract %slice3A_1387[0] : f32 from vector<1xf32>
      %broadcast_in_dim3A_1389 = vector.broadcast %squeeze3A_1388 : f32 to vector<16xf32>
      %slice3A_1390 = vector.extract_strided_slice %convert_element_type3A_1368 {offsets = [4], sizes = [1], strides = [1]} : vector<16xf32> to vector<1xf32>
      %squeeze3A_1391 = vector.extract %slice3A_1390[0] : f32 from vector<1xf32>
      %broadcast_in_dim3A_1392 = vector.broadcast %squeeze3A_1391 : f32 to vector<16xf32>
      %slice3A_1393 = vector.extract_strided_slice %convert_element_type3A_1368 {offsets = [5], sizes = [1], strides = [1]} : vector<16xf32> to vector<1xf32>
      %squeeze3A_1394 = vector.extract %slice3A_1393[0] : f32 from vector<1xf32>
      %broadcast_in_dim3A_1395 = vector.broadcast %squeeze3A_1394 : f32 to vector<16xf32>
      %slice3A_1396 = vector.extract_strided_slice %convert_element_type3A_1368 {offsets = [6], sizes = [1], strides = [1]} : vector<16xf32> to vector<1xf32>
      %squeeze3A_1397 = vector.extract %slice3A_1396[0] : f32 from vector<1xf32>
      %broadcast_in_dim3A_1398 = vector.broadcast %squeeze3A_1397 : f32 to vector<16xf32>
      %slice3A_1399 = vector.extract_strided_slice %convert_element_type3A_1368 {offsets = [7], sizes = [1], strides = [1]} : vector<16xf32> to vector<1xf32>
      %squeeze3A_1400 = vector.extract %slice3A_1399[0] : f32 from vector<1xf32>
      %broadcast_in_dim3A_1401 = vector.broadcast %squeeze3A_1400 : f32 to vector<16xf32>
      %slice3A_1402 = vector.extract_strided_slice %convert_element_type3A_1368 {offsets = [8], sizes = [1], strides = [1]} : vector<16xf32> to vector<1xf32>
      %squeeze3A_1403 = vector.extract %slice3A_1402[0] : f32 from vector<1xf32>
      %broadcast_in_dim3A_1404 = vector.broadcast %squeeze3A_1403 : f32 to vector<16xf32>
      %slice3A_1405 = vector.extract_strided_slice %convert_element_type3A_1368 {offsets = [9], sizes = [1], strides = [1]} : vector<16xf32> to vector<1xf32>
      %squeeze3A_1406 = vector.extract %slice3A_1405[0] : f32 from vector<1xf32>
      %broadcast_in_dim3A_1407 = vector.broadcast %squeeze3A_1406 : f32 to vector<16xf32>
      %slice3A_1408 = vector.extract_strided_slice %convert_element_type3A_1368 {offsets = [10], sizes = [1], strides = [1]} : vector<16xf32> to vector<1xf32>
      %squeeze3A_1409 = vector.extract %slice3A_1408[0] : f32 from vector<1xf32>
      %broadcast_in_dim3A_1410 = vector.broadcast %squeeze3A_1409 : f32 to vector<16xf32>
      %slice3A_1411 = vector.extract_strided_slice %convert_element_type3A_1368 {offsets = [11], sizes = [1], strides = [1]} : vector<16xf32> to vector<1xf32>
      %squeeze3A_1412 = vector.extract %slice3A_1411[0] : f32 from vector<1xf32>
      %broadcast_in_dim3A_1413 = vector.broadcast %squeeze3A_1412 : f32 to vector<16xf32>
      %slice3A_1414 = vector.extract_strided_slice %convert_element_type3A_1368 {offsets = [12], sizes = [1], strides = [1]} : vector<16xf32> to vector<1xf32>
      %squeeze3A_1415 = vector.extract %slice3A_1414[0] : f32 from vector<1xf32>
      %broadcast_in_dim3A_1416 = vector.broadcast %squeeze3A_1415 : f32 to vector<16xf32>
      %slice3A_1417 = vector.extract_strided_slice %convert_element_type3A_1368 {offsets = [13], sizes = [1], strides = [1]} : vector<16xf32> to vector<1xf32>
      %squeeze3A_1418 = vector.extract %slice3A_1417[0] : f32 from vector<1xf32>
      %broadcast_in_dim3A_1419 = vector.broadcast %squeeze3A_1418 : f32 to vector<16xf32>
      %slice3A_1420 = vector.extract_strided_slice %convert_element_type3A_1368 {offsets = [14], sizes = [1], strides = [1]} : vector<16xf32> to vector<1xf32>
      %squeeze3A_1421 = vector.extract %slice3A_1420[0] : f32 from vector<1xf32>
      %broadcast_in_dim3A_1422 = vector.broadcast %squeeze3A_1421 : f32 to vector<16xf32>
      %slice3A_1423 = vector.extract_strided_slice %convert_element_type3A_1368 {offsets = [15], sizes = [1], strides = [1]} : vector<16xf32> to vector<1xf32>
      %squeeze3A_1424 = vector.extract %slice3A_1423[0] : f32 from vector<1xf32>
      %broadcast_in_dim3A_1425 = vector.broadcast %squeeze3A_1424 : f32 to vector<16xf32>
      %slice3A_1426 = vector.extract_strided_slice %convert_element_type3A_1377 {offsets = [0], sizes = [1], strides = [1]} : vector<16xf32> to vector<1xf32>
      %squeeze3A_1427 = vector.extract %slice3A_1426[0] : f32 from vector<1xf32>
      %broadcast_in_dim3A_1428 = vector.broadcast %squeeze3A_1427 : f32 to vector<16xf32>
      %slice3A_1429 = vector.extract_strided_slice %convert_element_type3A_1377 {offsets = [1], sizes = [1], strides = [1]} : vector<16xf32> to vector<1xf32>
      %squeeze3A_1430 = vector.extract %slice3A_1429[0] : f32 from vector<1xf32>
      %broadcast_in_dim3A_1431 = vector.broadcast %squeeze3A_1430 : f32 to vector<16xf32>
      %slice3A_1432 = vector.extract_strided_slice %convert_element_type3A_1377 {offsets = [2], sizes = [1], strides = [1]} : vector<16xf32> to vector<1xf32>
      %squeeze3A_1433 = vector.extract %slice3A_1432[0] : f32 from vector<1xf32>
      %broadcast_in_dim3A_1434 = vector.broadcast %squeeze3A_1433 : f32 to vector<16xf32>
      %slice3A_1435 = vector.extract_strided_slice %convert_element_type3A_1377 {offsets = [3], sizes = [1], strides = [1]} : vector<16xf32> to vector<1xf32>
      %squeeze3A_1436 = vector.extract %slice3A_1435[0] : f32 from vector<1xf32>
      %broadcast_in_dim3A_1437 = vector.broadcast %squeeze3A_1436 : f32 to vector<16xf32>
      %slice3A_1438 = vector.extract_strided_slice %convert_element_type3A_1377 {offsets = [4], sizes = [1], strides = [1]} : vector<16xf32> to vector<1xf32>
      %squeeze3A_1439 = vector.extract %slice3A_1438[0] : f32 from vector<1xf32>
      %broadcast_in_dim3A_1440 = vector.broadcast %squeeze3A_1439 : f32 to vector<16xf32>
      %slice3A_1441 = vector.extract_strided_slice %convert_element_type3A_1377 {offsets = [5], sizes = [1], strides = [1]} : vector<16xf32> to vector<1xf32>
      %squeeze3A_1442 = vector.extract %slice3A_1441[0] : f32 from vector<1xf32>
      %broadcast_in_dim3A_1443 = vector.broadcast %squeeze3A_1442 : f32 to vector<16xf32>
      %slice3A_1444 = vector.extract_strided_slice %convert_element_type3A_1377 {offsets = [6], sizes = [1], strides = [1]} : vector<16xf32> to vector<1xf32>
      %squeeze3A_1445 = vector.extract %slice3A_1444[0] : f32 from vector<1xf32>
      %broadcast_in_dim3A_1446 = vector.broadcast %squeeze3A_1445 : f32 to vector<16xf32>
      %slice3A_1447 = vector.extract_strided_slice %convert_element_type3A_1377 {offsets = [7], sizes = [1], strides = [1]} : vector<16xf32> to vector<1xf32>
      %squeeze3A_1448 = vector.extract %slice3A_1447[0] : f32 from vector<1xf32>
      %broadcast_in_dim3A_1449 = vector.broadcast %squeeze3A_1448 : f32 to vector<16xf32>
      %slice3A_1450 = vector.extract_strided_slice %convert_element_type3A_1377 {offsets = [8], sizes = [1], strides = [1]} : vector<16xf32> to vector<1xf32>
      %squeeze3A_1451 = vector.extract %slice3A_1450[0] : f32 from vector<1xf32>
      %broadcast_in_dim3A_1452 = vector.broadcast %squeeze3A_1451 : f32 to vector<16xf32>
      %slice3A_1453 = vector.extract_strided_slice %convert_element_type3A_1377 {offsets = [9], sizes = [1], strides = [1]} : vector<16xf32> to vector<1xf32>
      %squeeze3A_1454 = vector.extract %slice3A_1453[0] : f32 from vector<1xf32>
      %broadcast_in_dim3A_1455 = vector.broadcast %squeeze3A_1454 : f32 to vector<16xf32>
      %slice3A_1456 = vector.extract_strided_slice %convert_element_type3A_1377 {offsets = [10], sizes = [1], strides = [1]} : vector<16xf32> to vector<1xf32>
      %squeeze3A_1457 = vector.extract %slice3A_1456[0] : f32 from vector<1xf32>
      %broadcast_in_dim3A_1458 = vector.broadcast %squeeze3A_1457 : f32 to vector<16xf32>
      %slice3A_1459 = vector.extract_strided_slice %convert_element_type3A_1377 {offsets = [11], sizes = [1], strides = [1]} : vector<16xf32> to vector<1xf32>
      %squeeze3A_1460 = vector.extract %slice3A_1459[0] : f32 from vector<1xf32>
      %broadcast_in_dim3A_1461 = vector.broadcast %squeeze3A_1460 : f32 to vector<16xf32>
      %slice3A_1462 = vector.extract_strided_slice %convert_element_type3A_1377 {offsets = [12], sizes = [1], strides = [1]} : vector<16xf32> to vector<1xf32>
      %squeeze3A_1463 = vector.extract %slice3A_1462[0] : f32 from vector<1xf32>
      %broadcast_in_dim3A_1464 = vector.broadcast %squeeze3A_1463 : f32 to vector<16xf32>
      %slice3A_1465 = vector.extract_strided_slice %convert_element_type3A_1377 {offsets = [13], sizes = [1], strides = [1]} : vector<16xf32> to vector<1xf32>
      %squeeze3A_1466 = vector.extract %slice3A_1465[0] : f32 from vector<1xf32>
      %broadcast_in_dim3A_1467 = vector.broadcast %squeeze3A_1466 : f32 to vector<16xf32>
      %slice3A_1468 = vector.extract_strided_slice %convert_element_type3A_1377 {offsets = [14], sizes = [1], strides = [1]} : vector<16xf32> to vector<1xf32>
      %squeeze3A_1469 = vector.extract %slice3A_1468[0] : f32 from vector<1xf32>
      %broadcast_in_dim3A_1470 = vector.broadcast %squeeze3A_1469 : f32 to vector<16xf32>
      %slice3A_1471 = vector.extract_strided_slice %convert_element_type3A_1377 {offsets = [15], sizes = [1], strides = [1]} : vector<16xf32> to vector<1xf32>
      %squeeze3A_1472 = vector.extract %slice3A_1471[0] : f32 from vector<1xf32>
      %broadcast_in_dim3A_1473 = vector.broadcast %squeeze3A_1472 : f32 to vector<16xf32>
      %scan3A_1474 = arith.constant 0 : i32
      %scan3A_1475 = arith.constant 0 : i32
      %scan3A_1476 = arith.constant 16 : i32
      %scan3A_1477 = arith.addi %scan3A_1475, %scan3A_1476 : i32
      %scan3A_1478 = arith.constant 1 : i32
      scf.for %scan3A_1645 = %scan3A_1475 to %scan3A_1477 step %scan3A_1478  : i32 {
        %mul3A_1646 = arith.constant 16 : i32
        %mul3A_1647 = arith.muli %scan3A_1645, %mul3A_1646 : i32
        %get3A_1648 = arith.constant 0 : i32
        %get3A_1649 = arith.index_cast %get3A_1648 : i32 to index
        %get3A_1650 = arith.index_cast %mul3A_1647 : i32 to index
        %get3A_1651 = tpu.vector_load %arg7[%get3A_1649, %get3A_1650] {strides = array<i32>} : memref<4x256xf32, #tpu.memory_space<vmem>>, vector<1x16xf32>,
        %get3A_1652 = vector.shape_cast %get3A_1651 : vector<1x16xf32> to vector<16xf32>
        %get3A_1653 = arith.constant 1 : i32
        %get3A_1654 = arith.index_cast %get3A_1653 : i32 to index
        %get3A_1655 = arith.index_cast %mul3A_1647 : i32 to index
        %get3A_1656 = tpu.vector_load %arg7[%get3A_1654, %get3A_1655] {strides = array<i32>} : memref<4x256xf32, #tpu.memory_space<vmem>>, vector<1x16xf32>,
        %get3A_1657 = vector.shape_cast %get3A_1656 : vector<1x16xf32> to vector<16xf32>
        %get3A_1658 = arith.constant 2 : i32
        %get3A_1659 = arith.index_cast %get3A_1658 : i32 to index
        %get3A_1660 = arith.index_cast %mul3A_1647 : i32 to index
        %get3A_1661 = tpu.vector_load %arg7[%get3A_1659, %get3A_1660] {strides = array<i32>} : memref<4x256xf32, #tpu.memory_space<vmem>>, vector<1x16xf32>,
        %get3A_1662 = vector.shape_cast %get3A_1661 : vector<1x16xf32> to vector<16xf32>
        %get3A_1663 = arith.constant 3 : i32
        %get3A_1664 = arith.index_cast %get3A_1663 : i32 to index
        %get3A_1665 = arith.index_cast %mul3A_1647 : i32 to index
        %get3A_1666 = tpu.vector_load %arg7[%get3A_1664, %get3A_1665] {strides = array<i32>} : memref<4x256xf32, #tpu.memory_space<vmem>>, vector<1x16xf32>,
        %get3A_1667 = vector.shape_cast %get3A_1666 : vector<1x16xf32> to vector<16xf32>
        %mul3A_1668 = arith.mulf %broadcast_in_dim3A_1428, %get3A_1657 : vector<16xf32>
        %add3A_1669 = arith.addf %get3A_1652, %mul3A_1668 : vector<16xf32>
        %mul3A_1670 = arith.mulf %broadcast_in_dim3A_1428, %get3A_1667 : vector<16xf32>
        %add3A_1671 = arith.addf %get3A_1662, %mul3A_1670 : vector<16xf32>
        %mul3A_1672 = arith.mulf %broadcast_in_dim3A_1380, %add3A_1671 : vector<16xf32>
        %add3A_1673 = arith.addf %add3A_1669, %mul3A_1672 : vector<16xf32>
        %swap3A_1674 = arith.constant 48 : i32
        %swap3A_1675 = arith.index_cast %swap3A_1674 : i32 to index
        %swap3A_1676 = arith.index_cast %mul3A_1647 : i32 to index
        %swap3A_1677 = tpu.vector_load %arg13[%swap3A_1675, %swap3A_1676] {strides = array<i32>} : memref<64x256xf32, #tpu.memory_space<vmem>>, vector<1x16xf32>,
        %swap3A_1678 = vector.shape_cast %swap3A_1677 : vector<1x16xf32> to vector<16xf32>
        %swap3A_1679 = vector.shape_cast %add3A_1673 : vector<16xf32> to vector<1x16xf32>
        tpu.vector_store %arg13[%swap3A_1675, %swap3A_1676], %swap3A_1679 {strides = array<i32>} : memref<64x256xf32, #tpu.memory_space<vmem>>, vector<1x16xf32>,
        %mul3A_1680 = arith.mulf %broadcast_in_dim3A_1431, %get3A_1657 : vector<16xf32>
        %add3A_1681 = arith.addf %get3A_1652, %mul3A_1680 : vector<16xf32>
        %mul3A_1682 = arith.mulf %broadcast_in_dim3A_1431, %get3A_1667 : vector<16xf32>
        %add3A_1683 = arith.addf %get3A_1662, %mul3A_1682 : vector<16xf32>
        %mul3A_1684 = arith.mulf %broadcast_in_dim3A_1383, %add3A_1683 : vector<16xf32>
        %add3A_1685 = arith.addf %add3A_1681, %mul3A_1684 : vector<16xf32>
        %swap3A_1686 = arith.constant 49 : i32
        %swap3A_1687 = arith.index_cast %swap3A_1686 : i32 to index
        %swap3A_1688 = arith.index_cast %mul3A_1647 : i32 to index
        %swap3A_1689 = tpu.vector_load %arg13[%swap3A_1687, %swap3A_1688] {strides = array<i32>} : memref<64x256xf32, #tpu.memory_space<vmem>>, vector<1x16xf32>,
        %swap3A_1690 = vector.shape_cast %swap3A_1689 : vector<1x16xf32> to vector<16xf32>
        %swap3A_1691 = vector.shape_cast %add3A_1685 : vector<16xf32> to vector<1x16xf32>
        tpu.vector_store %arg13[%swap3A_1687, %swap3A_1688], %swap3A_1691 {strides = array<i32>} : memref<64x256xf32, #tpu.memory_space<vmem>>, vector<1x16xf32>,
        %mul3A_1692 = arith.mulf %broadcast_in_dim3A_1434, %get3A_1657 : vector<16xf32>
        %add3A_1693 = arith.addf %get3A_1652, %mul3A_1692 : vector<16xf32>
        %mul3A_1694 = arith.mulf %broadcast_in_dim3A_1434, %get3A_1667 : vector<16xf32>
        %add3A_1695 = arith.addf %get3A_1662, %mul3A_1694 : vector<16xf32>
        %mul3A_1696 = arith.mulf %broadcast_in_dim3A_1386, %add3A_1695 : vector<16xf32>
        %add3A_1697 = arith.addf %add3A_1693, %mul3A_1696 : vector<16xf32>
        %swap3A_1698 = arith.constant 50 : i32
        %swap3A_1699 = arith.index_cast %swap3A_1698 : i32 to index
        %swap3A_1700 = arith.index_cast %mul3A_1647 : i32 to index
        %swap3A_1701 = tpu.vector_load %arg13[%swap3A_1699, %swap3A_1700] {strides = array<i32>} : memref<64x256xf32, #tpu.memory_space<vmem>>, vector<1x16xf32>,
        %swap3A_1702 = vector.shape_cast %swap3A_1701 : vector<1x16xf32> to vector<16xf32>
        %swap3A_1703 = vector.shape_cast %add3A_1697 : vector<16xf32> to vector<1x16xf32>
        tpu.vector_store %arg13[%swap3A_1699, %swap3A_1700], %swap3A_1703 {strides = array<i32>} : memref<64x256xf32, #tpu.memory_space<vmem>>, vector<1x16xf32>,
        %mul3A_1704 = arith.mulf %broadcast_in_dim3A_1437, %get3A_1657 : vector<16xf32>
        %add3A_1705 = arith.addf %get3A_1652, %mul3A_1704 : vector<16xf32>
        %mul3A_1706 = arith.mulf %broadcast_in_dim3A_1437, %get3A_1667 : vector<16xf32>
        %add3A_1707 = arith.addf %get3A_1662, %mul3A_1706 : vector<16xf32>
        %mul3A_1708 = arith.mulf %broadcast_in_dim3A_1389, %add3A_1707 : vector<16xf32>
        %add3A_1709 = arith.addf %add3A_1705, %mul3A_1708 : vector<16xf32>
        %swap3A_1710 = arith.constant 51 : i32
        %swap3A_1711 = arith.index_cast %swap3A_1710 : i32 to index
        %swap3A_1712 = arith.index_cast %mul3A_1647 : i32 to index
        %swap3A_1713 = tpu.vector_load %arg13[%swap3A_1711, %swap3A_1712] {strides = array<i32>} : memref<64x256xf32, #tpu.memory_space<vmem>>, vector<1x16xf32>,
        %swap3A_1714 = vector.shape_cast %swap3A_1713 : vector<1x16xf32> to vector<16xf32>
        %swap3A_1715 = vector.shape_cast %add3A_1709 : vector<16xf32> to vector<1x16xf32>
        tpu.vector_store %arg13[%swap3A_1711, %swap3A_1712], %swap3A_1715 {strides = array<i32>} : memref<64x256xf32, #tpu.memory_space<vmem>>, vector<1x16xf32>,
        %mul3A_1716 = arith.mulf %broadcast_in_dim3A_1440, %get3A_1657 : vector<16xf32>
        %add3A_1717 = arith.addf %get3A_1652, %mul3A_1716 : vector<16xf32>
        %mul3A_1718 = arith.mulf %broadcast_in_dim3A_1440, %get3A_1667 : vector<16xf32>
        %add3A_1719 = arith.addf %get3A_1662, %mul3A_1718 : vector<16xf32>
        %mul3A_1720 = arith.mulf %broadcast_in_dim3A_1392, %add3A_1719 : vector<16xf32>
        %add3A_1721 = arith.addf %add3A_1717, %mul3A_1720 : vector<16xf32>
        %swap3A_1722 = arith.constant 52 : i32
        %swap3A_1723 = arith.index_cast %swap3A_1722 : i32 to index
        %swap3A_1724 = arith.index_cast %mul3A_1647 : i32 to index
        %swap3A_1725 = tpu.vector_load %arg13[%swap3A_1723, %swap3A_1724] {strides = array<i32>} : memref<64x256xf32, #tpu.memory_space<vmem>>, vector<1x16xf32>,
        %swap3A_1726 = vector.shape_cast %swap3A_1725 : vector<1x16xf32> to vector<16xf32>
        %swap3A_1727 = vector.shape_cast %add3A_1721 : vector<16xf32> to vector<1x16xf32>
        tpu.vector_store %arg13[%swap3A_1723, %swap3A_1724], %swap3A_1727 {strides = array<i32>} : memref<64x256xf32, #tpu.memory_space<vmem>>, vector<1x16xf32>,
        %mul3A_1728 = arith.mulf %broadcast_in_dim3A_1443, %get3A_1657 : vector<16xf32>
        %add3A_1729 = arith.addf %get3A_1652, %mul3A_1728 : vector<16xf32>
        %mul3A_1730 = arith.mulf %broadcast_in_dim3A_1443, %get3A_1667 : vector<16xf32>
        %add3A_1731 = arith.addf %get3A_1662, %mul3A_1730 : vector<16xf32>
        %mul3A_1732 = arith.mulf %broadcast_in_dim3A_1395, %add3A_1731 : vector<16xf32>
        %add3A_1733 = arith.addf %add3A_1729, %mul3A_1732 : vector<16xf32>
        %swap3A_1734 = arith.constant 53 : i32
        %swap3A_1735 = arith.index_cast %swap3A_1734 : i32 to index
        %swap3A_1736 = arith.index_cast %mul3A_1647 : i32 to index
        %swap3A_1737 = tpu.vector_load %arg13[%swap3A_1735, %swap3A_1736] {strides = array<i32>} : memref<64x256xf32, #tpu.memory_space<vmem>>, vector<1x16xf32>,
        %swap3A_1738 = vector.shape_cast %swap3A_1737 : vector<1x16xf32> to vector<16xf32>
        %swap3A_1739 = vector.shape_cast %add3A_1733 : vector<16xf32> to vector<1x16xf32>
        tpu.vector_store %arg13[%swap3A_1735, %swap3A_1736], %swap3A_1739 {strides = array<i32>} : memref<64x256xf32, #tpu.memory_space<vmem>>, vector<1x16xf32>,
        %mul3A_1740 = arith.mulf %broadcast_in_dim3A_1446, %get3A_1657 : vector<16xf32>
        %add3A_1741 = arith.addf %get3A_1652, %mul3A_1740 : vector<16xf32>
        %mul3A_1742 = arith.mulf %broadcast_in_dim3A_1446, %get3A_1667 : vector<16xf32>
        %add3A_1743 = arith.addf %get3A_1662, %mul3A_1742 : vector<16xf32>
        %mul3A_1744 = arith.mulf %broadcast_in_dim3A_1398, %add3A_1743 : vector<16xf32>
        %add3A_1745 = arith.addf %add3A_1741, %mul3A_1744 : vector<16xf32>
        %swap3A_1746 = arith.constant 54 : i32
        %swap3A_1747 = arith.index_cast %swap3A_1746 : i32 to index
        %swap3A_1748 = arith.index_cast %mul3A_1647 : i32 to index
        %swap3A_1749 = tpu.vector_load %arg13[%swap3A_1747, %swap3A_1748] {strides = array<i32>} : memref<64x256xf32, #tpu.memory_space<vmem>>, vector<1x16xf32>,
        %swap3A_1750 = vector.shape_cast %swap3A_1749 : vector<1x16xf32> to vector<16xf32>
        %swap3A_1751 = vector.shape_cast %add3A_1745 : vector<16xf32> to vector<1x16xf32>
        tpu.vector_store %arg13[%swap3A_1747, %swap3A_1748], %swap3A_1751 {strides = array<i32>} : memref<64x256xf32, #tpu.memory_space<vmem>>, vector<1x16xf32>,
        %mul3A_1752 = arith.mulf %broadcast_in_dim3A_1449, %get3A_1657 : vector<16xf32>
        %add3A_1753 = arith.addf %get3A_1652, %mul3A_1752 : vector<16xf32>
        %mul3A_1754 = arith.mulf %broadcast_in_dim3A_1449, %get3A_1667 : vector<16xf32>
        %add3A_1755 = arith.addf %get3A_1662, %mul3A_1754 : vector<16xf32>
        %mul3A_1756 = arith.mulf %broadcast_in_dim3A_1401, %add3A_1755 : vector<16xf32>
        %add3A_1757 = arith.addf %add3A_1753, %mul3A_1756 : vector<16xf32>
        %swap3A_1758 = arith.constant 55 : i32
        %swap3A_1759 = arith.index_cast %swap3A_1758 : i32 to index
        %swap3A_1760 = arith.index_cast %mul3A_1647 : i32 to index
        %swap3A_1761 = tpu.vector_load %arg13[%swap3A_1759, %swap3A_1760] {strides = array<i32>} : memref<64x256xf32, #tpu.memory_space<vmem>>, vector<1x16xf32>,
        %swap3A_1762 = vector.shape_cast %swap3A_1761 : vector<1x16xf32> to vector<16xf32>
        %swap3A_1763 = vector.shape_cast %add3A_1757 : vector<16xf32> to vector<1x16xf32>
        tpu.vector_store %arg13[%swap3A_1759, %swap3A_1760], %swap3A_1763 {strides = array<i32>} : memref<64x256xf32, #tpu.memory_space<vmem>>, vector<1x16xf32>,
        %mul3A_1764 = arith.mulf %broadcast_in_dim3A_1452, %get3A_1657 : vector<16xf32>
        %add3A_1765 = arith.addf %get3A_1652, %mul3A_1764 : vector<16xf32>
        %mul3A_1766 = arith.mulf %broadcast_in_dim3A_1452, %get3A_1667 : vector<16xf32>
        %add3A_1767 = arith.addf %get3A_1662, %mul3A_1766 : vector<16xf32>
        %mul3A_1768 = arith.mulf %broadcast_in_dim3A_1404, %add3A_1767 : vector<16xf32>
        %add3A_1769 = arith.addf %add3A_1765, %mul3A_1768 : vector<16xf32>
        %swap3A_1770 = arith.constant 56 : i32
        %swap3A_1771 = arith.index_cast %swap3A_1770 : i32 to index
        %swap3A_1772 = arith.index_cast %mul3A_1647 : i32 to index
        %swap3A_1773 = tpu.vector_load %arg13[%swap3A_1771, %swap3A_1772] {strides = array<i32>} : memref<64x256xf32, #tpu.memory_space<vmem>>, vector<1x16xf32>,
        %swap3A_1774 = vector.shape_cast %swap3A_1773 : vector<1x16xf32> to vector<16xf32>
        %swap3A_1775 = vector.shape_cast %add3A_1769 : vector<16xf32> to vector<1x16xf32>
        tpu.vector_store %arg13[%swap3A_1771, %swap3A_1772], %swap3A_1775 {strides = array<i32>} : memref<64x256xf32, #tpu.memory_space<vmem>>, vector<1x16xf32>,
        %mul3A_1776 = arith.mulf %broadcast_in_dim3A_1455, %get3A_1657 : vector<16xf32>
        %add3A_1777 = arith.addf %get3A_1652, %mul3A_1776 : vector<16xf32>
        %mul3A_1778 = arith.mulf %broadcast_in_dim3A_1455, %get3A_1667 : vector<16xf32>
        %add3A_1779 = arith.addf %get3A_1662, %mul3A_1778 : vector<16xf32>
        %mul3A_1780 = arith.mulf %broadcast_in_dim3A_1407, %add3A_1779 : vector<16xf32>
        %add3A_1781 = arith.addf %add3A_1777, %mul3A_1780 : vector<16xf32>
        %swap3A_1782 = arith.constant 57 : i32
        %swap3A_1783 = arith.index_cast %swap3A_1782 : i32 to index
        %swap3A_1784 = arith.index_cast %mul3A_1647 : i32 to index
        %swap3A_1785 = tpu.vector_load %arg13[%swap3A_1783, %swap3A_1784] {strides = array<i32>} : memref<64x256xf32, #tpu.memory_space<vmem>>, vector<1x16xf32>,
        %swap3A_1786 = vector.shape_cast %swap3A_1785 : vector<1x16xf32> to vector<16xf32>
        %swap3A_1787 = vector.shape_cast %add3A_1781 : vector<16xf32> to vector<1x16xf32>
        tpu.vector_store %arg13[%swap3A_1783, %swap3A_1784], %swap3A_1787 {strides = array<i32>} : memref<64x256xf32, #tpu.memory_space<vmem>>, vector<1x16xf32>,
        %mul3A_1788 = arith.mulf %broadcast_in_dim3A_1458, %get3A_1657 : vector<16xf32>
        %add3A_1789 = arith.addf %get3A_1652, %mul3A_1788 : vector<16xf32>
        %mul3A_1790 = arith.mulf %broadcast_in_dim3A_1458, %get3A_1667 : vector<16xf32>
        %add3A_1791 = arith.addf %get3A_1662, %mul3A_1790 : vector<16xf32>
        %mul3A_1792 = arith.mulf %broadcast_in_dim3A_1410, %add3A_1791 : vector<16xf32>
        %add3A_1793 = arith.addf %add3A_1789, %mul3A_1792 : vector<16xf32>
        %swap3A_1794 = arith.constant 58 : i32
        %swap3A_1795 = arith.index_cast %swap3A_1794 : i32 to index
        %swap3A_1796 = arith.index_cast %mul3A_1647 : i32 to index
        %swap3A_1797 = tpu.vector_load %arg13[%swap3A_1795, %swap3A_1796] {strides = array<i32>} : memref<64x256xf32, #tpu.memory_space<vmem>>, vector<1x16xf32>,
        %swap3A_1798 = vector.shape_cast %swap3A_1797 : vector<1x16xf32> to vector<16xf32>
        %swap3A_1799 = vector.shape_cast %add3A_1793 : vector<16xf32> to vector<1x16xf32>
        tpu.vector_store %arg13[%swap3A_1795, %swap3A_1796], %swap3A_1799 {strides = array<i32>} : memref<64x256xf32, #tpu.memory_space<vmem>>, vector<1x16xf32>,
        %mul3A_1800 = arith.mulf %broadcast_in_dim3A_1461, %get3A_1657 : vector<16xf32>
        %add3A_1801 = arith.addf %get3A_1652, %mul3A_1800 : vector<16xf32>
        %mul3A_1802 = arith.mulf %broadcast_in_dim3A_1461, %get3A_1667 : vector<16xf32>
        %add3A_1803 = arith.addf %get3A_1662, %mul3A_1802 : vector<16xf32>
        %mul3A_1804 = arith.mulf %broadcast_in_dim3A_1413, %add3A_1803 : vector<16xf32>
        %add3A_1805 = arith.addf %add3A_1801, %mul3A_1804 : vector<16xf32>
        %swap3A_1806 = arith.constant 59 : i32
        %swap3A_1807 = arith.index_cast %swap3A_1806 : i32 to index
        %swap3A_1808 = arith.index_cast %mul3A_1647 : i32 to index
        %swap3A_1809 = tpu.vector_load %arg13[%swap3A_1807, %swap3A_1808] {strides = array<i32>} : memref<64x256xf32, #tpu.memory_space<vmem>>, vector<1x16xf32>,
        %swap3A_1810 = vector.shape_cast %swap3A_1809 : vector<1x16xf32> to vector<16xf32>
        %swap3A_1811 = vector.shape_cast %add3A_1805 : vector<16xf32> to vector<1x16xf32>
        tpu.vector_store %arg13[%swap3A_1807, %swap3A_1808], %swap3A_1811 {strides = array<i32>} : memref<64x256xf32, #tpu.memory_space<vmem>>, vector<1x16xf32>,
        %mul3A_1812 = arith.mulf %broadcast_in_dim3A_1464, %get3A_1657 : vector<16xf32>
        %add3A_1813 = arith.addf %get3A_1652, %mul3A_1812 : vector<16xf32>
        %mul3A_1814 = arith.mulf %broadcast_in_dim3A_1464, %get3A_1667 : vector<16xf32>
        %add3A_1815 = arith.addf %get3A_1662, %mul3A_1814 : vector<16xf32>
        %mul3A_1816 = arith.mulf %broadcast_in_dim3A_1416, %add3A_1815 : vector<16xf32>
        %add3A_1817 = arith.addf %add3A_1813, %mul3A_1816 : vector<16xf32>
        %swap3A_1818 = arith.constant 60 : i32
        %swap3A_1819 = arith.index_cast %swap3A_1818 : i32 to index
        %swap3A_1820 = arith.index_cast %mul3A_1647 : i32 to index
        %swap3A_1821 = tpu.vector_load %arg13[%swap3A_1819, %swap3A_1820] {strides = array<i32>} : memref<64x256xf32, #tpu.memory_space<vmem>>, vector<1x16xf32>,
        %swap3A_1822 = vector.shape_cast %swap3A_1821 : vector<1x16xf32> to vector<16xf32>
        %swap3A_1823 = vector.shape_cast %add3A_1817 : vector<16xf32> to vector<1x16xf32>
        tpu.vector_store %arg13[%swap3A_1819, %swap3A_1820], %swap3A_1823 {strides = array<i32>} : memref<64x256xf32, #tpu.memory_space<vmem>>, vector<1x16xf32>,
        %mul3A_1824 = arith.mulf %broadcast_in_dim3A_1467, %get3A_1657 : vector<16xf32>
        %add3A_1825 = arith.addf %get3A_1652, %mul3A_1824 : vector<16xf32>
        %mul3A_1826 = arith.mulf %broadcast_in_dim3A_1467, %get3A_1667 : vector<16xf32>
        %add3A_1827 = arith.addf %get3A_1662, %mul3A_1826 : vector<16xf32>
        %mul3A_1828 = arith.mulf %broadcast_in_dim3A_1419, %add3A_1827 : vector<16xf32>
        %add3A_1829 = arith.addf %add3A_1825, %mul3A_1828 : vector<16xf32>
        %swap3A_1830 = arith.constant 61 : i32
        %swap3A_1831 = arith.index_cast %swap3A_1830 : i32 to index
        %swap3A_1832 = arith.index_cast %mul3A_1647 : i32 to index
        %swap3A_1833 = tpu.vector_load %arg13[%swap3A_1831, %swap3A_1832] {strides = array<i32>} : memref<64x256xf32, #tpu.memory_space<vmem>>, vector<1x16xf32>,
        %swap3A_1834 = vector.shape_cast %swap3A_1833 : vector<1x16xf32> to vector<16xf32>
        %swap3A_1835 = vector.shape_cast %add3A_1829 : vector<16xf32> to vector<1x16xf32>
        tpu.vector_store %arg13[%swap3A_1831, %swap3A_1832], %swap3A_1835 {strides = array<i32>} : memref<64x256xf32, #tpu.memory_space<vmem>>, vector<1x16xf32>,
        %mul3A_1836 = arith.mulf %broadcast_in_dim3A_1470, %get3A_1657 : vector<16xf32>
        %add3A_1837 = arith.addf %get3A_1652, %mul3A_1836 : vector<16xf32>
        %mul3A_1838 = arith.mulf %broadcast_in_dim3A_1470, %get3A_1667 : vector<16xf32>
        %add3A_1839 = arith.addf %get3A_1662, %mul3A_1838 : vector<16xf32>
        %mul3A_1840 = arith.mulf %broadcast_in_dim3A_1422, %add3A_1839 : vector<16xf32>
        %add3A_1841 = arith.addf %add3A_1837, %mul3A_1840 : vector<16xf32>
        %swap3A_1842 = arith.constant 62 : i32
        %swap3A_1843 = arith.index_cast %swap3A_1842 : i32 to index
        %swap3A_1844 = arith.index_cast %mul3A_1647 : i32 to index
        %swap3A_1845 = tpu.vector_load %arg13[%swap3A_1843, %swap3A_1844] {strides = array<i32>} : memref<64x256xf32, #tpu.memory_space<vmem>>, vector<1x16xf32>,
        %swap3A_1846 = vector.shape_cast %swap3A_1845 : vector<1x16xf32> to vector<16xf32>
        %swap3A_1847 = vector.shape_cast %add3A_1841 : vector<16xf32> to vector<1x16xf32>
        tpu.vector_store %arg13[%swap3A_1843, %swap3A_1844], %swap3A_1847 {strides = array<i32>} : memref<64x256xf32, #tpu.memory_space<vmem>>, vector<1x16xf32>,
        %mul3A_1848 = arith.mulf %broadcast_in_dim3A_1473, %get3A_1657 : vector<16xf32>
        %add3A_1849 = arith.addf %get3A_1652, %mul3A_1848 : vector<16xf32>
        %mul3A_1850 = arith.mulf %broadcast_in_dim3A_1473, %get3A_1667 : vector<16xf32>
        %add3A_1851 = arith.addf %get3A_1662, %mul3A_1850 : vector<16xf32>
        %mul3A_1852 = arith.mulf %broadcast_in_dim3A_1425, %add3A_1851 : vector<16xf32>
        %add3A_1853 = arith.addf %add3A_1849, %mul3A_1852 : vector<16xf32>
        %swap3A_1854 = arith.constant 63 : i32
        %swap3A_1855 = arith.index_cast %swap3A_1854 : i32 to index
        %swap3A_1856 = arith.index_cast %mul3A_1647 : i32 to index
        %swap3A_1857 = tpu.vector_load %arg13[%swap3A_1855, %swap3A_1856] {strides = array<i32>} : memref<64x256xf32, #tpu.memory_space<vmem>>, vector<1x16xf32>,
        %swap3A_1858 = vector.shape_cast %swap3A_1857 : vector<1x16xf32> to vector<16xf32>
        %swap3A_1859 = vector.shape_cast %add3A_1853 : vector<16xf32> to vector<1x16xf32>
        tpu.vector_store %arg13[%swap3A_1855, %swap3A_1856], %swap3A_1859 {strides = array<i32>} : memref<64x256xf32, #tpu.memory_space<vmem>>, vector<1x16xf32>,
      }
      %scan3A_1479 = arith.constant 16 : i32
      %jit3A_1480 = arith.constant 4 : i32
      %div3A_1481 = arith.divsi %add3A_958, %jit3A_1480 : i32
      %sign3A_1482 = arith.constant 0 : i32
      %sign3A_1483 = arith.cmpi sgt, %add3A_958, %sign3A_1482 : i32
      %sign3A_1484 = arith.extui %sign3A_1483 : i1 to i32
      %sign3A_1485 = arith.constant 0 : i32
      %sign3A_1486 = arith.cmpi slt, %add3A_958, %sign3A_1485 : i32
      %sign3A_1487 = arith.extui %sign3A_1486 : i1 to i32
      %sign3A_1488 = arith.subi %sign3A_1484, %sign3A_1487 : i32
      %sign3A_1489 = arith.constant 0 : i32
      %sign3A_1490 = arith.cmpi sgt, %jit3A_1480, %sign3A_1489 : i32
      %sign3A_1491 = arith.extui %sign3A_1490 : i1 to i32
      %sign3A_1492 = arith.constant 0 : i32
      %sign3A_1493 = arith.cmpi slt, %jit3A_1480, %sign3A_1492 : i32
      %sign3A_1494 = arith.extui %sign3A_1493 : i1 to i32
      %sign3A_1495 = arith.subi %sign3A_1491, %sign3A_1494 : i32
      %ne3A_1496 = arith.cmpi ne, %sign3A_1488, %sign3A_1495 : i32
      %rem3A_1497 = arith.remsi %add3A_958, %jit3A_1480 : i32
      %ne3A_1498 = arith.constant 0 : i32
      %ne3A_1499 = arith.cmpi ne, %rem3A_1497, %ne3A_1498 : i32
      %and3A_1500 = arith.andi %ne3A_1496, %ne3A_1499 : i1
      %sub3A_1501 = arith.constant 1 : i32
      %sub3A_1502 = arith.subi %div3A_1481, %sub3A_1501 : i32
      %select_n3A_1503 = arith.select %and3A_1500, %sub3A_1502, %div3A_1481 : i32
      %jit3A_1504 = arith.constant 4 : i32
      %eq3A_1505 = arith.constant 0 : i32
      %eq3A_1506 = arith.cmpi eq, %jit3A_1504, %eq3A_1505 : i32
      %jit3A_1507 = arith.constant 1 : i32
      %select_n3A_1508 = arith.select %eq3A_1506, %jit3A_1507, %jit3A_1504 : i32
      %rem3A_1509 = arith.remsi %add3A_958, %select_n3A_1508 : i32
      %ne3A_1510 = arith.constant 0 : i32
      %ne3A_1511 = arith.cmpi ne, %rem3A_1509, %ne3A_1510 : i32
      %lt3A_1512 = arith.constant 0 : i32
      %lt3A_1513 = arith.cmpi slt, %rem3A_1509, %lt3A_1512 : i32
      %lt3A_1514 = arith.constant 0 : i32
      %lt3A_1515 = arith.cmpi slt, %select_n3A_1508, %lt3A_1514 : i32
      %ne3A_1516 = arith.xori %lt3A_1513, %lt3A_1515 : i1
      %and3A_1517 = arith.andi %ne3A_1516, %ne3A_1511 : i1
      %add3A_1518 = arith.addi %rem3A_1509, %select_n3A_1508 : i32
      %select_n3A_1519 = arith.select %and3A_1517, %add3A_1518, %rem3A_1509 : i32
      %mul3A_1520 = arith.constant 128 : i32
      %mul3A_1521 = arith.muli %select_n3A_1519, %mul3A_1520 : i32
      %mul3A_1522 = arith.constant 32 : i32
      %mul3A_1523 = arith.muli %add3A, %mul3A_1522 : i32
      %add3A_1524 = arith.addi %mul3A_1523, %select_n3A_1503 : i32
      %add3A_1525 = arith.constant 64 : i32
      %add3A_1526 = arith.addi %mul3A_1521, %add3A_1525 : i32
      %dma_start3A_1527 = arith.constant 0 : i32
      %dma_start3A_1528 = tpu.memref_slice %arg5[%add3A_1524, %add3A_1526, %dma_start3A_1527] : memref<1024x512x256xf32, #tpu.memory_space<hbm>> -> memref<1x64x256xf32, #tpu.memory_space<hbm>>
      %dma_start3A_1529 = tpu.memref_squeeze %dma_start3A_1528 : memref<1x64x256xf32, #tpu.memory_space<hbm>> -> memref<64x256xf32, #tpu.memory_space<hbm>>
      %dma_start3A_1530 = arith.constant 0 : i32
      %dma_start3A_1531 = tpu.memref_slice %arg5[%add3A_1524, %add3A_1526, %dma_start3A_1530] : memref<1024x512x256xf32, #tpu.memory_space<hbm>> -> memref<1x64x256xf32, #tpu.memory_space<hbm>>
      %dma_start3A_1532 = tpu.memref_squeeze %dma_start3A_1531 : memref<1x64x256xf32, #tpu.memory_space<hbm>> -> memref<64x256xf32, #tpu.memory_space<hbm>>
      tpu.enqueue_dma source(%arg13 : memref<64x256xf32, #tpu.memory_space<vmem>>) target(%dma_start3A_1532 : memref<64x256xf32, #tpu.memory_space<hbm>>) target_semaphore(%arg19 : memref<!tpu.dma_semaphore, #tpu.memory_space<semaphore_mem>>)
      %dma_wait3A_1533 = arith.constant 0 : i32
      %dma_wait3A_1534 = arith.constant 0 : i32
      %dma_wait3A_1535 = tpu.memref_slice %arg3[%dma_wait3A_1533, %dma_wait3A_1534] : memref<4096x256xf32, #tpu.memory_space<hbm>> -> memref<4096x256xf32, #tpu.memory_space<hbm>>
      tpu.wait_indirect_dma semaphore(%arg15 : memref<!tpu.dma_semaphore, #tpu.memory_space<semaphore_mem>>) src(%dma_wait3A_1535 : memref<4096x256xf32, #tpu.memory_space<hbm>>) dst(%arg11 : memref<64x256xf32, #tpu.memory_space<vmem>>)
      %jit3A_1536 = arith.constant 4 : i32
      %div3A_1537 = arith.divsi %add3A_958, %jit3A_1536 : i32
      %sign3A_1538 = arith.constant 0 : i32
      %sign3A_1539 = arith.cmpi sgt, %add3A_958, %sign3A_1538 : i32
      %sign3A_1540 = arith.extui %sign3A_1539 : i1 to i32
      %sign3A_1541 = arith.constant 0 : i32
      %sign3A_1542 = arith.cmpi slt, %add3A_958, %sign3A_1541 : i32
      %sign3A_1543 = arith.extui %sign3A_1542 : i1 to i32
      %sign3A_1544 = arith.subi %sign3A_1540, %sign3A_1543 : i32
      %sign3A_1545 = arith.constant 0 : i32
      %sign3A_1546 = arith.cmpi sgt, %jit3A_1536, %sign3A_1545 : i32
      %sign3A_1547 = arith.extui %sign3A_1546 : i1 to i32
      %sign3A_1548 = arith.constant 0 : i32
      %sign3A_1549 = arith.cmpi slt, %jit3A_1536, %sign3A_1548 : i32
      %sign3A_1550 = arith.extui %sign3A_1549 : i1 to i32
      %sign3A_1551 = arith.subi %sign3A_1547, %sign3A_1550 : i32
      %ne3A_1552 = arith.cmpi ne, %sign3A_1544, %sign3A_1551 : i32
      %rem3A_1553 = arith.remsi %add3A_958, %jit3A_1536 : i32
      %ne3A_1554 = arith.constant 0 : i32
      %ne3A_1555 = arith.cmpi ne, %rem3A_1553, %ne3A_1554 : i32
      %and3A_1556 = arith.andi %ne3A_1552, %ne3A_1555 : i1
      %sub3A_1557 = arith.constant 1 : i32
      %sub3A_1558 = arith.subi %div3A_1537, %sub3A_1557 : i32
      %select_n3A_1559 = arith.select %and3A_1556, %sub3A_1558, %div3A_1537 : i32
      %jit3A_1560 = arith.constant 4 : i32
      %eq3A_1561 = arith.constant 0 : i32
      %eq3A_1562 = arith.cmpi eq, %jit3A_1560, %eq3A_1561 : i32
      %jit3A_1563 = arith.constant 1 : i32
      %select_n3A_1564 = arith.select %eq3A_1562, %jit3A_1563, %jit3A_1560 : i32
      %rem3A_1565 = arith.remsi %add3A_958, %select_n3A_1564 : i32
      %ne3A_1566 = arith.constant 0 : i32
      %ne3A_1567 = arith.cmpi ne, %rem3A_1565, %ne3A_1566 : i32
      %lt3A_1568 = arith.constant 0 : i32
      %lt3A_1569 = arith.cmpi slt, %rem3A_1565, %lt3A_1568 : i32
      %lt3A_1570 = arith.constant 0 : i32
      %lt3A_1571 = arith.cmpi slt, %select_n3A_1564, %lt3A_1570 : i32
      %ne3A_1572 = arith.xori %lt3A_1569, %lt3A_1571 : i1
      %and3A_1573 = arith.andi %ne3A_1572, %ne3A_1567 : i1
      %add3A_1574 = arith.addi %rem3A_1565, %select_n3A_1564 : i32
      %select_n3A_1575 = arith.select %and3A_1573, %add3A_1574, %rem3A_1565 : i32
      %mul3A_1576 = arith.constant 128 : i32
      %mul3A_1577 = arith.muli %select_n3A_1575, %mul3A_1576 : i32
      %mul3A_1578 = arith.constant 32 : i32
      %mul3A_1579 = arith.muli %add3A, %mul3A_1578 : i32
      %add3A_1580 = arith.addi %mul3A_1579, %select_n3A_1559 : i32
      %dma_start3A_1581 = arith.constant 0 : i32
      %dma_start3A_1582 = tpu.memref_slice %arg5[%add3A_1580, %mul3A_1577, %dma_start3A_1581] : memref<1024x512x256xf32, #tpu.memory_space<hbm>> -> memref<1x64x256xf32, #tpu.memory_space<hbm>>
      %dma_start3A_1583 = tpu.memref_squeeze %dma_start3A_1582 : memref<1x64x256xf32, #tpu.memory_space<hbm>> -> memref<64x256xf32, #tpu.memory_space<hbm>>
      %dma_start3A_1584 = arith.constant 0 : i32
      %dma_start3A_1585 = tpu.memref_slice %arg5[%add3A_1580, %mul3A_1577, %dma_start3A_1584] : memref<1024x512x256xf32, #tpu.memory_space<hbm>> -> memref<1x64x256xf32, #tpu.memory_space<hbm>>
      %dma_start3A_1586 = tpu.memref_squeeze %dma_start3A_1585 : memref<1x64x256xf32, #tpu.memory_space<hbm>> -> memref<64x256xf32, #tpu.memory_space<hbm>>
      tpu.enqueue_dma source(%arg11 : memref<64x256xf32, #tpu.memory_space<vmem>>) target(%dma_start3A_1586 : memref<64x256xf32, #tpu.memory_space<hbm>>) target_semaphore(%arg17 : memref<!tpu.dma_semaphore, #tpu.memory_space<semaphore_mem>>)
      %sub3A_1587 = arith.constant 1 : i32
      %sub3A_1588 = arith.subi %add3A_958, %sub3A_1587 : i32
      %jit3A_1589 = arith.constant 4 : i32
      %div3A_1590 = arith.divsi %sub3A_1588, %jit3A_1589 : i32
      %sign3A_1591 = arith.constant 0 : i32
      %sign3A_1592 = arith.cmpi sgt, %sub3A_1588, %sign3A_1591 : i32
      %sign3A_1593 = arith.extui %sign3A_1592 : i1 to i32
      %sign3A_1594 = arith.constant 0 : i32
      %sign3A_1595 = arith.cmpi slt, %sub3A_1588, %sign3A_1594 : i32
      %sign3A_1596 = arith.extui %sign3A_1595 : i1 to i32
      %sign3A_1597 = arith.subi %sign3A_1593, %sign3A_1596 : i32
      %sign3A_1598 = arith.constant 0 : i32
      %sign3A_1599 = arith.cmpi sgt, %jit3A_1589, %sign3A_1598 : i32
      %sign3A_1600 = arith.extui %sign3A_1599 : i1 to i32
      %sign3A_1601 = arith.constant 0 : i32
      %sign3A_1602 = arith.cmpi slt, %jit3A_1589, %sign3A_1601 : i32
      %sign3A_1603 = arith.extui %sign3A_1602 : i1 to i32
      %sign3A_1604 = arith.subi %sign3A_1600, %sign3A_1603 : i32
      %ne3A_1605 = arith.cmpi ne, %sign3A_1597, %sign3A_1604 : i32
      %rem3A_1606 = arith.remsi %sub3A_1588, %jit3A_1589 : i32
      %ne3A_1607 = arith.constant 0 : i32
      %ne3A_1608 = arith.cmpi ne, %rem3A_1606, %ne3A_1607 : i32
      %and3A_1609 = arith.andi %ne3A_1605, %ne3A_1608 : i1
      %sub3A_1610 = arith.constant 1 : i32
      %sub3A_1611 = arith.subi %div3A_1590, %sub3A_1610 : i32
      %select_n3A_1612 = arith.select %and3A_1609, %sub3A_1611, %div3A_1590 : i32
      %jit3A_1613 = arith.constant 4 : i32
      %eq3A_1614 = arith.constant 0 : i32
      %eq3A_1615 = arith.cmpi eq, %jit3A_1613, %eq3A_1614 : i32
      %jit3A_1616 = arith.constant 1 : i32
      %select_n3A_1617 = arith.select %eq3A_1615, %jit3A_1616, %jit3A_1613 : i32
      %rem3A_1618 = arith.remsi %sub3A_1588, %select_n3A_1617 : i32
      %ne3A_1619 = arith.constant 0 : i32
      %ne3A_1620 = arith.cmpi ne, %rem3A_1618, %ne3A_1619 : i32
      %lt3A_1621 = arith.constant 0 : i32
      %lt3A_1622 = arith.cmpi slt, %rem3A_1618, %lt3A_1621 : i32
      %lt3A_1623 = arith.constant 0 : i32
      %lt3A_1624 = arith.cmpi slt, %select_n3A_1617, %lt3A_1623 : i32
      %ne3A_1625 = arith.xori %lt3A_1622, %lt3A_1624 : i1
      %and3A_1626 = arith.andi %ne3A_1625, %ne3A_1620 : i1
      %add3A_1627 = arith.addi %rem3A_1618, %select_n3A_1617 : i32
      %select_n3A_1628 = arith.select %and3A_1626, %add3A_1627, %rem3A_1618 : i32
      %mul3A_1629 = arith.constant 128 : i32
      %mul3A_1630 = arith.muli %select_n3A_1628, %mul3A_1629 : i32
      %mul3A_1631 = arith.constant 32 : i32
      %mul3A_1632 = arith.muli %add3A, %mul3A_1631 : i32
      %add3A_1633 = arith.addi %mul3A_1632, %select_n3A_1612 : i32
      %dma_wait3A_1634 = arith.constant 0 : i32
      %dma_wait3A_1635 = tpu.memref_slice %arg5[%add3A_1633, %mul3A_1630, %dma_wait3A_1634] : memref<1024x512x256xf32, #tpu.memory_space<hbm>> -> memref<1x64x256xf32, #tpu.memory_space<hbm>>
      %dma_wait3A_1636 = tpu.memref_squeeze %dma_wait3A_1635 : memref<1x64x256xf32, #tpu.memory_space<hbm>> -> memref<64x256xf32, #tpu.memory_space<hbm>>
      %dma_wait3A_1637 = arith.constant 0 : i32
      %dma_wait3A_1638 = tpu.memref_slice %arg5[%add3A_1633, %mul3A_1630, %dma_wait3A_1637] : memref<1024x512x256xf32, #tpu.memory_space<hbm>> -> memref<1x64x256xf32, #tpu.memory_space<hbm>>
      %dma_wait3A_1639 = tpu.memref_squeeze %dma_wait3A_1638 : memref<1x64x256xf32, #tpu.memory_space<hbm>> -> memref<64x256xf32, #tpu.memory_space<hbm>>
      tpu.wait_dma2 semaphore(%arg16 : memref<!tpu.dma_semaphore, #tpu.memory_space<semaphore_mem>>) src(%arg10 : memref<64x256xf32, #tpu.memory_space<vmem>>) dst(%dma_wait3A_1639 : memref<64x256xf32, #tpu.memory_space<hbm>>)
      %lt3A_1640 = arith.constant 63 : i32
      %lt3A_1641 = arith.cmpi slt, %scan3A_149, %lt3A_1640 : i32
      %convert_element_type3A_1642 = arith.extui %lt3A_1641 : i1 to i32
      %cond3A_1643 = arith.constant 0 : i32
      %cond3A_1644 = arith.cmpi ne, %convert_element_type3A_1642, %cond3A_1643 : i32
      scf.if %cond3A_1644 {
        %add3A_1645 = arith.constant 1 : i32
        %add3A_1646 = arith.addi %add3A_958, %add3A_1645 : i32
        %jit3A_1647 = arith.constant 4 : i32
        %div3A_1648 = arith.divsi %add3A_1646, %jit3A_1647 : i32
        %sign3A_1649 = arith.constant 0 : i32
        %sign3A_1650 = arith.cmpi sgt, %add3A_1646, %sign3A_1649 : i32
        %sign3A_1651 = arith.extui %sign3A_1650 : i1 to i32
        %sign3A_1652 = arith.constant 0 : i32
        %sign3A_1653 = arith.cmpi slt, %add3A_1646, %sign3A_1652 : i32
        %sign3A_1654 = arith.extui %sign3A_1653 : i1 to i32
        %sign3A_1655 = arith.subi %sign3A_1651, %sign3A_1654 : i32
        %sign3A_1656 = arith.constant 0 : i32
        %sign3A_1657 = arith.cmpi sgt, %jit3A_1647, %sign3A_1656 : i32
        %sign3A_1658 = arith.extui %sign3A_1657 : i1 to i32
        %sign3A_1659 = arith.constant 0 : i32
        %sign3A_1660 = arith.cmpi slt, %jit3A_1647, %sign3A_1659 : i32
        %sign3A_1661 = arith.extui %sign3A_1660 : i1 to i32
        %sign3A_1662 = arith.subi %sign3A_1658, %sign3A_1661 : i32
        %ne3A_1663 = arith.cmpi ne, %sign3A_1655, %sign3A_1662 : i32
        %rem3A_1664 = arith.remsi %add3A_1646, %jit3A_1647 : i32
        %ne3A_1665 = arith.constant 0 : i32
        %ne3A_1666 = arith.cmpi ne, %rem3A_1664, %ne3A_1665 : i32
        %and3A_1667 = arith.andi %ne3A_1663, %ne3A_1666 : i1
        %sub3A_1668 = arith.constant 1 : i32
        %sub3A_1669 = arith.subi %div3A_1648, %sub3A_1668 : i32
        %select_n3A_1670 = arith.select %and3A_1667, %sub3A_1669, %div3A_1648 : i32
        %jit3A_1671 = arith.constant 4 : i32
        %eq3A_1672 = arith.constant 0 : i32
        %eq3A_1673 = arith.cmpi eq, %jit3A_1671, %eq3A_1672 : i32
        %jit3A_1674 = arith.constant 1 : i32
        %select_n3A_1675 = arith.select %eq3A_1673, %jit3A_1674, %jit3A_1671 : i32
        %rem3A_1676 = arith.remsi %add3A_1646, %select_n3A_1675 : i32
        %ne3A_1677 = arith.constant 0 : i32
        %ne3A_1678 = arith.cmpi ne, %rem3A_1676, %ne3A_1677 : i32
        %lt3A_1679 = arith.constant 0 : i32
        %lt3A_1680 = arith.cmpi slt, %rem3A_1676, %lt3A_1679 : i32
        %lt3A_1681 = arith.constant 0 : i32
        %lt3A_1682 = arith.cmpi slt, %select_n3A_1675, %lt3A_1681 : i32
        %ne3A_1683 = arith.xori %lt3A_1680, %lt3A_1682 : i1
        %and3A_1684 = arith.andi %ne3A_1683, %ne3A_1678 : i1
        %add3A_1685 = arith.addi %rem3A_1676, %select_n3A_1675 : i32
        %select_n3A_1686 = arith.select %and3A_1684, %add3A_1685, %rem3A_1676 : i32
        %mul3A_1687 = arith.constant 128 : i32
        %mul3A_1688 = arith.muli %select_n3A_1686, %mul3A_1687 : i32
        %add3A_1689 = arith.constant 0 : i32
        %add3A_1690 = arith.addi %mul3A_1688, %add3A_1689 : i32
        %get3A_1691 = arith.index_cast %select_n3A_1670 : i32 to index
        %get3A_1692 = arith.index_cast %add3A_1690 : i32 to index
        %get3A_1693 = tpu.vector_load %arg6[%get3A_1691, %get3A_1692] {strides = array<i32>} : memref<32x1024xi32, #tpu.memory_space<vmem>>, vector<1x16xi32>,
        %get3A_1694 = vector.shape_cast %get3A_1693 : vector<1x16xi32> to vector<16xi32>
        %add3A_1695 = arith.constant 512 : i32
        %add3A_1696 = arith.addi %add3A_1695, %mul3A_1688 : i32
        %add3A_1697 = arith.constant 0 : i32
        %add3A_1698 = arith.addi %add3A_1696, %add3A_1697 : i32
        %get3A_1699 = arith.index_cast %select_n3A_1670 : i32 to index
        %get3A_1700 = arith.index_cast %add3A_1698 : i32 to index
        %get3A_1701 = tpu.vector_load %arg6[%get3A_1699, %get3A_1700] {strides = array<i32>} : memref<32x1024xi32, #tpu.memory_space<vmem>>, vector<1x16xi32>,
        %get3A_1702 = vector.shape_cast %get3A_1701 : vector<1x16xi32> to vector<16xi32>
        %iota3A_1703 = tpu.iota {dimensions = array<i32: 0>} : vector<16xi32>
        %mul3A_1704 = arith.constant 64 : i32
        %mul3A_1705 = arith.muli %add3A_1646, %mul3A_1704 : i32
        %add3A_1706 = arith.constant 0 : i32
        %add3A_1707 = arith.addi %mul3A_1705, %add3A_1706 : i32
        %add3A_1708 = vector.broadcast %add3A_1707 : i32 to vector<16xi32>
        %add3A_1709 = arith.addi %iota3A_1703, %add3A_1708 : vector<16xi32>
        %and3A_1710 = arith.constant 1023 : i32
        %and3A_1711 = vector.broadcast %and3A_1710 : i32 to vector<16xi32>
        %and3A_1712 = arith.andi %add3A_1709, %and3A_1711 : vector<16xi32>
        %add3A_1713 = arith.addi %get3A_1702, %get3A_1694 : vector<16xi32>
        %add3A_1714 = arith.addi %add3A_1713, %get3A_1694 : vector<16xi32>
        %mul3A_1715 = arith.constant 4 : i32
        %mul3A_1716 = vector.broadcast %mul3A_1715 : i32 to vector<16xi32>
        %mul3A_1717 = arith.muli %and3A_1712, %mul3A_1716 : vector<16xi32>
        %add3A_1718 = arith.addi %add3A_1714, %mul3A_1717 : vector<16xi32>
        %swap3A_1719 = arith.constant 0 : index
        %swap3A_1720 = tpu.vector_load %arg8[%swap3A_1719] {strides = array<i32>} : memref<64xi32, #tpu.memory_space<vmem>>, vector<16xi32>,
        %swap3A_1721 = vector.shape_cast %swap3A_1720 : vector<16xi32> to vector<16xi32>
        %swap3A_1722 = vector.shape_cast %add3A_1718 : vector<16xi32> to vector<16xi32>
        tpu.vector_store %arg8[%swap3A_1719], %swap3A_1722 {strides = array<i32>} : memref<64xi32, #tpu.memory_space<vmem>>, vector<16xi32>,
        %add3A_1723 = arith.constant 16 : i32
        %add3A_1724 = arith.addi %mul3A_1688, %add3A_1723 : i32
        %get3A_1725 = arith.index_cast %select_n3A_1670 : i32 to index
        %get3A_1726 = arith.index_cast %add3A_1724 : i32 to index
        %get3A_1727 = tpu.vector_load %arg6[%get3A_1725, %get3A_1726] {strides = array<i32>} : memref<32x1024xi32, #tpu.memory_space<vmem>>, vector<1x16xi32>,
        %get3A_1728 = vector.shape_cast %get3A_1727 : vector<1x16xi32> to vector<16xi32>
        %add3A_1729 = arith.constant 512 : i32
        %add3A_1730 = arith.addi %add3A_1729, %mul3A_1688 : i32
        %add3A_1731 = arith.constant 16 : i32
        %add3A_1732 = arith.addi %add3A_1730, %add3A_1731 : i32
        %get3A_1733 = arith.index_cast %select_n3A_1670 : i32 to index
        %get3A_1734 = arith.index_cast %add3A_1732 : i32 to index
        %get3A_1735 = tpu.vector_load %arg6[%get3A_1733, %get3A_1734] {strides = array<i32>} : memref<32x1024xi32, #tpu.memory_space<vmem>>, vector<1x16xi32>,
        %get3A_1736 = vector.shape_cast %get3A_1735 : vector<1x16xi32> to vector<16xi32>
        %iota3A_1737 = tpu.iota {dimensions = array<i32: 0>} : vector<16xi32>
        %mul3A_1738 = arith.constant 64 : i32
        %mul3A_1739 = arith.muli %add3A_1646, %mul3A_1738 : i32
        %add3A_1740 = arith.constant 16 : i32
        %add3A_1741 = arith.addi %mul3A_1739, %add3A_1740 : i32
        %add3A_1742 = vector.broadcast %add3A_1741 : i32 to vector<16xi32>
        %add3A_1743 = arith.addi %iota3A_1737, %add3A_1742 : vector<16xi32>
        %and3A_1744 = arith.constant 1023 : i32
        %and3A_1745 = vector.broadcast %and3A_1744 : i32 to vector<16xi32>
        %and3A_1746 = arith.andi %add3A_1743, %and3A_1745 : vector<16xi32>
        %add3A_1747 = arith.addi %get3A_1736, %get3A_1728 : vector<16xi32>
        %add3A_1748 = arith.addi %add3A_1747, %get3A_1728 : vector<16xi32>
        %mul3A_1749 = arith.constant 4 : i32
        %mul3A_1750 = vector.broadcast %mul3A_1749 : i32 to vector<16xi32>
        %mul3A_1751 = arith.muli %and3A_1746, %mul3A_1750 : vector<16xi32>
        %add3A_1752 = arith.addi %add3A_1748, %mul3A_1751 : vector<16xi32>
        %swap3A_1753 = arith.constant 16 : index
        %swap3A_1754 = tpu.vector_load %arg8[%swap3A_1753] {strides = array<i32>} : memref<64xi32, #tpu.memory_space<vmem>>, vector<16xi32>,
        %swap3A_1755 = vector.shape_cast %swap3A_1754 : vector<16xi32> to vector<16xi32>
        %swap3A_1756 = vector.shape_cast %add3A_1752 : vector<16xi32> to vector<16xi32>
        tpu.vector_store %arg8[%swap3A_1753], %swap3A_1756 {strides = array<i32>} : memref<64xi32, #tpu.memory_space<vmem>>, vector<16xi32>,
        %add3A_1757 = arith.constant 32 : i32
        %add3A_1758 = arith.addi %mul3A_1688, %add3A_1757 : i32
        %get3A_1759 = arith.index_cast %select_n3A_1670 : i32 to index
        %get3A_1760 = arith.index_cast %add3A_1758 : i32 to index
        %get3A_1761 = tpu.vector_load %arg6[%get3A_1759, %get3A_1760] {strides = array<i32>} : memref<32x1024xi32, #tpu.memory_space<vmem>>, vector<1x16xi32>,
        %get3A_1762 = vector.shape_cast %get3A_1761 : vector<1x16xi32> to vector<16xi32>
        %add3A_1763 = arith.constant 512 : i32
        %add3A_1764 = arith.addi %add3A_1763, %mul3A_1688 : i32
        %add3A_1765 = arith.constant 32 : i32
        %add3A_1766 = arith.addi %add3A_1764, %add3A_1765 : i32
        %get3A_1767 = arith.index_cast %select_n3A_1670 : i32 to index
        %get3A_1768 = arith.index_cast %add3A_1766 : i32 to index
        %get3A_1769 = tpu.vector_load %arg6[%get3A_1767, %get3A_1768] {strides = array<i32>} : memref<32x1024xi32, #tpu.memory_space<vmem>>, vector<1x16xi32>,
        %get3A_1770 = vector.shape_cast %get3A_1769 : vector<1x16xi32> to vector<16xi32>
        %iota3A_1771 = tpu.iota {dimensions = array<i32: 0>} : vector<16xi32>
        %mul3A_1772 = arith.constant 64 : i32
        %mul3A_1773 = arith.muli %add3A_1646, %mul3A_1772 : i32
        %add3A_1774 = arith.constant 32 : i32
        %add3A_1775 = arith.addi %mul3A_1773, %add3A_1774 : i32
        %add3A_1776 = vector.broadcast %add3A_1775 : i32 to vector<16xi32>
        %add3A_1777 = arith.addi %iota3A_1771, %add3A_1776 : vector<16xi32>
        %and3A_1778 = arith.constant 1023 : i32
        %and3A_1779 = vector.broadcast %and3A_1778 : i32 to vector<16xi32>
        %and3A_1780 = arith.andi %add3A_1777, %and3A_1779 : vector<16xi32>
        %add3A_1781 = arith.addi %get3A_1770, %get3A_1762 : vector<16xi32>
        %add3A_1782 = arith.addi %add3A_1781, %get3A_1762 : vector<16xi32>
        %mul3A_1783 = arith.constant 4 : i32
        %mul3A_1784 = vector.broadcast %mul3A_1783 : i32 to vector<16xi32>
        %mul3A_1785 = arith.muli %and3A_1780, %mul3A_1784 : vector<16xi32>
        %add3A_1786 = arith.addi %add3A_1782, %mul3A_1785 : vector<16xi32>
        %swap3A_1787 = arith.constant 32 : index
        %swap3A_1788 = tpu.vector_load %arg8[%swap3A_1787] {strides = array<i32>} : memref<64xi32, #tpu.memory_space<vmem>>, vector<16xi32>,
        %swap3A_1789 = vector.shape_cast %swap3A_1788 : vector<16xi32> to vector<16xi32>
        %swap3A_1790 = vector.shape_cast %add3A_1786 : vector<16xi32> to vector<16xi32>
        tpu.vector_store %arg8[%swap3A_1787], %swap3A_1790 {strides = array<i32>} : memref<64xi32, #tpu.memory_space<vmem>>, vector<16xi32>,
        %add3A_1791 = arith.constant 48 : i32
        %add3A_1792 = arith.addi %mul3A_1688, %add3A_1791 : i32
        %get3A_1793 = arith.index_cast %select_n3A_1670 : i32 to index
        %get3A_1794 = arith.index_cast %add3A_1792 : i32 to index
        %get3A_1795 = tpu.vector_load %arg6[%get3A_1793, %get3A_1794] {strides = array<i32>} : memref<32x1024xi32, #tpu.memory_space<vmem>>, vector<1x16xi32>,
        %get3A_1796 = vector.shape_cast %get3A_1795 : vector<1x16xi32> to vector<16xi32>
        %add3A_1797 = arith.constant 512 : i32
        %add3A_1798 = arith.addi %add3A_1797, %mul3A_1688 : i32
        %add3A_1799 = arith.constant 48 : i32
        %add3A_1800 = arith.addi %add3A_1798, %add3A_1799 : i32
        %get3A_1801 = arith.index_cast %select_n3A_1670 : i32 to index
        %get3A_1802 = arith.index_cast %add3A_1800 : i32 to index
        %get3A_1803 = tpu.vector_load %arg6[%get3A_1801, %get3A_1802] {strides = array<i32>} : memref<32x1024xi32, #tpu.memory_space<vmem>>, vector<1x16xi32>,
        %get3A_1804 = vector.shape_cast %get3A_1803 : vector<1x16xi32> to vector<16xi32>
        %iota3A_1805 = tpu.iota {dimensions = array<i32: 0>} : vector<16xi32>
        %mul3A_1806 = arith.constant 64 : i32
        %mul3A_1807 = arith.muli %add3A_1646, %mul3A_1806 : i32
        %add3A_1808 = arith.constant 48 : i32
        %add3A_1809 = arith.addi %mul3A_1807, %add3A_1808 : i32
        %add3A_1810 = vector.broadcast %add3A_1809 : i32 to vector<16xi32>
        %add3A_1811 = arith.addi %iota3A_1805, %add3A_1810 : vector<16xi32>
        %and3A_1812 = arith.constant 1023 : i32
        %and3A_1813 = vector.broadcast %and3A_1812 : i32 to vector<16xi32>
        %and3A_1814 = arith.andi %add3A_1811, %and3A_1813 : vector<16xi32>
        %add3A_1815 = arith.addi %get3A_1804, %get3A_1796 : vector<16xi32>
        %add3A_1816 = arith.addi %add3A_1815, %get3A_1796 : vector<16xi32>
        %mul3A_1817 = arith.constant 4 : i32
        %mul3A_1818 = vector.broadcast %mul3A_1817 : i32 to vector<16xi32>
        %mul3A_1819 = arith.muli %and3A_1814, %mul3A_1818 : vector<16xi32>
        %add3A_1820 = arith.addi %add3A_1816, %mul3A_1819 : vector<16xi32>
        %swap3A_1821 = arith.constant 48 : index
        %swap3A_1822 = tpu.vector_load %arg8[%swap3A_1821] {strides = array<i32>} : memref<64xi32, #tpu.memory_space<vmem>>, vector<16xi32>,
        %swap3A_1823 = vector.shape_cast %swap3A_1822 : vector<16xi32> to vector<16xi32>
        %swap3A_1824 = vector.shape_cast %add3A_1820 : vector<16xi32> to vector<16xi32>
        tpu.vector_store %arg8[%swap3A_1821], %swap3A_1824 {strides = array<i32>} : memref<64xi32, #tpu.memory_space<vmem>>, vector<16xi32>,
        %dma_start3A_1825 = arith.constant 0 : i32
        %dma_start3A_1826 = arith.constant 0 : i32
        %dma_start3A_1827 = tpu.memref_slice %arg3[%dma_start3A_1825, %dma_start3A_1826] : memref<4096x256xf32, #tpu.memory_space<hbm>> -> memref<4096x256xf32, #tpu.memory_space<hbm>>
        tpu.enqueue_indirect_dma source(%dma_start3A_1827 : memref<4096x256xf32, #tpu.memory_space<hbm>>) target(%arg10 : memref<64x256xf32, #tpu.memory_space<vmem>>) offsets(%arg8 : memref<64xi32, #tpu.memory_space<vmem>>) semaphore(%arg14 : memref<!tpu.dma_semaphore, #tpu.memory_space<semaphore_mem>>)
      } else {
      }
    }
    %scan3A_113 = arith.constant 64 : i32
    %mul3A_114 = arith.constant 32 : i32
    %mul3A_115 = arith.muli %add3A, %mul3A_114 : i32
    %add3A_116 = arith.constant 31 : i32
    %add3A_117 = arith.addi %mul3A_115, %add3A_116 : i32
    %dma_wait3A = arith.constant 384 : i32
    %dma_wait3A_118 = arith.constant 0 : i32
    %dma_wait3A_119 = tpu.memref_slice %arg5[%add3A_117, %dma_wait3A, %dma_wait3A_118] : memref<1024x512x256xf32, #tpu.memory_space<hbm>> -> memref<1x64x256xf32, #tpu.memory_space<hbm>>
    %dma_wait3A_120 = tpu.memref_squeeze %dma_wait3A_119 : memref<1x64x256xf32, #tpu.memory_space<hbm>> -> memref<64x256xf32, #tpu.memory_space<hbm>>
    %dma_wait3A_121 = arith.constant 384 : i32
    %dma_wait3A_122 = arith.constant 0 : i32
    %dma_wait3A_123 = tpu.memref_slice %arg5[%add3A_117, %dma_wait3A_121, %dma_wait3A_122] : memref<1024x512x256xf32, #tpu.memory_space<hbm>> -> memref<1x64x256xf32, #tpu.memory_space<hbm>>
    %dma_wait3A_124 = tpu.memref_squeeze %dma_wait3A_123 : memref<1x64x256xf32, #tpu.memory_space<hbm>> -> memref<64x256xf32, #tpu.memory_space<hbm>>
    tpu.wait_dma2 semaphore(%arg17 : memref<!tpu.dma_semaphore, #tpu.memory_space<semaphore_mem>>) src(%arg11 : memref<64x256xf32, #tpu.memory_space<vmem>>) dst(%dma_wait3A_124 : memref<64x256xf32, #tpu.memory_space<hbm>>)
    %mul3A_125 = arith.constant 32 : i32
    %mul3A_126 = arith.muli %add3A, %mul3A_125 : i32
    %add3A_127 = arith.constant 31 : i32
    %add3A_128 = arith.addi %mul3A_126, %add3A_127 : i32
    %dma_wait3A_129 = arith.constant 320 : i32
    %dma_wait3A_130 = arith.constant 0 : i32
    %dma_wait3A_131 = tpu.memref_slice %arg5[%add3A_128, %dma_wait3A_129, %dma_wait3A_130] : memref<1024x512x256xf32, #tpu.memory_space<hbm>> -> memref<1x64x256xf32, #tpu.memory_space<hbm>>
    %dma_wait3A_132 = tpu.memref_squeeze %dma_wait3A_131 : memref<1x64x256xf32, #tpu.memory_space<hbm>> -> memref<64x256xf32, #tpu.memory_space<hbm>>
    %dma_wait3A_133 = arith.constant 320 : i32
    %dma_wait3A_134 = arith.constant 0 : i32
    %dma_wait3A_135 = tpu.memref_slice %arg5[%add3A_128, %dma_wait3A_133, %dma_wait3A_134] : memref<1024x512x256xf32, #tpu.memory_space<hbm>> -> memref<1x64x256xf32, #tpu.memory_space<hbm>>
    %dma_wait3A_136 = tpu.memref_squeeze %dma_wait3A_135 : memref<1x64x256xf32, #tpu.memory_space<hbm>> -> memref<64x256xf32, #tpu.memory_space<hbm>>
    tpu.wait_dma2 semaphore(%arg18 : memref<!tpu.dma_semaphore, #tpu.memory_space<semaphore_mem>>) src(%arg12 : memref<64x256xf32, #tpu.memory_space<vmem>>) dst(%dma_wait3A_136 : memref<64x256xf32, #tpu.memory_space<hbm>>)
    %mul3A_137 = arith.constant 32 : i32
    %mul3A_138 = arith.muli %add3A, %mul3A_137 : i32
    %add3A_139 = arith.constant 31 : i32
    %add3A_140 = arith.addi %mul3A_138, %add3A_139 : i32
    %dma_wait3A_141 = arith.constant 448 : i32
    %dma_wait3A_142 = arith.constant 0 : i32
    %dma_wait3A_143 = tpu.memref_slice %arg5[%add3A_140, %dma_wait3A_141, %dma_wait3A_142] : memref<1024x512x256xf32, #tpu.memory_space<hbm>> -> memref<1x64x256xf32, #tpu.memory_space<hbm>>
    %dma_wait3A_144 = tpu.memref_squeeze %dma_wait3A_143 : memref<1x64x256xf32, #tpu.memory_space<hbm>> -> memref<64x256xf32, #tpu.memory_space<hbm>>
    %dma_wait3A_145 = arith.constant 448 : i32
    %dma_wait3A_146 = arith.constant 0 : i32
    %dma_wait3A_147 = tpu.memref_slice %arg5[%add3A_140, %dma_wait3A_145, %dma_wait3A_146] : memref<1024x512x256xf32, #tpu.memory_space<hbm>> -> memref<1x64x256xf32, #tpu.memory_space<hbm>>
    %dma_wait3A_148 = tpu.memref_squeeze %dma_wait3A_147 : memref<1x64x256xf32, #tpu.memory_space<hbm>> -> memref<64x256xf32, #tpu.memory_space<hbm>>
    tpu.wait_dma2 semaphore(%arg19 : memref<!tpu.dma_semaphore, #tpu.memory_space<semaphore_mem>>) src(%arg13 : memref<64x256xf32, #tpu.memory_space<vmem>>) dst(%dma_wait3A_148 : memref<64x256xf32, #tpu.memory_space<hbm>>)
    return
  }
}

</mosaic_0001>

<sc_bundles>
// kernel: kernel.3.cloned.1.call-start
scs
__scs_entry_jumppad:
0x0: {  	(pc) =	sbr.rel $0x88, $3  }
0x1: {  	(tag) =	ssettag $0x0;
	lr =	simm.s32 $0x1  }
0x2: {  	[smem:$0x3F9F] =	sst lr;
	_ =	strace $0xD0000000  }
0x3: {  	_ = 	snop  }
0x4: {  	_ = 	snop  }
0x5: {  	_ = 	snop  }
0x6: {  	_ = 	snop  }
0x7: {  	_ = 	snop  }
__scs_overlays_trampoline_lowered:
0x8: {  	[smem:$0x3FAE] =	sst s0  }
0x9: {  	[smem:$0x3FAF] =	sst s1  }
0xa: {  	[smem:$0x3FB0] =	sst s2  }
0xb: {  	[smem:$0x3FB1] =	sst s3  }
0xc: {  	[smem:$0x3FB2] =	sst s4  }
0xd: {  	[smem:$0x3FB3] =	sst s5  }
0xe: {  	[smem:$0x3FB4] =	sst s6  }
0xf: {  	[smem:$0x3FB5] =	sst s7  }
0x10: {  	[smem:$0x3FB6] =	sst s8  }
0x11: {  	[smem:$0x3FB7] =	sst s9;
	s0 =	simm.s32 @!p0 $0x0  }
0x12: {  	s1 =	sld [smem:$0x3F9D];
	s0 =	simm.s32 @p0 $0x1  }
0x13: {  	[smem:$0x3FB8] =	sst s0;
	s0 =	simm.s32 @!p1 $0x0  }
0x14: {  	s2 =	sld [smem:$0x3F9C];
	s0 =	simm.s32 @p1 $0x1  }
0x15: {  	[smem:$0x3FB9] =	sst s0;
	s0 =	simm.s32 @!p2 $0x0  }
0x16: {  	s3 =	sld [smem:$0x3FDB];
	s0 =	simm.s32 @p2 $0x1  }
0x17: {  	s4 =	simm.s32 $0x1BF5;
	[smem:$0x3FBB] =	sst s0  }
0x18: {  	s0 =	sld [smem:$0x3F9E];
	_ =	swait.ge [sflag:s4], $0x0  }
0x19: {  	s7 =	sld [smem:$0x3F9F]  }
0x1a: {  	s8 =	sadd.s32 $0xFFFFE003, lr  }
0x1b: {  	s9 =	sadd.s32 $0xFFFFFEF7, lr;
	s5 =	simm.s32 $0xFFFFFFFF;
	p2 =	slt.u32 s8, $0xFFFFF086  }
0x1c: {  	p1 =	slt.u32 s9, $0xF7A;
	s5 =	simm.s32 @!p2 $0x0  }
0x1d: {  	s5 =	simm.s32 @p1 $0x1;
	p0 =	seq.s32 s7, s2  }
0x1e: {  	s7 =	smul.u32 @!p0 $0xF7A, s2;
	p2 =	seq.s32 @!p0 s5, $0x0  }
0x1f: {  	s9 =	smul.u32 $0xF7A, s1;
	s8 =	simm.s32 @!p0 $0x1BF5;
	p2 =	por !p2, p0  }
0x20: {  	[sflag:s8] =	ssyncset.s32 @!p0 $0xFFFFF086;
	s6 =	sadd.s32 @!p0 s3, s7;
	s7 =	simm.s32 @!p0 $0x108  }
0x21: {  	s3 =	sadd.s32 s3, s9;
	s6 =	sadd.s32 @!p0 $0x88, s6;
	s7 =	simm.s32 @p2 $0x1082  }
0x22: {  	[simem:s7], [sflag:s8] =	dma.local @!p0 [hbm:s6], $0xF7A  }
0x23: {  	s9 =	sor.u32 $0xD0000000, s2;
	s6 =	simm.s32 $0x108;
	_ =	swait.ge @!p0 [sflag:s8], $0x0  }
0x24: {  	s3 =	sadd.s32 $0x88, s3;
	s6 =	simm.s32 @!p1 $0x1082;
	[sflag:s4] =	ssyncset.s32 $0xFFFFF086  }
0x25: {  	[simem:s6], [sflag:s4] =	dma.local [hbm:s3], $0xF7A  }
0x26: {  	[smem:$0x3F9F] =	sst s1;
	(tag) =	ssettag s2;
	_ =	strace s9  }
0x27: {  	s1 =	sld [smem:$0x3FAF]  }
0x28: {  	s2 =	sld [smem:$0x3FB0]  }
0x29: {  	s4 =	sld [smem:$0x3FB2]  }
0x2a: {  	p0 =	seq.s32 s5, $0x0;
	s5 =	sld [smem:$0x3FB3]  }
0x2b: {  	s6 =	sld [smem:$0x3FB4]  }
0x2c: {  	s7 =	sld [smem:$0x3FB5]  }
0x2d: {  	s3 =	simm.s32 $0x108;
	s8 =	sld [smem:$0x3FB6]  }
0x2e: {  	s3 =	simm.s32 @!p0 $0x1082;
	s9 =	sld [smem:$0x3FB7]  }
0x2f: {  	lr =	sadd.s32 s0, s3;
	s0 =	sld [smem:$0x3FAE]  }
0x30: {  	s3 =	sld [smem:$0x3FB1]  }
0x31: {  	[smem:$0x3FBA] =	sst s10  }
0x32: {  	s10 =	sld [smem:$0x3FB8];
	_ =	sdelay $0x3  }
0x33: {  	p0 =	seq.s32 s10, $0x1;
	s10 =	sld [smem:$0x3FBA];
	_ =	sdelay $0x3  }
0x34: {  	[smem:$0x3FBA] =	sst s10  }
0x35: {  	s10 =	sld [smem:$0x3FB9];
	_ =	sdelay $0x3  }
0x36: {  	p1 =	seq.s32 s10, $0x1;
	s10 =	sld [smem:$0x3FBA];
	_ =	sdelay $0x3  }
0x37: {  	[smem:$0x3FBA] =	sst s10  }
0x38: {  	s10 =	sld [smem:$0x3FBB]  }
0x39: {  	_ = 	snop;
	(pc) =	sbr.ind lr, $3  }
0x3a: {  	_ = 	snop  }
0x3b: {  	_ = 	snop  }
0x3c: {  	p2 =	seq.s32 s10, $0x1;
	s10 =	sld [smem:$0x3FBA]  }
0x3d: {  	_ =	shalt  }
0x3e: {  	_ =	shalt  }
0x3f: {  	_ =	shalt  }
0x40: {  	_ =	shalt  }
0x41: {  	_ =	shalt  }
0x42: {  	_ =	shalt  }
0x43: {  	_ =	shalt  }
0x44: {  	_ =	shalt  }
0x45: {  	_ =	shalt  }
0x46: {  	_ =	shalt  }
0x47: {  	_ =	shalt  }
0x48: {  	_ =	shalt  }
0x49: {  	_ =	shalt  }
0x4a: {  	_ =	shalt  }
0x4b: {  	_ =	shalt  }
0x4c: {  	_ =	shalt  }
0x4d: {  	_ =	shalt  }
0x4e: {  	_ =	shalt  }
0x4f: {  	_ =	shalt  }
0x50: {  	_ =	shalt  }
0x51: {  	_ =	shalt  }
0x52: {  	_ =	shalt  }
0x53: {  	_ =	shalt  }
0x54: {  	_ =	shalt  }
0x55: {  	_ =	shalt  }
0x56: {  	_ =	shalt  }
0x57: {  	_ =	shalt  }
0x58: {  	_ =	shalt  }
0x59: {  	_ =	shalt  }
0x5a: {  	_ =	shalt  }
0x5b: {  	_ =	shalt  }
0x5c: {  	_ =	shalt  }
0x5d: {  	_ =	shalt  }
0x5e: {  	_ =	shalt  }
0x5f: {  	_ =	shalt  }
0x60: {  	_ =	shalt  }
0x61: {  	_ =	shalt  }
0x62: {  	_ =	shalt  }
0x63: {  	_ =	shalt  }
0x64: {  	_ =	shalt  }
0x65: {  	_ =	shalt  }
0x66: {  	_ =	shalt  }
0x67: {  	_ =	shalt  }
0x68: {  	_ =	shalt  }
0x69: {  	_ =	shalt  }
0x6a: {  	_ =	shalt  }
0x6b: {  	_ =	shalt  }
0x6c: {  	_ =	shalt  }
0x6d: {  	_ =	shalt  }
0x6e: {  	_ =	shalt  }
0x6f: {  	_ =	shalt  }
0x70: {  	_ =	shalt  }
0x71: {  	_ =	shalt  }
0x72: {  	_ =	shalt  }
0x73: {  	_ =	shalt  }
0x74: {  	_ =	shalt  }
0x75: {  	_ =	shalt  }
0x76: {  	_ =	shalt  }
0x77: {  	_ =	shalt  }
0x78: {  	_ =	shalt  }
0x79: {  	_ =	shalt  }
0x7a: {  	_ =	shalt  }
0x7b: {  	_ =	shalt  }
0x7c: {  	_ =	shalt  }
0x7d: {  	_ =	shalt  }
0x7e: {  	_ =	shalt  }
0x7f: {  	_ =	shalt  }
0x80: {  	_ =	shalt  }
0x81: {  	_ =	shalt  }
0x82: {  	_ =	shalt  }
0x83: {  	_ =	shalt  }
0x84: {  	_ =	shalt  }
0x85: {  	_ =	shalt  }
0x86: {  	_ =	shalt  }
0x87: {  	_ =	shalt  }
.Lfunc_end0:
.L_simem_size_0:
called_computation_lowered:
.L_overlay_start_0:
0x88: {  	s2 =	sld [smem:$0x3FD9]  }
0x89: {  	s3 =	sld [smem:$0x3FFE];
	_ =	sdelay $0x1  }
0x8a: {  	s1 =	srdreg.scid  }
0x8b: {  	s0 =	sand.u32 $0x1, s1  }
0x8c: {  	s17 =	sshll.u32 s0, $0xA;
	s2 =	sadd.s32 s3, s2  }
0x8d: {  	s2 =	sadd.s32 s2, s17  }
0x8e: {  	[smem:$0x3FC6] =	sst s2  }
0x8f: {  	_ = 	snop  }
0x90: {  	s2 =	sld [smem:$0x3FC9]  }
0x91: {  	s18 =	sld [smem:$0x3FD0];
	(tm) =	ssettm $0x1  }
0x92: {  	s4 =	sld [smem:$0x3FFB];
	_ =	sdelay $0x3  }
0x93: {  	_ =	strace s4  }
0x94: {  	s4 =	sld [smem:$0x3FFC];
	_ =	sdelay $0x3  }
0x95: {  	_ =	strace s4  }
0x96: {  	s4 =	sld [smem:$0x3FFD];
	_ =	sdelay $0x3  }
0x97: {  	_ =	strace s4  }
0x98: {  	_ =	strace $0x8FFFFFFF  }
0x99: {  	s19 =	sld [smem:$0x3FDB];
	_ =	sdelay $0x1  }
0x9a: {  	s5 =	simm.s32 $_scs_section_size  }
0x9b: {  	s6 =	simm.s32 $_size__tile_overlayer_lowered;
	s7 =	simm.s32 $_tile_overlayer_lowered  }
0x9c: {  	s22 =	simm.s32 $0x1BFF;
	s21 =	sshll.u32 s7, $0x1;
	s4 =	sadd.s32 s5, s19  }
0x9d: {  	s8 =	simm.s32 $0x0;
	s20 =	sshll.u32 s6, $0x1;
	s6 =	sadd.s32 s21, s4  }
0x9e: {  	[timem:s8], [sflag:s22] =	dma.local [hbm:s6], s20  }
0x9f: {  	_ =	swait.ge [sflag:s22], s20  }
0xa0: {  	s5 =	ssub.s32 $0x0, s20;
	[sflag:s22] =	ssyncset.done $0x0  }
0xa1: {  	[sflag:s22] =	ssyncadd.s32 s5;
	_ =	sdelay $0x1  }
0xa2: {  	s23 =	simm.s32 $0x1B8B  }
0xa3: {  	_ =	swait.ge [sflag:s23], $0x1  }
0xa4: {  	[sflag:s23] =	ssyncset.done $0x0  }
0xa5: {  	s25 =	simm.s32 $0x1B8E;
	s24 =	sld [smem:$0x3FFE];
	[sflag:s23] =	ssyncadd.s32 $0xFFFFFFFF  }
0xa6: {  	s26 =	simm.s32 $execute0_lowered;
	[smem:$0x3FD2] =	sst s25  }
0xa7: {  	s6 =	sshll.u32 s26, $0x1;
	_ =	strace $0x80000046;
	[dreg:$0x1] =	wrdreg $0xFFFFFFFF  }
0xa8: {  	s28 =	simm.s32 $_size_execute0_lowered;
	s4 =	sadd.s32 s4, s6;
	[dreg:$0x0] =	wrdreg $0x0  }
0xa9: {  	s6 =	sshll.u32 s28, $0x1;
	[dreg:$0x2] =	wrdreg s4  }
0xaa: {  	[dreg:$0x3] =	wrdreg s6  }
0xab: {  	[dreg:$0x4] =	wrdreg $0xC0  }
0xac: {  	_ =	task [dreg:s8], $0x5FFFF  }
0xad: {  	[dreg:$0x1] =	wrdreg $0xFFFFFFFF  }
0xae: {  	[dreg:$0x0] =	wrdreg $0x60  }
0xaf: {  	[dreg:$0x2] =	wrdreg s2  }
0xb0: {  	[dreg:$0x3] =	wrdreg s24  }
0xb1: {  	[dreg:$0x4] =	wrdreg s18  }
0xb2: {  	[dreg:$0x5] =	wrdreg $0x9  }
0xb3: {  	_ =	task.clear_ibuf [dreg:s8], $0x6FFFF;
	_ =	strace $0x90000046  }
0xb4: {  	s29 =	simm.s32 $0x9;
	_ =	strace $0x80000048  }
0xb5: {  	_ =	swait.ge [sflag:s29], $0x1  }
0xb6: {  	[sflag:s29] =	ssyncadd.s32 $0xFFFFFFFF  }
0xb7: {  	_ =	strace $0x90000048  }
0xb8: {  	_ =	sfence  }
0xb9: {  	s30 =	sld [smem:$0x0];
	_ =	sdelay $0x2  }
0xba: {  	s31 =	sshll.u32 s1, $0xD;
	s1 =	sshrl.u32 s1, $0x2  }
0xbb: {  	s3 =	sand.u32 $0x4000, s31;
	s1 =	sadd.s32 s1, s30  }
0xbc: {  	s0 =	sor.u32 s3, s0;
	s1 =	sshll.u32 s1, $0x11  }
0xbd: {  	s0 =	sor.u32 s1, s0  }
0xbe: {  	s0 =	sadd.s32 $0x8F2B, s0  }
0xbf: {  	[sflag:s0] =	ssyncadd.remote.s32 $0x1  }
0xc0: {  	_ =	sfence.sel $0xFFFF  }
0xc1: {  	[dreg:$0x0] =	wrdreg $0xFFFFFFFF;
	(pc) =	sbr.abs _section_cstart, $3  }
0xc2: {  	[dreg:$0x1] =	wrdreg $0xFFFFFFFF  }
0xc3: {  	_ =	task.clear_ibuf [dreg:s8], $0x2FFFF;
	_ =	strace $0x9FFFFFFF  }
0xc4: {  	(tm) =	ssettm $0x7FFFFFFF  }
0xc5: {  	_ =	shalt  }
tec
execute0_lowered:
.L_overlay_start_1:
0x0: {  	(tag) =	ssettag $0x1  }
0x1: {  	s0 =	rddreg [dreg:$0x0]  }
0x2: {  	s2 =	rddreg [dreg:$0x1]  }
0x3: {  	s1 =	rddreg [dreg:$0x2]  }
0x4: {  	s3 =	simm.s32 $0x0;
	s4 =	srdreg.scid;
	s5 =	stileid.u32  }
0x5: {  	s11 =	simm.s32 $0x8500;
	s19 =	simm.s32 $0x10500;
	s20 =	simm.s32 $0x1  }
0x6: {  	s21 =	simm.s32 $0xC500;
	s22 =	simm.s32 $0xCD00;
	s23 =	simm.s32 $0xD500  }
0x7: {  	s24 =	simm.s32 $0xDD00;
	s28 =	simm.s32 $0xF500;
	s29 =	simm.s32 $0xFD00  }
0x8: {  	s30 =	simm.s32 $0x14500;
	s31 =	simm.s32 $0x2;
	s4 =	sand.u32 $0x1, s4  }
0x9: {  	v6 =	vlaneseq.u32;
	[smem:$0x7FF] =	sst s3;
	s5 =	sshll.u32 s5, $0x6;
	s6 =	ssub.s32 $0x2, s4  }
0xa: {  	v0 =	vmul.u32 $0x4, v6;
	v63 =	vand.u32 $0x7, v6;
	s4 =	sshll.u32 s4, $0x5;
	_ =	strace $0x80000047;
	s7 =	sshrl.u32 s6, $0x1  }
.Ltmp0:
0xb: {  	[tilespmem:$0x1FFF0] =	vst v63;
	s4 =	sor.u32 s4, s5;
	s5 =	sadd.s32 $0x600, s2;
	(pc) =	sbr.rel .LBB2_1-.Ltmp0, $4  }
0xc: {  	s2 =	sadd.s32 $0x20600, s2;
	v1 =	vor.u32 $0x40, v0;
	[tilespmem:$0x1FFD0] =	vst v0;
	s6 =	ssub.s32 s6, s7;
	s25 =	sshll.u32 s4, $0x7  }
0xd: {  	v62 =	vor.u32 $0x80, v0;
	[dreg:$0x4] =	wrdreg s2;
	[tilespmem:$0x1FFB0] =	vst v1;
	s7 =	simm.s32 $0x0;
	s0 =	sadd.s32 s0, s25  }
0xe: {  	v5 =	vshrl.u32 v6, $0x3;
	v0 =	vor.u32 $0xC0, v0;
	[tilespmem:$0x1FFC0] =	vst v62;
	s26 =	smax.u32 s6, $0x1;
	s25 =	simm.s32 $0xE500;
	[dreg:$0x5] =	wrdreg s0  }
0xf: {  	vm0 =	vmmov $0xffff;
	v6 =	vor.u32 $0x8, v6;
	v5 =	vmul.u32 $0x8, v5;
	[tilespmem:$0x1FFE0] =	vst v0;
	[dreg:$0x6] =	wrdreg s26;
	s26 =	simm.s32 $0xED00;
	s0 =	simm.s32 $0x3  }
.LBB2_20:
0x10: {  	s2 =	simm.s32 $0x4  }
0x11: {  	_ =	swait.ge [sflag:s2], $0x4000  }
0x12: {  	[sflag:s2] =	ssyncset.done $0x0  }
0x13: {  	s17 =	simm.s32 $0x5;
	[sflag:s2] =	ssyncadd.s32 $0xFFFFC000  }
0x14: {  	_ =	swait.ge [sflag:s17], $0x4000  }
0x15: {  	[sflag:s17] =	ssyncset.done $0x0  }
0x16: {  	s6 =	simm.s32 $0x6;
	[sflag:s17] =	ssyncadd.s32 $0xFFFFC000  }
0x17: {  	_ =	swait.ge [sflag:s6], $0x4000  }
0x18: {  	s7 =	rddreg [dreg:$0x7]  }
0x19: {  	s18 =	rddreg [dreg:$0x6];
	s7 =	sadd.s32 $0x1, s7  }
0x1a: {  	p0 =	sne.s32 s7, s18  }
.Ltmp1:
0x1b: {  	_ = 	snop;
	(pc) =	sbr.rel @!p0 .LBB2_21-.Ltmp1, $3  }
0x1c: {  	_ =	sdelay $0x1  }
0x1d: {  	[sflag:s6] =	ssyncset.done $0x0  }
0x1e: {  	[sflag:s6] =	ssyncadd.s32 $0xFFFFC000  }
.LBB2_1:
0x1f: {  	[dreg:$0x7] =	wrdreg s7  }
0x20: {  	s2 =	rddreg [dreg:$0x4];
	s6 =	simm.s32 $0x8000;
	s9 =	simm.s32 $0x7  }
0x21: {  	[tilespmem:s6], [sflag:$0x7] =	stream.linear.gather [hbm4b:s2+s3], $0x400, $0x38;
	[tilespmem:$0x18500] =	vst v63  }
0x22: {  	_ =	swait.ge [sflag:s9], $0x400  }
0x23: {  	[sflag:s9] =	ssyncset.done $0x0  }
0x24: {  	s10 =	rddreg [dreg:$0x5];
	[sflag:s9] =	ssyncadd.s32 $0xFFFFFC00  }
0x25: {  	[tilespmem:s3], [sflag:$0x7] =	stream.linear.gather [hbm4b:s10+s3], $0x8000, $0x38;
	[tilespmem:$0x18500] =	vst v63  }
0x26: {  	_ =	swait.ge [sflag:s9], $0x8000  }
0x27: {  	[sflag:s9] =	ssyncset.done $0x0  }
0x28: {  	v0 =	vld [tilespmem:$0x1FFD0];
	[sflag:s9] =	ssyncadd.s32 $0xFFFF8000  }
0x29: {  	v7 =	vld [tilespmem:$0x0]  }
0x2a: {  	v8 =	vld [tilespmem:$0x1000]  }
0x2b: {  	v1 =	vld [tilespmem:$0x1FFF0]  }
0x2c: {  	v59 =	vld [tilespmem:$0x1FFB0]  }
0x2d: {  	v61 =	vld [tilespmem:$0x1FFC0]  }
0x2e: {  	v9 =	vld [tilespmem:$0x10];
	v7 =	vshll.u32 v7, $0x1  }
0x2f: {  	v10 =	vld [tilespmem:$0x20];
	v7 =	vadd.s32 v8, v7  }
0x30: {  	v11 =	vld [tilespmem:$0x1020];
	v7 =	vadd.s32 v0, v7  }
0x31: {  	v8 =	vld [tilespmem:$0x1010];
	v12 =	vshll.u32 v7, $0x1  }
0x32: {  	v13 =	vld [tilespmem:$0x30];
	v14 =	vand.u32 $0x7, v7;
	v12 =	vand.u32 $0xFFFFFFF0, v12  }
0x33: {  	v15 =	vld [tilespmem:$0x1030];
	v12 =	vor.u32 v14, v12  }
0x34: {  	v63 =	vld [tilespmem:$0x1FFE0];
	v14 =	vperm.xlane v12, v1  }
0x35: {  	v9 =	vshll.u32 v9, $0x1;
	v57 =	vshll.u32 v10, $0x1  }
0x36: {  	v8 =	vadd.s32 v8, v9;
	v12 =	vperm.xlane v12, v6;
	v58 =	vadd.s32 v5, v14  }
0x37: {  	v60 =	vshll.u32 v13, $0x1;
	[tilespmem:$0x8400] =	vst v7;
	v7 =	vadd.s32 v11, v57;
	v8 =	vadd.s32 v59, v8  }
0x38: {  	v7 =	vadd.s32 v61, v7;
	[tilespmem:$0x8410] =	vst v8;
	v8 =	vadd.s32 v15, v60;
	v62 =	vadd.s32 v5, v12  }
0x39: {  	[tilespmem:$0x8420] =	vst v7;
	v7 =	vadd.s32 v63, v8  }
0x3a: {  	[tilespmem:$0x8430] =	vst v7  }
0x3b: {  	[tilespmem:s11], [sflag:$0x1] =	stream.indirect_vreg.gather [hbm4b:s5+s3], $0x80, v58, vm0, $0xb8;
	[tilespmem:$0x18500] =	vst v63  }
0x3c: {  	s12 =	simm.s32 $0x8D00  }
0x3d: {  	[tilespmem:s12], [sflag:$0x1] =	stream.indirect_vreg.gather [hbm4b:s5+s3], $0x80, v62, vm0, $0xb8;
	[tilespmem:$0x18500] =	vst v63  }
0x3e: {  	v7 =	vld [tilespmem:$0x8410];
	_ =	sdelay $0x4  }
0x3f: {  	v8 =	vshll.u32 v7, $0x1  }
0x40: {  	v7 =	vand.u32 $0x7, v7;
	v8 =	vand.u32 $0xFFFFFFF0, v8  }
0x41: {  	v7 =	vor.u32 v7, v8  }
0x42: {  	v8 =	vperm.xlane v7, v1;
	_ =	sdelay $0x1  }
0x43: {  	v7 =	vperm.xlane v7, v6;
	v8 =	vadd.s32 v5, v8;
	_ =	sdelay $0x1  }
0x44: {  	v7 =	vadd.s32 v5, v7;
	_ =	sdelay $0x1  }
0x45: {  	s13 =	simm.s32 $0x9500  }
0x46: {  	[tilespmem:s13], [sflag:$0x1] =	stream.indirect_vreg.gather [hbm4b:s5+s3], $0x80, v8, vm0, $0xb8;
	[tilespmem:$0x18500] =	vst v63  }
0x47: {  	s14 =	simm.s32 $0x9D00  }
0x48: {  	[tilespmem:s14], [sflag:$0x1] =	stream.indirect_vreg.gather [hbm4b:s5+s3], $0x80, v7, vm0, $0xb8;
	[tilespmem:$0x18500] =	vst v63  }
0x49: {  	v7 =	vld [tilespmem:$0x8420];
	_ =	sdelay $0x4  }
0x4a: {  	v8 =	vshll.u32 v7, $0x1  }
0x4b: {  	v7 =	vand.u32 $0x7, v7;
	v8 =	vand.u32 $0xFFFFFFF0, v8  }
0x4c: {  	v7 =	vor.u32 v7, v8  }
0x4d: {  	v8 =	vperm.xlane v7, v1;
	_ =	sdelay $0x1  }
0x4e: {  	v7 =	vperm.xlane v7, v6;
	v8 =	vadd.s32 v5, v8;
	_ =	sdelay $0x1  }
0x4f: {  	v7 =	vadd.s32 v5, v7;
	_ =	sdelay $0x1  }
0x50: {  	s15 =	simm.s32 $0xA500  }
0x51: {  	[tilespmem:s15], [sflag:$0x1] =	stream.indirect_vreg.gather [hbm4b:s5+s3], $0x80, v8, vm0, $0xb8;
	[tilespmem:$0x18500] =	vst v63  }
0x52: {  	s16 =	simm.s32 $0xAD00  }
0x53: {  	[tilespmem:s16], [sflag:$0x1] =	stream.indirect_vreg.gather [hbm4b:s5+s3], $0x80, v7, vm0, $0xb8;
	[tilespmem:$0x18500] =	vst v63  }
0x54: {  	v7 =	vld [tilespmem:$0x8430];
	_ =	sdelay $0x4  }
0x55: {  	v8 =	vshll.u32 v7, $0x1  }
0x56: {  	v7 =	vand.u32 $0x7, v7;
	v8 =	vand.u32 $0xFFFFFFF0, v8  }
0x57: {  	v7 =	vor.u32 v7, v8  }
0x58: {  	v8 =	vperm.xlane v7, v1;
	_ =	sdelay $0x1  }
0x59: {  	v7 =	vperm.xlane v7, v6;
	v8 =	vadd.s32 v5, v8;
	_ =	sdelay $0x1  }
0x5a: {  	v7 =	vadd.s32 v5, v7;
	_ =	sdelay $0x1  }
0x5b: {  	s17 =	simm.s32 $0xB500  }
0x5c: {  	[tilespmem:s17], [sflag:$0x1] =	stream.indirect_vreg.gather [hbm4b:s5+s3], $0x80, v8, vm0, $0xb8;
	[tilespmem:$0x18500] =	vst v63  }
0x5d: {  	s18 =	simm.s32 $0xBD00;
	s8 =	simm.s32 $0x0  }
0x5e: {  	[tilespmem:s18], [sflag:$0x1] =	stream.indirect_vreg.gather [hbm4b:s5+s3], $0x80, v7, vm0, $0xb8;
	[tilespmem:$0x18500] =	vst v63  }
.LBB2_2:
0x5f: {  	p0 =	seq.s32 s8, $0x0;
	s6 =	sshll.u32 s8, $0x8;
	s7 =	sshll.u32 s8, $0x9  }
0x60: {  	s17 =	sshll.u32 s8, $0x6;
	s2 =	simm.s32 @!p0 $0x5;
	s6 =	sand.u32 $0x100, s6  }
0x61: {  	s10 =	sand.u32 $0x6000, s7;
	_ =	swait.ge @!p0 [sflag:s2], $0x4000;
	s9 =	sshll.u32 s6, $0x3  }
0x62: {  	s7 =	sand.u32 $0x380, s17;
	[sflag:s2] =	ssyncset.done @!p0 $0x0;
	s9 =	sor.u32 s9, s10  }
0x63: {  	[sflag:s2] =	ssyncadd.s32 @!p0 $0xFFFFC000;
	s12 =	sor.u32 s7, s9  }
0x64: {  	v7 =	vld [tilespmem:s12+$0x40];
	_ =	sdelay $0x1  }
0x65: {  	v8 =	vld [tilespmem:s12+$0x1040];
	_ =	sdelay $0x2  }
0x66: {  	v12 =	vcvt.s32.f32 v7;
	_ =	sdelay $0x1  }
0x67: {  	v22 =	vcvt.s32.f32 v8;
	v25 =	vbroadcast v12, $0x0  }
0x68: {  	v11 =	vbroadcast v12, $0x1;
	v30 =	vbroadcast v12, $0x2  }
0x69: {  	v31 =	vbroadcast v12, $0x3;
	v16 =	vbroadcast v12, $0x4  }
0x6a: {  	v21 =	vbroadcast v12, $0x5;
	v20 =	vbroadcast v12, $0x6  }
0x6b: {  	v15 =	vbroadcast v12, $0x7;
	v18 =	vbroadcast v12, $0x8  }
0x6c: {  	v14 =	vbroadcast v12, $0x9;
	v9 =	vbroadcast v12, $0xA  }
0x6d: {  	v13 =	vbroadcast v12, $0xB;
	v8 =	vbroadcast v12, $0xC  }
0x6e: {  	v10 =	vbroadcast v12, $0xD;
	v7 =	vbroadcast v12, $0xE  }
0x6f: {  	s13 =	simm.s32 $0x0;
	s18 =	simm.s32 $0x0;
	v12 =	vbroadcast v12, $0xF;
	v36 =	vbroadcast v22, $0x0  }
0x70: {  	s16 =	sand.u32 $0x70, s13;
	s2 =	sand.u32 $0x3FFFFE00, s18;
	v24 =	vbroadcast v22, $0x1;
	v32 =	vbroadcast v22, $0x2  }
0x71: {  	s2 =	sor.u32 s16, s2;
	v34 =	vbroadcast v22, $0x3;
	v29 =	vbroadcast v22, $0x4  }
0x72: {  	v35 =	vld [tilespmem:s2+$0x8180];
	v33 =	vbroadcast v22, $0x5;
	v27 =	vbroadcast v22, $0x6  }
0x73: {  	v40 =	vbroadcast v22, $0x7;
	v37 =	vbroadcast v22, $0x8  }
0x74: {  	v23 =	vld [tilespmem:s2+$0x8080];
	v41 =	vbroadcast v22, $0x9;
	v39 =	vbroadcast v22, $0xA  }
0x75: {  	v38 =	vbroadcast v22, $0xB;
	v19 =	vbroadcast v22, $0xC  }
0x76: {  	v26 =	vld [tilespmem:s2+$0x8100];
	v43 =	vbroadcast v22, $0xD;
	v17 =	vbroadcast v22, $0xE  }
0x77: {  	v28 =	vbroadcast v22, $0xF;
	v42 =	vmul.f32 v35, v34  }
0x78: {  	v22 =	vld [tilespmem:s2+$0x8000];
	v45 =	vmul.f32 v35, v43;
	v49 =	vmul.f32 v35, v24  }
0x79: {  	v44 =	vmul.f32 v35, v32;
	v46 =	vmul.f32 v23, v36  }
0x7a: {  	v47 =	vmul.f32 v23, v43;
	v53 =	vmul.f32 v35, v37  }
0x7b: {  	v56 =	vmul.f32 v35, v38;
	v63 =	vmul.f32 v35, v36;
	v42 =	vadd.f32 v42, v26  }
0x7c: {  	v55 =	vmul.f32 v23, v27;
	v48 =	vadd.f32 v44, v26;
	v45 =	vadd.f32 v45, v26  }
0x7d: {  	v44 =	vmul.f32 v35, v28;
	v54 =	vadd.f32 v63, v26;
	v52 =	vadd.f32 v46, v22  }
0x7e: {  	s15 =	simm.s32 $0x1;
	v46 =	vadd.f32 v56, v26;
	v51 =	vmul.f32 v42, v31;
	v50 =	vmul.f32 v48, v30  }
0x7f: {  	s14 =	simm.s32 $0x0;
	s9 =	sshrl.u32 s8, $0x1;
	s2 =	sshll.u32 s8, $0x1;
	v42 =	vadd.f32 v47, v22;
	v47 =	vmul.f32 v35, v40;
	v48 =	vmul.f32 v23, v41  }
.LBB2_3:
0x80: {  	p1 =	sne.s32 s15, $0xF  }
0x81: {  	v56 =	vmul.f32 v23, v40;
	v53 =	vadd.f32 v53, v26;
	v57 =	vmul.f32 v35, v41;
	s13 =	sadd.s32 $0x10, s13;
	s17 =	smov.u32 s15;
	s15 =	sadd.s32 $0x1, s15  }
0x82: {  	v58 =	vmul.f32 v35, v39;
	v54 =	vmul.f32 v54, v25;
	v55 =	vadd.f32 v55, v22  }
0x83: {  	v59 =	vmul.f32 v23, v37;
	v60 =	vmul.f32 v23, v39;
	v56 =	vadd.f32 v56, v22  }
0x84: {  	v52 =	vadd.f32 v54, v52;
	v54 =	vadd.f32 v57, v26;
	v57 =	vmul.f32 v23, v38  }
0x85: {  	v61 =	vmul.f32 v23, v34;
	v62 =	vmul.f32 v23, v29;
	v60 =	vadd.f32 v60, v22  }
0x86: {  	v63 =	vmul.f32 v23, v32;
	v1 =	vmul.f32 v35, v33;
	v57 =	vadd.f32 v57, v22  }
0x87: {  	s18 =	sshll.u32 s14, $0x7;
	v2 =	vmul.f32 v23, v33;
	s14 =	smov.u32 s17;
	v61 =	vadd.f32 v61, v22;
	v62 =	vadd.f32 v62, v22  }
0x88: {  	v3 =	vmul.f32 v35, v29;
	s17 =	sand.u32 $0x3FFFFC00, s18;
	v63 =	vadd.f32 v63, v22;
	v58 =	vadd.f32 v58, v26  }
0x89: {  	s17 =	sor.u32 s16, s17;
	v1 =	vadd.f32 v1, v26;
	v51 =	vadd.f32 v51, v61;
	v61 =	vmul.f32 v35, v17  }
0x8a: {  	v49 =	vadd.f32 v49, v26;
	v2 =	vadd.f32 v2, v22;
	s16 =	sadd.s32 $0x10500, s17;
	[tilespmem:s17+$0x10500] =	vst v52;
	v52 =	vmul.f32 v35, v27  }
0x8b: {  	v0 =	vmul.f32 v23, v24;
	v3 =	vadd.f32 v3, v26;
	v50 =	vadd.f32 v50, v63;
	[tilespmem:s16+$0x180] =	vst v51  }
0x8c: {  	v1 =	vmul.f32 v1, v21;
	v51 =	vadd.f32 v52, v26;
	v52 =	vmul.f32 v23, v28  }
0x8d: {  	v0 =	vadd.f32 v0, v22;
	v3 =	vmul.f32 v3, v16;
	[tilespmem:s16+$0x100] =	vst v50;
	v50 =	vmul.f32 v53, v18  }
0x8e: {  	v48 =	vadd.f32 v48, v22;
	v53 =	vmul.f32 v54, v14;
	v52 =	vadd.f32 v52, v22  }
0x8f: {  	v47 =	vadd.f32 v47, v26;
	v1 =	vadd.f32 v1, v2;
	v2 =	vmul.f32 v51, v20  }
0x90: {  	v45 =	vmul.f32 v45, v10;
	v46 =	vmul.f32 v46, v13;
	v48 =	vadd.f32 v53, v48  }
0x91: {  	v47 =	vmul.f32 v47, v15;
	v3 =	vadd.f32 v3, v62;
	v2 =	vadd.f32 v2, v55  }
0x92: {  	v44 =	vadd.f32 v44, v26;
	v49 =	vmul.f32 v49, v11;
	[tilespmem:s16+$0x280] =	vst v1;
	v1 =	vadd.f32 v46, v57  }
0x93: {  	v42 =	vadd.f32 v45, v42;
	v35 =	vmul.f32 v35, v19;
	[tilespmem:s16+$0x300] =	vst v2;
	v2 =	vadd.f32 v47, v56  }
0x94: {  	v0 =	vadd.f32 v49, v0;
	v45 =	vmul.f32 v58, v9;
	[tilespmem:s16+$0x200] =	vst v3;
	v3 =	vadd.f32 v59, v22  }
0x95: {  	[tilespmem:s16+$0x380] =	vst v2;
	v2 =	vadd.f32 v35, v26;
	v26 =	vadd.f32 v61, v26;
	v35 =	vmul.f32 v44, v12  }
0x96: {  	v44 =	vmul.f32 v23, v17;
	[tilespmem:s16+$0x80] =	vst v0;
	v0 =	vadd.f32 v50, v3;
	v3 =	vadd.f32 v45, v60  }
0x97: {  	v23 =	vmul.f32 v23, v19;
	[tilespmem:s17+$0x10D80] =	vst v48;
	v2 =	vmul.f32 v2, v8;
	v35 =	vadd.f32 v35, v52  }
0x98: {  	v26 =	vmul.f32 v26, v7;
	[tilespmem:s17+$0x10D00] =	vst v0;
	v0 =	vadd.f32 v44, v22  }
0x99: {  	v22 =	vadd.f32 v23, v22;
	[tilespmem:s17+$0x11080] =	vst v35  }
0x9a: {  	[tilespmem:s17+$0x10E00] =	vst v3;
	v0 =	vadd.f32 v26, v0  }
0x9b: {  	[tilespmem:s17+$0x10E80] =	vst v1;
	v1 =	vadd.f32 v2, v22  }
0x9c: {  	s18 =	sshll.u32 s14, $0x6;
	[tilespmem:s17+$0x10F80] =	vst v42  }
0x9d: {  	s18 =	sand.u32 $0x3FFFFE00, s18;
	s16 =	sand.u32 $0x70, s13;
	[tilespmem:s17+$0x10F00] =	vst v1  }
0x9e: {  	s18 =	sor.u32 s16, s18;
	[tilespmem:s17+$0x11000] =	vst v0;
	_ =	sdelay $0x1  }
0x9f: {  	v35 =	vld [tilespmem:s18+$0x8180]  }
0xa0: {  	v23 =	vld [tilespmem:s18+$0x8080]  }
0xa1: {  	v26 =	vld [tilespmem:s18+$0x8100];
	_ =	sdelay $0x1  }
0xa2: {  	v22 =	vld [tilespmem:s18+$0x8000]  }
0xa3: {  	v0 =	vmul.f32 v35, v34;
	v1 =	vmul.f32 v35, v43  }
0xa4: {  	v49 =	vmul.f32 v35, v24;
	v2 =	vmul.f32 v35, v32  }
0xa5: {  	v3 =	vmul.f32 v23, v36;
	v42 =	vmul.f32 v23, v43;
	v0 =	vadd.f32 v0, v26  }
.Ltmp2:
0xa6: {  	v53 =	vmul.f32 v35, v37;
	v46 =	vmul.f32 v35, v38;
	v2 =	vadd.f32 v2, v26;
	(pc) =	sbr.rel @p1 .LBB2_3-.Ltmp2, $4  }
0xa7: {  	v44 =	vmul.f32 v35, v28;
	v51 =	vmul.f32 v0, v31;
	v42 =	vadd.f32 v42, v22  }
0xa8: {  	v52 =	vadd.f32 v3, v22;
	v0 =	vmul.f32 v35, v36;
	v50 =	vmul.f32 v2, v30  }
0xa9: {  	v47 =	vmul.f32 v35, v40;
	v48 =	vmul.f32 v23, v41;
	v45 =	vadd.f32 v1, v26  }
0xaa: {  	v55 =	vmul.f32 v23, v27;
	v46 =	vadd.f32 v46, v26;
	v54 =	vadd.f32 v0, v26  }
0xab: {  	v0 =	vmul.f32 v23, v40  }
0xac: {  	v2 =	vmul.f32 v35, v41;
	v30 =	vmul.f32 v35, v39  }
0xad: {  	v31 =	vmul.f32 v23, v37;
	v36 =	vmul.f32 v23, v39  }
0xae: {  	v60 =	vmul.f32 v23, v38;
	v34 =	vmul.f32 v23, v34  }
0xaf: {  	v61 =	vmul.f32 v23, v29;
	v32 =	vmul.f32 v23, v32  }
0xb0: {  	v1 =	vadd.f32 v53, v26;
	v62 =	vmul.f32 v35, v33;
	v63 =	vmul.f32 v23, v33  }
0xb1: {  	v3 =	vmul.f32 v54, v25;
	v25 =	vadd.f32 v55, v22;
	v0 =	vadd.f32 v0, v22  }
0xb2: {  	v29 =	vmul.f32 v35, v29;
	v2 =	vadd.f32 v2, v26;
	v36 =	vadd.f32 v36, v22  }
0xb3: {  	v27 =	vmul.f32 v35, v27;
	v37 =	vadd.f32 v60, v22;
	v34 =	vadd.f32 v34, v22  }
0xb4: {  	v24 =	vmul.f32 v23, v24;
	v38 =	vadd.f32 v61, v22;
	v32 =	vadd.f32 v32, v22  }
0xb5: {  	v28 =	vmul.f32 v23, v28;
	v30 =	vadd.f32 v30, v26;
	v39 =	vadd.f32 v62, v26  }
0xb6: {  	s13 =	sshll.u32 s14, $0x7;
	v10 =	vmul.f32 v45, v10;
	v33 =	vadd.f32 v63, v22;
	v27 =	vadd.f32 v27, v26  }
0xb7: {  	s13 =	sand.u32 $0x3FFFFC00, s13;
	v29 =	vadd.f32 v29, v26;
	v1 =	vmul.f32 v1, v18;
	v3 =	vadd.f32 v3, v52  }
0xb8: {  	s13 =	sor.u32 s16, s13;
	v52 =	vadd.f32 v49, v26;
	v34 =	vadd.f32 v51, v34;
	v21 =	vmul.f32 v39, v21  }
0xb9: {  	s17 =	sadd.s32 $0x10500, s13;
	v32 =	vadd.f32 v50, v32;
	v20 =	vmul.f32 v27, v20;
	[tilespmem:s13+$0x10500] =	vst v3;
	v3 =	vadd.f32 v24, v22  }
0xba: {  	v16 =	vmul.f32 v29, v16;
	v24 =	vadd.f32 v47, v26;
	[tilespmem:s17+$0x180] =	vst v34;
	v18 =	vadd.f32 v21, v33  }
0xbb: {  	v2 =	vmul.f32 v2, v14;
	v11 =	vmul.f32 v52, v11;
	[tilespmem:s17+$0x100] =	vst v32;
	v20 =	vadd.f32 v20, v25  }
0xbc: {  	v14 =	vadd.f32 v44, v26;
	v16 =	vadd.f32 v16, v38;
	v15 =	vmul.f32 v24, v15;
	[tilespmem:s17+$0x280] =	vst v18  }
0xbd: {  	v13 =	vmul.f32 v46, v13;
	v21 =	vadd.f32 v48, v22;
	v3 =	vadd.f32 v11, v3;
	[tilespmem:s17+$0x300] =	vst v20  }
0xbe: {  	v54 =	vmul.f32 v23, v19;
	v11 =	vadd.f32 v31, v22;
	[tilespmem:s17+$0x200] =	vst v16;
	v0 =	vadd.f32 v15, v0  }
0xbf: {  	v9 =	vmul.f32 v30, v9;
	v2 =	vadd.f32 v2, v21;
	v15 =	vmul.f32 v35, v19;
	[tilespmem:s17+$0x80] =	vst v3  }
0xc0: {  	v51 =	vmul.f32 v35, v17;
	v55 =	vadd.f32 v13, v37;
	v1 =	vadd.f32 v1, v11;
	[tilespmem:s17+$0x380] =	vst v0  }
0xc1: {  	v53 =	vmul.f32 v14, v12;
	v9 =	vadd.f32 v9, v36;
	v3 =	vadd.f32 v15, v26;
	[tilespmem:s13+$0x10D80] =	vst v2  }
0xc2: {  	v12 =	vmul.f32 v23, v17;
	v24 =	vadd.f32 v28, v22;
	v11 =	vadd.f32 v51, v26;
	[tilespmem:s13+$0x10D00] =	vst v1  }
0xc3: {  	v56 =	vadd.f32 v10, v42;
	v2 =	vadd.f32 v54, v22;
	[tilespmem:s13+$0x10E00] =	vst v9;
	v3 =	vmul.f32 v3, v8  }
0xc4: {  	v0 =	vadd.f32 v53, v24;
	v7 =	vmul.f32 v11, v7;
	[tilespmem:s13+$0x10E80] =	vst v55;
	v8 =	vadd.f32 v12, v22  }
0xc5: {  	[tilespmem:s13+$0x10F80] =	vst v56;
	v57 =	vadd.f32 v3, v2  }
0xc6: {  	[tilespmem:s13+$0x11080] =	vst v0;
	v58 =	vadd.f32 v7, v8  }
0xc7: {  	[tilespmem:s13+$0x10F00] =	vst v57  }
0xc8: {  	[tilespmem:s13+$0x11000] =	vst v58  }
0xc9: {  	v0 =	vld [tilespmem:s12+$0x50]  }
0xca: {  	v1 =	vld [tilespmem:s12+$0x1050];
	_ =	sdelay $0x3  }
0xcb: {  	v0 =	vcvt.s32.f32 v0  }
0xcc: {  	v1 =	vcvt.s32.f32 v1  }
0xcd: {  	v29 =	vbroadcast v0, $0x0;
	v17 =	vbroadcast v0, $0x1  }
0xce: {  	v31 =	vbroadcast v0, $0x2;
	v14 =	vbroadcast v0, $0x3  }
0xcf: {  	v13 =	vbroadcast v0, $0x4;
	v20 =	vbroadcast v0, $0x5  }
0xd0: {  	v12 =	vbroadcast v0, $0x6;
	v9 =	vbroadcast v0, $0x7  }
0xd1: {  	v7 =	vbroadcast v0, $0x8;
	v16 =	vbroadcast v0, $0x9  }
0xd2: {  	v35 =	vbroadcast v0, $0xA;
	v8 =	vbroadcast v0, $0xB  }
0xd3: {  	v15 =	vbroadcast v0, $0xC;
	v10 =	vbroadcast v0, $0xD  }
0xd4: {  	v19 =	vbroadcast v0, $0xE;
	v36 =	vbroadcast v0, $0xF  }
0xd5: {  	s18 =	simm.s32 $0x0;
	s13 =	simm.s32 $0x0;
	v11 =	vbroadcast v1, $0x0;
	v27 =	vbroadcast v1, $0x1  }
0xd6: {  	s14 =	sand.u32 $0x3FFFFE00, s18;
	s16 =	sand.u32 $0x70, s13;
	v34 =	vbroadcast v1, $0x2;
	v30 =	vbroadcast v1, $0x3  }
0xd7: {  	s14 =	sor.u32 s16, s14;
	v21 =	vbroadcast v1, $0x4;
	v26 =	vbroadcast v1, $0x5  }
0xd8: {  	v43 =	vld [tilespmem:s14+$0x8180];
	v33 =	vbroadcast v1, $0x6;
	v37 =	vbroadcast v1, $0x7  }
0xd9: {  	v24 =	vbroadcast v1, $0x8;
	v32 =	vbroadcast v1, $0x9  }
0xda: {  	v25 =	vld [tilespmem:s14+$0x8080];
	v42 =	vbroadcast v1, $0xA;
	v18 =	vbroadcast v1, $0xB  }
0xdb: {  	v41 =	vbroadcast v1, $0xC;
	v23 =	vbroadcast v1, $0xD  }
0xdc: {  	v38 =	vld [tilespmem:s14+$0x8100];
	v40 =	vbroadcast v1, $0xF;
	v39 =	vbroadcast v1, $0xE  }
0xdd: {  	v59 =	vmul.f32 v43, v11;
	v60 =	vmul.f32 v43, v34  }
0xde: {  	v61 =	vmul.f32 v43, v40;
	v3 =	vmul.f32 v43, v42  }
0xdf: {  	v22 =	vld [tilespmem:s14+$0x8000];
	v48 =	vmul.f32 v25, v23;
	v62 =	vmul.f32 v25, v33  }
0xe0: {  	v63 =	vmul.f32 v43, v32;
	v53 =	vmul.f32 v25, v41  }
0xe1: {  	v50 =	vmul.f32 v43, v26;
	v51 =	vmul.f32 v43, v37;
	v0 =	vadd.f32 v59, v38  }
0xe2: {  	v52 =	vmul.f32 v25, v42;
	v1 =	vadd.f32 v60, v38;
	v3 =	vadd.f32 v3, v38  }
0xe3: {  	v49 =	vadd.f32 v61, v38;
	v45 =	vadd.f32 v63, v38;
	v28 =	vmul.f32 v0, v29  }
0xe4: {  	s15 =	simm.s32 $0x1;
	s14 =	simm.s32 $0x0;
	v44 =	vadd.f32 v62, v22;
	v46 =	vmul.f32 v1, v31;
	v47 =	vmul.f32 v3, v35  }
.LBB2_5:
0xe5: {  	p1 =	sne.s32 s15, $0xF  }
0xe6: {  	v0 =	vadd.f32 v53, v22;
	v1 =	vadd.f32 v48, v22;
	v2 =	vmul.f32 v49, v36;
	s13 =	sadd.s32 $0x10, s13;
	s17 =	smov.u32 s15;
	s15 =	sadd.s32 $0x1, s15  }
0xe7: {  	v3 =	vmul.f32 v25, v30;
	v48 =	vadd.f32 v50, v38;
	v49 =	vmul.f32 v25, v39  }
0xe8: {  	v50 =	vmul.f32 v25, v21;
	v51 =	vadd.f32 v51, v38;
	v52 =	vadd.f32 v52, v22  }
0xe9: {  	v53 =	vmul.f32 v25, v27;
	v54 =	vmul.f32 v43, v41;
	v49 =	vadd.f32 v49, v22  }
0xea: {  	s18 =	sshll.u32 s14, $0x7;
	v55 =	vmul.f32 v25, v34;
	s14 =	smov.u32 s17;
	v47 =	vadd.f32 v47, v52;
	v52 =	vmul.f32 v25, v40  }
0xeb: {  	v56 =	vmul.f32 v25, v37;
	v57 =	vmul.f32 v43, v39;
	s17 =	sand.u32 $0x3FFFFC00, s18;
	v53 =	vadd.f32 v53, v22  }
0xec: {  	v58 =	vmul.f32 v43, v33;
	v59 =	vmul.f32 v25, v24;
	s17 =	sor.u32 s16, s17;
	v3 =	vadd.f32 v3, v22  }
0xed: {  	v60 =	vmul.f32 v43, v30;
	v52 =	vadd.f32 v52, v22;
	[tilespmem:s17+$0x11E00] =	vst v47;
	v47 =	vadd.f32 v54, v38  }
0xee: {  	v61 =	vmul.f32 v25, v32;
	v50 =	vadd.f32 v50, v22;
	v54 =	vmul.f32 v43, v27  }
0xef: {  	v48 =	vmul.f32 v48, v20;
	v58 =	vadd.f32 v58, v38;
	v2 =	vadd.f32 v2, v52  }
0xf0: {  	v62 =	vmul.f32 v43, v18;
	v57 =	vadd.f32 v57, v38;
	v52 =	vmul.f32 v25, v26  }
0xf1: {  	v63 =	vmul.f32 v43, v21;
	v4 =	vmul.f32 v43, v24;
	v54 =	vadd.f32 v54, v38;
	[tilespmem:s17+$0x12080] =	vst v2  }
0xf2: {  	v47 =	vmul.f32 v47, v15;
	v2 =	vadd.f32 v55, v22;
	v55 =	vmul.f32 v25, v18  }
0xf3: {  	v60 =	vadd.f32 v60, v38;
	v43 =	vmul.f32 v43, v23;
	v54 =	vmul.f32 v54, v17  }
0xf4: {  	v57 =	vmul.f32 v57, v19;
	v2 =	vadd.f32 v46, v2;
	v46 =	vadd.f32 v62, v38  }
0xf5: {  	v45 =	vmul.f32 v45, v16;
	v4 =	vadd.f32 v4, v38;
	v53 =	vadd.f32 v54, v53  }
0xf6: {  	v61 =	vadd.f32 v61, v22;
	v54 =	vmul.f32 v60, v14;
	v60 =	vadd.f32 v63, v38  }
0xf7: {  	v4 =	vmul.f32 v4, v7;
	v49 =	vadd.f32 v57, v49;
	v52 =	vadd.f32 v52, v22;
	[tilespmem:s17+$0x11580] =	vst v53  }
0xf8: {  	v45 =	vadd.f32 v45, v61;
	[tilespmem:s17+$0x11600] =	vst v2;
	v2 =	vadd.f32 v54, v3;
	v3 =	vmul.f32 v60, v13  }
0xf9: {  	v38 =	vadd.f32 v43, v38;
	v53 =	vmul.f32 v58, v12;
	v54 =	vadd.f32 v59, v22;
	[tilespmem:s17+$0x12000] =	vst v49  }
0xfa: {  	v43 =	vadd.f32 v55, v22;
	v3 =	vadd.f32 v3, v50;
	[tilespmem:s17+$0x11D80] =	vst v45;
	v45 =	vmul.f32 v46, v8  }
0xfb: {  	v0 =	vadd.f32 v47, v0;
	v46 =	vmul.f32 v51, v9;
	[tilespmem:s17+$0x11680] =	vst v2;
	v2 =	vadd.f32 v56, v22  }
0xfc: {  	v38 =	vmul.f32 v38, v10;
	[tilespmem:s17+$0x11700] =	vst v3;
	v3 =	vadd.f32 v53, v44;
	v43 =	vadd.f32 v45, v43  }
0xfd: {  	v25 =	vmul.f32 v25, v11;
	v44 =	vadd.f32 v48, v52;
	v2 =	vadd.f32 v46, v2;
	[tilespmem:s17+$0x11F00] =	vst v0  }
0xfe: {  	v1 =	vadd.f32 v38, v1;
	v0 =	vadd.f32 v4, v54;
	[tilespmem:s17+$0x11800] =	vst v3  }
0xff: {  	v3 =	vadd.f32 v25, v22;
	[tilespmem:s17+$0x11780] =	vst v44  }
0x100: {  	[tilespmem:s17+$0x11F80] =	vst v1  }
0x101: {  	v1 =	vadd.f32 v28, v3;
	[tilespmem:s17+$0x11880] =	vst v2  }
0x102: {  	s18 =	sshll.u32 s14, $0x6;
	[tilespmem:s17+$0x11E80] =	vst v43  }
0x103: {  	s16 =	sand.u32 $0x70, s13;
	s18 =	sand.u32 $0x3FFFFE00, s18;
	[tilespmem:s17+$0x11500] =	vst v1  }
0x104: {  	s18 =	sor.u32 s16, s18;
	[tilespmem:s17+$0x11D00] =	vst v0  }
0x105: {  	v43 =	vld [tilespmem:s18+$0x8180]  }
0x106: {  	v38 =	vld [tilespmem:s18+$0x8100]  }
0x107: {  	v25 =	vld [tilespmem:s18+$0x8080];
	_ =	sdelay $0x2  }
0x108: {  	v0 =	vmul.f32 v43, v11;
	v1 =	vmul.f32 v43, v40  }
0x109: {  	v2 =	vmul.f32 v43, v34;
	v3 =	vmul.f32 v43, v42;
	v22 =	vld [tilespmem:s18+$0x8000]  }
0x10a: {  	v0 =	vadd.f32 v0, v38;
	v48 =	vmul.f32 v25, v23;
	v49 =	vadd.f32 v1, v38  }
.Ltmp3:
0x10b: {  	v1 =	vadd.f32 v2, v38;
	v2 =	vmul.f32 v25, v33;
	v3 =	vadd.f32 v3, v38;
	(pc) =	sbr.rel @p1 .LBB2_5-.Ltmp3, $4  }
0x10c: {  	v28 =	vmul.f32 v0, v29;
	v0 =	vmul.f32 v43, v32  }
0x10d: {  	v53 =	vmul.f32 v25, v41;
	v46 =	vmul.f32 v1, v31  }
0x10e: {  	v50 =	vmul.f32 v43, v26;
	v47 =	vmul.f32 v3, v35;
	v45 =	vadd.f32 v0, v38  }
0x10f: {  	v51 =	vmul.f32 v43, v37;
	v52 =	vmul.f32 v25, v42;
	v44 =	vadd.f32 v2, v22  }
0x110: {  	v2 =	vmul.f32 v49, v36;
	v3 =	vmul.f32 v25, v30  }
0x111: {  	v29 =	vmul.f32 v25, v39;
	v31 =	vmul.f32 v25, v21  }
0x112: {  	v42 =	vmul.f32 v25, v27;
	v41 =	vmul.f32 v43, v41  }
0x113: {  	v0 =	vadd.f32 v53, v22;
	v34 =	vmul.f32 v25, v34;
	v40 =	vmul.f32 v25, v40  }
0x114: {  	v1 =	vadd.f32 v48, v22;
	v37 =	vmul.f32 v25, v37;
	v33 =	vmul.f32 v43, v33  }
0x115: {  	v4 =	vadd.f32 v50, v38;
	v30 =	vmul.f32 v43, v30;
	v27 =	vmul.f32 v43, v27  }
0x116: {  	v32 =	vmul.f32 v25, v32;
	v26 =	vmul.f32 v25, v26;
	v35 =	vadd.f32 v51, v38  }
0x117: {  	v53 =	vmul.f32 v43, v18;
	v50 =	vadd.f32 v52, v22;
	v29 =	vadd.f32 v29, v22  }
0x118: {  	v21 =	vmul.f32 v43, v21;
	v42 =	vadd.f32 v42, v22;
	v3 =	vadd.f32 v3, v22  }
0x119: {  	v54 =	vmul.f32 v45, v16;
	v41 =	vadd.f32 v41, v38;
	v40 =	vadd.f32 v40, v22  }
0x11a: {  	v23 =	vmul.f32 v43, v23;
	v31 =	vadd.f32 v31, v22;
	v27 =	vadd.f32 v27, v38  }
0x11b: {  	s13 =	sshll.u32 s14, $0x7;
	v51 =	vmul.f32 v43, v39;
	v34 =	vadd.f32 v34, v22;
	v16 =	vadd.f32 v21, v38  }
0x11c: {  	v55 =	vmul.f32 v25, v18;
	s13 =	sand.u32 $0x3FFFFC00, s13;
	v21 =	vadd.f32 v32, v22;
	v36 =	vadd.f32 v47, v50  }
0x11d: {  	s13 =	sor.u32 s16, s13;
	v39 =	vadd.f32 v51, v38;
	v2 =	vadd.f32 v2, v40;
	v17 =	vmul.f32 v27, v17  }
0x11e: {  	v11 =	vmul.f32 v25, v11;
	v27 =	vadd.f32 v30, v38;
	v30 =	vadd.f32 v46, v34;
	[tilespmem:s13+$0x11E00] =	vst v36  }
0x11f: {  	v4 =	vmul.f32 v4, v20;
	v13 =	vmul.f32 v16, v13;
	v17 =	vadd.f32 v17, v42;
	[tilespmem:s13+$0x12080] =	vst v2  }
0x120: {  	v15 =	vmul.f32 v41, v15;
	v19 =	vmul.f32 v39, v19;
	[tilespmem:s13+$0x11600] =	vst v30;
	v2 =	vadd.f32 v54, v21  }
0x121: {  	v20 =	vadd.f32 v33, v38;
	v14 =	vmul.f32 v27, v14;
	v13 =	vadd.f32 v13, v31;
	[tilespmem:s13+$0x11580] =	vst v17  }
0x122: {  	v52 =	vmul.f32 v25, v24;
	v0 =	vadd.f32 v15, v0;
	v17 =	vadd.f32 v19, v29;
	[tilespmem:s13+$0x11D80] =	vst v2  }
0x123: {  	v12 =	vmul.f32 v20, v12;
	v3 =	vadd.f32 v14, v3;
	v14 =	vadd.f32 v23, v38;
	[tilespmem:s13+$0x11700] =	vst v13  }
0x124: {  	v24 =	vmul.f32 v43, v24;
	v56 =	vadd.f32 v55, v22;
	[tilespmem:s13+$0x12000] =	vst v17;
	v17 =	vadd.f32 v26, v22  }
0x125: {  	v12 =	vadd.f32 v12, v44;
	v19 =	vadd.f32 v53, v38;
	[tilespmem:s13+$0x11F00] =	vst v0;
	v10 =	vmul.f32 v14, v10  }
0x126: {  	v9 =	vmul.f32 v35, v9;
	[tilespmem:s13+$0x11680] =	vst v3;
	v3 =	vadd.f32 v37, v22;
	v4 =	vadd.f32 v4, v17  }
0x127: {  	v16 =	vadd.f32 v24, v38;
	[tilespmem:s13+$0x11800] =	vst v12;
	v57 =	vmul.f32 v19, v8;
	v1 =	vadd.f32 v10, v1  }
0x128: {  	v8 =	vadd.f32 v11, v22;
	v3 =	vadd.f32 v9, v3;
	[tilespmem:s13+$0x11780] =	vst v4  }
0x129: {  	v0 =	vadd.f32 v57, v56;
	v4 =	vmul.f32 v16, v7;
	v7 =	vadd.f32 v52, v22;
	[tilespmem:s13+$0x11F80] =	vst v1  }
0x12a: {  	v58 =	vadd.f32 v28, v8;
	[tilespmem:s13+$0x11880] =	vst v3  }
0x12b: {  	[tilespmem:s13+$0x11E80] =	vst v0;
	v59 =	vadd.f32 v4, v7  }
0x12c: {  	[tilespmem:s13+$0x11500] =	vst v58  }
0x12d: {  	[tilespmem:s13+$0x11D00] =	vst v59  }
0x12e: {  	v0 =	vld [tilespmem:s12+$0x60]  }
0x12f: {  	v1 =	vld [tilespmem:s12+$0x1060];
	_ =	sdelay $0x3  }
0x130: {  	v0 =	vcvt.s32.f32 v0  }
0x131: {  	v1 =	vcvt.s32.f32 v1  }
0x132: {  	v29 =	vbroadcast v0, $0x0;
	v17 =	vbroadcast v0, $0x1  }
0x133: {  	v31 =	vbroadcast v0, $0x2;
	v14 =	vbroadcast v0, $0x3  }
0x134: {  	v13 =	vbroadcast v0, $0x4;
	v20 =	vbroadcast v0, $0x5  }
0x135: {  	v12 =	vbroadcast v0, $0x6;
	v9 =	vbroadcast v0, $0x7  }
0x136: {  	v7 =	vbroadcast v0, $0x8;
	v16 =	vbroadcast v0, $0x9  }
0x137: {  	v35 =	vbroadcast v0, $0xA;
	v8 =	vbroadcast v0, $0xB  }
0x138: {  	v15 =	vbroadcast v0, $0xC;
	v10 =	vbroadcast v0, $0xD  }
0x139: {  	v19 =	vbroadcast v0, $0xE;
	v36 =	vbroadcast v0, $0xF  }
0x13a: {  	s18 =	simm.s32 $0x0;
	s13 =	simm.s32 $0x0;
	v11 =	vbroadcast v1, $0x0;
	v27 =	vbroadcast v1, $0x1  }
0x13b: {  	s14 =	sand.u32 $0x3FFFFE00, s18;
	s16 =	sand.u32 $0x70, s13;
	v34 =	vbroadcast v1, $0x2;
	v30 =	vbroadcast v1, $0x3  }
0x13c: {  	s14 =	sor.u32 s16, s14;
	v21 =	vbroadcast v1, $0x4;
	v26 =	vbroadcast v1, $0x5  }
0x13d: {  	v43 =	vld [tilespmem:s14+$0x8180];
	v33 =	vbroadcast v1, $0x6;
	v37 =	vbroadcast v1, $0x7  }
0x13e: {  	v24 =	vbroadcast v1, $0x8;
	v32 =	vbroadcast v1, $0x9  }
0x13f: {  	v25 =	vld [tilespmem:s14+$0x8080];
	v42 =	vbroadcast v1, $0xA;
	v18 =	vbroadcast v1, $0xB  }
0x140: {  	v41 =	vbroadcast v1, $0xC;
	v23 =	vbroadcast v1, $0xD  }
0x141: {  	v38 =	vld [tilespmem:s14+$0x8100];
	v40 =	vbroadcast v1, $0xF;
	v39 =	vbroadcast v1, $0xE  }
0x142: {  	v60 =	vmul.f32 v43, v11;
	v61 =	vmul.f32 v43, v34  }
0x143: {  	v62 =	vmul.f32 v43, v40;
	v3 =	vmul.f32 v43, v42  }
0x144: {  	v22 =	vld [tilespmem:s14+$0x8000];
	v48 =	vmul.f32 v25, v23;
	v4 =	vmul.f32 v25, v33  }
0x145: {  	v63 =	vmul.f32 v43, v32;
	v53 =	vmul.f32 v25, v41  }
0x146: {  	v50 =	vmul.f32 v43, v26;
	v51 =	vmul.f32 v43, v37;
	v0 =	vadd.f32 v60, v38  }
0x147: {  	v52 =	vmul.f32 v25, v42;
	v1 =	vadd.f32 v61, v38;
	v3 =	vadd.f32 v3, v38  }
0x148: {  	v49 =	vadd.f32 v62, v38;
	v45 =	vadd.f32 v63, v38;
	v28 =	vmul.f32 v0, v29  }
0x149: {  	s15 =	simm.s32 $0x1;
	s14 =	simm.s32 $0x0;
	v44 =	vadd.f32 v4, v22;
	v46 =	vmul.f32 v1, v31;
	v47 =	vmul.f32 v3, v35  }
.LBB2_7:
0x14a: {  	p1 =	sne.s32 s15, $0xF  }
0x14b: {  	v0 =	vadd.f32 v53, v22;
	v1 =	vadd.f32 v48, v22;
	v2 =	vmul.f32 v49, v36;
	s13 =	sadd.s32 $0x10, s13;
	s17 =	smov.u32 s15;
	s15 =	sadd.s32 $0x1, s15  }
0x14c: {  	v3 =	vmul.f32 v25, v30;
	v4 =	vadd.f32 v50, v38;
	v48 =	vmul.f32 v25, v39  }
0x14d: {  	v49 =	vmul.f32 v25, v21;
	v50 =	vadd.f32 v51, v38;
	v51 =	vadd.f32 v52, v22  }
0x14e: {  	v53 =	vmul.f32 v43, v41;
	v52 =	vmul.f32 v25, v27;
	v48 =	vadd.f32 v48, v22  }
0x14f: {  	s18 =	sshll.u32 s14, $0x7;
	v54 =	vmul.f32 v25, v34;
	s14 =	smov.u32 s17;
	v47 =	vadd.f32 v47, v51;
	v51 =	vmul.f32 v25, v40  }
0x150: {  	v55 =	vmul.f32 v25, v37;
	v56 =	vmul.f32 v43, v39;
	s17 =	sand.u32 $0x3FFFFC00, s18;
	v52 =	vadd.f32 v52, v22  }
0x151: {  	v57 =	vmul.f32 v43, v33;
	v58 =	vmul.f32 v25, v24;
	s17 =	sor.u32 s16, s17;
	v3 =	vadd.f32 v3, v22  }
0x152: {  	v59 =	vmul.f32 v43, v30;
	v51 =	vadd.f32 v51, v22;
	[tilespmem:s17+$0x12E00] =	vst v47;
	v47 =	vadd.f32 v53, v38  }
0x153: {  	v60 =	vmul.f32 v25, v32;
	v49 =	vadd.f32 v49, v22;
	v53 =	vmul.f32 v43, v27  }
0x154: {  	v4 =	vmul.f32 v4, v20;
	v57 =	vadd.f32 v57, v38;
	v2 =	vadd.f32 v2, v51  }
0x155: {  	v61 =	vmul.f32 v43, v18;
	v56 =	vadd.f32 v56, v38;
	v51 =	vmul.f32 v25, v26  }
0x156: {  	v62 =	vmul.f32 v43, v21;
	v63 =	vmul.f32 v43, v24;
	v53 =	vadd.f32 v53, v38;
	[tilespmem:s17+$0x13080] =	vst v2  }
0x157: {  	v47 =	vmul.f32 v47, v15;
	v2 =	vadd.f32 v54, v22;
	v54 =	vmul.f32 v25, v18  }
0x158: {  	v59 =	vadd.f32 v59, v38;
	v43 =	vmul.f32 v43, v23;
	v53 =	vmul.f32 v53, v17  }
0x159: {  	v56 =	vmul.f32 v56, v19;
	v2 =	vadd.f32 v46, v2;
	v46 =	vadd.f32 v61, v38  }
0x15a: {  	v45 =	vmul.f32 v45, v16;
	v52 =	vadd.f32 v53, v52;
	v53 =	vadd.f32 v63, v38  }
0x15b: {  	v60 =	vadd.f32 v60, v22;
	v59 =	vmul.f32 v59, v14;
	v61 =	vadd.f32 v62, v38  }
0x15c: {  	v48 =	vadd.f32 v56, v48;
	v51 =	vadd.f32 v51, v22;
	[tilespmem:s17+$0x12580] =	vst v52;
	v52 =	vmul.f32 v53, v7  }
0x15d: {  	v45 =	vadd.f32 v45, v60;
	[tilespmem:s17+$0x12600] =	vst v2;
	v2 =	vadd.f32 v59, v3;
	v3 =	vmul.f32 v61, v13  }
0x15e: {  	v56 =	vadd.f32 v58, v22;
	v38 =	vadd.f32 v43, v38;
	v53 =	vmul.f32 v57, v12;
	[tilespmem:s17+$0x13000] =	vst v48  }
0x15f: {  	v43 =	vadd.f32 v54, v22;
	v3 =	vadd.f32 v3, v49;
	[tilespmem:s17+$0x12D80] =	vst v45;
	v45 =	vmul.f32 v46, v8  }
0x160: {  	v0 =	vadd.f32 v47, v0;
	v46 =	vmul.f32 v50, v9;
	[tilespmem:s17+$0x12680] =	vst v2;
	v2 =	vadd.f32 v55, v22  }
0x161: {  	v38 =	vmul.f32 v38, v10;
	[tilespmem:s17+$0x12700] =	vst v3;
	v3 =	vadd.f32 v53, v44;
	v43 =	vadd.f32 v45, v43  }
0x162: {  	v25 =	vmul.f32 v25, v11;
	v4 =	vadd.f32 v4, v51;
	v2 =	vadd.f32 v46, v2;
	[tilespmem:s17+$0x12F00] =	vst v0  }
0x163: {  	v1 =	vadd.f32 v38, v1;
	v0 =	vadd.f32 v52, v56;
	[tilespmem:s17+$0x12800] =	vst v3  }
0x164: {  	v3 =	vadd.f32 v25, v22;
	[tilespmem:s17+$0x12780] =	vst v4  }
0x165: {  	[tilespmem:s17+$0x12F80] =	vst v1  }
0x166: {  	v1 =	vadd.f32 v28, v3;
	[tilespmem:s17+$0x12880] =	vst v2  }
0x167: {  	s18 =	sshll.u32 s14, $0x6;
	[tilespmem:s17+$0x12E80] =	vst v43  }
0x168: {  	s16 =	sand.u32 $0x70, s13;
	s18 =	sand.u32 $0x3FFFFE00, s18;
	[tilespmem:s17+$0x12500] =	vst v1  }
0x169: {  	s18 =	sor.u32 s16, s18;
	[tilespmem:s17+$0x12D00] =	vst v0  }
0x16a: {  	v43 =	vld [tilespmem:s18+$0x8180]  }
0x16b: {  	v38 =	vld [tilespmem:s18+$0x8100]  }
0x16c: {  	v25 =	vld [tilespmem:s18+$0x8080];
	_ =	sdelay $0x2  }
0x16d: {  	v0 =	vmul.f32 v43, v11;
	v1 =	vmul.f32 v43, v40  }
0x16e: {  	v2 =	vmul.f32 v43, v34;
	v3 =	vmul.f32 v43, v42;
	v22 =	vld [tilespmem:s18+$0x8000]  }
0x16f: {  	v0 =	vadd.f32 v0, v38;
	v48 =	vmul.f32 v25, v23;
	v49 =	vadd.f32 v1, v38  }
.Ltmp4:
0x170: {  	v1 =	vadd.f32 v2, v38;
	v2 =	vmul.f32 v25, v33;
	v3 =	vadd.f32 v3, v38;
	(pc) =	sbr.rel @p1 .LBB2_7-.Ltmp4, $4  }
0x171: {  	v28 =	vmul.f32 v0, v29;
	v0 =	vmul.f32 v43, v32  }
0x172: {  	v53 =	vmul.f32 v25, v41;
	v46 =	vmul.f32 v1, v31  }
0x173: {  	v50 =	vmul.f32 v43, v26;
	v47 =	vmul.f32 v3, v35;
	v45 =	vadd.f32 v0, v38  }
0x174: {  	v51 =	vmul.f32 v43, v37;
	v52 =	vmul.f32 v25, v42;
	v44 =	vadd.f32 v2, v22  }
0x175: {  	v2 =	vmul.f32 v49, v36;
	v3 =	vmul.f32 v25, v30  }
0x176: {  	v29 =	vmul.f32 v25, v39;
	v31 =	vmul.f32 v25, v21  }
0x177: {  	v42 =	vmul.f32 v25, v27;
	v41 =	vmul.f32 v43, v41  }
0x178: {  	v0 =	vadd.f32 v53, v22;
	v34 =	vmul.f32 v25, v34;
	v40 =	vmul.f32 v25, v40  }
0x179: {  	v1 =	vadd.f32 v48, v22;
	v37 =	vmul.f32 v25, v37;
	v33 =	vmul.f32 v43, v33  }
0x17a: {  	v4 =	vadd.f32 v50, v38;
	v30 =	vmul.f32 v43, v30;
	v27 =	vmul.f32 v43, v27  }
0x17b: {  	v32 =	vmul.f32 v25, v32;
	v26 =	vmul.f32 v25, v26;
	v35 =	vadd.f32 v51, v38  }
0x17c: {  	v53 =	vmul.f32 v43, v18;
	v50 =	vadd.f32 v52, v22;
	v29 =	vadd.f32 v29, v22  }
0x17d: {  	v21 =	vmul.f32 v43, v21;
	v42 =	vadd.f32 v42, v22;
	v3 =	vadd.f32 v3, v22  }
0x17e: {  	v54 =	vmul.f32 v45, v16;
	v41 =	vadd.f32 v41, v38;
	v40 =	vadd.f32 v40, v22  }
0x17f: {  	v23 =	vmul.f32 v43, v23;
	v31 =	vadd.f32 v31, v22;
	v27 =	vadd.f32 v27, v38  }
0x180: {  	s13 =	sshll.u32 s14, $0x7;
	v51 =	vmul.f32 v43, v39;
	v34 =	vadd.f32 v34, v22;
	v16 =	vadd.f32 v21, v38  }
0x181: {  	v55 =	vmul.f32 v25, v18;
	s13 =	sand.u32 $0x3FFFFC00, s13;
	v21 =	vadd.f32 v32, v22;
	v36 =	vadd.f32 v47, v50  }
0x182: {  	s13 =	sor.u32 s16, s13;
	v39 =	vadd.f32 v51, v38;
	v2 =	vadd.f32 v2, v40;
	v17 =	vmul.f32 v27, v17  }
0x183: {  	v11 =	vmul.f32 v25, v11;
	v27 =	vadd.f32 v30, v38;
	v30 =	vadd.f32 v46, v34;
	[tilespmem:s13+$0x12E00] =	vst v36  }
0x184: {  	v4 =	vmul.f32 v4, v20;
	v13 =	vmul.f32 v16, v13;
	v17 =	vadd.f32 v17, v42;
	[tilespmem:s13+$0x13080] =	vst v2  }
0x185: {  	v15 =	vmul.f32 v41, v15;
	v19 =	vmul.f32 v39, v19;
	[tilespmem:s13+$0x12600] =	vst v30;
	v2 =	vadd.f32 v54, v21  }
0x186: {  	v20 =	vadd.f32 v33, v38;
	v14 =	vmul.f32 v27, v14;
	v13 =	vadd.f32 v13, v31;
	[tilespmem:s13+$0x12580] =	vst v17  }
0x187: {  	v52 =	vmul.f32 v25, v24;
	v0 =	vadd.f32 v15, v0;
	v17 =	vadd.f32 v19, v29;
	[tilespmem:s13+$0x12D80] =	vst v2  }
0x188: {  	v12 =	vmul.f32 v20, v12;
	v3 =	vadd.f32 v14, v3;
	v14 =	vadd.f32 v23, v38;
	[tilespmem:s13+$0x12700] =	vst v13  }
0x189: {  	v24 =	vmul.f32 v43, v24;
	v56 =	vadd.f32 v55, v22;
	[tilespmem:s13+$0x13000] =	vst v17;
	v17 =	vadd.f32 v26, v22  }
0x18a: {  	v12 =	vadd.f32 v12, v44;
	v19 =	vadd.f32 v53, v38;
	[tilespmem:s13+$0x12F00] =	vst v0;
	v10 =	vmul.f32 v14, v10  }
0x18b: {  	v9 =	vmul.f32 v35, v9;
	[tilespmem:s13+$0x12680] =	vst v3;
	v3 =	vadd.f32 v37, v22;
	v4 =	vadd.f32 v4, v17  }
0x18c: {  	v16 =	vadd.f32 v24, v38;
	[tilespmem:s13+$0x12800] =	vst v12;
	v57 =	vmul.f32 v19, v8;
	v1 =	vadd.f32 v10, v1  }
0x18d: {  	v8 =	vadd.f32 v11, v22;
	v3 =	vadd.f32 v9, v3;
	[tilespmem:s13+$0x12780] =	vst v4  }
0x18e: {  	v0 =	vadd.f32 v57, v56;
	v4 =	vmul.f32 v16, v7;
	v7 =	vadd.f32 v52, v22;
	[tilespmem:s13+$0x12F80] =	vst v1  }
0x18f: {  	v58 =	vadd.f32 v28, v8;
	[tilespmem:s13+$0x12880] =	vst v3  }
0x190: {  	[tilespmem:s13+$0x12E80] =	vst v0;
	v59 =	vadd.f32 v4, v7  }
0x191: {  	[tilespmem:s13+$0x12500] =	vst v58  }
0x192: {  	[tilespmem:s13+$0x12D00] =	vst v59  }
0x193: {  	v0 =	vld [tilespmem:s12+$0x70]  }
0x194: {  	v1 =	vld [tilespmem:s12+$0x1070];
	_ =	sdelay $0x3  }
0x195: {  	v0 =	vcvt.s32.f32 v0  }
0x196: {  	v1 =	vcvt.s32.f32 v1  }
0x197: {  	v29 =	vbroadcast v0, $0x0;
	v17 =	vbroadcast v0, $0x1  }
0x198: {  	v31 =	vbroadcast v0, $0x2;
	v14 =	vbroadcast v0, $0x3  }
0x199: {  	v13 =	vbroadcast v0, $0x4;
	v20 =	vbroadcast v0, $0x5  }
0x19a: {  	v12 =	vbroadcast v0, $0x6;
	v9 =	vbroadcast v0, $0x7  }
0x19b: {  	v7 =	vbroadcast v0, $0x8;
	v16 =	vbroadcast v0, $0x9  }
0x19c: {  	v35 =	vbroadcast v0, $0xA;
	v8 =	vbroadcast v0, $0xB  }
0x19d: {  	v15 =	vbroadcast v0, $0xC;
	v10 =	vbroadcast v0, $0xD  }
0x19e: {  	v19 =	vbroadcast v0, $0xE;
	v36 =	vbroadcast v0, $0xF  }
0x19f: {  	s18 =	simm.s32 $0x0;
	s12 =	simm.s32 $0x0;
	v11 =	vbroadcast v1, $0x0;
	v28 =	vbroadcast v1, $0x1  }
0x1a0: {  	s13 =	sand.u32 $0x3FFFFE00, s18;
	s15 =	sand.u32 $0x70, s12;
	v34 =	vbroadcast v1, $0x2;
	v30 =	vbroadcast v1, $0x3  }
0x1a1: {  	s13 =	sor.u32 s15, s13;
	v22 =	vbroadcast v1, $0x4;
	v26 =	vbroadcast v1, $0x5  }
0x1a2: {  	v43 =	vld [tilespmem:s13+$0x8180];
	v33 =	vbroadcast v1, $0x6;
	v37 =	vbroadcast v1, $0x7  }
0x1a3: {  	v24 =	vbroadcast v1, $0x8;
	v32 =	vbroadcast v1, $0x9  }
0x1a4: {  	v25 =	vld [tilespmem:s13+$0x8080];
	v42 =	vbroadcast v1, $0xA;
	v18 =	vbroadcast v1, $0xB  }
0x1a5: {  	v41 =	vbroadcast v1, $0xC;
	v23 =	vbroadcast v1, $0xD  }
0x1a6: {  	v38 =	vld [tilespmem:s13+$0x8100];
	v40 =	vbroadcast v1, $0xF;
	v39 =	vbroadcast v1, $0xE  }
0x1a7: {  	v60 =	vmul.f32 v43, v11;
	v61 =	vmul.f32 v43, v34  }
0x1a8: {  	v62 =	vmul.f32 v43, v40;
	v3 =	vmul.f32 v43, v42  }
0x1a9: {  	v21 =	vld [tilespmem:s13+$0x8000];
	v48 =	vmul.f32 v25, v23;
	v4 =	vmul.f32 v25, v33  }
0x1aa: {  	v63 =	vmul.f32 v43, v32;
	v53 =	vmul.f32 v25, v41  }
0x1ab: {  	v50 =	vmul.f32 v43, v26;
	v51 =	vmul.f32 v43, v37;
	v0 =	vadd.f32 v60, v38  }
0x1ac: {  	v52 =	vmul.f32 v25, v42;
	v1 =	vadd.f32 v61, v38;
	v3 =	vadd.f32 v3, v38  }
0x1ad: {  	v49 =	vadd.f32 v62, v38;
	v45 =	vadd.f32 v63, v38;
	v27 =	vmul.f32 v0, v29  }
0x1ae: {  	s14 =	simm.s32 $0x1;
	s13 =	simm.s32 $0x0;
	v44 =	vadd.f32 v4, v21;
	v46 =	vmul.f32 v1, v31;
	v47 =	vmul.f32 v3, v35  }
.LBB2_9:
0x1af: {  	p1 =	sne.s32 s14, $0xF  }
0x1b0: {  	v0 =	vadd.f32 v53, v21;
	v1 =	vadd.f32 v48, v21;
	v2 =	vmul.f32 v49, v36;
	s12 =	sadd.s32 $0x10, s12;
	s16 =	smov.u32 s14;
	s14 =	sadd.s32 $0x1, s14  }
0x1b1: {  	v3 =	vmul.f32 v25, v30;
	v4 =	vadd.f32 v50, v38;
	v48 =	vmul.f32 v25, v39  }
0x1b2: {  	v49 =	vmul.f32 v25, v22;
	v50 =	vadd.f32 v51, v38;
	v51 =	vadd.f32 v52, v21  }
0x1b3: {  	v53 =	vmul.f32 v43, v41;
	v52 =	vmul.f32 v25, v28;
	v48 =	vadd.f32 v48, v21  }
0x1b4: {  	s17 =	sshll.u32 s13, $0x7;
	v54 =	vmul.f32 v25, v34;
	s13 =	smov.u32 s16;
	v47 =	vadd.f32 v47, v51;
	v51 =	vmul.f32 v25, v40  }
0x1b5: {  	v55 =	vmul.f32 v25, v37;
	v56 =	vmul.f32 v43, v39;
	s16 =	sand.u32 $0x3FFFFC00, s17;
	v52 =	vadd.f32 v52, v21  }
0x1b6: {  	v57 =	vmul.f32 v43, v33;
	v58 =	vmul.f32 v25, v24;
	s16 =	sor.u32 s15, s16;
	v3 =	vadd.f32 v3, v21  }
0x1b7: {  	v59 =	vmul.f32 v43, v30;
	v51 =	vadd.f32 v51, v21;
	[tilespmem:s16+$0x13E00] =	vst v47;
	v47 =	vadd.f32 v53, v38  }
0x1b8: {  	v60 =	vmul.f32 v25, v32;
	v49 =	vadd.f32 v49, v21;
	v53 =	vmul.f32 v43, v28  }
0x1b9: {  	v4 =	vmul.f32 v4, v20;
	v57 =	vadd.f32 v57, v38;
	v2 =	vadd.f32 v2, v51  }
0x1ba: {  	v61 =	vmul.f32 v43, v18;
	v56 =	vadd.f32 v56, v38;
	v51 =	vmul.f32 v25, v26  }
0x1bb: {  	v62 =	vmul.f32 v43, v22;
	v63 =	vmul.f32 v43, v24;
	v53 =	vadd.f32 v53, v38;
	[tilespmem:s16+$0x14080] =	vst v2  }
0x1bc: {  	v47 =	vmul.f32 v47, v15;
	v2 =	vadd.f32 v54, v21;
	v54 =	vmul.f32 v25, v18  }
0x1bd: {  	v59 =	vadd.f32 v59, v38;
	v43 =	vmul.f32 v43, v23;
	v53 =	vmul.f32 v53, v17  }
0x1be: {  	v56 =	vmul.f32 v56, v19;
	v2 =	vadd.f32 v46, v2;
	v46 =	vadd.f32 v61, v38  }
0x1bf: {  	v45 =	vmul.f32 v45, v16;
	v52 =	vadd.f32 v53, v52;
	v53 =	vadd.f32 v63, v38  }
0x1c0: {  	v60 =	vadd.f32 v60, v21;
	v59 =	vmul.f32 v59, v14;
	v61 =	vadd.f32 v62, v38  }
0x1c1: {  	v48 =	vadd.f32 v56, v48;
	v51 =	vadd.f32 v51, v21;
	[tilespmem:s16+$0x13580] =	vst v52;
	v52 =	vmul.f32 v53, v7  }
0x1c2: {  	v45 =	vadd.f32 v45, v60;
	[tilespmem:s16+$0x13600] =	vst v2;
	v2 =	vadd.f32 v59, v3;
	v3 =	vmul.f32 v61, v13  }
0x1c3: {  	v56 =	vadd.f32 v58, v21;
	v38 =	vadd.f32 v43, v38;
	v53 =	vmul.f32 v57, v12;
	[tilespmem:s16+$0x14000] =	vst v48  }
0x1c4: {  	v43 =	vadd.f32 v54, v21;
	v3 =	vadd.f32 v3, v49;
	[tilespmem:s16+$0x13D80] =	vst v45;
	v45 =	vmul.f32 v46, v8  }
0x1c5: {  	v0 =	vadd.f32 v47, v0;
	v46 =	vmul.f32 v50, v9;
	[tilespmem:s16+$0x13680] =	vst v2;
	v2 =	vadd.f32 v55, v21  }
0x1c6: {  	v38 =	vmul.f32 v38, v10;
	[tilespmem:s16+$0x13700] =	vst v3;
	v3 =	vadd.f32 v53, v44;
	v43 =	vadd.f32 v45, v43  }
0x1c7: {  	v25 =	vmul.f32 v25, v11;
	v4 =	vadd.f32 v4, v51;
	v2 =	vadd.f32 v46, v2;
	[tilespmem:s16+$0x13F00] =	vst v0  }
0x1c8: {  	v1 =	vadd.f32 v38, v1;
	v0 =	vadd.f32 v52, v56;
	[tilespmem:s16+$0x13800] =	vst v3  }
0x1c9: {  	v3 =	vadd.f32 v25, v21;
	[tilespmem:s16+$0x13780] =	vst v4  }
0x1ca: {  	[tilespmem:s16+$0x13F80] =	vst v1  }
0x1cb: {  	v1 =	vadd.f32 v27, v3;
	[tilespmem:s16+$0x13880] =	vst v2  }
0x1cc: {  	s17 =	sshll.u32 s13, $0x6;
	[tilespmem:s16+$0x13E80] =	vst v43  }
0x1cd: {  	s15 =	sand.u32 $0x70, s12;
	s17 =	sand.u32 $0x3FFFFE00, s17;
	[tilespmem:s16+$0x13500] =	vst v1  }
0x1ce: {  	s17 =	sor.u32 s15, s17;
	[tilespmem:s16+$0x13D00] =	vst v0  }
0x1cf: {  	v43 =	vld [tilespmem:s17+$0x8180]  }
0x1d0: {  	v38 =	vld [tilespmem:s17+$0x8100]  }
0x1d1: {  	v25 =	vld [tilespmem:s17+$0x8080];
	_ =	sdelay $0x2  }
0x1d2: {  	v0 =	vmul.f32 v43, v11;
	v1 =	vmul.f32 v43, v40  }
0x1d3: {  	v2 =	vmul.f32 v43, v34;
	v3 =	vmul.f32 v43, v42;
	v21 =	vld [tilespmem:s17+$0x8000]  }
0x1d4: {  	v0 =	vadd.f32 v0, v38;
	v48 =	vmul.f32 v25, v23;
	v49 =	vadd.f32 v1, v38  }
.Ltmp5:
0x1d5: {  	v1 =	vadd.f32 v2, v38;
	v2 =	vmul.f32 v25, v33;
	v3 =	vadd.f32 v3, v38;
	(pc) =	sbr.rel @p1 .LBB2_9-.Ltmp5, $4  }
0x1d6: {  	v27 =	vmul.f32 v0, v29;
	v0 =	vmul.f32 v43, v32  }
0x1d7: {  	v53 =	vmul.f32 v25, v41;
	v46 =	vmul.f32 v1, v31  }
0x1d8: {  	v50 =	vmul.f32 v43, v26;
	v47 =	vmul.f32 v3, v35;
	v45 =	vadd.f32 v0, v38  }
0x1d9: {  	v51 =	vmul.f32 v43, v37;
	v52 =	vmul.f32 v25, v42;
	v44 =	vadd.f32 v2, v21  }
0x1da: {  	v2 =	vmul.f32 v49, v36  }
0x1db: {  	v3 =	vmul.f32 v25, v30;
	v29 =	vmul.f32 v25, v39  }
0x1dc: {  	v31 =	vmul.f32 v25, v22;
	v42 =	vmul.f32 v25, v28  }
0x1dd: {  	v41 =	vmul.f32 v43, v41;
	v34 =	vmul.f32 v25, v34  }
0x1de: {  	v40 =	vmul.f32 v25, v40;
	v37 =	vmul.f32 v25, v37  }
0x1df: {  	v0 =	vadd.f32 v53, v21;
	v61 =	vmul.f32 v43, v39;
	v33 =	vmul.f32 v43, v33  }
0x1e0: {  	v1 =	vadd.f32 v48, v21;
	v62 =	vmul.f32 v25, v24;
	v30 =	vmul.f32 v43, v30  }
0x1e1: {  	v4 =	vadd.f32 v50, v38;
	v28 =	vmul.f32 v43, v28;
	v32 =	vmul.f32 v25, v32  }
0x1e2: {  	v26 =	vmul.f32 v25, v26;
	v63 =	vmul.f32 v43, v18;
	v35 =	vadd.f32 v51, v38  }
0x1e3: {  	v22 =	vmul.f32 v43, v22;
	v60 =	vadd.f32 v52, v21;
	v42 =	vadd.f32 v42, v21  }
0x1e4: {  	v24 =	vmul.f32 v43, v24;
	v41 =	vadd.f32 v41, v38;
	v40 =	vadd.f32 v40, v21  }
0x1e5: {  	v4 =	vmul.f32 v4, v20;
	v20 =	vadd.f32 v33, v38;
	v28 =	vadd.f32 v28, v38  }
0x1e6: {  	s12 =	sshll.u32 s13, $0x7;
	v23 =	vmul.f32 v43, v23;
	v39 =	vadd.f32 v61, v38;
	v34 =	vadd.f32 v34, v21  }
0x1e7: {  	s12 =	sand.u32 $0x3FFFFC00, s12;
	v36 =	vadd.f32 v47, v60;
	v2 =	vadd.f32 v2, v40;
	v17 =	vmul.f32 v28, v17  }
0x1e8: {  	s12 =	sor.u32 s15, s12;
	v28 =	vadd.f32 v30, v38;
	v30 =	vadd.f32 v46, v34;
	v19 =	vmul.f32 v39, v19  }
0x1e9: {  	v39 =	vmul.f32 v45, v16;
	v16 =	vadd.f32 v22, v38;
	v22 =	vadd.f32 v32, v21;
	[tilespmem:s12+$0x13E00] =	vst v36  }
0x1ea: {  	v29 =	vadd.f32 v29, v21;
	v15 =	vmul.f32 v41, v15;
	v17 =	vadd.f32 v17, v42;
	[tilespmem:s12+$0x14080] =	vst v2  }
0x1eb: {  	v3 =	vadd.f32 v3, v21;
	v12 =	vmul.f32 v20, v12;
	[tilespmem:s12+$0x13600] =	vst v30;
	v2 =	vadd.f32 v39, v22  }
0x1ec: {  	v31 =	vadd.f32 v31, v21;
	v14 =	vmul.f32 v28, v14;
	v0 =	vadd.f32 v15, v0;
	[tilespmem:s12+$0x13580] =	vst v17  }
0x1ed: {  	v11 =	vmul.f32 v25, v11;
	v12 =	vadd.f32 v12, v44;
	v17 =	vadd.f32 v19, v29;
	[tilespmem:s12+$0x13D80] =	vst v2  }
0x1ee: {  	v13 =	vmul.f32 v16, v13;
	v3 =	vadd.f32 v14, v3;
	v14 =	vadd.f32 v23, v38;
	[tilespmem:s12+$0x13F00] =	vst v0  }
0x1ef: {  	v40 =	vmul.f32 v25, v18;
	v16 =	vadd.f32 v24, v38;
	[tilespmem:s12+$0x14000] =	vst v17;
	v17 =	vadd.f32 v26, v21  }
0x1f0: {  	v19 =	vadd.f32 v63, v38;
	v13 =	vadd.f32 v13, v31;
	[tilespmem:s12+$0x13800] =	vst v12;
	v10 =	vmul.f32 v14, v10  }
0x1f1: {  	v9 =	vmul.f32 v35, v9;
	[tilespmem:s12+$0x13680] =	vst v3;
	v3 =	vadd.f32 v37, v21;
	v4 =	vadd.f32 v4, v17  }
0x1f2: {  	v41 =	vadd.f32 v40, v21;
	[tilespmem:s12+$0x13700] =	vst v13;
	v42 =	vmul.f32 v19, v8;
	v1 =	vadd.f32 v10, v1  }
0x1f3: {  	s9 =	sor.u32 s4, s9;
	v8 =	vadd.f32 v11, v21;
	v3 =	vadd.f32 v9, v3;
	[tilespmem:s12+$0x13780] =	vst v4  }
0x1f4: {  	s6 =	sshll.u32 s6, $0x8;
	s9 =	sshll.u32 s9, $0x11;
	v0 =	vadd.f32 v42, v41;
	v4 =	vmul.f32 v16, v7;
	v7 =	vadd.f32 v62, v21;
	[tilespmem:s12+$0x13F80] =	vst v1  }
0x1f5: {  	s6 =	sor.u32 s6, s9;
	v43 =	vadd.f32 v27, v8;
	[tilespmem:s12+$0x13880] =	vst v3  }
0x1f6: {  	s6 =	sshrl.u32 s6, $0x3;
	[tilespmem:s12+$0x13E80] =	vst v0;
	v44 =	vadd.f32 v4, v7  }
0x1f7: {  	s6 =	sadd.s32 s1, s6;
	[tilespmem:s12+$0x13500] =	vst v43  }
0x1f8: {  	s17 =	sadd.s32 $0x800, s6;
	[tilespmem:s12+$0x13D00] =	vst v44  }
0x1f9: {  	[hbm4b:s17+s3] =	stream.linear.scatter [tilespmem:s19], [sflag:$0x5], $0x4000, $0x38;
	[tilespmem:$0x18500] =	vst v63  }
0x1fa: {  	_ =	swait.ge [sflag:s20], $0x4000  }
0x1fb: {  	s18 =	sor.u32 $0x1, s2;
	[sflag:s20] =	ssyncset.done $0x0  }
0x1fc: {  	s15 =	sshll.u32 s18, $0x7;
	[sflag:s20] =	ssyncadd.s32 $0xFFFFC000  }
0x1fd: {  	[hbm4b:s6+s3] =	stream.linear.scatter [tilespmem:s11], [sflag:$0x3], $0x4000, $0x38;
	[tilespmem:$0x18500] =	vst v63  }
0x1fe: {  	s13 =	simm.s32 @!p0 $0x4;
	s6 =	sand.u32 $0x180, s15  }
0x1ff: {  	_ =	swait.ge @!p0 [sflag:s13], $0x4000;
	s14 =	sshll.u32 s6, $0x3  }
0x200: {  	[sflag:s13] =	ssyncset.done @!p0 $0x0;
	s10 =	sadd.s32 s14, s10  }
0x201: {  	v7 =	vld [tilespmem:$0x1FFD0];
	[sflag:s13] =	ssyncadd.s32 @!p0 $0xFFFFC000;
	s7 =	sadd.s32 s7, s10  }
0x202: {  	v45 =	vld [tilespmem:s7+$0x0]  }
0x203: {  	s16 =	sshll.u32 s18, $0x6  }
0x204: {  	v47 =	vmov s16;
	v46 =	vld [tilespmem:s7+$0x1000]  }
0x205: {  	v2 =	vshll.u32 v47, $0x2  }
0x206: {  	v2 =	vor.u32 v7, v2  }
0x207: {  	v2 =	vand.u32 $0xF3C, v2;
	v0 =	vshll.u32 v45, $0x1  }
0x208: {  	v0 =	vadd.s32 v2, v0  }
0x209: {  	v0 =	vadd.s32 v46, v0  }
0x20a: {  	[tilespmem:$0x8480] =	vst v0  }
0x20b: {  	v48 =	vld [tilespmem:s7+$0x10]  }
0x20c: {  	s12 =	sor.u32 $0x10, s16  }
0x20d: {  	v3 =	vmov s12;
	v49 =	vld [tilespmem:s7+$0x1010]  }
0x20e: {  	v3 =	vshll.u32 v3, $0x2  }
0x20f: {  	v3 =	vor.u32 v7, v3  }
0x210: {  	v3 =	vand.u32 $0xF7C, v3;
	v1 =	vshll.u32 v48, $0x1  }
0x211: {  	v1 =	vadd.s32 v3, v1  }
0x212: {  	v1 =	vadd.s32 v49, v1  }
0x213: {  	[tilespmem:$0x8490] =	vst v1  }
0x214: {  	v1 =	vld [tilespmem:s7+$0x20]  }
0x215: {  	s17 =	sor.u32 $0x20, s16  }
0x216: {  	v3 =	vmov s17;
	v50 =	vld [tilespmem:s7+$0x1020]  }
0x217: {  	v3 =	vshll.u32 v3, $0x2  }
0x218: {  	v3 =	vor.u32 v7, v3  }
0x219: {  	v3 =	vand.u32 $0xFBC, v3;
	v1 =	vshll.u32 v1, $0x1  }
0x21a: {  	v8 =	vld [tilespmem:$0x1FFF0];
	v1 =	vadd.s32 v3, v1  }
0x21b: {  	v1 =	vadd.s32 v50, v1  }
0x21c: {  	v51 =	vshll.u32 v0, $0x1;
	[tilespmem:$0x84A0] =	vst v1  }
0x21d: {  	v0 =	vand.u32 $0x7, v0;
	v1 =	vand.u32 $0xFFFFFFF0, v51;
	v52 =	vld [tilespmem:s7+$0x30]  }
0x21e: {  	s10 =	sor.u32 $0x30, s16;
	v0 =	vor.u32 v0, v1  }
0x21f: {  	v3 =	vmov s10;
	v53 =	vld [tilespmem:s7+$0x1030];
	v4 =	vperm.xlane v0, v8  }
0x220: {  	v3 =	vshll.u32 v3, $0x2  }
0x221: {  	v3 =	vor.u32 v7, v3;
	v0 =	vperm.xlane v0, v6;
	v4 =	vadd.s32 v5, v4  }
0x222: {  	v3 =	vand.u32 $0xFFC, v3;
	v2 =	vshll.u32 v52, $0x1  }
0x223: {  	v0 =	vadd.s32 v5, v0;
	v2 =	vadd.s32 v3, v2  }
0x224: {  	v1 =	vadd.s32 v53, v2  }
0x225: {  	[tilespmem:$0x84B0] =	vst v1  }
0x226: {  	[tilespmem:s21], [sflag:$0x2] =	stream.indirect_vreg.gather [hbm4b:s5+s3], $0x80, v4, vm0, $0xb8;
	[tilespmem:$0x18500] =	vst v63  }
0x227: {  	_ = 	snop  }
0x228: {  	[tilespmem:s22], [sflag:$0x2] =	stream.indirect_vreg.gather [hbm4b:s5+s3], $0x80, v0, vm0, $0xb8;
	[tilespmem:$0x18500] =	vst v63  }
0x229: {  	v0 =	vld [tilespmem:$0x8490];
	_ =	sdelay $0x4  }
0x22a: {  	v54 =	vshll.u32 v0, $0x1  }
0x22b: {  	v0 =	vand.u32 $0x7, v0;
	v1 =	vand.u32 $0xFFFFFFF0, v54  }
0x22c: {  	v0 =	vor.u32 v0, v1  }
0x22d: {  	v1 =	vperm.xlane v0, v8;
	_ =	sdelay $0x1  }
0x22e: {  	v0 =	vperm.xlane v0, v6;
	v1 =	vadd.s32 v5, v1;
	_ =	sdelay $0x1  }
0x22f: {  	v0 =	vadd.s32 v5, v0;
	_ =	sdelay $0x2  }
0x230: {  	[tilespmem:s23], [sflag:$0x2] =	stream.indirect_vreg.gather [hbm4b:s5+s3], $0x80, v1, vm0, $0xb8;
	[tilespmem:$0x18500] =	vst v63  }
0x231: {  	_ = 	snop  }
0x232: {  	[tilespmem:s24], [sflag:$0x2] =	stream.indirect_vreg.gather [hbm4b:s5+s3], $0x80, v0, vm0, $0xb8;
	[tilespmem:$0x18500] =	vst v63  }
0x233: {  	v0 =	vld [tilespmem:$0x84A0];
	_ =	sdelay $0x4  }
0x234: {  	v55 =	vshll.u32 v0, $0x1  }
0x235: {  	v0 =	vand.u32 $0x7, v0;
	v1 =	vand.u32 $0xFFFFFFF0, v55  }
0x236: {  	v0 =	vor.u32 v0, v1  }
0x237: {  	v1 =	vperm.xlane v0, v8;
	_ =	sdelay $0x1  }
0x238: {  	v0 =	vperm.xlane v0, v6;
	v1 =	vadd.s32 v5, v1;
	_ =	sdelay $0x1  }
0x239: {  	v0 =	vadd.s32 v5, v0;
	_ =	sdelay $0x2  }
0x23a: {  	[tilespmem:s25], [sflag:$0x2] =	stream.indirect_vreg.gather [hbm4b:s5+s3], $0x80, v1, vm0, $0xb8;
	[tilespmem:$0x18500] =	vst v63  }
0x23b: {  	_ = 	snop  }
0x23c: {  	[tilespmem:s26], [sflag:$0x2] =	stream.indirect_vreg.gather [hbm4b:s5+s3], $0x80, v0, vm0, $0xb8;
	[tilespmem:$0x18500] =	vst v63  }
0x23d: {  	v0 =	vld [tilespmem:$0x84B0];
	_ =	sdelay $0x4  }
0x23e: {  	v56 =	vshll.u32 v0, $0x1  }
0x23f: {  	v0 =	vand.u32 $0x7, v0;
	v1 =	vand.u32 $0xFFFFFFF0, v56  }
0x240: {  	v0 =	vor.u32 v0, v1  }
0x241: {  	v1 =	vperm.xlane v0, v8;
	_ =	sdelay $0x1  }
0x242: {  	v0 =	vperm.xlane v0, v6;
	v1 =	vadd.s32 v5, v1;
	_ =	sdelay $0x1  }
0x243: {  	v0 =	vadd.s32 v5, v0;
	_ =	sdelay $0x2  }
0x244: {  	[tilespmem:s28], [sflag:$0x2] =	stream.indirect_vreg.gather [hbm4b:s5+s3], $0x80, v1, vm0, $0xb8;
	[tilespmem:$0x18500] =	vst v63  }
0x245: {  	s10 =	simm.s32 @!p0 $0x6  }
0x246: {  	[tilespmem:s29], [sflag:$0x2] =	stream.indirect_vreg.gather [hbm4b:s5+s3], $0x80, v0, vm0, $0xb8;
	[tilespmem:$0x18500] =	vst v63  }
0x247: {  	_ =	swait.ge @!p0 [sflag:s10], $0x4000  }
0x248: {  	[sflag:s10] =	ssyncset.done @!p0 $0x0  }
0x249: {  	[sflag:s10] =	ssyncadd.s32 @!p0 $0xFFFFC000  }
0x24a: {  	v57 =	vld [tilespmem:s7+$0x40]  }
0x24b: {  	v58 =	vld [tilespmem:s7+$0x1040];
	_ =	sdelay $0x3  }
0x24c: {  	v0 =	vcvt.s32.f32 v57  }
0x24d: {  	v1 =	vcvt.s32.f32 v58  }
0x24e: {  	v25 =	vbroadcast v0, $0x0;
	v11 =	vbroadcast v0, $0x1  }
0x24f: {  	v30 =	vbroadcast v0, $0x2;
	v31 =	vbroadcast v0, $0x3  }
0x250: {  	v16 =	vbroadcast v0, $0x4;
	v21 =	vbroadcast v0, $0x5  }
0x251: {  	v20 =	vbroadcast v0, $0x6;
	v15 =	vbroadcast v0, $0x7  }
0x252: {  	v18 =	vbroadcast v0, $0x8;
	v14 =	vbroadcast v0, $0x9  }
0x253: {  	v9 =	vbroadcast v0, $0xA;
	v13 =	vbroadcast v0, $0xB  }
0x254: {  	v8 =	vbroadcast v0, $0xC;
	v10 =	vbroadcast v0, $0xD  }
0x255: {  	v7 =	vbroadcast v0, $0xE;
	v12 =	vbroadcast v0, $0xF  }
0x256: {  	s18 =	simm.s32 $0x0;
	s10 =	simm.s32 $0x0;
	v36 =	vbroadcast v1, $0x0;
	v24 =	vbroadcast v1, $0x1  }
0x257: {  	s12 =	sand.u32 $0x3FFFFE00, s18;
	s14 =	sand.u32 $0x70, s10;
	v32 =	vbroadcast v1, $0x2;
	v34 =	vbroadcast v1, $0x3  }
0x258: {  	s12 =	sor.u32 s14, s12;
	v29 =	vbroadcast v1, $0x4;
	v33 =	vbroadcast v1, $0x5  }
0x259: {  	v35 =	vld [tilespmem:s12+$0x8180];
	v27 =	vbroadcast v1, $0x6;
	v40 =	vbroadcast v1, $0x7  }
0x25a: {  	v37 =	vbroadcast v1, $0x8;
	v41 =	vbroadcast v1, $0x9  }
0x25b: {  	v23 =	vld [tilespmem:s12+$0x8080];
	v39 =	vbroadcast v1, $0xA;
	v38 =	vbroadcast v1, $0xB  }
0x25c: {  	v19 =	vbroadcast v1, $0xC;
	v43 =	vbroadcast v1, $0xD  }
0x25d: {  	v17 =	vbroadcast v1, $0xE;
	v28 =	vbroadcast v1, $0xF  }
0x25e: {  	v26 =	vld [tilespmem:s12+$0x8100];
	v59 =	vmul.f32 v35, v34;
	v60 =	vmul.f32 v35, v43  }
0x25f: {  	v22 =	vld [tilespmem:s12+$0x8000];
	v49 =	vmul.f32 v35, v24;
	v61 =	vmul.f32 v35, v32  }
0x260: {  	v3 =	vmul.f32 v23, v36;
	v4 =	vmul.f32 v23, v43  }
0x261: {  	v53 =	vmul.f32 v35, v37;
	v62 =	vmul.f32 v35, v38  }
0x262: {  	v44 =	vmul.f32 v35, v28;
	v63 =	vmul.f32 v35, v36  }
0x263: {  	v47 =	vmul.f32 v35, v40;
	v0 =	vadd.f32 v59, v26;
	v2 =	vadd.f32 v61, v26  }
0x264: {  	v48 =	vmul.f32 v23, v41;
	v42 =	vadd.f32 v4, v22;
	v52 =	vadd.f32 v3, v22  }
0x265: {  	v55 =	vmul.f32 v23, v27;
	v45 =	vadd.f32 v60, v26;
	v54 =	vadd.f32 v63, v26  }
0x266: {  	s13 =	simm.s32 $0x1;
	s12 =	simm.s32 $0x0;
	v46 =	vadd.f32 v62, v26;
	v51 =	vmul.f32 v0, v31;
	v50 =	vmul.f32 v2, v30  }
.LBB2_11:
0x267: {  	p0 =	sne.s32 s13, $0xF  }
0x268: {  	v0 =	vmul.f32 v23, v40;
	v1 =	vadd.f32 v53, v26;
	v2 =	vmul.f32 v35, v41;
	s10 =	sadd.s32 $0x10, s10;
	s15 =	smov.u32 s13;
	s13 =	sadd.s32 $0x1, s13  }
0x269: {  	v53 =	vmul.f32 v35, v39;
	v3 =	vmul.f32 v54, v25;
	v4 =	vadd.f32 v55, v22  }
0x26a: {  	v54 =	vmul.f32 v23, v37;
	v55 =	vmul.f32 v23, v39;
	v0 =	vadd.f32 v0, v22  }
0x26b: {  	v2 =	vadd.f32 v2, v26;
	v3 =	vadd.f32 v3, v52;
	v52 =	vmul.f32 v23, v38  }
0x26c: {  	v56 =	vmul.f32 v23, v34;
	v57 =	vmul.f32 v23, v29;
	v55 =	vadd.f32 v55, v22  }
0x26d: {  	v58 =	vmul.f32 v23, v32;
	v59 =	vmul.f32 v35, v33;
	v52 =	vadd.f32 v52, v22  }
0x26e: {  	s16 =	sshll.u32 s12, $0x7;
	v60 =	vmul.f32 v23, v33;
	s12 =	smov.u32 s15;
	v56 =	vadd.f32 v56, v22;
	v57 =	vadd.f32 v57, v22  }
0x26f: {  	v61 =	vmul.f32 v35, v29;
	s15 =	sand.u32 $0x3FFFFC00, s16;
	v58 =	vadd.f32 v58, v22;
	v53 =	vadd.f32 v53, v26  }
0x270: {  	s15 =	sor.u32 s14, s15;
	v51 =	vadd.f32 v51, v56;
	v56 =	vadd.f32 v59, v26;
	v59 =	vmul.f32 v35, v17  }
0x271: {  	s14 =	sadd.s32 $0x14500, s15;
	[tilespmem:s15+$0x14500] =	vst v3;
	v3 =	vadd.f32 v49, v26;
	v49 =	vadd.f32 v60, v22;
	v60 =	vmul.f32 v35, v27  }
0x272: {  	v62 =	vmul.f32 v23, v24;
	v50 =	vadd.f32 v50, v58;
	[tilespmem:s14+$0x180] =	vst v51;
	v51 =	vadd.f32 v61, v26  }
0x273: {  	v56 =	vmul.f32 v56, v21;
	v58 =	vadd.f32 v60, v26;
	v60 =	vmul.f32 v23, v28  }
0x274: {  	v1 =	vmul.f32 v1, v18;
	v61 =	vadd.f32 v62, v22;
	[tilespmem:s14+$0x100] =	vst v50;
	v50 =	vmul.f32 v51, v16  }
0x275: {  	v48 =	vadd.f32 v48, v22;
	v2 =	vmul.f32 v2, v14;
	v51 =	vadd.f32 v60, v22  }
0x276: {  	v47 =	vadd.f32 v47, v26;
	v49 =	vadd.f32 v56, v49;
	v56 =	vmul.f32 v58, v20  }
0x277: {  	v45 =	vmul.f32 v45, v10;
	v46 =	vmul.f32 v46, v13;
	v2 =	vadd.f32 v2, v48  }
0x278: {  	v47 =	vmul.f32 v47, v15;
	v48 =	vadd.f32 v50, v57;
	v4 =	vadd.f32 v56, v4  }
0x279: {  	v44 =	vadd.f32 v44, v26;
	v46 =	vadd.f32 v46, v52;
	v3 =	vmul.f32 v3, v11;
	[tilespmem:s14+$0x280] =	vst v49  }
0x27a: {  	v0 =	vadd.f32 v47, v0;
	[tilespmem:s14+$0x300] =	vst v4;
	v4 =	vmul.f32 v35, v19;
	v35 =	vadd.f32 v45, v42  }
0x27b: {  	v3 =	vadd.f32 v3, v61;
	v42 =	vadd.f32 v54, v22;
	v45 =	vmul.f32 v53, v9;
	[tilespmem:s14+$0x200] =	vst v48  }
0x27c: {  	[tilespmem:s14+$0x380] =	vst v0;
	v0 =	vadd.f32 v4, v26;
	v4 =	vadd.f32 v59, v26;
	v26 =	vmul.f32 v44, v12  }
0x27d: {  	v1 =	vadd.f32 v1, v42;
	v42 =	vmul.f32 v23, v17;
	[tilespmem:s14+$0x80] =	vst v3;
	v3 =	vadd.f32 v45, v55  }
0x27e: {  	[tilespmem:s15+$0x14D80] =	vst v2;
	v2 =	vmul.f32 v23, v19;
	v0 =	vmul.f32 v0, v8;
	v23 =	vadd.f32 v26, v51  }
0x27f: {  	v4 =	vmul.f32 v4, v7;
	[tilespmem:s15+$0x14D00] =	vst v1;
	v1 =	vadd.f32 v42, v22  }
0x280: {  	v2 =	vadd.f32 v2, v22;
	[tilespmem:s15+$0x15080] =	vst v23  }
0x281: {  	[tilespmem:s15+$0x14E00] =	vst v3;
	v1 =	vadd.f32 v4, v1  }
0x282: {  	[tilespmem:s15+$0x14E80] =	vst v46;
	v0 =	vadd.f32 v0, v2  }
0x283: {  	s16 =	sshll.u32 s12, $0x6;
	[tilespmem:s15+$0x14F80] =	vst v35  }
0x284: {  	s16 =	sand.u32 $0x3FFFFE00, s16;
	s14 =	sand.u32 $0x70, s10;
	[tilespmem:s15+$0x14F00] =	vst v0  }
0x285: {  	s16 =	sor.u32 s14, s16;
	[tilespmem:s15+$0x15000] =	vst v1;
	_ =	sdelay $0x1  }
0x286: {  	v35 =	vld [tilespmem:s16+$0x8180]  }
0x287: {  	v23 =	vld [tilespmem:s16+$0x8080]  }
0x288: {  	v26 =	vld [tilespmem:s16+$0x8100];
	_ =	sdelay $0x1  }
0x289: {  	v22 =	vld [tilespmem:s16+$0x8000]  }
0x28a: {  	v0 =	vmul.f32 v35, v34;
	v1 =	vmul.f32 v35, v43  }
0x28b: {  	v49 =	vmul.f32 v35, v24;
	v2 =	vmul.f32 v35, v32  }
0x28c: {  	v3 =	vmul.f32 v23, v36;
	v4 =	vmul.f32 v23, v43;
	v0 =	vadd.f32 v0, v26  }
.Ltmp6:
0x28d: {  	v53 =	vmul.f32 v35, v37;
	v46 =	vmul.f32 v35, v38;
	v2 =	vadd.f32 v2, v26;
	(pc) =	sbr.rel @p0 .LBB2_11-.Ltmp6, $4  }
0x28e: {  	v44 =	vmul.f32 v35, v28;
	v51 =	vmul.f32 v0, v31;
	v42 =	vadd.f32 v4, v22  }
0x28f: {  	v52 =	vadd.f32 v3, v22;
	v0 =	vmul.f32 v35, v36;
	v50 =	vmul.f32 v2, v30  }
0x290: {  	v47 =	vmul.f32 v35, v40;
	v48 =	vmul.f32 v23, v41;
	v45 =	vadd.f32 v1, v26  }
0x291: {  	v55 =	vmul.f32 v23, v27;
	v46 =	vadd.f32 v46, v26;
	v54 =	vadd.f32 v0, v26  }
0x292: {  	v0 =	vmul.f32 v23, v40  }
0x293: {  	v2 =	vmul.f32 v35, v41;
	v30 =	vmul.f32 v23, v37  }
0x294: {  	v31 =	vmul.f32 v23, v39;
	v36 =	vmul.f32 v23, v38  }
0x295: {  	v34 =	vmul.f32 v23, v34;
	v61 =	vmul.f32 v23, v29  }
0x296: {  	v32 =	vmul.f32 v23, v32;
	v62 =	vmul.f32 v35, v33  }
0x297: {  	v1 =	vadd.f32 v53, v26;
	v63 =	vmul.f32 v23, v33;
	v29 =	vmul.f32 v35, v29  }
0x298: {  	v27 =	vmul.f32 v35, v27;
	v53 =	vadd.f32 v49, v26;
	v4 =	vadd.f32 v55, v22  }
0x299: {  	v24 =	vmul.f32 v23, v24;
	v0 =	vadd.f32 v0, v22;
	v2 =	vadd.f32 v2, v26  }
0x29a: {  	v28 =	vmul.f32 v23, v28;
	v31 =	vadd.f32 v31, v22;
	v36 =	vadd.f32 v36, v22  }
0x29b: {  	v10 =	vmul.f32 v45, v10;
	v34 =	vadd.f32 v34, v22;
	v37 =	vadd.f32 v61, v22  }
0x29c: {  	v3 =	vmul.f32 v54, v25;
	v32 =	vadd.f32 v32, v22;
	v38 =	vadd.f32 v62, v26  }
0x29d: {  	s10 =	sshll.u32 s12, $0x7;
	v25 =	vmul.f32 v35, v39;
	v33 =	vadd.f32 v63, v22;
	v27 =	vadd.f32 v27, v26  }
0x29e: {  	s10 =	sand.u32 $0x3FFFFC00, s10;
	v29 =	vadd.f32 v29, v26;
	v1 =	vmul.f32 v1, v18;
	v3 =	vadd.f32 v3, v52  }
0x29f: {  	s10 =	sor.u32 s14, s10;
	v11 =	vmul.f32 v53, v11;
	v34 =	vadd.f32 v51, v34;
	v21 =	vmul.f32 v38, v21  }
0x2a0: {  	s17 =	sadd.s32 $0x14500, s10;
	v32 =	vadd.f32 v50, v32;
	v20 =	vmul.f32 v27, v20;
	[tilespmem:s10+$0x14500] =	vst v3;
	v3 =	vadd.f32 v24, v22  }
0x2a1: {  	v16 =	vmul.f32 v29, v16;
	v24 =	vadd.f32 v47, v26;
	[tilespmem:s17+$0x180] =	vst v34;
	v18 =	vadd.f32 v21, v33  }
0x2a2: {  	v25 =	vadd.f32 v25, v26;
	v2 =	vmul.f32 v2, v14;
	[tilespmem:s17+$0x100] =	vst v32;
	v4 =	vadd.f32 v20, v4  }
0x2a3: {  	v14 =	vadd.f32 v44, v26;
	v16 =	vadd.f32 v16, v37;
	v15 =	vmul.f32 v24, v15;
	[tilespmem:s17+$0x280] =	vst v18  }
0x2a4: {  	v52 =	vmul.f32 v35, v17;
	v21 =	vadd.f32 v48, v22;
	v3 =	vadd.f32 v11, v3;
	[tilespmem:s17+$0x300] =	vst v4  }
0x2a5: {  	v9 =	vmul.f32 v25, v9;
	v11 =	vadd.f32 v30, v22;
	[tilespmem:s17+$0x200] =	vst v16;
	v0 =	vadd.f32 v15, v0  }
0x2a6: {  	v20 =	vadd.f32 v28, v22;
	v54 =	vmul.f32 v14, v12;
	v2 =	vadd.f32 v2, v21;
	[tilespmem:s17+$0x80] =	vst v3  }
0x2a7: {  	v4 =	vmul.f32 v46, v13;
	v13 =	vmul.f32 v35, v19;
	v1 =	vadd.f32 v1, v11;
	[tilespmem:s17+$0x380] =	vst v0  }
0x2a8: {  	v12 =	vmul.f32 v23, v17;
	v9 =	vadd.f32 v9, v31;
	v11 =	vadd.f32 v52, v26;
	[tilespmem:s10+$0x14D80] =	vst v2  }
0x2a9: {  	v55 =	vmul.f32 v23, v19;
	v3 =	vadd.f32 v13, v26;
	v56 =	vadd.f32 v4, v36;
	[tilespmem:s10+$0x14D00] =	vst v1  }
0x2aa: {  	v57 =	vadd.f32 v10, v42;
	v4 =	vadd.f32 v12, v22;
	v7 =	vmul.f32 v11, v7;
	[tilespmem:s10+$0x14E00] =	vst v9  }
0x2ab: {  	v0 =	vadd.f32 v54, v20;
	v3 =	vmul.f32 v3, v8;
	v2 =	vadd.f32 v55, v22;
	[tilespmem:s10+$0x14E80] =	vst v56  }
0x2ac: {  	[tilespmem:s10+$0x14F80] =	vst v57;
	v59 =	vadd.f32 v7, v4  }
0x2ad: {  	[tilespmem:s10+$0x15080] =	vst v0;
	v58 =	vadd.f32 v3, v2  }
0x2ae: {  	[tilespmem:s10+$0x15000] =	vst v59  }
0x2af: {  	[tilespmem:s10+$0x14F00] =	vst v58  }
0x2b0: {  	v0 =	vld [tilespmem:s7+$0x50]  }
0x2b1: {  	v1 =	vld [tilespmem:s7+$0x1050];
	_ =	sdelay $0x3  }
0x2b2: {  	v0 =	vcvt.s32.f32 v0  }
0x2b3: {  	v1 =	vcvt.s32.f32 v1  }
0x2b4: {  	v29 =	vbroadcast v0, $0x0;
	v17 =	vbroadcast v0, $0x1  }
0x2b5: {  	v31 =	vbroadcast v0, $0x2;
	v14 =	vbroadcast v0, $0x3  }
0x2b6: {  	v13 =	vbroadcast v0, $0x4;
	v20 =	vbroadcast v0, $0x5  }
0x2b7: {  	v12 =	vbroadcast v0, $0x6;
	v9 =	vbroadcast v0, $0x7  }
0x2b8: {  	v7 =	vbroadcast v0, $0x8;
	v16 =	vbroadcast v0, $0x9  }
0x2b9: {  	v35 =	vbroadcast v0, $0xA;
	v8 =	vbroadcast v0, $0xB  }
0x2ba: {  	v15 =	vbroadcast v0, $0xC;
	v10 =	vbroadcast v0, $0xD  }
0x2bb: {  	v19 =	vbroadcast v0, $0xE;
	v36 =	vbroadcast v0, $0xF  }
0x2bc: {  	s18 =	simm.s32 $0x0;
	s10 =	simm.s32 $0x0;
	v11 =	vbroadcast v1, $0x0;
	v27 =	vbroadcast v1, $0x1  }
0x2bd: {  	s12 =	sand.u32 $0x3FFFFE00, s18;
	s14 =	sand.u32 $0x70, s10;
	v34 =	vbroadcast v1, $0x2;
	v30 =	vbroadcast v1, $0x3  }
0x2be: {  	s12 =	sor.u32 s14, s12;
	v21 =	vbroadcast v1, $0x4;
	v26 =	vbroadcast v1, $0x5  }
0x2bf: {  	v43 =	vld [tilespmem:s12+$0x8180];
	v33 =	vbroadcast v1, $0x6;
	v37 =	vbroadcast v1, $0x7  }
0x2c0: {  	v24 =	vbroadcast v1, $0x8;
	v32 =	vbroadcast v1, $0x9  }
0x2c1: {  	v25 =	vld [tilespmem:s12+$0x8080];
	v42 =	vbroadcast v1, $0xA;
	v18 =	vbroadcast v1, $0xB  }
0x2c2: {  	v41 =	vbroadcast v1, $0xC;
	v23 =	vbroadcast v1, $0xD  }
0x2c3: {  	v38 =	vld [tilespmem:s12+$0x8100];
	v40 =	vbroadcast v1, $0xF;
	v39 =	vbroadcast v1, $0xE  }
0x2c4: {  	v60 =	vmul.f32 v43, v11;
	v61 =	vmul.f32 v43, v34  }
0x2c5: {  	v62 =	vmul.f32 v43, v40;
	v3 =	vmul.f32 v43, v42  }
0x2c6: {  	v22 =	vld [tilespmem:s12+$0x8000];
	v48 =	vmul.f32 v25, v23;
	v4 =	vmul.f32 v25, v33  }
0x2c7: {  	v63 =	vmul.f32 v43, v32;
	v53 =	vmul.f32 v25, v41  }
0x2c8: {  	v50 =	vmul.f32 v43, v26;
	v51 =	vmul.f32 v43, v37;
	v0 =	vadd.f32 v60, v38  }
0x2c9: {  	v52 =	vmul.f32 v25, v42;
	v1 =	vadd.f32 v61, v38;
	v3 =	vadd.f32 v3, v38  }
0x2ca: {  	v49 =	vadd.f32 v62, v38;
	v45 =	vadd.f32 v63, v38;
	v28 =	vmul.f32 v0, v29  }
0x2cb: {  	s13 =	simm.s32 $0x1;
	s12 =	simm.s32 $0x0;
	v44 =	vadd.f32 v4, v22;
	v46 =	vmul.f32 v1, v31;
	v47 =	vmul.f32 v3, v35  }
.LBB2_13:
0x2cc: {  	p0 =	sne.s32 s13, $0xF  }
0x2cd: {  	v0 =	vadd.f32 v53, v22;
	v1 =	vadd.f32 v48, v22;
	v2 =	vmul.f32 v49, v36;
	s10 =	sadd.s32 $0x10, s10;
	s15 =	smov.u32 s13;
	s13 =	sadd.s32 $0x1, s13  }
0x2ce: {  	v3 =	vmul.f32 v25, v30;
	v4 =	vadd.f32 v50, v38;
	v48 =	vmul.f32 v25, v39  }
0x2cf: {  	v49 =	vmul.f32 v25, v21;
	v50 =	vadd.f32 v51, v38;
	v51 =	vadd.f32 v52, v22  }
0x2d0: {  	v53 =	vmul.f32 v43, v41;
	v52 =	vmul.f32 v25, v27;
	v48 =	vadd.f32 v48, v22  }
0x2d1: {  	s16 =	sshll.u32 s12, $0x7;
	v54 =	vmul.f32 v25, v34;
	s12 =	smov.u32 s15;
	v47 =	vadd.f32 v47, v51;
	v51 =	vmul.f32 v25, v40  }
0x2d2: {  	v55 =	vmul.f32 v25, v37;
	v56 =	vmul.f32 v43, v39;
	s15 =	sand.u32 $0x3FFFFC00, s16;
	v52 =	vadd.f32 v52, v22  }
0x2d3: {  	v57 =	vmul.f32 v43, v33;
	v58 =	vmul.f32 v25, v24;
	s15 =	sor.u32 s14, s15;
	v3 =	vadd.f32 v3, v22  }
0x2d4: {  	v59 =	vmul.f32 v43, v30;
	v51 =	vadd.f32 v51, v22;
	[tilespmem:s15+$0x15E00] =	vst v47;
	v47 =	vadd.f32 v53, v38  }
0x2d5: {  	v60 =	vmul.f32 v25, v32;
	v49 =	vadd.f32 v49, v22;
	v53 =	vmul.f32 v43, v27  }
0x2d6: {  	v4 =	vmul.f32 v4, v20;
	v57 =	vadd.f32 v57, v38;
	v2 =	vadd.f32 v2, v51  }
0x2d7: {  	v61 =	vmul.f32 v43, v18;
	v56 =	vadd.f32 v56, v38;
	v51 =	vmul.f32 v25, v26  }
0x2d8: {  	v62 =	vmul.f32 v43, v21;
	v63 =	vmul.f32 v43, v24;
	v53 =	vadd.f32 v53, v38;
	[tilespmem:s15+$0x16080] =	vst v2  }
0x2d9: {  	v47 =	vmul.f32 v47, v15;
	v2 =	vadd.f32 v54, v22;
	v54 =	vmul.f32 v25, v18  }
0x2da: {  	v59 =	vadd.f32 v59, v38;
	v43 =	vmul.f32 v43, v23;
	v53 =	vmul.f32 v53, v17  }
0x2db: {  	v56 =	vmul.f32 v56, v19;
	v2 =	vadd.f32 v46, v2;
	v46 =	vadd.f32 v61, v38  }
0x2dc: {  	v45 =	vmul.f32 v45, v16;
	v52 =	vadd.f32 v53, v52;
	v53 =	vadd.f32 v63, v38  }
0x2dd: {  	v60 =	vadd.f32 v60, v22;
	v59 =	vmul.f32 v59, v14;
	v61 =	vadd.f32 v62, v38  }
0x2de: {  	v48 =	vadd.f32 v56, v48;
	v51 =	vadd.f32 v51, v22;
	[tilespmem:s15+$0x15580] =	vst v52;
	v52 =	vmul.f32 v53, v7  }
0x2df: {  	v45 =	vadd.f32 v45, v60;
	[tilespmem:s15+$0x15600] =	vst v2;
	v2 =	vadd.f32 v59, v3;
	v3 =	vmul.f32 v61, v13  }
0x2e0: {  	v56 =	vadd.f32 v58, v22;
	v38 =	vadd.f32 v43, v38;
	v53 =	vmul.f32 v57, v12;
	[tilespmem:s15+$0x16000] =	vst v48  }
0x2e1: {  	v43 =	vadd.f32 v54, v22;
	v3 =	vadd.f32 v3, v49;
	[tilespmem:s15+$0x15D80] =	vst v45;
	v45 =	vmul.f32 v46, v8  }
0x2e2: {  	v0 =	vadd.f32 v47, v0;
	v46 =	vmul.f32 v50, v9;
	[tilespmem:s15+$0x15680] =	vst v2;
	v2 =	vadd.f32 v55, v22  }
0x2e3: {  	v38 =	vmul.f32 v38, v10;
	[tilespmem:s15+$0x15700] =	vst v3;
	v3 =	vadd.f32 v53, v44;
	v43 =	vadd.f32 v45, v43  }
0x2e4: {  	v25 =	vmul.f32 v25, v11;
	v4 =	vadd.f32 v4, v51;
	v2 =	vadd.f32 v46, v2;
	[tilespmem:s15+$0x15F00] =	vst v0  }
0x2e5: {  	v1 =	vadd.f32 v38, v1;
	v0 =	vadd.f32 v52, v56;
	[tilespmem:s15+$0x15800] =	vst v3  }
0x2e6: {  	v3 =	vadd.f32 v25, v22;
	[tilespmem:s15+$0x15780] =	vst v4  }
0x2e7: {  	[tilespmem:s15+$0x15F80] =	vst v1  }
0x2e8: {  	v1 =	vadd.f32 v28, v3;
	[tilespmem:s15+$0x15880] =	vst v2  }
0x2e9: {  	s16 =	sshll.u32 s12, $0x6;
	[tilespmem:s15+$0x15E80] =	vst v43  }
0x2ea: {  	s14 =	sand.u32 $0x70, s10;
	s16 =	sand.u32 $0x3FFFFE00, s16;
	[tilespmem:s15+$0x15500] =	vst v1  }
0x2eb: {  	s16 =	sor.u32 s14, s16;
	[tilespmem:s15+$0x15D00] =	vst v0  }
0x2ec: {  	v43 =	vld [tilespmem:s16+$0x8180]  }
0x2ed: {  	v38 =	vld [tilespmem:s16+$0x8100]  }
0x2ee: {  	v25 =	vld [tilespmem:s16+$0x8080];
	_ =	sdelay $0x2  }
0x2ef: {  	v0 =	vmul.f32 v43, v11;
	v1 =	vmul.f32 v43, v40  }
0x2f0: {  	v2 =	vmul.f32 v43, v34;
	v3 =	vmul.f32 v43, v42;
	v22 =	vld [tilespmem:s16+$0x8000]  }
0x2f1: {  	v0 =	vadd.f32 v0, v38;
	v48 =	vmul.f32 v25, v23;
	v49 =	vadd.f32 v1, v38  }
.Ltmp7:
0x2f2: {  	v1 =	vadd.f32 v2, v38;
	v2 =	vmul.f32 v25, v33;
	v3 =	vadd.f32 v3, v38;
	(pc) =	sbr.rel @p0 .LBB2_13-.Ltmp7, $4  }
0x2f3: {  	v28 =	vmul.f32 v0, v29;
	v0 =	vmul.f32 v43, v32  }
0x2f4: {  	v53 =	vmul.f32 v25, v41;
	v46 =	vmul.f32 v1, v31  }
0x2f5: {  	v50 =	vmul.f32 v43, v26;
	v47 =	vmul.f32 v3, v35;
	v45 =	vadd.f32 v0, v38  }
0x2f6: {  	v51 =	vmul.f32 v43, v37;
	v52 =	vmul.f32 v25, v42;
	v44 =	vadd.f32 v2, v22  }
0x2f7: {  	v2 =	vmul.f32 v49, v36;
	v3 =	vmul.f32 v25, v30  }
0x2f8: {  	v29 =	vmul.f32 v25, v39;
	v31 =	vmul.f32 v25, v21  }
0x2f9: {  	v42 =	vmul.f32 v25, v27;
	v41 =	vmul.f32 v43, v41  }
0x2fa: {  	v0 =	vadd.f32 v53, v22;
	v34 =	vmul.f32 v25, v34;
	v40 =	vmul.f32 v25, v40  }
0x2fb: {  	v1 =	vadd.f32 v48, v22;
	v37 =	vmul.f32 v25, v37;
	v33 =	vmul.f32 v43, v33  }
0x2fc: {  	v4 =	vadd.f32 v50, v38;
	v30 =	vmul.f32 v43, v30;
	v27 =	vmul.f32 v43, v27  }
0x2fd: {  	v32 =	vmul.f32 v25, v32;
	v26 =	vmul.f32 v25, v26;
	v35 =	vadd.f32 v51, v38  }
0x2fe: {  	v53 =	vmul.f32 v43, v18;
	v50 =	vadd.f32 v52, v22;
	v29 =	vadd.f32 v29, v22  }
0x2ff: {  	v21 =	vmul.f32 v43, v21;
	v42 =	vadd.f32 v42, v22;
	v3 =	vadd.f32 v3, v22  }
0x300: {  	v54 =	vmul.f32 v45, v16;
	v41 =	vadd.f32 v41, v38;
	v40 =	vadd.f32 v40, v22  }
0x301: {  	v23 =	vmul.f32 v43, v23;
	v31 =	vadd.f32 v31, v22;
	v27 =	vadd.f32 v27, v38  }
0x302: {  	s10 =	sshll.u32 s12, $0x7;
	v51 =	vmul.f32 v43, v39;
	v34 =	vadd.f32 v34, v22;
	v16 =	vadd.f32 v21, v38  }
0x303: {  	v55 =	vmul.f32 v25, v18;
	s10 =	sand.u32 $0x3FFFFC00, s10;
	v21 =	vadd.f32 v32, v22;
	v36 =	vadd.f32 v47, v50  }
0x304: {  	s10 =	sor.u32 s14, s10;
	v39 =	vadd.f32 v51, v38;
	v2 =	vadd.f32 v2, v40;
	v17 =	vmul.f32 v27, v17  }
0x305: {  	v11 =	vmul.f32 v25, v11;
	v27 =	vadd.f32 v30, v38;
	v30 =	vadd.f32 v46, v34;
	[tilespmem:s10+$0x15E00] =	vst v36  }
0x306: {  	v4 =	vmul.f32 v4, v20;
	v13 =	vmul.f32 v16, v13;
	v17 =	vadd.f32 v17, v42;
	[tilespmem:s10+$0x16080] =	vst v2  }
0x307: {  	v15 =	vmul.f32 v41, v15;
	v19 =	vmul.f32 v39, v19;
	[tilespmem:s10+$0x15600] =	vst v30;
	v2 =	vadd.f32 v54, v21  }
0x308: {  	v20 =	vadd.f32 v33, v38;
	v14 =	vmul.f32 v27, v14;
	v13 =	vadd.f32 v13, v31;
	[tilespmem:s10+$0x15580] =	vst v17  }
0x309: {  	v52 =	vmul.f32 v25, v24;
	v0 =	vadd.f32 v15, v0;
	v17 =	vadd.f32 v19, v29;
	[tilespmem:s10+$0x15D80] =	vst v2  }
0x30a: {  	v12 =	vmul.f32 v20, v12;
	v3 =	vadd.f32 v14, v3;
	v14 =	vadd.f32 v23, v38;
	[tilespmem:s10+$0x15700] =	vst v13  }
0x30b: {  	v24 =	vmul.f32 v43, v24;
	v56 =	vadd.f32 v55, v22;
	[tilespmem:s10+$0x16000] =	vst v17;
	v17 =	vadd.f32 v26, v22  }
0x30c: {  	v12 =	vadd.f32 v12, v44;
	v19 =	vadd.f32 v53, v38;
	[tilespmem:s10+$0x15F00] =	vst v0;
	v10 =	vmul.f32 v14, v10  }
0x30d: {  	v9 =	vmul.f32 v35, v9;
	[tilespmem:s10+$0x15680] =	vst v3;
	v3 =	vadd.f32 v37, v22;
	v4 =	vadd.f32 v4, v17  }
0x30e: {  	v16 =	vadd.f32 v24, v38;
	[tilespmem:s10+$0x15800] =	vst v12;
	v57 =	vmul.f32 v19, v8;
	v1 =	vadd.f32 v10, v1  }
0x30f: {  	v8 =	vadd.f32 v11, v22;
	v3 =	vadd.f32 v9, v3;
	[tilespmem:s10+$0x15780] =	vst v4  }
0x310: {  	v0 =	vadd.f32 v57, v56;
	v4 =	vmul.f32 v16, v7;
	v7 =	vadd.f32 v52, v22;
	[tilespmem:s10+$0x15F80] =	vst v1  }
0x311: {  	v58 =	vadd.f32 v28, v8;
	[tilespmem:s10+$0x15880] =	vst v3  }
0x312: {  	[tilespmem:s10+$0x15E80] =	vst v0;
	v59 =	vadd.f32 v4, v7  }
0x313: {  	[tilespmem:s10+$0x15500] =	vst v58  }
0x314: {  	[tilespmem:s10+$0x15D00] =	vst v59  }
0x315: {  	v0 =	vld [tilespmem:s7+$0x60]  }
0x316: {  	v1 =	vld [tilespmem:s7+$0x1060];
	_ =	sdelay $0x3  }
0x317: {  	v0 =	vcvt.s32.f32 v0  }
0x318: {  	v1 =	vcvt.s32.f32 v1  }
0x319: {  	v29 =	vbroadcast v0, $0x0;
	v17 =	vbroadcast v0, $0x1  }
0x31a: {  	v31 =	vbroadcast v0, $0x2;
	v14 =	vbroadcast v0, $0x3  }
0x31b: {  	v13 =	vbroadcast v0, $0x4;
	v20 =	vbroadcast v0, $0x5  }
0x31c: {  	v12 =	vbroadcast v0, $0x6;
	v9 =	vbroadcast v0, $0x7  }
0x31d: {  	v7 =	vbroadcast v0, $0x8;
	v16 =	vbroadcast v0, $0x9  }
0x31e: {  	v35 =	vbroadcast v0, $0xA;
	v8 =	vbroadcast v0, $0xB  }
0x31f: {  	v15 =	vbroadcast v0, $0xC;
	v10 =	vbroadcast v0, $0xD  }
0x320: {  	v19 =	vbroadcast v0, $0xE;
	v36 =	vbroadcast v0, $0xF  }
0x321: {  	s18 =	simm.s32 $0x0;
	s10 =	simm.s32 $0x0;
	v11 =	vbroadcast v1, $0x0;
	v27 =	vbroadcast v1, $0x1  }
0x322: {  	s12 =	sand.u32 $0x3FFFFE00, s18;
	s14 =	sand.u32 $0x70, s10;
	v34 =	vbroadcast v1, $0x2;
	v30 =	vbroadcast v1, $0x3  }
0x323: {  	s12 =	sor.u32 s14, s12;
	v21 =	vbroadcast v1, $0x4;
	v26 =	vbroadcast v1, $0x5  }
0x324: {  	v43 =	vld [tilespmem:s12+$0x8180];
	v33 =	vbroadcast v1, $0x6;
	v37 =	vbroadcast v1, $0x7  }
0x325: {  	v24 =	vbroadcast v1, $0x8;
	v32 =	vbroadcast v1, $0x9  }
0x326: {  	v25 =	vld [tilespmem:s12+$0x8080];
	v42 =	vbroadcast v1, $0xA;
	v18 =	vbroadcast v1, $0xB  }
0x327: {  	v41 =	vbroadcast v1, $0xC;
	v23 =	vbroadcast v1, $0xD  }
0x328: {  	v38 =	vld [tilespmem:s12+$0x8100];
	v40 =	vbroadcast v1, $0xF;
	v39 =	vbroadcast v1, $0xE  }
0x329: {  	v60 =	vmul.f32 v43, v11;
	v61 =	vmul.f32 v43, v34  }
0x32a: {  	v62 =	vmul.f32 v43, v40;
	v3 =	vmul.f32 v43, v42  }
0x32b: {  	v22 =	vld [tilespmem:s12+$0x8000];
	v48 =	vmul.f32 v25, v23;
	v4 =	vmul.f32 v25, v33  }
0x32c: {  	v63 =	vmul.f32 v43, v32;
	v53 =	vmul.f32 v25, v41  }
0x32d: {  	v50 =	vmul.f32 v43, v26;
	v51 =	vmul.f32 v43, v37;
	v0 =	vadd.f32 v60, v38  }
0x32e: {  	v52 =	vmul.f32 v25, v42;
	v1 =	vadd.f32 v61, v38;
	v3 =	vadd.f32 v3, v38  }
0x32f: {  	v49 =	vadd.f32 v62, v38;
	v45 =	vadd.f32 v63, v38;
	v28 =	vmul.f32 v0, v29  }
0x330: {  	s13 =	simm.s32 $0x1;
	s12 =	simm.s32 $0x0;
	v44 =	vadd.f32 v4, v22;
	v46 =	vmul.f32 v1, v31;
	v47 =	vmul.f32 v3, v35  }
.LBB2_15:
0x331: {  	p0 =	sne.s32 s13, $0xF  }
0x332: {  	v0 =	vadd.f32 v53, v22;
	v1 =	vadd.f32 v48, v22;
	v2 =	vmul.f32 v49, v36;
	s10 =	sadd.s32 $0x10, s10;
	s15 =	smov.u32 s13;
	s13 =	sadd.s32 $0x1, s13  }
0x333: {  	v3 =	vmul.f32 v25, v30;
	v4 =	vadd.f32 v50, v38;
	v48 =	vmul.f32 v25, v39  }
0x334: {  	v49 =	vmul.f32 v25, v21;
	v50 =	vadd.f32 v51, v38;
	v51 =	vadd.f32 v52, v22  }
0x335: {  	v53 =	vmul.f32 v43, v41;
	v52 =	vmul.f32 v25, v27;
	v48 =	vadd.f32 v48, v22  }
0x336: {  	s16 =	sshll.u32 s12, $0x7;
	v54 =	vmul.f32 v25, v34;
	s12 =	smov.u32 s15;
	v47 =	vadd.f32 v47, v51;
	v51 =	vmul.f32 v25, v40  }
0x337: {  	v55 =	vmul.f32 v25, v37;
	v56 =	vmul.f32 v43, v39;
	s15 =	sand.u32 $0x3FFFFC00, s16;
	v52 =	vadd.f32 v52, v22  }
0x338: {  	v57 =	vmul.f32 v43, v33;
	v58 =	vmul.f32 v25, v24;
	s15 =	sor.u32 s14, s15;
	v3 =	vadd.f32 v3, v22  }
0x339: {  	v59 =	vmul.f32 v43, v30;
	v51 =	vadd.f32 v51, v22;
	[tilespmem:s15+$0x16E00] =	vst v47;
	v47 =	vadd.f32 v53, v38  }
0x33a: {  	v60 =	vmul.f32 v25, v32;
	v49 =	vadd.f32 v49, v22;
	v53 =	vmul.f32 v43, v27  }
0x33b: {  	v4 =	vmul.f32 v4, v20;
	v57 =	vadd.f32 v57, v38;
	v2 =	vadd.f32 v2, v51  }
0x33c: {  	v61 =	vmul.f32 v43, v18;
	v56 =	vadd.f32 v56, v38;
	v51 =	vmul.f32 v25, v26  }
0x33d: {  	v62 =	vmul.f32 v43, v21;
	v63 =	vmul.f32 v43, v24;
	v53 =	vadd.f32 v53, v38;
	[tilespmem:s15+$0x17080] =	vst v2  }
0x33e: {  	v47 =	vmul.f32 v47, v15;
	v2 =	vadd.f32 v54, v22;
	v54 =	vmul.f32 v25, v18  }
0x33f: {  	v59 =	vadd.f32 v59, v38;
	v43 =	vmul.f32 v43, v23;
	v53 =	vmul.f32 v53, v17  }
0x340: {  	v56 =	vmul.f32 v56, v19;
	v2 =	vadd.f32 v46, v2;
	v46 =	vadd.f32 v61, v38  }
0x341: {  	v45 =	vmul.f32 v45, v16;
	v52 =	vadd.f32 v53, v52;
	v53 =	vadd.f32 v63, v38  }
0x342: {  	v60 =	vadd.f32 v60, v22;
	v59 =	vmul.f32 v59, v14;
	v61 =	vadd.f32 v62, v38  }
0x343: {  	v48 =	vadd.f32 v56, v48;
	v51 =	vadd.f32 v51, v22;
	[tilespmem:s15+$0x16580] =	vst v52;
	v52 =	vmul.f32 v53, v7  }
0x344: {  	v45 =	vadd.f32 v45, v60;
	[tilespmem:s15+$0x16600] =	vst v2;
	v2 =	vadd.f32 v59, v3;
	v3 =	vmul.f32 v61, v13  }
0x345: {  	v56 =	vadd.f32 v58, v22;
	v38 =	vadd.f32 v43, v38;
	v53 =	vmul.f32 v57, v12;
	[tilespmem:s15+$0x17000] =	vst v48  }
0x346: {  	v43 =	vadd.f32 v54, v22;
	v3 =	vadd.f32 v3, v49;
	[tilespmem:s15+$0x16D80] =	vst v45;
	v45 =	vmul.f32 v46, v8  }
0x347: {  	v0 =	vadd.f32 v47, v0;
	v46 =	vmul.f32 v50, v9;
	[tilespmem:s15+$0x16680] =	vst v2;
	v2 =	vadd.f32 v55, v22  }
0x348: {  	v38 =	vmul.f32 v38, v10;
	[tilespmem:s15+$0x16700] =	vst v3;
	v3 =	vadd.f32 v53, v44;
	v43 =	vadd.f32 v45, v43  }
0x349: {  	v25 =	vmul.f32 v25, v11;
	v4 =	vadd.f32 v4, v51;
	v2 =	vadd.f32 v46, v2;
	[tilespmem:s15+$0x16F00] =	vst v0  }
0x34a: {  	v1 =	vadd.f32 v38, v1;
	v0 =	vadd.f32 v52, v56;
	[tilespmem:s15+$0x16800] =	vst v3  }
0x34b: {  	v3 =	vadd.f32 v25, v22;
	[tilespmem:s15+$0x16780] =	vst v4  }
0x34c: {  	[tilespmem:s15+$0x16F80] =	vst v1  }
0x34d: {  	v1 =	vadd.f32 v28, v3;
	[tilespmem:s15+$0x16880] =	vst v2  }
0x34e: {  	s16 =	sshll.u32 s12, $0x6;
	[tilespmem:s15+$0x16E80] =	vst v43  }
0x34f: {  	s14 =	sand.u32 $0x70, s10;
	s16 =	sand.u32 $0x3FFFFE00, s16;
	[tilespmem:s15+$0x16500] =	vst v1  }
0x350: {  	s16 =	sor.u32 s14, s16;
	[tilespmem:s15+$0x16D00] =	vst v0  }
0x351: {  	v43 =	vld [tilespmem:s16+$0x8180]  }
0x352: {  	v38 =	vld [tilespmem:s16+$0x8100]  }
0x353: {  	v25 =	vld [tilespmem:s16+$0x8080];
	_ =	sdelay $0x2  }
0x354: {  	v0 =	vmul.f32 v43, v11;
	v1 =	vmul.f32 v43, v40  }
0x355: {  	v2 =	vmul.f32 v43, v34;
	v3 =	vmul.f32 v43, v42;
	v22 =	vld [tilespmem:s16+$0x8000]  }
0x356: {  	v0 =	vadd.f32 v0, v38;
	v48 =	vmul.f32 v25, v23;
	v49 =	vadd.f32 v1, v38  }
.Ltmp8:
0x357: {  	v1 =	vadd.f32 v2, v38;
	v2 =	vmul.f32 v25, v33;
	v3 =	vadd.f32 v3, v38;
	(pc) =	sbr.rel @p0 .LBB2_15-.Ltmp8, $4  }
0x358: {  	v28 =	vmul.f32 v0, v29;
	v0 =	vmul.f32 v43, v32  }
0x359: {  	v53 =	vmul.f32 v25, v41;
	v46 =	vmul.f32 v1, v31  }
0x35a: {  	v50 =	vmul.f32 v43, v26;
	v47 =	vmul.f32 v3, v35;
	v45 =	vadd.f32 v0, v38  }
0x35b: {  	v51 =	vmul.f32 v43, v37;
	v52 =	vmul.f32 v25, v42;
	v44 =	vadd.f32 v2, v22  }
0x35c: {  	v2 =	vmul.f32 v49, v36;
	v3 =	vmul.f32 v25, v30  }
0x35d: {  	v29 =	vmul.f32 v25, v39;
	v31 =	vmul.f32 v25, v21  }
0x35e: {  	v42 =	vmul.f32 v25, v27;
	v41 =	vmul.f32 v43, v41  }
0x35f: {  	v0 =	vadd.f32 v53, v22;
	v34 =	vmul.f32 v25, v34;
	v40 =	vmul.f32 v25, v40  }
0x360: {  	v1 =	vadd.f32 v48, v22;
	v37 =	vmul.f32 v25, v37;
	v33 =	vmul.f32 v43, v33  }
0x361: {  	v4 =	vadd.f32 v50, v38;
	v30 =	vmul.f32 v43, v30;
	v27 =	vmul.f32 v43, v27  }
0x362: {  	v32 =	vmul.f32 v25, v32;
	v26 =	vmul.f32 v25, v26;
	v35 =	vadd.f32 v51, v38  }
0x363: {  	v53 =	vmul.f32 v43, v18;
	v50 =	vadd.f32 v52, v22;
	v29 =	vadd.f32 v29, v22  }
0x364: {  	v21 =	vmul.f32 v43, v21;
	v42 =	vadd.f32 v42, v22;
	v3 =	vadd.f32 v3, v22  }
0x365: {  	v54 =	vmul.f32 v45, v16;
	v41 =	vadd.f32 v41, v38;
	v40 =	vadd.f32 v40, v22  }
0x366: {  	v23 =	vmul.f32 v43, v23;
	v31 =	vadd.f32 v31, v22;
	v27 =	vadd.f32 v27, v38  }
0x367: {  	s10 =	sshll.u32 s12, $0x7;
	v51 =	vmul.f32 v43, v39;
	v34 =	vadd.f32 v34, v22;
	v16 =	vadd.f32 v21, v38  }
0x368: {  	v55 =	vmul.f32 v25, v18;
	s10 =	sand.u32 $0x3FFFFC00, s10;
	v21 =	vadd.f32 v32, v22;
	v36 =	vadd.f32 v47, v50  }
0x369: {  	s10 =	sor.u32 s14, s10;
	v39 =	vadd.f32 v51, v38;
	v2 =	vadd.f32 v2, v40;
	v17 =	vmul.f32 v27, v17  }
0x36a: {  	v11 =	vmul.f32 v25, v11;
	v27 =	vadd.f32 v30, v38;
	v30 =	vadd.f32 v46, v34;
	[tilespmem:s10+$0x16E00] =	vst v36  }
0x36b: {  	v4 =	vmul.f32 v4, v20;
	v13 =	vmul.f32 v16, v13;
	v17 =	vadd.f32 v17, v42;
	[tilespmem:s10+$0x17080] =	vst v2  }
0x36c: {  	v15 =	vmul.f32 v41, v15;
	v19 =	vmul.f32 v39, v19;
	[tilespmem:s10+$0x16600] =	vst v30;
	v2 =	vadd.f32 v54, v21  }
0x36d: {  	v20 =	vadd.f32 v33, v38;
	v14 =	vmul.f32 v27, v14;
	v13 =	vadd.f32 v13, v31;
	[tilespmem:s10+$0x16580] =	vst v17  }
0x36e: {  	v52 =	vmul.f32 v25, v24;
	v0 =	vadd.f32 v15, v0;
	v17 =	vadd.f32 v19, v29;
	[tilespmem:s10+$0x16D80] =	vst v2  }
0x36f: {  	v12 =	vmul.f32 v20, v12;
	v3 =	vadd.f32 v14, v3;
	v14 =	vadd.f32 v23, v38;
	[tilespmem:s10+$0x16700] =	vst v13  }
0x370: {  	v24 =	vmul.f32 v43, v24;
	v56 =	vadd.f32 v55, v22;
	[tilespmem:s10+$0x17000] =	vst v17;
	v17 =	vadd.f32 v26, v22  }
0x371: {  	v12 =	vadd.f32 v12, v44;
	v19 =	vadd.f32 v53, v38;
	[tilespmem:s10+$0x16F00] =	vst v0;
	v10 =	vmul.f32 v14, v10  }
0x372: {  	v9 =	vmul.f32 v35, v9;
	[tilespmem:s10+$0x16680] =	vst v3;
	v3 =	vadd.f32 v37, v22;
	v4 =	vadd.f32 v4, v17  }
0x373: {  	v16 =	vadd.f32 v24, v38;
	[tilespmem:s10+$0x16800] =	vst v12;
	v57 =	vmul.f32 v19, v8;
	v1 =	vadd.f32 v10, v1  }
0x374: {  	v8 =	vadd.f32 v11, v22;
	v3 =	vadd.f32 v9, v3;
	[tilespmem:s10+$0x16780] =	vst v4  }
0x375: {  	v0 =	vadd.f32 v57, v56;
	v4 =	vmul.f32 v16, v7;
	v7 =	vadd.f32 v52, v22;
	[tilespmem:s10+$0x16F80] =	vst v1  }
0x376: {  	v58 =	vadd.f32 v28, v8;
	[tilespmem:s10+$0x16880] =	vst v3  }
0x377: {  	[tilespmem:s10+$0x16E80] =	vst v0;
	v59 =	vadd.f32 v4, v7  }
0x378: {  	[tilespmem:s10+$0x16500] =	vst v58  }
0x379: {  	[tilespmem:s10+$0x16D00] =	vst v59  }
0x37a: {  	v0 =	vld [tilespmem:s7+$0x70]  }
0x37b: {  	v1 =	vld [tilespmem:s7+$0x1070];
	_ =	sdelay $0x3  }
0x37c: {  	v0 =	vcvt.s32.f32 v0  }
0x37d: {  	v1 =	vcvt.s32.f32 v1  }
0x37e: {  	v29 =	vbroadcast v0, $0x0;
	v17 =	vbroadcast v0, $0x1  }
0x37f: {  	v31 =	vbroadcast v0, $0x2;
	v14 =	vbroadcast v0, $0x3  }
0x380: {  	v13 =	vbroadcast v0, $0x4;
	v20 =	vbroadcast v0, $0x5  }
0x381: {  	v12 =	vbroadcast v0, $0x6;
	v9 =	vbroadcast v0, $0x7  }
0x382: {  	v7 =	vbroadcast v0, $0x8;
	v16 =	vbroadcast v0, $0x9  }
0x383: {  	v35 =	vbroadcast v0, $0xA;
	v8 =	vbroadcast v0, $0xB  }
0x384: {  	v15 =	vbroadcast v0, $0xC;
	v10 =	vbroadcast v0, $0xD  }
0x385: {  	v19 =	vbroadcast v0, $0xE;
	v36 =	vbroadcast v0, $0xF  }
0x386: {  	s18 =	simm.s32 $0x0;
	s7 =	simm.s32 $0x0;
	v11 =	vbroadcast v1, $0x0;
	v27 =	vbroadcast v1, $0x1  }
0x387: {  	s10 =	sand.u32 $0x3FFFFE00, s18;
	s13 =	sand.u32 $0x70, s7;
	v34 =	vbroadcast v1, $0x2;
	v30 =	vbroadcast v1, $0x3  }
0x388: {  	s10 =	sor.u32 s13, s10;
	v21 =	vbroadcast v1, $0x4;
	v26 =	vbroadcast v1, $0x5  }
0x389: {  	v43 =	vld [tilespmem:s10+$0x8180];
	v33 =	vbroadcast v1, $0x6;
	v37 =	vbroadcast v1, $0x7  }
0x38a: {  	v24 =	vbroadcast v1, $0x8;
	v32 =	vbroadcast v1, $0x9  }
0x38b: {  	v25 =	vld [tilespmem:s10+$0x8080];
	v42 =	vbroadcast v1, $0xA;
	v18 =	vbroadcast v1, $0xB  }
0x38c: {  	v41 =	vbroadcast v1, $0xC;
	v23 =	vbroadcast v1, $0xD  }
0x38d: {  	v38 =	vld [tilespmem:s10+$0x8100];
	v40 =	vbroadcast v1, $0xF;
	v39 =	vbroadcast v1, $0xE  }
0x38e: {  	v60 =	vmul.f32 v43, v11;
	v61 =	vmul.f32 v43, v34  }
0x38f: {  	v62 =	vmul.f32 v43, v40;
	v3 =	vmul.f32 v43, v42  }
0x390: {  	v22 =	vld [tilespmem:s10+$0x8000];
	v48 =	vmul.f32 v25, v23;
	v4 =	vmul.f32 v25, v33  }
0x391: {  	v63 =	vmul.f32 v43, v32;
	v53 =	vmul.f32 v25, v41  }
0x392: {  	v50 =	vmul.f32 v43, v26;
	v51 =	vmul.f32 v43, v37;
	v0 =	vadd.f32 v60, v38  }
0x393: {  	v52 =	vmul.f32 v25, v42;
	v1 =	vadd.f32 v61, v38;
	v3 =	vadd.f32 v3, v38  }
0x394: {  	v49 =	vadd.f32 v62, v38;
	v45 =	vadd.f32 v63, v38;
	v28 =	vmul.f32 v0, v29  }
0x395: {  	s12 =	simm.s32 $0x1;
	s10 =	simm.s32 $0x0;
	v44 =	vadd.f32 v4, v22;
	v46 =	vmul.f32 v1, v31;
	v47 =	vmul.f32 v3, v35  }
.LBB2_17:
0x396: {  	p0 =	sne.s32 s12, $0xF  }
0x397: {  	v0 =	vadd.f32 v53, v22;
	v1 =	vadd.f32 v48, v22;
	v2 =	vmul.f32 v49, v36;
	s7 =	sadd.s32 $0x10, s7;
	s14 =	smov.u32 s12;
	s12 =	sadd.s32 $0x1, s12  }
0x398: {  	v3 =	vmul.f32 v25, v30;
	v4 =	vadd.f32 v50, v38;
	v48 =	vmul.f32 v25, v39  }
0x399: {  	v49 =	vmul.f32 v25, v21;
	v50 =	vadd.f32 v51, v38;
	v51 =	vadd.f32 v52, v22  }
0x39a: {  	v53 =	vmul.f32 v43, v41;
	v52 =	vmul.f32 v25, v27;
	v48 =	vadd.f32 v48, v22  }
0x39b: {  	s15 =	sshll.u32 s10, $0x7;
	v54 =	vmul.f32 v25, v34;
	s10 =	smov.u32 s14;
	v47 =	vadd.f32 v47, v51;
	v51 =	vmul.f32 v25, v40  }
0x39c: {  	v55 =	vmul.f32 v25, v37;
	v56 =	vmul.f32 v43, v39;
	s14 =	sand.u32 $0x3FFFFC00, s15;
	v52 =	vadd.f32 v52, v22  }
0x39d: {  	v57 =	vmul.f32 v43, v33;
	v58 =	vmul.f32 v25, v24;
	s14 =	sor.u32 s13, s14;
	v3 =	vadd.f32 v3, v22  }
0x39e: {  	v59 =	vmul.f32 v43, v30;
	v51 =	vadd.f32 v51, v22;
	[tilespmem:s14+$0x17E00] =	vst v47;
	v47 =	vadd.f32 v53, v38  }
0x39f: {  	v60 =	vmul.f32 v25, v32;
	v49 =	vadd.f32 v49, v22;
	v53 =	vmul.f32 v43, v27  }
0x3a0: {  	v4 =	vmul.f32 v4, v20;
	v57 =	vadd.f32 v57, v38;
	v2 =	vadd.f32 v2, v51  }
0x3a1: {  	v61 =	vmul.f32 v43, v18;
	v56 =	vadd.f32 v56, v38;
	v51 =	vmul.f32 v25, v26  }
0x3a2: {  	v62 =	vmul.f32 v43, v21;
	v63 =	vmul.f32 v43, v24;
	v53 =	vadd.f32 v53, v38;
	[tilespmem:s14+$0x18080] =	vst v2  }
0x3a3: {  	v47 =	vmul.f32 v47, v15;
	v2 =	vadd.f32 v54, v22;
	v54 =	vmul.f32 v25, v18  }
0x3a4: {  	v59 =	vadd.f32 v59, v38;
	v43 =	vmul.f32 v43, v23;
	v53 =	vmul.f32 v53, v17  }
0x3a5: {  	v56 =	vmul.f32 v56, v19;
	v2 =	vadd.f32 v46, v2;
	v46 =	vadd.f32 v61, v38  }
0x3a6: {  	v45 =	vmul.f32 v45, v16;
	v52 =	vadd.f32 v53, v52;
	v53 =	vadd.f32 v63, v38  }
0x3a7: {  	v60 =	vadd.f32 v60, v22;
	v59 =	vmul.f32 v59, v14;
	v61 =	vadd.f32 v62, v38  }
0x3a8: {  	v48 =	vadd.f32 v56, v48;
	v51 =	vadd.f32 v51, v22;
	[tilespmem:s14+$0x17580] =	vst v52;
	v52 =	vmul.f32 v53, v7  }
0x3a9: {  	v45 =	vadd.f32 v45, v60;
	[tilespmem:s14+$0x17600] =	vst v2;
	v2 =	vadd.f32 v59, v3;
	v3 =	vmul.f32 v61, v13  }
0x3aa: {  	v56 =	vadd.f32 v58, v22;
	v38 =	vadd.f32 v43, v38;
	v53 =	vmul.f32 v57, v12;
	[tilespmem:s14+$0x18000] =	vst v48  }
0x3ab: {  	v43 =	vadd.f32 v54, v22;
	v3 =	vadd.f32 v3, v49;
	[tilespmem:s14+$0x17D80] =	vst v45;
	v45 =	vmul.f32 v46, v8  }
0x3ac: {  	v0 =	vadd.f32 v47, v0;
	v46 =	vmul.f32 v50, v9;
	[tilespmem:s14+$0x17680] =	vst v2;
	v2 =	vadd.f32 v55, v22  }
0x3ad: {  	v38 =	vmul.f32 v38, v10;
	[tilespmem:s14+$0x17700] =	vst v3;
	v3 =	vadd.f32 v53, v44;
	v43 =	vadd.f32 v45, v43  }
0x3ae: {  	v25 =	vmul.f32 v25, v11;
	v4 =	vadd.f32 v4, v51;
	v2 =	vadd.f32 v46, v2;
	[tilespmem:s14+$0x17F00] =	vst v0  }
0x3af: {  	v1 =	vadd.f32 v38, v1;
	v0 =	vadd.f32 v52, v56;
	[tilespmem:s14+$0x17800] =	vst v3  }
0x3b0: {  	v3 =	vadd.f32 v25, v22;
	[tilespmem:s14+$0x17780] =	vst v4  }
0x3b1: {  	[tilespmem:s14+$0x17F80] =	vst v1  }
0x3b2: {  	v1 =	vadd.f32 v28, v3;
	[tilespmem:s14+$0x17880] =	vst v2  }
0x3b3: {  	s15 =	sshll.u32 s10, $0x6;
	[tilespmem:s14+$0x17E80] =	vst v43  }
0x3b4: {  	s13 =	sand.u32 $0x70, s7;
	s15 =	sand.u32 $0x3FFFFE00, s15;
	[tilespmem:s14+$0x17500] =	vst v1  }
0x3b5: {  	s15 =	sor.u32 s13, s15;
	[tilespmem:s14+$0x17D00] =	vst v0  }
0x3b6: {  	v43 =	vld [tilespmem:s15+$0x8180]  }
0x3b7: {  	v38 =	vld [tilespmem:s15+$0x8100]  }
0x3b8: {  	v25 =	vld [tilespmem:s15+$0x8080];
	_ =	sdelay $0x2  }
0x3b9: {  	v0 =	vmul.f32 v43, v11;
	v1 =	vmul.f32 v43, v40  }
0x3ba: {  	v2 =	vmul.f32 v43, v34;
	v3 =	vmul.f32 v43, v42;
	v22 =	vld [tilespmem:s15+$0x8000]  }
0x3bb: {  	v0 =	vadd.f32 v0, v38;
	v48 =	vmul.f32 v25, v23;
	v49 =	vadd.f32 v1, v38  }
.Ltmp9:
0x3bc: {  	v1 =	vadd.f32 v2, v38;
	v2 =	vmul.f32 v25, v33;
	v3 =	vadd.f32 v3, v38;
	(pc) =	sbr.rel @p0 .LBB2_17-.Ltmp9, $4  }
0x3bd: {  	v28 =	vmul.f32 v0, v29;
	v0 =	vmul.f32 v43, v32  }
0x3be: {  	v53 =	vmul.f32 v25, v41;
	v46 =	vmul.f32 v1, v31  }
0x3bf: {  	v50 =	vmul.f32 v43, v26;
	v47 =	vmul.f32 v3, v35;
	v45 =	vadd.f32 v0, v38  }
0x3c0: {  	v51 =	vmul.f32 v43, v37;
	v52 =	vmul.f32 v25, v42;
	v44 =	vadd.f32 v2, v22  }
0x3c1: {  	v2 =	vmul.f32 v49, v36  }
0x3c2: {  	v3 =	vmul.f32 v25, v30;
	v29 =	vmul.f32 v25, v39  }
0x3c3: {  	v31 =	vmul.f32 v25, v21;
	v42 =	vmul.f32 v25, v27  }
0x3c4: {  	v0 =	vadd.f32 v53, v22;
	v41 =	vmul.f32 v43, v41;
	v34 =	vmul.f32 v25, v34  }
0x3c5: {  	v1 =	vadd.f32 v48, v22;
	v40 =	vmul.f32 v25, v40;
	v59 =	vmul.f32 v43, v39  }
0x3c6: {  	v4 =	vadd.f32 v50, v38;
	v33 =	vmul.f32 v43, v33;
	v60 =	vmul.f32 v43, v30  }
0x3c7: {  	v61 =	vmul.f32 v43, v27;
	v35 =	vadd.f32 v51, v38;
	v58 =	vadd.f32 v52, v22  }
0x3c8: {  	v32 =	vmul.f32 v25, v32;
	v29 =	vadd.f32 v29, v22;
	v42 =	vadd.f32 v42, v22  }
0x3c9: {  	v26 =	vmul.f32 v25, v26;
	v3 =	vadd.f32 v3, v22;
	v41 =	vadd.f32 v41, v38  }
0x3ca: {  	v63 =	vmul.f32 v43, v18;
	v40 =	vadd.f32 v40, v22;
	v62 =	vadd.f32 v33, v38  }
0x3cb: {  	v48 =	vmul.f32 v43, v24;
	v27 =	vadd.f32 v61, v38;
	v39 =	vadd.f32 v59, v38  }
0x3cc: {  	s7 =	sshll.u32 s10, $0x7;
	v23 =	vmul.f32 v43, v23;
	v34 =	vadd.f32 v34, v22;
	v49 =	vadd.f32 v60, v38  }
0x3cd: {  	v11 =	vmul.f32 v25, v11;
	s7 =	sand.u32 $0x3FFFFC00, s7;
	v53 =	vadd.f32 v32, v22;
	v36 =	vadd.f32 v47, v58  }
0x3ce: {  	v4 =	vmul.f32 v4, v20;
	s7 =	sor.u32 s13, s7;
	v59 =	vadd.f32 v26, v22;
	v2 =	vadd.f32 v2, v40  }
0x3cf: {  	v55 =	vadd.f32 v63, v38;
	v17 =	vmul.f32 v27, v17;
	v50 =	vadd.f32 v46, v34;
	[tilespmem:s7+$0x17E00] =	vst v36  }
0x3d0: {  	v56 =	vadd.f32 v48, v38;
	v19 =	vmul.f32 v39, v19;
	v4 =	vadd.f32 v4, v59;
	[tilespmem:s7+$0x18080] =	vst v2  }
0x3d1: {  	v51 =	vmul.f32 v45, v16;
	v57 =	vadd.f32 v23, v38;
	v17 =	vadd.f32 v17, v42;
	[tilespmem:s7+$0x17600] =	vst v50  }
0x3d2: {  	v58 =	vmul.f32 v25, v18;
	v14 =	vmul.f32 v49, v14;
	v54 =	vadd.f32 v19, v29;
	[tilespmem:s7+$0x17780] =	vst v4  }
0x3d3: {  	v40 =	vmul.f32 v43, v21;
	v15 =	vmul.f32 v41, v15;
	v2 =	vadd.f32 v51, v53;
	[tilespmem:s7+$0x17580] =	vst v17  }
0x3d4: {  	v12 =	vmul.f32 v62, v12;
	v10 =	vmul.f32 v57, v10;
	v3 =	vadd.f32 v14, v3;
	[tilespmem:s7+$0x18000] =	vst v54  }
0x3d5: {  	v61 =	vmul.f32 v55, v8;
	v8 =	vadd.f32 v11, v22;
	v0 =	vadd.f32 v15, v0;
	[tilespmem:s7+$0x17D80] =	vst v2  }
0x3d6: {  	v47 =	vmul.f32 v25, v24;
	v60 =	vadd.f32 v58, v22;
	v12 =	vadd.f32 v12, v44;
	[tilespmem:s7+$0x17680] =	vst v3  }
0x3d7: {  	v37 =	vmul.f32 v25, v37;
	v52 =	vadd.f32 v40, v38;
	v1 =	vadd.f32 v10, v1;
	[tilespmem:s7+$0x17F00] =	vst v0  }
0x3d8: {  	v4 =	vmul.f32 v56, v7;
	v7 =	vadd.f32 v47, v22;
	v62 =	vadd.f32 v28, v8;
	[tilespmem:s7+$0x17800] =	vst v12  }
0x3d9: {  	v31 =	vadd.f32 v31, v22;
	v13 =	vmul.f32 v52, v13;
	v0 =	vadd.f32 v61, v60;
	[tilespmem:s7+$0x17F80] =	vst v1  }
0x3da: {  	s6 =	sshll.u32 s6, $0x8;
	v9 =	vmul.f32 v35, v9;
	v3 =	vadd.f32 v37, v22;
	v63 =	vadd.f32 v4, v7;
	[tilespmem:s7+$0x17500] =	vst v62  }
0x3db: {  	s6 =	sor.u32 s6, s9;
	v13 =	vadd.f32 v13, v31;
	[tilespmem:s7+$0x17E80] =	vst v0  }
0x3dc: {  	s6 =	sshrl.u32 s6, $0x3;
	v3 =	vadd.f32 v9, v3;
	[tilespmem:s7+$0x17D00] =	vst v63  }
0x3dd: {  	s6 =	sadd.s32 s1, s6;
	[tilespmem:s7+$0x17700] =	vst v13  }
0x3de: {  	s18 =	sadd.s32 $0x800, s6;
	[tilespmem:s7+$0x17880] =	vst v3  }
0x3df: {  	[hbm4b:s18+s3] =	stream.linear.scatter [tilespmem:s30], [sflag:$0x6], $0x4000, $0x38;
	[tilespmem:$0x18500] =	vst v63  }
0x3e0: {  	_ =	swait.ge [sflag:s31], $0x4000  }
0x3e1: {  	p0 =	seq.s32 s8, $0x3F;
	[sflag:s31] =	ssyncset.done $0x0  }
.Ltmp10:
0x3e2: {  	[sflag:s31] =	ssyncadd.s32 $0xFFFFC000;
	(pc) =	sbr.rel @p0 .LBB2_20-.Ltmp10, $4  }
0x3e3: {  	[hbm4b:s6+s3] =	stream.linear.scatter [tilespmem:s21], [sflag:$0x4], $0x4000, $0x38;
	[tilespmem:$0x18500] =	vst v63  }
0x3e4: {  	_ =	swait.ge [sflag:s0], $0x4000  }
0x3e5: {  	[sflag:s0] =	ssyncset.done $0x0  }
0x3e6: {  	[sflag:s0] =	ssyncadd.s32 $0xFFFFC000  }
0x3e7: {  	s2 =	sadd.s32 $0x2, s2  }
0x3e8: {  	s6 =	sshll.u32 s2, $0x8;
	s7 =	sshll.u32 s2, $0xA  }
0x3e9: {  	s9 =	sshll.u32 s2, $0x5;
	s6 =	sand.u32 $0xE000, s6;
	s7 =	sand.u32 $0x800, s7  }
0x3ea: {  	s9 =	sand.u32 $0x380, s9;
	s6 =	sor.u32 s7, s6  }
0x3eb: {  	v7 =	vld [tilespmem:$0x1FFD0];
	s6 =	sor.u32 s9, s6  }
0x3ec: {  	v0 =	vld [tilespmem:s6+$0x0]  }
0x3ed: {  	s2 =	sshll.u32 s2, $0x6  }
0x3ee: {  	v2 =	vmov s2;
	v1 =	vld [tilespmem:s6+$0x1000]  }
0x3ef: {  	v2 =	vshll.u32 v2, $0x2  }
0x3f0: {  	v2 =	vor.u32 v7, v2  }
0x3f1: {  	v2 =	vand.u32 $0xE3C, v2;
	v0 =	vshll.u32 v0, $0x1  }
0x3f2: {  	v0 =	vadd.s32 v2, v0  }
0x3f3: {  	v0 =	vadd.s32 v1, v0  }
0x3f4: {  	[tilespmem:$0x8400] =	vst v0  }
0x3f5: {  	v55 =	vld [tilespmem:s6+$0x10]  }
0x3f6: {  	s9 =	sor.u32 $0x10, s2  }
0x3f7: {  	v3 =	vmov s9;
	v56 =	vld [tilespmem:s6+$0x1010]  }
0x3f8: {  	v3 =	vshll.u32 v3, $0x2  }
0x3f9: {  	v3 =	vor.u32 v7, v3  }
0x3fa: {  	v3 =	vand.u32 $0xF7C, v3;
	v1 =	vshll.u32 v55, $0x1  }
0x3fb: {  	v1 =	vadd.s32 v3, v1  }
0x3fc: {  	v1 =	vadd.s32 v56, v1  }
0x3fd: {  	[tilespmem:$0x8410] =	vst v1  }
0x3fe: {  	v1 =	vld [tilespmem:s6+$0x20]  }
0x3ff: {  	s10 =	sor.u32 $0x20, s2  }
0x400: {  	v3 =	vmov s10;
	v57 =	vld [tilespmem:s6+$0x1020]  }
0x401: {  	v3 =	vshll.u32 v3, $0x2  }
0x402: {  	v3 =	vor.u32 v7, v3  }
0x403: {  	v3 =	vand.u32 $0xFBC, v3;
	v1 =	vshll.u32 v1, $0x1  }
0x404: {  	v8 =	vld [tilespmem:$0x1FFF0];
	v1 =	vadd.s32 v3, v1  }
0x405: {  	v1 =	vadd.s32 v57, v1  }
0x406: {  	v58 =	vshll.u32 v0, $0x1;
	[tilespmem:$0x8420] =	vst v1  }
0x407: {  	v0 =	vand.u32 $0x7, v0;
	v1 =	vand.u32 $0xFFFFFFF0, v58;
	v59 =	vld [tilespmem:s6+$0x30]  }
0x408: {  	s2 =	sor.u32 $0x30, s2;
	v0 =	vor.u32 v0, v1  }
0x409: {  	v3 =	vmov s2;
	v60 =	vld [tilespmem:s6+$0x1030];
	v4 =	vperm.xlane v0, v8  }
0x40a: {  	v3 =	vshll.u32 v3, $0x2  }
0x40b: {  	v3 =	vor.u32 v7, v3;
	v0 =	vperm.xlane v0, v6;
	v4 =	vadd.s32 v5, v4  }
0x40c: {  	v3 =	vand.u32 $0xFFC, v3;
	v2 =	vshll.u32 v59, $0x1  }
0x40d: {  	v0 =	vadd.s32 v5, v0;
	v2 =	vadd.s32 v3, v2  }
0x40e: {  	v1 =	vadd.s32 v60, v2  }
0x40f: {  	[tilespmem:$0x8430] =	vst v1  }
0x410: {  	[tilespmem:s11], [sflag:$0x1] =	stream.indirect_vreg.gather [hbm4b:s5+s3], $0x80, v4, vm0, $0xb8;
	[tilespmem:$0x18500] =	vst v63  }
0x411: {  	s12 =	simm.s32 $0x8D00  }
0x412: {  	[tilespmem:s12], [sflag:$0x1] =	stream.indirect_vreg.gather [hbm4b:s5+s3], $0x80, v0, vm0, $0xb8;
	[tilespmem:$0x18500] =	vst v63  }
0x413: {  	v0 =	vld [tilespmem:$0x8410];
	_ =	sdelay $0x4  }
0x414: {  	v61 =	vshll.u32 v0, $0x1  }
0x415: {  	v0 =	vand.u32 $0x7, v0;
	v1 =	vand.u32 $0xFFFFFFF0, v61  }
0x416: {  	v0 =	vor.u32 v0, v1  }
0x417: {  	v1 =	vperm.xlane v0, v8;
	_ =	sdelay $0x1  }
0x418: {  	v0 =	vperm.xlane v0, v6;
	v1 =	vadd.s32 v5, v1;
	_ =	sdelay $0x1  }
0x419: {  	v0 =	vadd.s32 v5, v0;
	_ =	sdelay $0x1  }
0x41a: {  	s13 =	simm.s32 $0x9500  }
0x41b: {  	[tilespmem:s13], [sflag:$0x1] =	stream.indirect_vreg.gather [hbm4b:s5+s3], $0x80, v1, vm0, $0xb8;
	[tilespmem:$0x18500] =	vst v63  }
0x41c: {  	s14 =	simm.s32 $0x9D00  }
0x41d: {  	[tilespmem:s14], [sflag:$0x1] =	stream.indirect_vreg.gather [hbm4b:s5+s3], $0x80, v0, vm0, $0xb8;
	[tilespmem:$0x18500] =	vst v63  }
0x41e: {  	v0 =	vld [tilespmem:$0x8420];
	_ =	sdelay $0x4  }
0x41f: {  	v62 =	vshll.u32 v0, $0x1  }
0x420: {  	v0 =	vand.u32 $0x7, v0;
	v1 =	vand.u32 $0xFFFFFFF0, v62  }
0x421: {  	v0 =	vor.u32 v0, v1  }
0x422: {  	v1 =	vperm.xlane v0, v8;
	_ =	sdelay $0x1  }
0x423: {  	v0 =	vperm.xlane v0, v6;
	v1 =	vadd.s32 v5, v1;
	_ =	sdelay $0x1  }
0x424: {  	v0 =	vadd.s32 v5, v0;
	_ =	sdelay $0x1  }
0x425: {  	s15 =	simm.s32 $0xA500  }
0x426: {  	[tilespmem:s15], [sflag:$0x1] =	stream.indirect_vreg.gather [hbm4b:s5+s3], $0x80, v1, vm0, $0xb8;
	[tilespmem:$0x18500] =	vst v63  }
0x427: {  	s16 =	simm.s32 $0xAD00  }
0x428: {  	[tilespmem:s16], [sflag:$0x1] =	stream.indirect_vreg.gather [hbm4b:s5+s3], $0x80, v0, vm0, $0xb8;
	[tilespmem:$0x18500] =	vst v63  }
0x429: {  	v0 =	vld [tilespmem:$0x8430];
	_ =	sdelay $0x4  }
0x42a: {  	v63 =	vshll.u32 v0, $0x1  }
0x42b: {  	v0 =	vand.u32 $0x7, v0;
	v1 =	vand.u32 $0xFFFFFFF0, v63  }
0x42c: {  	v0 =	vor.u32 v0, v1  }
0x42d: {  	v1 =	vperm.xlane v0, v8;
	_ =	sdelay $0x1  }
0x42e: {  	v0 =	vperm.xlane v0, v6;
	v1 =	vadd.s32 v5, v1;
	_ =	sdelay $0x1  }
0x42f: {  	v0 =	vadd.s32 v5, v0  }
.Ltmp11:
0x430: {  	_ = 	snop;
	(pc) =	sbr.rel .LBB2_2-.Ltmp11, $4  }
0x431: {  	s17 =	simm.s32 $0xB500  }
0x432: {  	[tilespmem:s17], [sflag:$0x1] =	stream.indirect_vreg.gather [hbm4b:s5+s3], $0x80, v1, vm0, $0xb8;
	[tilespmem:$0x18500] =	vst v63  }
0x433: {  	s18 =	simm.s32 $0xBD00;
	s8 =	sadd.s32 $0x1, s8  }
0x434: {  	[tilespmem:s18], [sflag:$0x1] =	stream.indirect_vreg.gather [hbm4b:s5+s3], $0x80, v0, vm0, $0xb8;
	[tilespmem:$0x18500] =	vst v63  }
.LBB2_21:
0x435: {  	_ =	sfence.sel $0x180000  }
0x436: {  	[bflag:$0x0] =	sbarrier.arrive $0xFFFF  }
0x437: {  	_ =	strace $0x90000047  }
0x438: {  	s0 =	stileid.u32;
	[bflag:$0x2] =	sbarrier.arrive $0xFFFF  }
0x439: {  	p0 =	sne.s32 s0, $0x0;
	s0 =	rddreg [dreg:$0x3]  }
0x43a: {  	s0 =	sadd.s32 @!p0 $0x100000, s0  }
0x43b: {  	[sflag:s0] =	ssyncadd.tile.s32 @!p0 $0x1;
	_ =	shalt  }
.Lfunc_end2:
_tile_overlayer_lowered:
.L_overlay_start_2:
0x43c: {  	(tag) =	ssettag $0x2  }
0x43d: {  	s0 =	rddreg [dreg:$0x0];
	s2 =	stileid.u32  }
0x43e: {  	s1 =	rddreg [dreg:$0x1];
	p0 =	sne.s32 s2, $0x0  }
0x43f: {  	s3 =	rddreg [dreg:$0x2];
	[bflag:$0x3] =	sbarrier.arrive $0xFFFF;
	s2 =	simm.s32 @!p0 $0x1C07  }
0x440: {  	[timem:s3], [sflag:s2] =	dma.local @!p0 [hbm:s0], s1  }
0x441: {  	s0 =	simm.s32 @!p0 $0x7  }
0x442: {  	_ =	swait.ge @!p0 [sflag:s0], s1  }
0x443: {  	s1 =	ssub.s32 @!p0 $0x0, s1;
	[sflag:s0] =	ssyncset.done @!p0 $0x0  }
0x444: {  	[sflag:s0] =	ssyncadd.s32 @!p0 s1  }
0x445: {  	[bflag:$0x3] =	sbarrier.arrive $0xFFFF  }
0x446: {  	_ =	shalt  }

</sc_bundles>
